<compile_context>
chip_gen: v7x
topology: tpu7x:2x2x1
jax: 0.10.2.dev20260603
libtpu: 0.0.44.dev20260713+nightly
codegen_flags: <defaults>
</compile_context>

<pallas_src>
import jax
import jax.numpy as jnp
from jax import lax
from jax.experimental import pallas as pl
from jax.experimental.pallas import tpu as pltpu
from jax.experimental.pallas import tpu_sc as plsc
import numpy as np

ROWS = 128
N = 32768
L = 16
NC = 2
NS = 16
NW = NC * NS
ROWS_PER_W = ROWS // NW
CHUNK = N // L
S = 8
SUB = CHUNK // S
NB = 256
HGRP = NB * L
HSZ = S * HGRP
SIGN = np.int32(-2**31)


def _to_sortable(b):
    return b ^ ((b >> 31) | SIGN)


def _from_sortable(u):
    return u ^ ((~u >> 31) | SIGN)


def _digit(u, shift):
    return (u >> shift) & 0xFF


def _sort_pass(src, dst, hist, tot, iota, shift, first, last):
    ones = jnp.ones((L,), jnp.int32)
    zeros = jnp.zeros((L,), jnp.int32)
    lane0 = iota == 0
    lane_base = iota * CHUNK

    @plsc.parallel_loop(0, HSZ // (2 * L), unroll=8)
    def _(i):
        hist[pl.ds(i * 2 * L, L)] = zeros
        hist[pl.ds(i * 2 * L + L, L)] = zeros

    def load_raw(i):
        s = i & (S - 1)
        v = i >> 3
        return plsc.load_gather(src, [lane_base + (s * SUB + v)])

    def digitize(x, i):
        b = plsc.bitcast(x, jnp.int32)
        u = _to_sortable(b) if first else b
        cidx = (_digit(u, shift) << 4) + (iota + ((i & (S - 1)) << 12))
        return u, cidx

    @plsc.parallel_loop(0, CHUNK, unroll=8)
    def _(v):
        b = plsc.bitcast(plsc.load_gather(src, [lane_base + v]), jnp.int32)
        u = _to_sortable(b) if first else b
        cidx = (_digit(u, shift) << 4) + (iota + ((v >> 8) << 12))
        plsc.addupdate_scatter(hist, [cidx], ones)

    def load_slices(d):
        off = d * L
        return [hist[pl.ds(s * HGRP + off, L)] for s in range(S)]

    def scan_digit(d, vs):
        off = d * L
        sumv = ((vs[0] + vs[1]) + (vs[2] + vs[3])) + (
            (vs[4] + vs[5]) + (vs[6] + vs[7]))
        excl = plsc.cumsum(sumv) - sumv
        p = excl
        for s in range(S):
            hist[pl.ds(s * HGRP + off, L)] = p
            p = p + vs[s]
        total = jnp.sum(sumv)
        plsc.store_scatter(tot, [jnp.full((L,), d, jnp.int32)],
                           jnp.full((L,), total, jnp.int32), mask=lane0)

    @plsc.parallel_loop(0, NB // 2)
    def _(i):
        vs2 = [load_slices(i * 2 + g) for g in range(2)]
        for g in range(2):
            scan_digit(i * 2 + g, vs2[g])

    def scan_b(i, carry):
        v = tot[pl.ds(i * L, L)]
        tot[pl.ds(i * L, L)] = plsc.cumsum(v) - v + carry
        return carry + jnp.sum(v)

    lax.fori_loop(0, NB // L, scan_b, jnp.int32(0))

    @plsc.parallel_loop(0, NB // 4)
    def _(i):
        bases4 = [plsc.load_gather(tot, [jnp.full((L,), i * 4 + g, jnp.int32)])
                  for g in range(4)]
        for g, base in enumerate(bases4):
            off = (i * 4 + g) * L
            for s in range(S):
                plsc.addupdate(hist.at[pl.ds(s * HGRP + off, L)], base)

    def place(u, cidx):
        pos = plsc.load_gather(hist, [cidx])
        out = _from_sortable(u) if last else u
        plsc.store_scatter(dst, [pos], plsc.bitcast(out, jnp.float32))
        plsc.addupdate_scatter(hist, [cidx], ones)

    def perm_body(i, carry):
        u, cidx, xnext = carry
        x2 = load_raw(i + 2)
        nxt = digitize(xnext, i + 1)
        place(u, cidx)
        return nxt + (x2,)

    x0 = load_raw(0)
    u0, c0 = digitize(x0, 0)
    u_l, c_l, x_l = lax.fori_loop(0, CHUNK - 2, perm_body,
                                  (u0, c0, load_raw(1)), unroll=4)
    place(u_l, c_l)
    u_z, c_z = digitize(x_l, CHUNK - 1)
    place(u_z, c_z)


def _body(in_hbm, out_hbm, buf_a, buf_b, hist, tot):
    wid = lax.axis_index("c") * NS + lax.axis_index("s")
    iota = lax.broadcasted_iota(jnp.int32, (L,), 0)

    def row_body(r, c):
        row = wid * ROWS_PER_W + r
        pltpu.sync_copy(in_hbm.at[row], buf_a)
        _sort_pass(buf_a, buf_b, hist, tot, iota, 0, first=True, last=False)
        _sort_pass(buf_b, buf_a, hist, tot, iota, 8, first=False, last=False)
        _sort_pass(buf_a, buf_b, hist, tot, iota, 16, first=False, last=False)
        _sort_pass(buf_b, buf_a, hist, tot, iota, 24, first=False, last=True)
        pltpu.sync_copy(buf_a, out_hbm.at[row])
        return c

    lax.fori_loop(0, ROWS_PER_W, row_body, 0)


@jax.jit
def kernel(inputs):
    mesh = plsc.VectorSubcoreMesh(
        core_axis_name="c", subcore_axis_name="s", num_cores=NC
    )
    run = pl.kernel(
        _body,
        out_type=jax.ShapeDtypeStruct((ROWS, N), jnp.float32),
        mesh=mesh,
        scratch_types=[
            pltpu.VMEM((N,), jnp.float32),
            pltpu.VMEM((N,), jnp.float32),
            pltpu.VMEM((HSZ,), jnp.int32),
            pltpu.VMEM((NB,), jnp.int32),
        ],
        compiler_params=pltpu.CompilerParams(needs_layout_passes=False),
    )
    return run(inputs)

# --- scband reference (transcript-rebuilt; emitter-appended) ---
"""Pipeline reference for scband-sorting-layer-61761629716630 (READ-ONLY COPY).

The authoritative reference and input builder live on the scoring server;
editing this copy changes nothing except your own understanding.
"""

import jax, jax.numpy as jnp
import numpy as np


def setup_inputs(seed: int = 0) -> dict:
    key = jax.random.key(seed)
    inputs = jax.random.normal(key, (128, 32768), dtype=jnp.float32)
    return {"inputs": inputs}


def reference(inputs):
    # SortingLayer.call: tf.sort(inputs, direction='ASCENDING', axis=-1)
    return jnp.sort(inputs, axis=-1)

if __name__ == "__main__":
    import jax
    _d = setup_inputs()
    print(jax.jit(kernel)(*tuple(_d.values())))

</pallas_src>

<mosaic_0001>
#map = affine_map<(d0, d1) -> (0, 0)>
module attributes {stable_mosaic.version = 14 : i64} {
  func.func @_body(%arg0: i32, %arg1: i32, %arg2: memref<128x32768xf32, #tpu.memory_space<hbm>>, %arg3: memref<128x32768xf32, #tpu.memory_space<hbm>>, %arg4: memref<32768xf32, #tpu.memory_space<vmem>>, %arg5: memref<32768xf32, #tpu.memory_space<vmem>>, %arg6: memref<32768xi32, #tpu.memory_space<vmem>>, %arg7: memref<256xi32, #tpu.memory_space<vmem>>) attributes {dimension_semantics = [#tpu.dimension_semantics<core_parallel>, #tpu.dimension_semantics<subcore_parallel>], iteration_bounds = array<i64: 2, 16>, scalar_prefetch = 0 : i64, scratch_operands = 4 : i64, tpu.core_type = #tpu.core_type<sc_vector_subcore>, window_params = [{transform_indices = #map}, {transform_indices = #map}]} {
    %mul3A = arith.constant 16 : i32
    %mul3A_0 = arith.muli %arg0, %mul3A : i32
    %add3A = arith.addi %mul3A_0, %arg1 : i32
    %iota3A = tpu.iota {dimensions = array<i32: 0>} : vector<16xi32>
    %scan3A = arith.constant 0 : i32
    %scan3A_1 = arith.constant 0 : i32
    %scan3A_2 = arith.constant 4 : i32
    %scan3A_3 = arith.addi %scan3A_1, %scan3A_2 : i32
    %scan3A_4 = arith.constant 1 : i32
    scf.for %scan3A_6 = %scan3A_1 to %scan3A_3 step %scan3A_4  : i32 {
      %mul3A_7 = arith.constant 4 : i32
      %mul3A_8 = arith.muli %add3A, %mul3A_7 : i32
      %add3A_9 = arith.addi %mul3A_8, %scan3A_6 : i32
      "tpu.region"() ({
        %run_scoped3A = tpu.sem_alloc : memref<!tpu.dma_semaphore, #tpu.memory_space<semaphore_mem>>
        %dma_start3A = arith.constant 0 : i32
        %dma_start3A_643 = tpu.memref_slice %arg2[%add3A_9, %dma_start3A] : memref<128x32768xf32, #tpu.memory_space<hbm>> -> memref<1x32768xf32, #tpu.memory_space<hbm>>
        %dma_start3A_644 = tpu.memref_squeeze %dma_start3A_643 : memref<1x32768xf32, #tpu.memory_space<hbm>> -> memref<32768xf32, #tpu.memory_space<hbm>>
        %dma_start3A_645 = arith.constant 0 : i32
        %dma_start3A_646 = tpu.memref_slice %arg2[%add3A_9, %dma_start3A_645] : memref<128x32768xf32, #tpu.memory_space<hbm>> -> memref<1x32768xf32, #tpu.memory_space<hbm>>
        %dma_start3A_647 = tpu.memref_squeeze %dma_start3A_646 : memref<1x32768xf32, #tpu.memory_space<hbm>> -> memref<32768xf32, #tpu.memory_space<hbm>>
        tpu.enqueue_dma source(%dma_start3A_647 : memref<32768xf32, #tpu.memory_space<hbm>>) target(%arg4 : memref<32768xf32, #tpu.memory_space<vmem>>) target_semaphore(%run_scoped3A : memref<!tpu.dma_semaphore, #tpu.memory_space<semaphore_mem>>)
        %dma_wait3A = arith.constant 0 : i32
        %dma_wait3A_648 = tpu.memref_slice %arg2[%add3A_9, %dma_wait3A] : memref<128x32768xf32, #tpu.memory_space<hbm>> -> memref<1x32768xf32, #tpu.memory_space<hbm>>
        %dma_wait3A_649 = tpu.memref_squeeze %dma_wait3A_648 : memref<1x32768xf32, #tpu.memory_space<hbm>> -> memref<32768xf32, #tpu.memory_space<hbm>>
        %dma_wait3A_650 = arith.constant 0 : i32
        %dma_wait3A_651 = tpu.memref_slice %arg2[%add3A_9, %dma_wait3A_650] : memref<128x32768xf32, #tpu.memory_space<hbm>> -> memref<1x32768xf32, #tpu.memory_space<hbm>>
        %dma_wait3A_652 = tpu.memref_squeeze %dma_wait3A_651 : memref<1x32768xf32, #tpu.memory_space<hbm>> -> memref<32768xf32, #tpu.memory_space<hbm>>
        tpu.wait_dma2 semaphore(%run_scoped3A : memref<!tpu.dma_semaphore, #tpu.memory_space<semaphore_mem>>) src(%dma_wait3A_652 : memref<32768xf32, #tpu.memory_space<hbm>>) dst(%arg4 : memref<32768xf32, #tpu.memory_space<vmem>>)
        tpu.yield
      }) : () -> ()
      %broadcast_in_dim3A = arith.constant 1 : i32
      %broadcast_in_dim3A_10 = vector.broadcast %broadcast_in_dim3A : i32 to vector<16xi32>
      %broadcast_in_dim3A_11 = arith.constant 0 : i32
      %broadcast_in_dim3A_12 = vector.broadcast %broadcast_in_dim3A_11 : i32 to vector<16xi32>
      %eq3A = arith.constant 0 : i32
      %eq3A_13 = vector.broadcast %eq3A : i32 to vector<16xi32>
      %eq3A_14 = arith.cmpi eq, %iota3A, %eq3A_13 : vector<16xi32>
      %mul3A_15 = arith.constant 2048 : i32
      %mul3A_16 = vector.broadcast %mul3A_15 : i32 to vector<16xi32>
      %mul3A_17 = arith.muli %iota3A, %mul3A_16 : vector<16xi32>
      %parallel_loop3A = arith.constant 0 : i32
      %parallel_loop3A_18 = arith.constant 1024 : i32
      %parallel_loop3A_19 = arith.constant 1 : i32
      scf.for %parallel_loop3A_643 = %parallel_loop3A to %parallel_loop3A_18 step %parallel_loop3A_19  : i32 {
        %parallel_loop3A_644 = arith.constant 2 : i32
        %parallel_loop3A_645 = arith.muli %parallel_loop3A_643, %parallel_loop3A_644 : i32
        %parallel_loop3A_646 = arith.constant 16 : i32
        %parallel_loop3A_647 = arith.muli %parallel_loop3A_645, %parallel_loop3A_646 : i32
        %parallel_loop3A_648 = arith.index_cast %parallel_loop3A_647 : i32 to index
        %parallel_loop3A_649 = tpu.vector_load %arg6[%parallel_loop3A_648] {strides = array<i32>} : memref<32768xi32, #tpu.memory_space<vmem>>, vector<16xi32>,
        tpu.vector_store %arg6[%parallel_loop3A_648], %broadcast_in_dim3A_12 {strides = array<i32>} : memref<32768xi32, #tpu.memory_space<vmem>>, vector<16xi32>,
        %parallel_loop3A_650 = arith.constant 2 : i32
        %parallel_loop3A_651 = arith.muli %parallel_loop3A_643, %parallel_loop3A_650 : i32
        %parallel_loop3A_652 = arith.constant 16 : i32
        %parallel_loop3A_653 = arith.muli %parallel_loop3A_651, %parallel_loop3A_652 : i32
        %parallel_loop3A_654 = arith.constant 16 : i32
        %parallel_loop3A_655 = arith.addi %parallel_loop3A_653, %parallel_loop3A_654 : i32
        %parallel_loop3A_656 = arith.index_cast %parallel_loop3A_655 : i32 to index
        %parallel_loop3A_657 = tpu.vector_load %arg6[%parallel_loop3A_656] {strides = array<i32>} : memref<32768xi32, #tpu.memory_space<vmem>>, vector<16xi32>,
        tpu.vector_store %arg6[%parallel_loop3A_656], %broadcast_in_dim3A_12 {strides = array<i32>} : memref<32768xi32, #tpu.memory_space<vmem>>, vector<16xi32>,
      } {sc.loop_unroll_factor = 8 : i64, sc.parallel_access}
      %parallel_loop3A_20 = arith.constant 0 : i32
      %parallel_loop3A_21 = arith.constant 2048 : i32
      %parallel_loop3A_22 = arith.constant 1 : i32
      scf.for %parallel_loop3A_643 = %parallel_loop3A_20 to %parallel_loop3A_21 step %parallel_loop3A_22  : i32 {
        %parallel_loop3A_644 = vector.broadcast %parallel_loop3A_643 : i32 to vector<16xi32>
        %parallel_loop3A_645 = arith.addi %mul3A_17, %parallel_loop3A_644 : vector<16xi32>
        %parallel_loop3A_646 = tpu.vector_load_idx %arg4[%parallel_loop3A_645] : memref<32768xf32, #tpu.memory_space<vmem>>[vector<16xi32>], vector<16xf32>,
        %parallel_loop3A_647 = vector.bitcast %parallel_loop3A_646 : vector<16xf32> to vector<16xi32>
        %parallel_loop3A_648 = arith.constant 31 : i32
        %parallel_loop3A_649 = vector.broadcast %parallel_loop3A_648 : i32 to vector<16xi32>
        %parallel_loop3A_650 = arith.shrsi %parallel_loop3A_647, %parallel_loop3A_649 : vector<16xi32>
        %parallel_loop3A_651 = arith.constant -2147483648 : i32
        %parallel_loop3A_652 = vector.broadcast %parallel_loop3A_651 : i32 to vector<16xi32>
        %parallel_loop3A_653 = arith.ori %parallel_loop3A_650, %parallel_loop3A_652 : vector<16xi32>
        %parallel_loop3A_654 = arith.xori %parallel_loop3A_647, %parallel_loop3A_653 : vector<16xi32>
        %parallel_loop3A_655 = arith.constant 0 : i32
        %parallel_loop3A_656 = vector.broadcast %parallel_loop3A_655 : i32 to vector<16xi32>
        %parallel_loop3A_657 = arith.shrsi %parallel_loop3A_654, %parallel_loop3A_656 : vector<16xi32>
        %parallel_loop3A_658 = arith.constant 255 : i32
        %parallel_loop3A_659 = vector.broadcast %parallel_loop3A_658 : i32 to vector<16xi32>
        %parallel_loop3A_660 = arith.andi %parallel_loop3A_657, %parallel_loop3A_659 : vector<16xi32>
        %parallel_loop3A_661 = arith.constant 4 : i32
        %parallel_loop3A_662 = vector.broadcast %parallel_loop3A_661 : i32 to vector<16xi32>
        %parallel_loop3A_663 = arith.shli %parallel_loop3A_660, %parallel_loop3A_662 : vector<16xi32>
        %parallel_loop3A_664 = arith.constant 8 : i32
        %parallel_loop3A_665 = arith.shrsi %parallel_loop3A_643, %parallel_loop3A_664 : i32
        %parallel_loop3A_666 = arith.constant 12 : i32
        %parallel_loop3A_667 = arith.shli %parallel_loop3A_665, %parallel_loop3A_666 : i32
        %parallel_loop3A_668 = vector.broadcast %parallel_loop3A_667 : i32 to vector<16xi32>
        %parallel_loop3A_669 = arith.addi %iota3A, %parallel_loop3A_668 : vector<16xi32>
        %parallel_loop3A_670 = arith.addi %parallel_loop3A_663, %parallel_loop3A_669 : vector<16xi32>
        tpu.vector_store_idx %arg6[%parallel_loop3A_670], %broadcast_in_dim3A_10 {add = true} : memref<32768xi32, #tpu.memory_space<vmem>>[vector<16xi32>], vector<16xi32>,
      } {sc.loop_unroll_factor = 8 : i64, sc.parallel_access}
      %parallel_loop3A_23 = arith.constant 0 : i32
      %parallel_loop3A_24 = arith.constant 128 : i32
      %parallel_loop3A_25 = arith.constant 1 : i32
      scf.for %parallel_loop3A_643 = %parallel_loop3A_23 to %parallel_loop3A_24 step %parallel_loop3A_25  : i32 {
        %parallel_loop3A_644 = arith.constant 2 : i32
        %parallel_loop3A_645 = arith.muli %parallel_loop3A_643, %parallel_loop3A_644 : i32
        %parallel_loop3A_646 = arith.constant 0 : i32
        %parallel_loop3A_647 = arith.addi %parallel_loop3A_645, %parallel_loop3A_646 : i32
        %parallel_loop3A_648 = arith.constant 16 : i32
        %parallel_loop3A_649 = arith.muli %parallel_loop3A_647, %parallel_loop3A_648 : i32
        %parallel_loop3A_650 = arith.constant 0 : i32
        %parallel_loop3A_651 = arith.addi %parallel_loop3A_650, %parallel_loop3A_649 : i32
        %parallel_loop3A_652 = arith.index_cast %parallel_loop3A_651 : i32 to index
        %parallel_loop3A_653 = tpu.vector_load %arg6[%parallel_loop3A_652] {strides = array<i32>} : memref<32768xi32, #tpu.memory_space<vmem>>, vector<16xi32>,
        %parallel_loop3A_654 = arith.constant 4096 : i32
        %parallel_loop3A_655 = arith.addi %parallel_loop3A_654, %parallel_loop3A_649 : i32
        %parallel_loop3A_656 = arith.index_cast %parallel_loop3A_655 : i32 to index
        %parallel_loop3A_657 = tpu.vector_load %arg6[%parallel_loop3A_656] {strides = array<i32>} : memref<32768xi32, #tpu.memory_space<vmem>>, vector<16xi32>,
        %parallel_loop3A_658 = arith.constant 8192 : i32
        %parallel_loop3A_659 = arith.addi %parallel_loop3A_658, %parallel_loop3A_649 : i32
        %parallel_loop3A_660 = arith.index_cast %parallel_loop3A_659 : i32 to index
        %parallel_loop3A_661 = tpu.vector_load %arg6[%parallel_loop3A_660] {strides = array<i32>} : memref<32768xi32, #tpu.memory_space<vmem>>, vector<16xi32>,
        %parallel_loop3A_662 = arith.constant 12288 : i32
        %parallel_loop3A_663 = arith.addi %parallel_loop3A_662, %parallel_loop3A_649 : i32
        %parallel_loop3A_664 = arith.index_cast %parallel_loop3A_663 : i32 to index
        %parallel_loop3A_665 = tpu.vector_load %arg6[%parallel_loop3A_664] {strides = array<i32>} : memref<32768xi32, #tpu.memory_space<vmem>>, vector<16xi32>,
        %parallel_loop3A_666 = arith.constant 16384 : i32
        %parallel_loop3A_667 = arith.addi %parallel_loop3A_666, %parallel_loop3A_649 : i32
        %parallel_loop3A_668 = arith.index_cast %parallel_loop3A_667 : i32 to index
        %parallel_loop3A_669 = tpu.vector_load %arg6[%parallel_loop3A_668] {strides = array<i32>} : memref<32768xi32, #tpu.memory_space<vmem>>, vector<16xi32>,
        %parallel_loop3A_670 = arith.constant 20480 : i32
        %parallel_loop3A_671 = arith.addi %parallel_loop3A_670, %parallel_loop3A_649 : i32
        %parallel_loop3A_672 = arith.index_cast %parallel_loop3A_671 : i32 to index
        %parallel_loop3A_673 = tpu.vector_load %arg6[%parallel_loop3A_672] {strides = array<i32>} : memref<32768xi32, #tpu.memory_space<vmem>>, vector<16xi32>,
        %parallel_loop3A_674 = arith.constant 24576 : i32
        %parallel_loop3A_675 = arith.addi %parallel_loop3A_674, %parallel_loop3A_649 : i32
        %parallel_loop3A_676 = arith.index_cast %parallel_loop3A_675 : i32 to index
        %parallel_loop3A_677 = tpu.vector_load %arg6[%parallel_loop3A_676] {strides = array<i32>} : memref<32768xi32, #tpu.memory_space<vmem>>, vector<16xi32>,
        %parallel_loop3A_678 = arith.constant 28672 : i32
        %parallel_loop3A_679 = arith.addi %parallel_loop3A_678, %parallel_loop3A_649 : i32
        %parallel_loop3A_680 = arith.index_cast %parallel_loop3A_679 : i32 to index
        %parallel_loop3A_681 = tpu.vector_load %arg6[%parallel_loop3A_680] {strides = array<i32>} : memref<32768xi32, #tpu.memory_space<vmem>>, vector<16xi32>,
        %parallel_loop3A_682 = arith.constant 2 : i32
        %parallel_loop3A_683 = arith.muli %parallel_loop3A_643, %parallel_loop3A_682 : i32
        %parallel_loop3A_684 = arith.constant 1 : i32
        %parallel_loop3A_685 = arith.addi %parallel_loop3A_683, %parallel_loop3A_684 : i32
        %parallel_loop3A_686 = arith.constant 16 : i32
        %parallel_loop3A_687 = arith.muli %parallel_loop3A_685, %parallel_loop3A_686 : i32
        %parallel_loop3A_688 = arith.constant 0 : i32
        %parallel_loop3A_689 = arith.addi %parallel_loop3A_688, %parallel_loop3A_687 : i32
        %parallel_loop3A_690 = arith.index_cast %parallel_loop3A_689 : i32 to index
        %parallel_loop3A_691 = tpu.vector_load %arg6[%parallel_loop3A_690] {strides = array<i32>} : memref<32768xi32, #tpu.memory_space<vmem>>, vector<16xi32>,
        %parallel_loop3A_692 = arith.constant 4096 : i32
        %parallel_loop3A_693 = arith.addi %parallel_loop3A_692, %parallel_loop3A_687 : i32
        %parallel_loop3A_694 = arith.index_cast %parallel_loop3A_693 : i32 to index
        %parallel_loop3A_695 = tpu.vector_load %arg6[%parallel_loop3A_694] {strides = array<i32>} : memref<32768xi32, #tpu.memory_space<vmem>>, vector<16xi32>,
        %parallel_loop3A_696 = arith.constant 8192 : i32
        %parallel_loop3A_697 = arith.addi %parallel_loop3A_696, %parallel_loop3A_687 : i32
        %parallel_loop3A_698 = arith.index_cast %parallel_loop3A_697 : i32 to index
        %parallel_loop3A_699 = tpu.vector_load %arg6[%parallel_loop3A_698] {strides = array<i32>} : memref<32768xi32, #tpu.memory_space<vmem>>, vector<16xi32>,
        %parallel_loop3A_700 = arith.constant 12288 : i32
        %parallel_loop3A_701 = arith.addi %parallel_loop3A_700, %parallel_loop3A_687 : i32
        %parallel_loop3A_702 = arith.index_cast %parallel_loop3A_701 : i32 to index
        %parallel_loop3A_703 = tpu.vector_load %arg6[%parallel_loop3A_702] {strides = array<i32>} : memref<32768xi32, #tpu.memory_space<vmem>>, vector<16xi32>,
        %parallel_loop3A_704 = arith.constant 16384 : i32
        %parallel_loop3A_705 = arith.addi %parallel_loop3A_704, %parallel_loop3A_687 : i32
        %parallel_loop3A_706 = arith.index_cast %parallel_loop3A_705 : i32 to index
        %parallel_loop3A_707 = tpu.vector_load %arg6[%parallel_loop3A_706] {strides = array<i32>} : memref<32768xi32, #tpu.memory_space<vmem>>, vector<16xi32>,
        %parallel_loop3A_708 = arith.constant 20480 : i32
        %parallel_loop3A_709 = arith.addi %parallel_loop3A_708, %parallel_loop3A_687 : i32
        %parallel_loop3A_710 = arith.index_cast %parallel_loop3A_709 : i32 to index
        %parallel_loop3A_711 = tpu.vector_load %arg6[%parallel_loop3A_710] {strides = array<i32>} : memref<32768xi32, #tpu.memory_space<vmem>>, vector<16xi32>,
        %parallel_loop3A_712 = arith.constant 24576 : i32
        %parallel_loop3A_713 = arith.addi %parallel_loop3A_712, %parallel_loop3A_687 : i32
        %parallel_loop3A_714 = arith.index_cast %parallel_loop3A_713 : i32 to index
        %parallel_loop3A_715 = tpu.vector_load %arg6[%parallel_loop3A_714] {strides = array<i32>} : memref<32768xi32, #tpu.memory_space<vmem>>, vector<16xi32>,
        %parallel_loop3A_716 = arith.constant 28672 : i32
        %parallel_loop3A_717 = arith.addi %parallel_loop3A_716, %parallel_loop3A_687 : i32
        %parallel_loop3A_718 = arith.index_cast %parallel_loop3A_717 : i32 to index
        %parallel_loop3A_719 = tpu.vector_load %arg6[%parallel_loop3A_718] {strides = array<i32>} : memref<32768xi32, #tpu.memory_space<vmem>>, vector<16xi32>,
        %parallel_loop3A_720 = arith.constant 2 : i32
        %parallel_loop3A_721 = arith.muli %parallel_loop3A_643, %parallel_loop3A_720 : i32
        %parallel_loop3A_722 = arith.constant 0 : i32
        %parallel_loop3A_723 = arith.addi %parallel_loop3A_721, %parallel_loop3A_722 : i32
        %parallel_loop3A_724 = arith.constant 16 : i32
        %parallel_loop3A_725 = arith.muli %parallel_loop3A_723, %parallel_loop3A_724 : i32
        %parallel_loop3A_726 = arith.addi %parallel_loop3A_653, %parallel_loop3A_657 : vector<16xi32>
        %parallel_loop3A_727 = arith.addi %parallel_loop3A_661, %parallel_loop3A_665 : vector<16xi32>
        %parallel_loop3A_728 = arith.addi %parallel_loop3A_726, %parallel_loop3A_727 : vector<16xi32>
        %parallel_loop3A_729 = arith.addi %parallel_loop3A_669, %parallel_loop3A_673 : vector<16xi32>
        %parallel_loop3A_730 = arith.addi %parallel_loop3A_677, %parallel_loop3A_681 : vector<16xi32>
        %parallel_loop3A_731 = arith.addi %parallel_loop3A_729, %parallel_loop3A_730 : vector<16xi32>
        %parallel_loop3A_732 = arith.addi %parallel_loop3A_728, %parallel_loop3A_731 : vector<16xi32>
        %parallel_loop3A_733 = arith.constant true
        %parallel_loop3A_734 = vector.broadcast %parallel_loop3A_733 : i1 to vector<16xi1>
        %parallel_loop3A_735 = tpu.scan <sum>, %parallel_loop3A_732 masked %parallel_loop3A_734 : vector<16xi32>, vector<16xi1> -> vector<16xi32>
        %parallel_loop3A_736 = arith.subi %parallel_loop3A_735, %parallel_loop3A_732 : vector<16xi32>
        %parallel_loop3A_737 = arith.constant 0 : i32
        %parallel_loop3A_738 = arith.addi %parallel_loop3A_737, %parallel_loop3A_725 : i32
        %parallel_loop3A_739 = arith.index_cast %parallel_loop3A_738 : i32 to index
        %parallel_loop3A_740 = tpu.vector_load %arg6[%parallel_loop3A_739] {strides = array<i32>} : memref<32768xi32, #tpu.memory_space<vmem>>, vector<16xi32>,
        tpu.vector_store %arg6[%parallel_loop3A_739], %parallel_loop3A_736 {strides = array<i32>} : memref<32768xi32, #tpu.memory_space<vmem>>, vector<16xi32>,
        %parallel_loop3A_741 = arith.addi %parallel_loop3A_736, %parallel_loop3A_653 : vector<16xi32>
        %parallel_loop3A_742 = arith.constant 4096 : i32
        %parallel_loop3A_743 = arith.addi %parallel_loop3A_742, %parallel_loop3A_725 : i32
        %parallel_loop3A_744 = arith.index_cast %parallel_loop3A_743 : i32 to index
        %parallel_loop3A_745 = tpu.vector_load %arg6[%parallel_loop3A_744] {strides = array<i32>} : memref<32768xi32, #tpu.memory_space<vmem>>, vector<16xi32>,
        tpu.vector_store %arg6[%parallel_loop3A_744], %parallel_loop3A_741 {strides = array<i32>} : memref<32768xi32, #tpu.memory_space<vmem>>, vector<16xi32>,
        %parallel_loop3A_746 = arith.addi %parallel_loop3A_741, %parallel_loop3A_657 : vector<16xi32>
        %parallel_loop3A_747 = arith.constant 8192 : i32
        %parallel_loop3A_748 = arith.addi %parallel_loop3A_747, %parallel_loop3A_725 : i32
        %parallel_loop3A_749 = arith.index_cast %parallel_loop3A_748 : i32 to index
        %parallel_loop3A_750 = tpu.vector_load %arg6[%parallel_loop3A_749] {strides = array<i32>} : memref<32768xi32, #tpu.memory_space<vmem>>, vector<16xi32>,
        tpu.vector_store %arg6[%parallel_loop3A_749], %parallel_loop3A_746 {strides = array<i32>} : memref<32768xi32, #tpu.memory_space<vmem>>, vector<16xi32>,
        %parallel_loop3A_751 = arith.addi %parallel_loop3A_746, %parallel_loop3A_661 : vector<16xi32>
        %parallel_loop3A_752 = arith.constant 12288 : i32
        %parallel_loop3A_753 = arith.addi %parallel_loop3A_752, %parallel_loop3A_725 : i32
        %parallel_loop3A_754 = arith.index_cast %parallel_loop3A_753 : i32 to index
        %parallel_loop3A_755 = tpu.vector_load %arg6[%parallel_loop3A_754] {strides = array<i32>} : memref<32768xi32, #tpu.memory_space<vmem>>, vector<16xi32>,
        tpu.vector_store %arg6[%parallel_loop3A_754], %parallel_loop3A_751 {strides = array<i32>} : memref<32768xi32, #tpu.memory_space<vmem>>, vector<16xi32>,
        %parallel_loop3A_756 = arith.addi %parallel_loop3A_751, %parallel_loop3A_665 : vector<16xi32>
        %parallel_loop3A_757 = arith.constant 16384 : i32
        %parallel_loop3A_758 = arith.addi %parallel_loop3A_757, %parallel_loop3A_725 : i32
        %parallel_loop3A_759 = arith.index_cast %parallel_loop3A_758 : i32 to index
        %parallel_loop3A_760 = tpu.vector_load %arg6[%parallel_loop3A_759] {strides = array<i32>} : memref<32768xi32, #tpu.memory_space<vmem>>, vector<16xi32>,
        tpu.vector_store %arg6[%parallel_loop3A_759], %parallel_loop3A_756 {strides = array<i32>} : memref<32768xi32, #tpu.memory_space<vmem>>, vector<16xi32>,
        %parallel_loop3A_761 = arith.addi %parallel_loop3A_756, %parallel_loop3A_669 : vector<16xi32>
        %parallel_loop3A_762 = arith.constant 20480 : i32
        %parallel_loop3A_763 = arith.addi %parallel_loop3A_762, %parallel_loop3A_725 : i32
        %parallel_loop3A_764 = arith.index_cast %parallel_loop3A_763 : i32 to index
        %parallel_loop3A_765 = tpu.vector_load %arg6[%parallel_loop3A_764] {strides = array<i32>} : memref<32768xi32, #tpu.memory_space<vmem>>, vector<16xi32>,
        tpu.vector_store %arg6[%parallel_loop3A_764], %parallel_loop3A_761 {strides = array<i32>} : memref<32768xi32, #tpu.memory_space<vmem>>, vector<16xi32>,
        %parallel_loop3A_766 = arith.addi %parallel_loop3A_761, %parallel_loop3A_673 : vector<16xi32>
        %parallel_loop3A_767 = arith.constant 24576 : i32
        %parallel_loop3A_768 = arith.addi %parallel_loop3A_767, %parallel_loop3A_725 : i32
        %parallel_loop3A_769 = arith.index_cast %parallel_loop3A_768 : i32 to index
        %parallel_loop3A_770 = tpu.vector_load %arg6[%parallel_loop3A_769] {strides = array<i32>} : memref<32768xi32, #tpu.memory_space<vmem>>, vector<16xi32>,
        tpu.vector_store %arg6[%parallel_loop3A_769], %parallel_loop3A_766 {strides = array<i32>} : memref<32768xi32, #tpu.memory_space<vmem>>, vector<16xi32>,
        %parallel_loop3A_771 = arith.addi %parallel_loop3A_766, %parallel_loop3A_677 : vector<16xi32>
        %parallel_loop3A_772 = arith.constant 28672 : i32
        %parallel_loop3A_773 = arith.addi %parallel_loop3A_772, %parallel_loop3A_725 : i32
        %parallel_loop3A_774 = arith.index_cast %parallel_loop3A_773 : i32 to index
        %parallel_loop3A_775 = tpu.vector_load %arg6[%parallel_loop3A_774] {strides = array<i32>} : memref<32768xi32, #tpu.memory_space<vmem>>, vector<16xi32>,
        tpu.vector_store %arg6[%parallel_loop3A_774], %parallel_loop3A_771 {strides = array<i32>} : memref<32768xi32, #tpu.memory_space<vmem>>, vector<16xi32>,
        %parallel_loop3A_776 = arith.addi %parallel_loop3A_771, %parallel_loop3A_681 : vector<16xi32>
        %parallel_loop3A_777 = arith.constant true
        %parallel_loop3A_778 = vector.broadcast %parallel_loop3A_777 : i1 to vector<16xi1>
        %parallel_loop3A_779 = tpu.scan <sum>, %parallel_loop3A_732 masked %parallel_loop3A_778 : vector<16xi32>, vector<16xi1> -> vector<16xi32>
        %parallel_loop3A_780 = vector.extract %parallel_loop3A_779[15] : i32 from vector<16xi32>
        %parallel_loop3A_781 = vector.broadcast %parallel_loop3A_723 : i32 to vector<16xi32>
        %parallel_loop3A_782 = vector.broadcast %parallel_loop3A_780 : i32 to vector<16xi32>
        tpu.vector_store_idx %arg7[%parallel_loop3A_781], %parallel_loop3A_782 masked %eq3A_14 : memref<256xi32, #tpu.memory_space<vmem>>[vector<16xi32>], vector<16xi32>, vector<16xi1>
        %parallel_loop3A_783 = arith.constant 2 : i32
        %parallel_loop3A_784 = arith.muli %parallel_loop3A_643, %parallel_loop3A_783 : i32
        %parallel_loop3A_785 = arith.constant 1 : i32
        %parallel_loop3A_786 = arith.addi %parallel_loop3A_784, %parallel_loop3A_785 : i32
        %parallel_loop3A_787 = arith.constant 16 : i32
        %parallel_loop3A_788 = arith.muli %parallel_loop3A_786, %parallel_loop3A_787 : i32
        %parallel_loop3A_789 = arith.addi %parallel_loop3A_691, %parallel_loop3A_695 : vector<16xi32>
        %parallel_loop3A_790 = arith.addi %parallel_loop3A_699, %parallel_loop3A_703 : vector<16xi32>
        %parallel_loop3A_791 = arith.addi %parallel_loop3A_789, %parallel_loop3A_790 : vector<16xi32>
        %parallel_loop3A_792 = arith.addi %parallel_loop3A_707, %parallel_loop3A_711 : vector<16xi32>
        %parallel_loop3A_793 = arith.addi %parallel_loop3A_715, %parallel_loop3A_719 : vector<16xi32>
        %parallel_loop3A_794 = arith.addi %parallel_loop3A_792, %parallel_loop3A_793 : vector<16xi32>
        %parallel_loop3A_795 = arith.addi %parallel_loop3A_791, %parallel_loop3A_794 : vector<16xi32>
        %parallel_loop3A_796 = arith.constant true
        %parallel_loop3A_797 = vector.broadcast %parallel_loop3A_796 : i1 to vector<16xi1>
        %parallel_loop3A_798 = tpu.scan <sum>, %parallel_loop3A_795 masked %parallel_loop3A_797 : vector<16xi32>, vector<16xi1> -> vector<16xi32>
        %parallel_loop3A_799 = arith.subi %parallel_loop3A_798, %parallel_loop3A_795 : vector<16xi32>
        %parallel_loop3A_800 = arith.constant 0 : i32
        %parallel_loop3A_801 = arith.addi %parallel_loop3A_800, %parallel_loop3A_788 : i32
        %parallel_loop3A_802 = arith.index_cast %parallel_loop3A_801 : i32 to index
        %parallel_loop3A_803 = tpu.vector_load %arg6[%parallel_loop3A_802] {strides = array<i32>} : memref<32768xi32, #tpu.memory_space<vmem>>, vector<16xi32>,
        tpu.vector_store %arg6[%parallel_loop3A_802], %parallel_loop3A_799 {strides = array<i32>} : memref<32768xi32, #tpu.memory_space<vmem>>, vector<16xi32>,
        %parallel_loop3A_804 = arith.addi %parallel_loop3A_799, %parallel_loop3A_691 : vector<16xi32>
        %parallel_loop3A_805 = arith.constant 4096 : i32
        %parallel_loop3A_806 = arith.addi %parallel_loop3A_805, %parallel_loop3A_788 : i32
        %parallel_loop3A_807 = arith.index_cast %parallel_loop3A_806 : i32 to index
        %parallel_loop3A_808 = tpu.vector_load %arg6[%parallel_loop3A_807] {strides = array<i32>} : memref<32768xi32, #tpu.memory_space<vmem>>, vector<16xi32>,
        tpu.vector_store %arg6[%parallel_loop3A_807], %parallel_loop3A_804 {strides = array<i32>} : memref<32768xi32, #tpu.memory_space<vmem>>, vector<16xi32>,
        %parallel_loop3A_809 = arith.addi %parallel_loop3A_804, %parallel_loop3A_695 : vector<16xi32>
        %parallel_loop3A_810 = arith.constant 8192 : i32
        %parallel_loop3A_811 = arith.addi %parallel_loop3A_810, %parallel_loop3A_788 : i32
        %parallel_loop3A_812 = arith.index_cast %parallel_loop3A_811 : i32 to index
        %parallel_loop3A_813 = tpu.vector_load %arg6[%parallel_loop3A_812] {strides = array<i32>} : memref<32768xi32, #tpu.memory_space<vmem>>, vector<16xi32>,
        tpu.vector_store %arg6[%parallel_loop3A_812], %parallel_loop3A_809 {strides = array<i32>} : memref<32768xi32, #tpu.memory_space<vmem>>, vector<16xi32>,
        %parallel_loop3A_814 = arith.addi %parallel_loop3A_809, %parallel_loop3A_699 : vector<16xi32>
        %parallel_loop3A_815 = arith.constant 12288 : i32
        %parallel_loop3A_816 = arith.addi %parallel_loop3A_815, %parallel_loop3A_788 : i32
        %parallel_loop3A_817 = arith.index_cast %parallel_loop3A_816 : i32 to index
        %parallel_loop3A_818 = tpu.vector_load %arg6[%parallel_loop3A_817] {strides = array<i32>} : memref<32768xi32, #tpu.memory_space<vmem>>, vector<16xi32>,
        tpu.vector_store %arg6[%parallel_loop3A_817], %parallel_loop3A_814 {strides = array<i32>} : memref<32768xi32, #tpu.memory_space<vmem>>, vector<16xi32>,
        %parallel_loop3A_819 = arith.addi %parallel_loop3A_814, %parallel_loop3A_703 : vector<16xi32>
        %parallel_loop3A_820 = arith.constant 16384 : i32
        %parallel_loop3A_821 = arith.addi %parallel_loop3A_820, %parallel_loop3A_788 : i32
        %parallel_loop3A_822 = arith.index_cast %parallel_loop3A_821 : i32 to index
        %parallel_loop3A_823 = tpu.vector_load %arg6[%parallel_loop3A_822] {strides = array<i32>} : memref<32768xi32, #tpu.memory_space<vmem>>, vector<16xi32>,
        tpu.vector_store %arg6[%parallel_loop3A_822], %parallel_loop3A_819 {strides = array<i32>} : memref<32768xi32, #tpu.memory_space<vmem>>, vector<16xi32>,
        %parallel_loop3A_824 = arith.addi %parallel_loop3A_819, %parallel_loop3A_707 : vector<16xi32>
        %parallel_loop3A_825 = arith.constant 20480 : i32
        %parallel_loop3A_826 = arith.addi %parallel_loop3A_825, %parallel_loop3A_788 : i32
        %parallel_loop3A_827 = arith.index_cast %parallel_loop3A_826 : i32 to index
        %parallel_loop3A_828 = tpu.vector_load %arg6[%parallel_loop3A_827] {strides = array<i32>} : memref<32768xi32, #tpu.memory_space<vmem>>, vector<16xi32>,
        tpu.vector_store %arg6[%parallel_loop3A_827], %parallel_loop3A_824 {strides = array<i32>} : memref<32768xi32, #tpu.memory_space<vmem>>, vector<16xi32>,
        %parallel_loop3A_829 = arith.addi %parallel_loop3A_824, %parallel_loop3A_711 : vector<16xi32>
        %parallel_loop3A_830 = arith.constant 24576 : i32
        %parallel_loop3A_831 = arith.addi %parallel_loop3A_830, %parallel_loop3A_788 : i32
        %parallel_loop3A_832 = arith.index_cast %parallel_loop3A_831 : i32 to index
        %parallel_loop3A_833 = tpu.vector_load %arg6[%parallel_loop3A_832] {strides = array<i32>} : memref<32768xi32, #tpu.memory_space<vmem>>, vector<16xi32>,
        tpu.vector_store %arg6[%parallel_loop3A_832], %parallel_loop3A_829 {strides = array<i32>} : memref<32768xi32, #tpu.memory_space<vmem>>, vector<16xi32>,
        %parallel_loop3A_834 = arith.addi %parallel_loop3A_829, %parallel_loop3A_715 : vector<16xi32>
        %parallel_loop3A_835 = arith.constant 28672 : i32
        %parallel_loop3A_836 = arith.addi %parallel_loop3A_835, %parallel_loop3A_788 : i32
        %parallel_loop3A_837 = arith.index_cast %parallel_loop3A_836 : i32 to index
        %parallel_loop3A_838 = tpu.vector_load %arg6[%parallel_loop3A_837] {strides = array<i32>} : memref<32768xi32, #tpu.memory_space<vmem>>, vector<16xi32>,
        tpu.vector_store %arg6[%parallel_loop3A_837], %parallel_loop3A_834 {strides = array<i32>} : memref<32768xi32, #tpu.memory_space<vmem>>, vector<16xi32>,
        %parallel_loop3A_839 = arith.addi %parallel_loop3A_834, %parallel_loop3A_719 : vector<16xi32>
        %parallel_loop3A_840 = arith.constant true
        %parallel_loop3A_841 = vector.broadcast %parallel_loop3A_840 : i1 to vector<16xi1>
        %parallel_loop3A_842 = tpu.scan <sum>, %parallel_loop3A_795 masked %parallel_loop3A_841 : vector<16xi32>, vector<16xi1> -> vector<16xi32>
        %parallel_loop3A_843 = vector.extract %parallel_loop3A_842[15] : i32 from vector<16xi32>
        %parallel_loop3A_844 = vector.broadcast %parallel_loop3A_786 : i32 to vector<16xi32>
        %parallel_loop3A_845 = vector.broadcast %parallel_loop3A_843 : i32 to vector<16xi32>
        tpu.vector_store_idx %arg7[%parallel_loop3A_844], %parallel_loop3A_845 masked %eq3A_14 : memref<256xi32, #tpu.memory_space<vmem>>[vector<16xi32>], vector<16xi32>, vector<16xi1>
      } {sc.loop_unroll_factor = 1 : i64, sc.parallel_access}
      %scan3A_26 = arith.constant 0 : i32
      %scan3A_27 = arith.constant 0 : i32
      %scan3A_28 = arith.constant 16 : i32
      %scan3A_29 = arith.addi %scan3A_27, %scan3A_28 : i32
      %scan3A_30 = arith.constant 1 : i32
      %scan3A_31 = scf.for %scan3A_643 = %scan3A_27 to %scan3A_29 step %scan3A_30 iter_args(%scan3A_644 = %scan3A_26) -> (i32)  : i32 {
        %mul3A_645 = arith.constant 16 : i32
        %mul3A_646 = arith.muli %scan3A_643, %mul3A_645 : i32
        %get3A = arith.index_cast %mul3A_646 : i32 to index
        %get3A_647 = tpu.vector_load %arg7[%get3A] {strides = array<i32>} : memref<256xi32, #tpu.memory_space<vmem>>, vector<16xi32>,
        %broadcast_in_dim3A_648 = arith.constant true
        %broadcast_in_dim3A_649 = vector.broadcast %broadcast_in_dim3A_648 : i1 to vector<16xi1>
        %masked_cumsum3A = tpu.scan <sum>, %get3A_647 masked %broadcast_in_dim3A_649 : vector<16xi32>, vector<16xi1> -> vector<16xi32>
        %sub3A = arith.subi %masked_cumsum3A, %get3A_647 : vector<16xi32>
        %add3A_650 = vector.broadcast %scan3A_644 : i32 to vector<16xi32>
        %add3A_651 = arith.addi %sub3A, %add3A_650 : vector<16xi32>
        %mul3A_652 = arith.constant 16 : i32
        %mul3A_653 = arith.muli %scan3A_643, %mul3A_652 : i32
        %swap3A = arith.index_cast %mul3A_653 : i32 to index
        %swap3A_654 = tpu.vector_load %arg7[%swap3A] {strides = array<i32>} : memref<256xi32, #tpu.memory_space<vmem>>, vector<16xi32>,
        tpu.vector_store %arg7[%swap3A], %add3A_651 {strides = array<i32>} : memref<256xi32, #tpu.memory_space<vmem>>, vector<16xi32>,
        %reduce_sum3A = arith.constant true
        %reduce_sum3A_655 = vector.broadcast %reduce_sum3A : i1 to vector<16xi1>
        %reduce_sum3A_656 = tpu.scan <sum>, %get3A_647 masked %reduce_sum3A_655 : vector<16xi32>, vector<16xi1> -> vector<16xi32>
        %reduce_sum3A_657 = vector.extract %reduce_sum3A_656[15] : i32 from vector<16xi32>
        %add3A_658 = arith.addi %scan3A_644, %reduce_sum3A_657 : i32
        scf.yield %add3A_658 : i32
      }
      %scan3A_32 = arith.constant 16 : i32
      %parallel_loop3A_33 = arith.constant 0 : i32
      %parallel_loop3A_34 = arith.constant 64 : i32
      %parallel_loop3A_35 = arith.constant 1 : i32
      scf.for %parallel_loop3A_643 = %parallel_loop3A_33 to %parallel_loop3A_34 step %parallel_loop3A_35  : i32 {
        %parallel_loop3A_644 = arith.constant 4 : i32
        %parallel_loop3A_645 = arith.muli %parallel_loop3A_643, %parallel_loop3A_644 : i32
        %parallel_loop3A_646 = arith.constant 0 : i32
        %parallel_loop3A_647 = arith.addi %parallel_loop3A_645, %parallel_loop3A_646 : i32
        %parallel_loop3A_648 = vector.broadcast %parallel_loop3A_647 : i32 to vector<16xi32>
        %parallel_loop3A_649 = tpu.vector_load_idx %arg7[%parallel_loop3A_648] : memref<256xi32, #tpu.memory_space<vmem>>[vector<16xi32>], vector<16xi32>,
        %parallel_loop3A_650 = arith.constant 4 : i32
        %parallel_loop3A_651 = arith.muli %parallel_loop3A_643, %parallel_loop3A_650 : i32
        %parallel_loop3A_652 = arith.constant 1 : i32
        %parallel_loop3A_653 = arith.addi %parallel_loop3A_651, %parallel_loop3A_652 : i32
        %parallel_loop3A_654 = vector.broadcast %parallel_loop3A_653 : i32 to vector<16xi32>
        %parallel_loop3A_655 = tpu.vector_load_idx %arg7[%parallel_loop3A_654] : memref<256xi32, #tpu.memory_space<vmem>>[vector<16xi32>], vector<16xi32>,
        %parallel_loop3A_656 = arith.constant 4 : i32
        %parallel_loop3A_657 = arith.muli %parallel_loop3A_643, %parallel_loop3A_656 : i32
        %parallel_loop3A_658 = arith.constant 2 : i32
        %parallel_loop3A_659 = arith.addi %parallel_loop3A_657, %parallel_loop3A_658 : i32
        %parallel_loop3A_660 = vector.broadcast %parallel_loop3A_659 : i32 to vector<16xi32>
        %parallel_loop3A_661 = tpu.vector_load_idx %arg7[%parallel_loop3A_660] : memref<256xi32, #tpu.memory_space<vmem>>[vector<16xi32>], vector<16xi32>,
        %parallel_loop3A_662 = arith.constant 4 : i32
        %parallel_loop3A_663 = arith.muli %parallel_loop3A_643, %parallel_loop3A_662 : i32
        %parallel_loop3A_664 = arith.constant 3 : i32
        %parallel_loop3A_665 = arith.addi %parallel_loop3A_663, %parallel_loop3A_664 : i32
        %parallel_loop3A_666 = vector.broadcast %parallel_loop3A_665 : i32 to vector<16xi32>
        %parallel_loop3A_667 = tpu.vector_load_idx %arg7[%parallel_loop3A_666] : memref<256xi32, #tpu.memory_space<vmem>>[vector<16xi32>], vector<16xi32>,
        %parallel_loop3A_668 = arith.constant 4 : i32
        %parallel_loop3A_669 = arith.muli %parallel_loop3A_643, %parallel_loop3A_668 : i32
        %parallel_loop3A_670 = arith.constant 0 : i32
        %parallel_loop3A_671 = arith.addi %parallel_loop3A_669, %parallel_loop3A_670 : i32
        %parallel_loop3A_672 = arith.constant 16 : i32
        %parallel_loop3A_673 = arith.muli %parallel_loop3A_671, %parallel_loop3A_672 : i32
        %parallel_loop3A_674 = arith.constant 0 : i32
        %parallel_loop3A_675 = arith.addi %parallel_loop3A_674, %parallel_loop3A_673 : i32
        %parallel_loop3A_676 = arith.index_cast %parallel_loop3A_675 : i32 to index
        %parallel_loop3A_677 = tpu.vector_load %arg6[%parallel_loop3A_676] {strides = array<i32>} : memref<32768xi32, #tpu.memory_space<vmem>>, vector<16xi32>,
        tpu.vector_store %arg6[%parallel_loop3A_676], %parallel_loop3A_649 {add = true, strides = array<i32>} : memref<32768xi32, #tpu.memory_space<vmem>>, vector<16xi32>,
        %parallel_loop3A_678 = arith.constant 4096 : i32
        %parallel_loop3A_679 = arith.addi %parallel_loop3A_678, %parallel_loop3A_673 : i32
        %parallel_loop3A_680 = arith.index_cast %parallel_loop3A_679 : i32 to index
        %parallel_loop3A_681 = tpu.vector_load %arg6[%parallel_loop3A_680] {strides = array<i32>} : memref<32768xi32, #tpu.memory_space<vmem>>, vector<16xi32>,
        tpu.vector_store %arg6[%parallel_loop3A_680], %parallel_loop3A_649 {add = true, strides = array<i32>} : memref<32768xi32, #tpu.memory_space<vmem>>, vector<16xi32>,
        %parallel_loop3A_682 = arith.constant 8192 : i32
        %parallel_loop3A_683 = arith.addi %parallel_loop3A_682, %parallel_loop3A_673 : i32
        %parallel_loop3A_684 = arith.index_cast %parallel_loop3A_683 : i32 to index
        %parallel_loop3A_685 = tpu.vector_load %arg6[%parallel_loop3A_684] {strides = array<i32>} : memref<32768xi32, #tpu.memory_space<vmem>>, vector<16xi32>,
        tpu.vector_store %arg6[%parallel_loop3A_684], %parallel_loop3A_649 {add = true, strides = array<i32>} : memref<32768xi32, #tpu.memory_space<vmem>>, vector<16xi32>,
        %parallel_loop3A_686 = arith.constant 12288 : i32
        %parallel_loop3A_687 = arith.addi %parallel_loop3A_686, %parallel_loop3A_673 : i32
        %parallel_loop3A_688 = arith.index_cast %parallel_loop3A_687 : i32 to index
        %parallel_loop3A_689 = tpu.vector_load %arg6[%parallel_loop3A_688] {strides = array<i32>} : memref<32768xi32, #tpu.memory_space<vmem>>, vector<16xi32>,
        tpu.vector_store %arg6[%parallel_loop3A_688], %parallel_loop3A_649 {add = true, strides = array<i32>} : memref<32768xi32, #tpu.memory_space<vmem>>, vector<16xi32>,
        %parallel_loop3A_690 = arith.constant 16384 : i32
        %parallel_loop3A_691 = arith.addi %parallel_loop3A_690, %parallel_loop3A_673 : i32
        %parallel_loop3A_692 = arith.index_cast %parallel_loop3A_691 : i32 to index
        %parallel_loop3A_693 = tpu.vector_load %arg6[%parallel_loop3A_692] {strides = array<i32>} : memref<32768xi32, #tpu.memory_space<vmem>>, vector<16xi32>,
        tpu.vector_store %arg6[%parallel_loop3A_692], %parallel_loop3A_649 {add = true, strides = array<i32>} : memref<32768xi32, #tpu.memory_space<vmem>>, vector<16xi32>,
        %parallel_loop3A_694 = arith.constant 20480 : i32
        %parallel_loop3A_695 = arith.addi %parallel_loop3A_694, %parallel_loop3A_673 : i32
        %parallel_loop3A_696 = arith.index_cast %parallel_loop3A_695 : i32 to index
        %parallel_loop3A_697 = tpu.vector_load %arg6[%parallel_loop3A_696] {strides = array<i32>} : memref<32768xi32, #tpu.memory_space<vmem>>, vector<16xi32>,
        tpu.vector_store %arg6[%parallel_loop3A_696], %parallel_loop3A_649 {add = true, strides = array<i32>} : memref<32768xi32, #tpu.memory_space<vmem>>, vector<16xi32>,
        %parallel_loop3A_698 = arith.constant 24576 : i32
        %parallel_loop3A_699 = arith.addi %parallel_loop3A_698, %parallel_loop3A_673 : i32
        %parallel_loop3A_700 = arith.index_cast %parallel_loop3A_699 : i32 to index
        %parallel_loop3A_701 = tpu.vector_load %arg6[%parallel_loop3A_700] {strides = array<i32>} : memref<32768xi32, #tpu.memory_space<vmem>>, vector<16xi32>,
        tpu.vector_store %arg6[%parallel_loop3A_700], %parallel_loop3A_649 {add = true, strides = array<i32>} : memref<32768xi32, #tpu.memory_space<vmem>>, vector<16xi32>,
        %parallel_loop3A_702 = arith.constant 28672 : i32
        %parallel_loop3A_703 = arith.addi %parallel_loop3A_702, %parallel_loop3A_673 : i32
        %parallel_loop3A_704 = arith.index_cast %parallel_loop3A_703 : i32 to index
        %parallel_loop3A_705 = tpu.vector_load %arg6[%parallel_loop3A_704] {strides = array<i32>} : memref<32768xi32, #tpu.memory_space<vmem>>, vector<16xi32>,
        tpu.vector_store %arg6[%parallel_loop3A_704], %parallel_loop3A_649 {add = true, strides = array<i32>} : memref<32768xi32, #tpu.memory_space<vmem>>, vector<16xi32>,
        %parallel_loop3A_706 = arith.constant 4 : i32
        %parallel_loop3A_707 = arith.muli %parallel_loop3A_643, %parallel_loop3A_706 : i32
        %parallel_loop3A_708 = arith.constant 1 : i32
        %parallel_loop3A_709 = arith.addi %parallel_loop3A_707, %parallel_loop3A_708 : i32
        %parallel_loop3A_710 = arith.constant 16 : i32
        %parallel_loop3A_711 = arith.muli %parallel_loop3A_709, %parallel_loop3A_710 : i32
        %parallel_loop3A_712 = arith.constant 0 : i32
        %parallel_loop3A_713 = arith.addi %parallel_loop3A_712, %parallel_loop3A_711 : i32
        %parallel_loop3A_714 = arith.index_cast %parallel_loop3A_713 : i32 to index
        %parallel_loop3A_715 = tpu.vector_load %arg6[%parallel_loop3A_714] {strides = array<i32>} : memref<32768xi32, #tpu.memory_space<vmem>>, vector<16xi32>,
        tpu.vector_store %arg6[%parallel_loop3A_714], %parallel_loop3A_655 {add = true, strides = array<i32>} : memref<32768xi32, #tpu.memory_space<vmem>>, vector<16xi32>,
        %parallel_loop3A_716 = arith.constant 4096 : i32
        %parallel_loop3A_717 = arith.addi %parallel_loop3A_716, %parallel_loop3A_711 : i32
        %parallel_loop3A_718 = arith.index_cast %parallel_loop3A_717 : i32 to index
        %parallel_loop3A_719 = tpu.vector_load %arg6[%parallel_loop3A_718] {strides = array<i32>} : memref<32768xi32, #tpu.memory_space<vmem>>, vector<16xi32>,
        tpu.vector_store %arg6[%parallel_loop3A_718], %parallel_loop3A_655 {add = true, strides = array<i32>} : memref<32768xi32, #tpu.memory_space<vmem>>, vector<16xi32>,
        %parallel_loop3A_720 = arith.constant 8192 : i32
        %parallel_loop3A_721 = arith.addi %parallel_loop3A_720, %parallel_loop3A_711 : i32
        %parallel_loop3A_722 = arith.index_cast %parallel_loop3A_721 : i32 to index
        %parallel_loop3A_723 = tpu.vector_load %arg6[%parallel_loop3A_722] {strides = array<i32>} : memref<32768xi32, #tpu.memory_space<vmem>>, vector<16xi32>,
        tpu.vector_store %arg6[%parallel_loop3A_722], %parallel_loop3A_655 {add = true, strides = array<i32>} : memref<32768xi32, #tpu.memory_space<vmem>>, vector<16xi32>,
        %parallel_loop3A_724 = arith.constant 12288 : i32
        %parallel_loop3A_725 = arith.addi %parallel_loop3A_724, %parallel_loop3A_711 : i32
        %parallel_loop3A_726 = arith.index_cast %parallel_loop3A_725 : i32 to index
        %parallel_loop3A_727 = tpu.vector_load %arg6[%parallel_loop3A_726] {strides = array<i32>} : memref<32768xi32, #tpu.memory_space<vmem>>, vector<16xi32>,
        tpu.vector_store %arg6[%parallel_loop3A_726], %parallel_loop3A_655 {add = true, strides = array<i32>} : memref<32768xi32, #tpu.memory_space<vmem>>, vector<16xi32>,
        %parallel_loop3A_728 = arith.constant 16384 : i32
        %parallel_loop3A_729 = arith.addi %parallel_loop3A_728, %parallel_loop3A_711 : i32
        %parallel_loop3A_730 = arith.index_cast %parallel_loop3A_729 : i32 to index
        %parallel_loop3A_731 = tpu.vector_load %arg6[%parallel_loop3A_730] {strides = array<i32>} : memref<32768xi32, #tpu.memory_space<vmem>>, vector<16xi32>,
        tpu.vector_store %arg6[%parallel_loop3A_730], %parallel_loop3A_655 {add = true, strides = array<i32>} : memref<32768xi32, #tpu.memory_space<vmem>>, vector<16xi32>,
        %parallel_loop3A_732 = arith.constant 20480 : i32
        %parallel_loop3A_733 = arith.addi %parallel_loop3A_732, %parallel_loop3A_711 : i32
        %parallel_loop3A_734 = arith.index_cast %parallel_loop3A_733 : i32 to index
        %parallel_loop3A_735 = tpu.vector_load %arg6[%parallel_loop3A_734] {strides = array<i32>} : memref<32768xi32, #tpu.memory_space<vmem>>, vector<16xi32>,
        tpu.vector_store %arg6[%parallel_loop3A_734], %parallel_loop3A_655 {add = true, strides = array<i32>} : memref<32768xi32, #tpu.memory_space<vmem>>, vector<16xi32>,
        %parallel_loop3A_736 = arith.constant 24576 : i32
        %parallel_loop3A_737 = arith.addi %parallel_loop3A_736, %parallel_loop3A_711 : i32
        %parallel_loop3A_738 = arith.index_cast %parallel_loop3A_737 : i32 to index
        %parallel_loop3A_739 = tpu.vector_load %arg6[%parallel_loop3A_738] {strides = array<i32>} : memref<32768xi32, #tpu.memory_space<vmem>>, vector<16xi32>,
        tpu.vector_store %arg6[%parallel_loop3A_738], %parallel_loop3A_655 {add = true, strides = array<i32>} : memref<32768xi32, #tpu.memory_space<vmem>>, vector<16xi32>,
        %parallel_loop3A_740 = arith.constant 28672 : i32
        %parallel_loop3A_741 = arith.addi %parallel_loop3A_740, %parallel_loop3A_711 : i32
        %parallel_loop3A_742 = arith.index_cast %parallel_loop3A_741 : i32 to index
        %parallel_loop3A_743 = tpu.vector_load %arg6[%parallel_loop3A_742] {strides = array<i32>} : memref<32768xi32, #tpu.memory_space<vmem>>, vector<16xi32>,
        tpu.vector_store %arg6[%parallel_loop3A_742], %parallel_loop3A_655 {add = true, strides = array<i32>} : memref<32768xi32, #tpu.memory_space<vmem>>, vector<16xi32>,
        %parallel_loop3A_744 = arith.constant 4 : i32
        %parallel_loop3A_745 = arith.muli %parallel_loop3A_643, %parallel_loop3A_744 : i32
        %parallel_loop3A_746 = arith.constant 2 : i32
        %parallel_loop3A_747 = arith.addi %parallel_loop3A_745, %parallel_loop3A_746 : i32
        %parallel_loop3A_748 = arith.constant 16 : i32
        %parallel_loop3A_749 = arith.muli %parallel_loop3A_747, %parallel_loop3A_748 : i32
        %parallel_loop3A_750 = arith.constant 0 : i32
        %parallel_loop3A_751 = arith.addi %parallel_loop3A_750, %parallel_loop3A_749 : i32
        %parallel_loop3A_752 = arith.index_cast %parallel_loop3A_751 : i32 to index
        %parallel_loop3A_753 = tpu.vector_load %arg6[%parallel_loop3A_752] {strides = array<i32>} : memref<32768xi32, #tpu.memory_space<vmem>>, vector<16xi32>,
        tpu.vector_store %arg6[%parallel_loop3A_752], %parallel_loop3A_661 {add = true, strides = array<i32>} : memref<32768xi32, #tpu.memory_space<vmem>>, vector<16xi32>,
        %parallel_loop3A_754 = arith.constant 4096 : i32
        %parallel_loop3A_755 = arith.addi %parallel_loop3A_754, %parallel_loop3A_749 : i32
        %parallel_loop3A_756 = arith.index_cast %parallel_loop3A_755 : i32 to index
        %parallel_loop3A_757 = tpu.vector_load %arg6[%parallel_loop3A_756] {strides = array<i32>} : memref<32768xi32, #tpu.memory_space<vmem>>, vector<16xi32>,
        tpu.vector_store %arg6[%parallel_loop3A_756], %parallel_loop3A_661 {add = true, strides = array<i32>} : memref<32768xi32, #tpu.memory_space<vmem>>, vector<16xi32>,
        %parallel_loop3A_758 = arith.constant 8192 : i32
        %parallel_loop3A_759 = arith.addi %parallel_loop3A_758, %parallel_loop3A_749 : i32
        %parallel_loop3A_760 = arith.index_cast %parallel_loop3A_759 : i32 to index
        %parallel_loop3A_761 = tpu.vector_load %arg6[%parallel_loop3A_760] {strides = array<i32>} : memref<32768xi32, #tpu.memory_space<vmem>>, vector<16xi32>,
        tpu.vector_store %arg6[%parallel_loop3A_760], %parallel_loop3A_661 {add = true, strides = array<i32>} : memref<32768xi32, #tpu.memory_space<vmem>>, vector<16xi32>,
        %parallel_loop3A_762 = arith.constant 12288 : i32
        %parallel_loop3A_763 = arith.addi %parallel_loop3A_762, %parallel_loop3A_749 : i32
        %parallel_loop3A_764 = arith.index_cast %parallel_loop3A_763 : i32 to index
        %parallel_loop3A_765 = tpu.vector_load %arg6[%parallel_loop3A_764] {strides = array<i32>} : memref<32768xi32, #tpu.memory_space<vmem>>, vector<16xi32>,
        tpu.vector_store %arg6[%parallel_loop3A_764], %parallel_loop3A_661 {add = true, strides = array<i32>} : memref<32768xi32, #tpu.memory_space<vmem>>, vector<16xi32>,
        %parallel_loop3A_766 = arith.constant 16384 : i32
        %parallel_loop3A_767 = arith.addi %parallel_loop3A_766, %parallel_loop3A_749 : i32
        %parallel_loop3A_768 = arith.index_cast %parallel_loop3A_767 : i32 to index
        %parallel_loop3A_769 = tpu.vector_load %arg6[%parallel_loop3A_768] {strides = array<i32>} : memref<32768xi32, #tpu.memory_space<vmem>>, vector<16xi32>,
        tpu.vector_store %arg6[%parallel_loop3A_768], %parallel_loop3A_661 {add = true, strides = array<i32>} : memref<32768xi32, #tpu.memory_space<vmem>>, vector<16xi32>,
        %parallel_loop3A_770 = arith.constant 20480 : i32
        %parallel_loop3A_771 = arith.addi %parallel_loop3A_770, %parallel_loop3A_749 : i32
        %parallel_loop3A_772 = arith.index_cast %parallel_loop3A_771 : i32 to index
        %parallel_loop3A_773 = tpu.vector_load %arg6[%parallel_loop3A_772] {strides = array<i32>} : memref<32768xi32, #tpu.memory_space<vmem>>, vector<16xi32>,
        tpu.vector_store %arg6[%parallel_loop3A_772], %parallel_loop3A_661 {add = true, strides = array<i32>} : memref<32768xi32, #tpu.memory_space<vmem>>, vector<16xi32>,
        %parallel_loop3A_774 = arith.constant 24576 : i32
        %parallel_loop3A_775 = arith.addi %parallel_loop3A_774, %parallel_loop3A_749 : i32
        %parallel_loop3A_776 = arith.index_cast %parallel_loop3A_775 : i32 to index
        %parallel_loop3A_777 = tpu.vector_load %arg6[%parallel_loop3A_776] {strides = array<i32>} : memref<32768xi32, #tpu.memory_space<vmem>>, vector<16xi32>,
        tpu.vector_store %arg6[%parallel_loop3A_776], %parallel_loop3A_661 {add = true, strides = array<i32>} : memref<32768xi32, #tpu.memory_space<vmem>>, vector<16xi32>,
        %parallel_loop3A_778 = arith.constant 28672 : i32
        %parallel_loop3A_779 = arith.addi %parallel_loop3A_778, %parallel_loop3A_749 : i32
        %parallel_loop3A_780 = arith.index_cast %parallel_loop3A_779 : i32 to index
        %parallel_loop3A_781 = tpu.vector_load %arg6[%parallel_loop3A_780] {strides = array<i32>} : memref<32768xi32, #tpu.memory_space<vmem>>, vector<16xi32>,
        tpu.vector_store %arg6[%parallel_loop3A_780], %parallel_loop3A_661 {add = true, strides = array<i32>} : memref<32768xi32, #tpu.memory_space<vmem>>, vector<16xi32>,
        %parallel_loop3A_782 = arith.constant 4 : i32
        %parallel_loop3A_783 = arith.muli %parallel_loop3A_643, %parallel_loop3A_782 : i32
        %parallel_loop3A_784 = arith.constant 3 : i32
        %parallel_loop3A_785 = arith.addi %parallel_loop3A_783, %parallel_loop3A_784 : i32
        %parallel_loop3A_786 = arith.constant 16 : i32
        %parallel_loop3A_787 = arith.muli %parallel_loop3A_785, %parallel_loop3A_786 : i32
        %parallel_loop3A_788 = arith.constant 0 : i32
        %parallel_loop3A_789 = arith.addi %parallel_loop3A_788, %parallel_loop3A_787 : i32
        %parallel_loop3A_790 = arith.index_cast %parallel_loop3A_789 : i32 to index
        %parallel_loop3A_791 = tpu.vector_load %arg6[%parallel_loop3A_790] {strides = array<i32>} : memref<32768xi32, #tpu.memory_space<vmem>>, vector<16xi32>,
        tpu.vector_store %arg6[%parallel_loop3A_790], %parallel_loop3A_667 {add = true, strides = array<i32>} : memref<32768xi32, #tpu.memory_space<vmem>>, vector<16xi32>,
        %parallel_loop3A_792 = arith.constant 4096 : i32
        %parallel_loop3A_793 = arith.addi %parallel_loop3A_792, %parallel_loop3A_787 : i32
        %parallel_loop3A_794 = arith.index_cast %parallel_loop3A_793 : i32 to index
        %parallel_loop3A_795 = tpu.vector_load %arg6[%parallel_loop3A_794] {strides = array<i32>} : memref<32768xi32, #tpu.memory_space<vmem>>, vector<16xi32>,
        tpu.vector_store %arg6[%parallel_loop3A_794], %parallel_loop3A_667 {add = true, strides = array<i32>} : memref<32768xi32, #tpu.memory_space<vmem>>, vector<16xi32>,
        %parallel_loop3A_796 = arith.constant 8192 : i32
        %parallel_loop3A_797 = arith.addi %parallel_loop3A_796, %parallel_loop3A_787 : i32
        %parallel_loop3A_798 = arith.index_cast %parallel_loop3A_797 : i32 to index
        %parallel_loop3A_799 = tpu.vector_load %arg6[%parallel_loop3A_798] {strides = array<i32>} : memref<32768xi32, #tpu.memory_space<vmem>>, vector<16xi32>,
        tpu.vector_store %arg6[%parallel_loop3A_798], %parallel_loop3A_667 {add = true, strides = array<i32>} : memref<32768xi32, #tpu.memory_space<vmem>>, vector<16xi32>,
        %parallel_loop3A_800 = arith.constant 12288 : i32
        %parallel_loop3A_801 = arith.addi %parallel_loop3A_800, %parallel_loop3A_787 : i32
        %parallel_loop3A_802 = arith.index_cast %parallel_loop3A_801 : i32 to index
        %parallel_loop3A_803 = tpu.vector_load %arg6[%parallel_loop3A_802] {strides = array<i32>} : memref<32768xi32, #tpu.memory_space<vmem>>, vector<16xi32>,
        tpu.vector_store %arg6[%parallel_loop3A_802], %parallel_loop3A_667 {add = true, strides = array<i32>} : memref<32768xi32, #tpu.memory_space<vmem>>, vector<16xi32>,
        %parallel_loop3A_804 = arith.constant 16384 : i32
        %parallel_loop3A_805 = arith.addi %parallel_loop3A_804, %parallel_loop3A_787 : i32
        %parallel_loop3A_806 = arith.index_cast %parallel_loop3A_805 : i32 to index
        %parallel_loop3A_807 = tpu.vector_load %arg6[%parallel_loop3A_806] {strides = array<i32>} : memref<32768xi32, #tpu.memory_space<vmem>>, vector<16xi32>,
        tpu.vector_store %arg6[%parallel_loop3A_806], %parallel_loop3A_667 {add = true, strides = array<i32>} : memref<32768xi32, #tpu.memory_space<vmem>>, vector<16xi32>,
        %parallel_loop3A_808 = arith.constant 20480 : i32
        %parallel_loop3A_809 = arith.addi %parallel_loop3A_808, %parallel_loop3A_787 : i32
        %parallel_loop3A_810 = arith.index_cast %parallel_loop3A_809 : i32 to index
        %parallel_loop3A_811 = tpu.vector_load %arg6[%parallel_loop3A_810] {strides = array<i32>} : memref<32768xi32, #tpu.memory_space<vmem>>, vector<16xi32>,
        tpu.vector_store %arg6[%parallel_loop3A_810], %parallel_loop3A_667 {add = true, strides = array<i32>} : memref<32768xi32, #tpu.memory_space<vmem>>, vector<16xi32>,
        %parallel_loop3A_812 = arith.constant 24576 : i32
        %parallel_loop3A_813 = arith.addi %parallel_loop3A_812, %parallel_loop3A_787 : i32
        %parallel_loop3A_814 = arith.index_cast %parallel_loop3A_813 : i32 to index
        %parallel_loop3A_815 = tpu.vector_load %arg6[%parallel_loop3A_814] {strides = array<i32>} : memref<32768xi32, #tpu.memory_space<vmem>>, vector<16xi32>,
        tpu.vector_store %arg6[%parallel_loop3A_814], %parallel_loop3A_667 {add = true, strides = array<i32>} : memref<32768xi32, #tpu.memory_space<vmem>>, vector<16xi32>,
        %parallel_loop3A_816 = arith.constant 28672 : i32
        %parallel_loop3A_817 = arith.addi %parallel_loop3A_816, %parallel_loop3A_787 : i32
        %parallel_loop3A_818 = arith.index_cast %parallel_loop3A_817 : i32 to index
        %parallel_loop3A_819 = tpu.vector_load %arg6[%parallel_loop3A_818] {strides = array<i32>} : memref<32768xi32, #tpu.memory_space<vmem>>, vector<16xi32>,
        tpu.vector_store %arg6[%parallel_loop3A_818], %parallel_loop3A_667 {add = true, strides = array<i32>} : memref<32768xi32, #tpu.memory_space<vmem>>, vector<16xi32>,
      } {sc.loop_unroll_factor = 1 : i64, sc.parallel_access}
      %add3A_36 = arith.constant 0 : i32
      %add3A_37 = vector.broadcast %add3A_36 : i32 to vector<16xi32>
      %add3A_38 = arith.addi %mul3A_17, %add3A_37 : vector<16xi32>
      %gather3A = tpu.vector_load_idx %arg4[%add3A_38] : memref<32768xf32, #tpu.memory_space<vmem>>[vector<16xi32>], vector<16xf32>,
      %bitcast3A = vector.bitcast %gather3A : vector<16xf32> to vector<16xi32>
      %shift_right_arithmetic3A = arith.constant 31 : i32
      %shift_right_arithmetic3A_39 = vector.broadcast %shift_right_arithmetic3A : i32 to vector<16xi32>
      %shift_right_arithmetic3A_40 = arith.shrsi %bitcast3A, %shift_right_arithmetic3A_39 : vector<16xi32>
      %or3A = arith.constant -2147483648 : i32
      %or3A_41 = vector.broadcast %or3A : i32 to vector<16xi32>
      %or3A_42 = arith.ori %shift_right_arithmetic3A_40, %or3A_41 : vector<16xi32>
      %xor3A = arith.xori %bitcast3A, %or3A_42 : vector<16xi32>
      %shift_right_arithmetic3A_43 = arith.constant 0 : i32
      %shift_right_arithmetic3A_44 = vector.broadcast %shift_right_arithmetic3A_43 : i32 to vector<16xi32>
      %shift_right_arithmetic3A_45 = arith.shrsi %xor3A, %shift_right_arithmetic3A_44 : vector<16xi32>
      %and3A = arith.constant 255 : i32
      %and3A_46 = vector.broadcast %and3A : i32 to vector<16xi32>
      %and3A_47 = arith.andi %shift_right_arithmetic3A_45, %and3A_46 : vector<16xi32>
      %shift_left3A = arith.constant 4 : i32
      %shift_left3A_48 = vector.broadcast %shift_left3A : i32 to vector<16xi32>
      %shift_left3A_49 = arith.shli %and3A_47, %shift_left3A_48 : vector<16xi32>
      %add3A_50 = arith.constant 0 : i32
      %add3A_51 = vector.broadcast %add3A_50 : i32 to vector<16xi32>
      %add3A_52 = arith.addi %iota3A, %add3A_51 : vector<16xi32>
      %add3A_53 = arith.addi %shift_left3A_49, %add3A_52 : vector<16xi32>
      %add3A_54 = arith.constant 256 : i32
      %add3A_55 = vector.broadcast %add3A_54 : i32 to vector<16xi32>
      %add3A_56 = arith.addi %mul3A_17, %add3A_55 : vector<16xi32>
      %gather3A_57 = tpu.vector_load_idx %arg4[%add3A_56] : memref<32768xf32, #tpu.memory_space<vmem>>[vector<16xi32>], vector<16xf32>,
      %scan3A_58 = arith.constant 0 : i32
      %scan3A_59 = arith.constant 2044 : i32
      %scan3A_60 = arith.addi %scan3A_58, %scan3A_59 : i32
      %scan3A_61 = arith.constant 4 : i32
      %scan3A_62:3 = scf.for %scan3A_643 = %scan3A_58 to %scan3A_60 step %scan3A_61 iter_args(%scan3A_644 = %xor3A, %scan3A_645 = %add3A_53, %scan3A_646 = %gather3A_57) -> (vector<16xi32>, vector<16xi32>, vector<16xf32>)  : i32 {
        %add3A_647 = arith.constant 2 : i32
        %add3A_648 = arith.addi %scan3A_643, %add3A_647 : i32
        %and3A_649 = arith.constant 7 : i32
        %and3A_650 = arith.andi %add3A_648, %and3A_649 : i32
        %shift_right_arithmetic3A_651 = arith.constant 3 : i32
        %shift_right_arithmetic3A_652 = arith.shrsi %add3A_648, %shift_right_arithmetic3A_651 : i32
        %mul3A_653 = arith.constant 256 : i32
        %mul3A_654 = arith.muli %and3A_650, %mul3A_653 : i32
        %add3A_655 = arith.addi %mul3A_654, %shift_right_arithmetic3A_652 : i32
        %add3A_656 = vector.broadcast %add3A_655 : i32 to vector<16xi32>
        %add3A_657 = arith.addi %mul3A_17, %add3A_656 : vector<16xi32>
        %gather3A_658 = tpu.vector_load_idx %arg4[%add3A_657] : memref<32768xf32, #tpu.memory_space<vmem>>[vector<16xi32>], vector<16xf32>,
        %add3A_659 = arith.constant 1 : i32
        %add3A_660 = arith.addi %scan3A_643, %add3A_659 : i32
        %bitcast3A_661 = vector.bitcast %scan3A_646 : vector<16xf32> to vector<16xi32>
        %shift_right_arithmetic3A_662 = arith.constant 31 : i32
        %shift_right_arithmetic3A_663 = vector.broadcast %shift_right_arithmetic3A_662 : i32 to vector<16xi32>
        %shift_right_arithmetic3A_664 = arith.shrsi %bitcast3A_661, %shift_right_arithmetic3A_663 : vector<16xi32>
        %or3A_665 = arith.constant -2147483648 : i32
        %or3A_666 = vector.broadcast %or3A_665 : i32 to vector<16xi32>
        %or3A_667 = arith.ori %shift_right_arithmetic3A_664, %or3A_666 : vector<16xi32>
        %xor3A_668 = arith.xori %bitcast3A_661, %or3A_667 : vector<16xi32>
        %shift_right_arithmetic3A_669 = arith.constant 0 : i32
        %shift_right_arithmetic3A_670 = vector.broadcast %shift_right_arithmetic3A_669 : i32 to vector<16xi32>
        %shift_right_arithmetic3A_671 = arith.shrsi %xor3A_668, %shift_right_arithmetic3A_670 : vector<16xi32>
        %and3A_672 = arith.constant 255 : i32
        %and3A_673 = vector.broadcast %and3A_672 : i32 to vector<16xi32>
        %and3A_674 = arith.andi %shift_right_arithmetic3A_671, %and3A_673 : vector<16xi32>
        %shift_left3A_675 = arith.constant 4 : i32
        %shift_left3A_676 = vector.broadcast %shift_left3A_675 : i32 to vector<16xi32>
        %shift_left3A_677 = arith.shli %and3A_674, %shift_left3A_676 : vector<16xi32>
        %and3A_678 = arith.constant 7 : i32
        %and3A_679 = arith.andi %add3A_660, %and3A_678 : i32
        %shift_left3A_680 = arith.constant 12 : i32
        %shift_left3A_681 = arith.shli %and3A_679, %shift_left3A_680 : i32
        %add3A_682 = vector.broadcast %shift_left3A_681 : i32 to vector<16xi32>
        %add3A_683 = arith.addi %iota3A, %add3A_682 : vector<16xi32>
        %add3A_684 = arith.addi %shift_left3A_677, %add3A_683 : vector<16xi32>
        %gather3A_685 = tpu.vector_load_idx %arg6[%scan3A_645] : memref<32768xi32, #tpu.memory_space<vmem>>[vector<16xi32>], vector<16xi32>,
        %bitcast3A_686 = vector.bitcast %scan3A_644 : vector<16xi32> to vector<16xf32>
        tpu.vector_store_idx %arg5[%gather3A_685], %bitcast3A_686 : memref<32768xf32, #tpu.memory_space<vmem>>[vector<16xi32>], vector<16xf32>,
        tpu.vector_store_idx %arg6[%scan3A_645], %broadcast_in_dim3A_10 {add = true} : memref<32768xi32, #tpu.memory_space<vmem>>[vector<16xi32>], vector<16xi32>,
        %scan3A_687 = arith.constant 1 : i32
        %scan3A_688 = arith.addi %scan3A_643, %scan3A_687 : i32
        %add3A_689 = arith.constant 2 : i32
        %add3A_690 = arith.addi %scan3A_688, %add3A_689 : i32
        %and3A_691 = arith.constant 7 : i32
        %and3A_692 = arith.andi %add3A_690, %and3A_691 : i32
        %shift_right_arithmetic3A_693 = arith.constant 3 : i32
        %shift_right_arithmetic3A_694 = arith.shrsi %add3A_690, %shift_right_arithmetic3A_693 : i32
        %mul3A_695 = arith.constant 256 : i32
        %mul3A_696 = arith.muli %and3A_692, %mul3A_695 : i32
        %add3A_697 = arith.addi %mul3A_696, %shift_right_arithmetic3A_694 : i32
        %add3A_698 = vector.broadcast %add3A_697 : i32 to vector<16xi32>
        %add3A_699 = arith.addi %mul3A_17, %add3A_698 : vector<16xi32>
        %gather3A_700 = tpu.vector_load_idx %arg4[%add3A_699] : memref<32768xf32, #tpu.memory_space<vmem>>[vector<16xi32>], vector<16xf32>,
        %add3A_701 = arith.constant 1 : i32
        %add3A_702 = arith.addi %scan3A_688, %add3A_701 : i32
        %bitcast3A_703 = vector.bitcast %gather3A_658 : vector<16xf32> to vector<16xi32>
        %shift_right_arithmetic3A_704 = arith.constant 31 : i32
        %shift_right_arithmetic3A_705 = vector.broadcast %shift_right_arithmetic3A_704 : i32 to vector<16xi32>
        %shift_right_arithmetic3A_706 = arith.shrsi %bitcast3A_703, %shift_right_arithmetic3A_705 : vector<16xi32>
        %or3A_707 = arith.constant -2147483648 : i32
        %or3A_708 = vector.broadcast %or3A_707 : i32 to vector<16xi32>
        %or3A_709 = arith.ori %shift_right_arithmetic3A_706, %or3A_708 : vector<16xi32>
        %xor3A_710 = arith.xori %bitcast3A_703, %or3A_709 : vector<16xi32>
        %shift_right_arithmetic3A_711 = arith.constant 0 : i32
        %shift_right_arithmetic3A_712 = vector.broadcast %shift_right_arithmetic3A_711 : i32 to vector<16xi32>
        %shift_right_arithmetic3A_713 = arith.shrsi %xor3A_710, %shift_right_arithmetic3A_712 : vector<16xi32>
        %and3A_714 = arith.constant 255 : i32
        %and3A_715 = vector.broadcast %and3A_714 : i32 to vector<16xi32>
        %and3A_716 = arith.andi %shift_right_arithmetic3A_713, %and3A_715 : vector<16xi32>
        %shift_left3A_717 = arith.constant 4 : i32
        %shift_left3A_718 = vector.broadcast %shift_left3A_717 : i32 to vector<16xi32>
        %shift_left3A_719 = arith.shli %and3A_716, %shift_left3A_718 : vector<16xi32>
        %and3A_720 = arith.constant 7 : i32
        %and3A_721 = arith.andi %add3A_702, %and3A_720 : i32
        %shift_left3A_722 = arith.constant 12 : i32
        %shift_left3A_723 = arith.shli %and3A_721, %shift_left3A_722 : i32
        %add3A_724 = vector.broadcast %shift_left3A_723 : i32 to vector<16xi32>
        %add3A_725 = arith.addi %iota3A, %add3A_724 : vector<16xi32>
        %add3A_726 = arith.addi %shift_left3A_719, %add3A_725 : vector<16xi32>
        %gather3A_727 = tpu.vector_load_idx %arg6[%add3A_684] : memref<32768xi32, #tpu.memory_space<vmem>>[vector<16xi32>], vector<16xi32>,
        %bitcast3A_728 = vector.bitcast %xor3A_668 : vector<16xi32> to vector<16xf32>
        tpu.vector_store_idx %arg5[%gather3A_727], %bitcast3A_728 : memref<32768xf32, #tpu.memory_space<vmem>>[vector<16xi32>], vector<16xf32>,
        tpu.vector_store_idx %arg6[%add3A_684], %broadcast_in_dim3A_10 {add = true} : memref<32768xi32, #tpu.memory_space<vmem>>[vector<16xi32>], vector<16xi32>,
        %scan3A_729 = arith.constant 2 : i32
        %scan3A_730 = arith.addi %scan3A_643, %scan3A_729 : i32
        %add3A_731 = arith.constant 2 : i32
        %add3A_732 = arith.addi %scan3A_730, %add3A_731 : i32
        %and3A_733 = arith.constant 7 : i32
        %and3A_734 = arith.andi %add3A_732, %and3A_733 : i32
        %shift_right_arithmetic3A_735 = arith.constant 3 : i32
        %shift_right_arithmetic3A_736 = arith.shrsi %add3A_732, %shift_right_arithmetic3A_735 : i32
        %mul3A_737 = arith.constant 256 : i32
        %mul3A_738 = arith.muli %and3A_734, %mul3A_737 : i32
        %add3A_739 = arith.addi %mul3A_738, %shift_right_arithmetic3A_736 : i32
        %add3A_740 = vector.broadcast %add3A_739 : i32 to vector<16xi32>
        %add3A_741 = arith.addi %mul3A_17, %add3A_740 : vector<16xi32>
        %gather3A_742 = tpu.vector_load_idx %arg4[%add3A_741] : memref<32768xf32, #tpu.memory_space<vmem>>[vector<16xi32>], vector<16xf32>,
        %add3A_743 = arith.constant 1 : i32
        %add3A_744 = arith.addi %scan3A_730, %add3A_743 : i32
        %bitcast3A_745 = vector.bitcast %gather3A_700 : vector<16xf32> to vector<16xi32>
        %shift_right_arithmetic3A_746 = arith.constant 31 : i32
        %shift_right_arithmetic3A_747 = vector.broadcast %shift_right_arithmetic3A_746 : i32 to vector<16xi32>
        %shift_right_arithmetic3A_748 = arith.shrsi %bitcast3A_745, %shift_right_arithmetic3A_747 : vector<16xi32>
        %or3A_749 = arith.constant -2147483648 : i32
        %or3A_750 = vector.broadcast %or3A_749 : i32 to vector<16xi32>
        %or3A_751 = arith.ori %shift_right_arithmetic3A_748, %or3A_750 : vector<16xi32>
        %xor3A_752 = arith.xori %bitcast3A_745, %or3A_751 : vector<16xi32>
        %shift_right_arithmetic3A_753 = arith.constant 0 : i32
        %shift_right_arithmetic3A_754 = vector.broadcast %shift_right_arithmetic3A_753 : i32 to vector<16xi32>
        %shift_right_arithmetic3A_755 = arith.shrsi %xor3A_752, %shift_right_arithmetic3A_754 : vector<16xi32>
        %and3A_756 = arith.constant 255 : i32
        %and3A_757 = vector.broadcast %and3A_756 : i32 to vector<16xi32>
        %and3A_758 = arith.andi %shift_right_arithmetic3A_755, %and3A_757 : vector<16xi32>
        %shift_left3A_759 = arith.constant 4 : i32
        %shift_left3A_760 = vector.broadcast %shift_left3A_759 : i32 to vector<16xi32>
        %shift_left3A_761 = arith.shli %and3A_758, %shift_left3A_760 : vector<16xi32>
        %and3A_762 = arith.constant 7 : i32
        %and3A_763 = arith.andi %add3A_744, %and3A_762 : i32
        %shift_left3A_764 = arith.constant 12 : i32
        %shift_left3A_765 = arith.shli %and3A_763, %shift_left3A_764 : i32
        %add3A_766 = vector.broadcast %shift_left3A_765 : i32 to vector<16xi32>
        %add3A_767 = arith.addi %iota3A, %add3A_766 : vector<16xi32>
        %add3A_768 = arith.addi %shift_left3A_761, %add3A_767 : vector<16xi32>
        %gather3A_769 = tpu.vector_load_idx %arg6[%add3A_726] : memref<32768xi32, #tpu.memory_space<vmem>>[vector<16xi32>], vector<16xi32>,
        %bitcast3A_770 = vector.bitcast %xor3A_710 : vector<16xi32> to vector<16xf32>
        tpu.vector_store_idx %arg5[%gather3A_769], %bitcast3A_770 : memref<32768xf32, #tpu.memory_space<vmem>>[vector<16xi32>], vector<16xf32>,
        tpu.vector_store_idx %arg6[%add3A_726], %broadcast_in_dim3A_10 {add = true} : memref<32768xi32, #tpu.memory_space<vmem>>[vector<16xi32>], vector<16xi32>,
        %scan3A_771 = arith.constant 3 : i32
        %scan3A_772 = arith.addi %scan3A_643, %scan3A_771 : i32
        %add3A_773 = arith.constant 2 : i32
        %add3A_774 = arith.addi %scan3A_772, %add3A_773 : i32
        %and3A_775 = arith.constant 7 : i32
        %and3A_776 = arith.andi %add3A_774, %and3A_775 : i32
        %shift_right_arithmetic3A_777 = arith.constant 3 : i32
        %shift_right_arithmetic3A_778 = arith.shrsi %add3A_774, %shift_right_arithmetic3A_777 : i32
        %mul3A_779 = arith.constant 256 : i32
        %mul3A_780 = arith.muli %and3A_776, %mul3A_779 : i32
        %add3A_781 = arith.addi %mul3A_780, %shift_right_arithmetic3A_778 : i32
        %add3A_782 = vector.broadcast %add3A_781 : i32 to vector<16xi32>
        %add3A_783 = arith.addi %mul3A_17, %add3A_782 : vector<16xi32>
        %gather3A_784 = tpu.vector_load_idx %arg4[%add3A_783] : memref<32768xf32, #tpu.memory_space<vmem>>[vector<16xi32>], vector<16xf32>,
        %add3A_785 = arith.constant 1 : i32
        %add3A_786 = arith.addi %scan3A_772, %add3A_785 : i32
        %bitcast3A_787 = vector.bitcast %gather3A_742 : vector<16xf32> to vector<16xi32>
        %shift_right_arithmetic3A_788 = arith.constant 31 : i32
        %shift_right_arithmetic3A_789 = vector.broadcast %shift_right_arithmetic3A_788 : i32 to vector<16xi32>
        %shift_right_arithmetic3A_790 = arith.shrsi %bitcast3A_787, %shift_right_arithmetic3A_789 : vector<16xi32>
        %or3A_791 = arith.constant -2147483648 : i32
        %or3A_792 = vector.broadcast %or3A_791 : i32 to vector<16xi32>
        %or3A_793 = arith.ori %shift_right_arithmetic3A_790, %or3A_792 : vector<16xi32>
        %xor3A_794 = arith.xori %bitcast3A_787, %or3A_793 : vector<16xi32>
        %shift_right_arithmetic3A_795 = arith.constant 0 : i32
        %shift_right_arithmetic3A_796 = vector.broadcast %shift_right_arithmetic3A_795 : i32 to vector<16xi32>
        %shift_right_arithmetic3A_797 = arith.shrsi %xor3A_794, %shift_right_arithmetic3A_796 : vector<16xi32>
        %and3A_798 = arith.constant 255 : i32
        %and3A_799 = vector.broadcast %and3A_798 : i32 to vector<16xi32>
        %and3A_800 = arith.andi %shift_right_arithmetic3A_797, %and3A_799 : vector<16xi32>
        %shift_left3A_801 = arith.constant 4 : i32
        %shift_left3A_802 = vector.broadcast %shift_left3A_801 : i32 to vector<16xi32>
        %shift_left3A_803 = arith.shli %and3A_800, %shift_left3A_802 : vector<16xi32>
        %and3A_804 = arith.constant 7 : i32
        %and3A_805 = arith.andi %add3A_786, %and3A_804 : i32
        %shift_left3A_806 = arith.constant 12 : i32
        %shift_left3A_807 = arith.shli %and3A_805, %shift_left3A_806 : i32
        %add3A_808 = vector.broadcast %shift_left3A_807 : i32 to vector<16xi32>
        %add3A_809 = arith.addi %iota3A, %add3A_808 : vector<16xi32>
        %add3A_810 = arith.addi %shift_left3A_803, %add3A_809 : vector<16xi32>
        %gather3A_811 = tpu.vector_load_idx %arg6[%add3A_768] : memref<32768xi32, #tpu.memory_space<vmem>>[vector<16xi32>], vector<16xi32>,
        %bitcast3A_812 = vector.bitcast %xor3A_752 : vector<16xi32> to vector<16xf32>
        tpu.vector_store_idx %arg5[%gather3A_811], %bitcast3A_812 : memref<32768xf32, #tpu.memory_space<vmem>>[vector<16xi32>], vector<16xf32>,
        tpu.vector_store_idx %arg6[%add3A_768], %broadcast_in_dim3A_10 {add = true} : memref<32768xi32, #tpu.memory_space<vmem>>[vector<16xi32>], vector<16xi32>,
        scf.yield %xor3A_794, %add3A_810, %gather3A_784 : vector<16xi32>, vector<16xi32>, vector<16xf32>
      }
      %scan3A_63 = arith.constant 2044 : i32
      %scan3A_64 = arith.addi %scan3A_58, %scan3A_63 : i32
      %add3A_65 = arith.constant 2 : i32
      %add3A_66 = arith.addi %scan3A_64, %add3A_65 : i32
      %and3A_67 = arith.constant 7 : i32
      %and3A_68 = arith.andi %add3A_66, %and3A_67 : i32
      %shift_right_arithmetic3A_69 = arith.constant 3 : i32
      %shift_right_arithmetic3A_70 = arith.shrsi %add3A_66, %shift_right_arithmetic3A_69 : i32
      %mul3A_71 = arith.constant 256 : i32
      %mul3A_72 = arith.muli %and3A_68, %mul3A_71 : i32
      %add3A_73 = arith.addi %mul3A_72, %shift_right_arithmetic3A_70 : i32
      %add3A_74 = vector.broadcast %add3A_73 : i32 to vector<16xi32>
      %add3A_75 = arith.addi %mul3A_17, %add3A_74 : vector<16xi32>
      %gather3A_76 = tpu.vector_load_idx %arg4[%add3A_75] : memref<32768xf32, #tpu.memory_space<vmem>>[vector<16xi32>], vector<16xf32>,
      %add3A_77 = arith.constant 1 : i32
      %add3A_78 = arith.addi %scan3A_64, %add3A_77 : i32
      %bitcast3A_79 = vector.bitcast %scan3A_62#2 : vector<16xf32> to vector<16xi32>
      %shift_right_arithmetic3A_80 = arith.constant 31 : i32
      %shift_right_arithmetic3A_81 = vector.broadcast %shift_right_arithmetic3A_80 : i32 to vector<16xi32>
      %shift_right_arithmetic3A_82 = arith.shrsi %bitcast3A_79, %shift_right_arithmetic3A_81 : vector<16xi32>
      %or3A_83 = arith.constant -2147483648 : i32
      %or3A_84 = vector.broadcast %or3A_83 : i32 to vector<16xi32>
      %or3A_85 = arith.ori %shift_right_arithmetic3A_82, %or3A_84 : vector<16xi32>
      %xor3A_86 = arith.xori %bitcast3A_79, %or3A_85 : vector<16xi32>
      %shift_right_arithmetic3A_87 = arith.constant 0 : i32
      %shift_right_arithmetic3A_88 = vector.broadcast %shift_right_arithmetic3A_87 : i32 to vector<16xi32>
      %shift_right_arithmetic3A_89 = arith.shrsi %xor3A_86, %shift_right_arithmetic3A_88 : vector<16xi32>
      %and3A_90 = arith.constant 255 : i32
      %and3A_91 = vector.broadcast %and3A_90 : i32 to vector<16xi32>
      %and3A_92 = arith.andi %shift_right_arithmetic3A_89, %and3A_91 : vector<16xi32>
      %shift_left3A_93 = arith.constant 4 : i32
      %shift_left3A_94 = vector.broadcast %shift_left3A_93 : i32 to vector<16xi32>
      %shift_left3A_95 = arith.shli %and3A_92, %shift_left3A_94 : vector<16xi32>
      %and3A_96 = arith.constant 7 : i32
      %and3A_97 = arith.andi %add3A_78, %and3A_96 : i32
      %shift_left3A_98 = arith.constant 12 : i32
      %shift_left3A_99 = arith.shli %and3A_97, %shift_left3A_98 : i32
      %add3A_100 = vector.broadcast %shift_left3A_99 : i32 to vector<16xi32>
      %add3A_101 = arith.addi %iota3A, %add3A_100 : vector<16xi32>
      %add3A_102 = arith.addi %shift_left3A_95, %add3A_101 : vector<16xi32>
      %gather3A_103 = tpu.vector_load_idx %arg6[%scan3A_62#1] : memref<32768xi32, #tpu.memory_space<vmem>>[vector<16xi32>], vector<16xi32>,
      %bitcast3A_104 = vector.bitcast %scan3A_62#0 : vector<16xi32> to vector<16xf32>
      tpu.vector_store_idx %arg5[%gather3A_103], %bitcast3A_104 : memref<32768xf32, #tpu.memory_space<vmem>>[vector<16xi32>], vector<16xf32>,
      tpu.vector_store_idx %arg6[%scan3A_62#1], %broadcast_in_dim3A_10 {add = true} : memref<32768xi32, #tpu.memory_space<vmem>>[vector<16xi32>], vector<16xi32>,
      %scan3A_105 = arith.constant 2045 : i32
      %scan3A_106 = arith.addi %scan3A_58, %scan3A_105 : i32
      %add3A_107 = arith.constant 2 : i32
      %add3A_108 = arith.addi %scan3A_106, %add3A_107 : i32
      %and3A_109 = arith.constant 7 : i32
      %and3A_110 = arith.andi %add3A_108, %and3A_109 : i32
      %shift_right_arithmetic3A_111 = arith.constant 3 : i32
      %shift_right_arithmetic3A_112 = arith.shrsi %add3A_108, %shift_right_arithmetic3A_111 : i32
      %mul3A_113 = arith.constant 256 : i32
      %mul3A_114 = arith.muli %and3A_110, %mul3A_113 : i32
      %add3A_115 = arith.addi %mul3A_114, %shift_right_arithmetic3A_112 : i32
      %add3A_116 = vector.broadcast %add3A_115 : i32 to vector<16xi32>
      %add3A_117 = arith.addi %mul3A_17, %add3A_116 : vector<16xi32>
      %gather3A_118 = tpu.vector_load_idx %arg4[%add3A_117] : memref<32768xf32, #tpu.memory_space<vmem>>[vector<16xi32>], vector<16xf32>,
      %add3A_119 = arith.constant 1 : i32
      %add3A_120 = arith.addi %scan3A_106, %add3A_119 : i32
      %bitcast3A_121 = vector.bitcast %gather3A_76 : vector<16xf32> to vector<16xi32>
      %shift_right_arithmetic3A_122 = arith.constant 31 : i32
      %shift_right_arithmetic3A_123 = vector.broadcast %shift_right_arithmetic3A_122 : i32 to vector<16xi32>
      %shift_right_arithmetic3A_124 = arith.shrsi %bitcast3A_121, %shift_right_arithmetic3A_123 : vector<16xi32>
      %or3A_125 = arith.constant -2147483648 : i32
      %or3A_126 = vector.broadcast %or3A_125 : i32 to vector<16xi32>
      %or3A_127 = arith.ori %shift_right_arithmetic3A_124, %or3A_126 : vector<16xi32>
      %xor3A_128 = arith.xori %bitcast3A_121, %or3A_127 : vector<16xi32>
      %shift_right_arithmetic3A_129 = arith.constant 0 : i32
      %shift_right_arithmetic3A_130 = vector.broadcast %shift_right_arithmetic3A_129 : i32 to vector<16xi32>
      %shift_right_arithmetic3A_131 = arith.shrsi %xor3A_128, %shift_right_arithmetic3A_130 : vector<16xi32>
      %and3A_132 = arith.constant 255 : i32
      %and3A_133 = vector.broadcast %and3A_132 : i32 to vector<16xi32>
      %and3A_134 = arith.andi %shift_right_arithmetic3A_131, %and3A_133 : vector<16xi32>
      %shift_left3A_135 = arith.constant 4 : i32
      %shift_left3A_136 = vector.broadcast %shift_left3A_135 : i32 to vector<16xi32>
      %shift_left3A_137 = arith.shli %and3A_134, %shift_left3A_136 : vector<16xi32>
      %and3A_138 = arith.constant 7 : i32
      %and3A_139 = arith.andi %add3A_120, %and3A_138 : i32
      %shift_left3A_140 = arith.constant 12 : i32
      %shift_left3A_141 = arith.shli %and3A_139, %shift_left3A_140 : i32
      %add3A_142 = vector.broadcast %shift_left3A_141 : i32 to vector<16xi32>
      %add3A_143 = arith.addi %iota3A, %add3A_142 : vector<16xi32>
      %add3A_144 = arith.addi %shift_left3A_137, %add3A_143 : vector<16xi32>
      %gather3A_145 = tpu.vector_load_idx %arg6[%add3A_102] : memref<32768xi32, #tpu.memory_space<vmem>>[vector<16xi32>], vector<16xi32>,
      %bitcast3A_146 = vector.bitcast %xor3A_86 : vector<16xi32> to vector<16xf32>
      tpu.vector_store_idx %arg5[%gather3A_145], %bitcast3A_146 : memref<32768xf32, #tpu.memory_space<vmem>>[vector<16xi32>], vector<16xf32>,
      tpu.vector_store_idx %arg6[%add3A_102], %broadcast_in_dim3A_10 {add = true} : memref<32768xi32, #tpu.memory_space<vmem>>[vector<16xi32>], vector<16xi32>,
      %scan3A_147 = arith.constant 2046 : i32
      %gather3A_148 = tpu.vector_load_idx %arg6[%add3A_144] : memref<32768xi32, #tpu.memory_space<vmem>>[vector<16xi32>], vector<16xi32>,
      %bitcast3A_149 = vector.bitcast %xor3A_128 : vector<16xi32> to vector<16xf32>
      tpu.vector_store_idx %arg5[%gather3A_148], %bitcast3A_149 : memref<32768xf32, #tpu.memory_space<vmem>>[vector<16xi32>], vector<16xf32>,
      tpu.vector_store_idx %arg6[%add3A_144], %broadcast_in_dim3A_10 {add = true} : memref<32768xi32, #tpu.memory_space<vmem>>[vector<16xi32>], vector<16xi32>,
      %bitcast3A_150 = vector.bitcast %gather3A_118 : vector<16xf32> to vector<16xi32>
      %shift_right_arithmetic3A_151 = arith.constant 31 : i32
      %shift_right_arithmetic3A_152 = vector.broadcast %shift_right_arithmetic3A_151 : i32 to vector<16xi32>
      %shift_right_arithmetic3A_153 = arith.shrsi %bitcast3A_150, %shift_right_arithmetic3A_152 : vector<16xi32>
      %or3A_154 = arith.constant -2147483648 : i32
      %or3A_155 = vector.broadcast %or3A_154 : i32 to vector<16xi32>
      %or3A_156 = arith.ori %shift_right_arithmetic3A_153, %or3A_155 : vector<16xi32>
      %xor3A_157 = arith.xori %bitcast3A_150, %or3A_156 : vector<16xi32>
      %shift_right_arithmetic3A_158 = arith.constant 0 : i32
      %shift_right_arithmetic3A_159 = vector.broadcast %shift_right_arithmetic3A_158 : i32 to vector<16xi32>
      %shift_right_arithmetic3A_160 = arith.shrsi %xor3A_157, %shift_right_arithmetic3A_159 : vector<16xi32>
      %and3A_161 = arith.constant 255 : i32
      %and3A_162 = vector.broadcast %and3A_161 : i32 to vector<16xi32>
      %and3A_163 = arith.andi %shift_right_arithmetic3A_160, %and3A_162 : vector<16xi32>
      %shift_left3A_164 = arith.constant 4 : i32
      %shift_left3A_165 = vector.broadcast %shift_left3A_164 : i32 to vector<16xi32>
      %shift_left3A_166 = arith.shli %and3A_163, %shift_left3A_165 : vector<16xi32>
      %add3A_167 = arith.constant 28672 : i32
      %add3A_168 = vector.broadcast %add3A_167 : i32 to vector<16xi32>
      %add3A_169 = arith.addi %iota3A, %add3A_168 : vector<16xi32>
      %add3A_170 = arith.addi %shift_left3A_166, %add3A_169 : vector<16xi32>
      %gather3A_171 = tpu.vector_load_idx %arg6[%add3A_170] : memref<32768xi32, #tpu.memory_space<vmem>>[vector<16xi32>], vector<16xi32>,
      %bitcast3A_172 = vector.bitcast %xor3A_157 : vector<16xi32> to vector<16xf32>
      tpu.vector_store_idx %arg5[%gather3A_171], %bitcast3A_172 : memref<32768xf32, #tpu.memory_space<vmem>>[vector<16xi32>], vector<16xf32>,
      tpu.vector_store_idx %arg6[%add3A_170], %broadcast_in_dim3A_10 {add = true} : memref<32768xi32, #tpu.memory_space<vmem>>[vector<16xi32>], vector<16xi32>,
      %broadcast_in_dim3A_173 = arith.constant 1 : i32
      %broadcast_in_dim3A_174 = vector.broadcast %broadcast_in_dim3A_173 : i32 to vector<16xi32>
      %broadcast_in_dim3A_175 = arith.constant 0 : i32
      %broadcast_in_dim3A_176 = vector.broadcast %broadcast_in_dim3A_175 : i32 to vector<16xi32>
      %eq3A_177 = arith.constant 0 : i32
      %eq3A_178 = vector.broadcast %eq3A_177 : i32 to vector<16xi32>
      %eq3A_179 = arith.cmpi eq, %iota3A, %eq3A_178 : vector<16xi32>
      %mul3A_180 = arith.constant 2048 : i32
      %mul3A_181 = vector.broadcast %mul3A_180 : i32 to vector<16xi32>
      %mul3A_182 = arith.muli %iota3A, %mul3A_181 : vector<16xi32>
      %parallel_loop3A_183 = arith.constant 0 : i32
      %parallel_loop3A_184 = arith.constant 1024 : i32
      %parallel_loop3A_185 = arith.constant 1 : i32
      scf.for %parallel_loop3A_643 = %parallel_loop3A_183 to %parallel_loop3A_184 step %parallel_loop3A_185  : i32 {
        %parallel_loop3A_644 = arith.constant 2 : i32
        %parallel_loop3A_645 = arith.muli %parallel_loop3A_643, %parallel_loop3A_644 : i32
        %parallel_loop3A_646 = arith.constant 16 : i32
        %parallel_loop3A_647 = arith.muli %parallel_loop3A_645, %parallel_loop3A_646 : i32
        %parallel_loop3A_648 = arith.index_cast %parallel_loop3A_647 : i32 to index
        %parallel_loop3A_649 = tpu.vector_load %arg6[%parallel_loop3A_648] {strides = array<i32>} : memref<32768xi32, #tpu.memory_space<vmem>>, vector<16xi32>,
        tpu.vector_store %arg6[%parallel_loop3A_648], %broadcast_in_dim3A_176 {strides = array<i32>} : memref<32768xi32, #tpu.memory_space<vmem>>, vector<16xi32>,
        %parallel_loop3A_650 = arith.constant 2 : i32
        %parallel_loop3A_651 = arith.muli %parallel_loop3A_643, %parallel_loop3A_650 : i32
        %parallel_loop3A_652 = arith.constant 16 : i32
        %parallel_loop3A_653 = arith.muli %parallel_loop3A_651, %parallel_loop3A_652 : i32
        %parallel_loop3A_654 = arith.constant 16 : i32
        %parallel_loop3A_655 = arith.addi %parallel_loop3A_653, %parallel_loop3A_654 : i32
        %parallel_loop3A_656 = arith.index_cast %parallel_loop3A_655 : i32 to index
        %parallel_loop3A_657 = tpu.vector_load %arg6[%parallel_loop3A_656] {strides = array<i32>} : memref<32768xi32, #tpu.memory_space<vmem>>, vector<16xi32>,
        tpu.vector_store %arg6[%parallel_loop3A_656], %broadcast_in_dim3A_176 {strides = array<i32>} : memref<32768xi32, #tpu.memory_space<vmem>>, vector<16xi32>,
      } {sc.loop_unroll_factor = 8 : i64, sc.parallel_access}
      %parallel_loop3A_186 = arith.constant 0 : i32
      %parallel_loop3A_187 = arith.constant 2048 : i32
      %parallel_loop3A_188 = arith.constant 1 : i32
      scf.for %parallel_loop3A_643 = %parallel_loop3A_186 to %parallel_loop3A_187 step %parallel_loop3A_188  : i32 {
        %parallel_loop3A_644 = vector.broadcast %parallel_loop3A_643 : i32 to vector<16xi32>
        %parallel_loop3A_645 = arith.addi %mul3A_182, %parallel_loop3A_644 : vector<16xi32>
        %parallel_loop3A_646 = tpu.vector_load_idx %arg5[%parallel_loop3A_645] : memref<32768xf32, #tpu.memory_space<vmem>>[vector<16xi32>], vector<16xf32>,
        %parallel_loop3A_647 = vector.bitcast %parallel_loop3A_646 : vector<16xf32> to vector<16xi32>
        %parallel_loop3A_648 = arith.constant 8 : i32
        %parallel_loop3A_649 = vector.broadcast %parallel_loop3A_648 : i32 to vector<16xi32>
        %parallel_loop3A_650 = arith.shrsi %parallel_loop3A_647, %parallel_loop3A_649 : vector<16xi32>
        %parallel_loop3A_651 = arith.constant 255 : i32
        %parallel_loop3A_652 = vector.broadcast %parallel_loop3A_651 : i32 to vector<16xi32>
        %parallel_loop3A_653 = arith.andi %parallel_loop3A_650, %parallel_loop3A_652 : vector<16xi32>
        %parallel_loop3A_654 = arith.constant 4 : i32
        %parallel_loop3A_655 = vector.broadcast %parallel_loop3A_654 : i32 to vector<16xi32>
        %parallel_loop3A_656 = arith.shli %parallel_loop3A_653, %parallel_loop3A_655 : vector<16xi32>
        %parallel_loop3A_657 = arith.constant 8 : i32
        %parallel_loop3A_658 = arith.shrsi %parallel_loop3A_643, %parallel_loop3A_657 : i32
        %parallel_loop3A_659 = arith.constant 12 : i32
        %parallel_loop3A_660 = arith.shli %parallel_loop3A_658, %parallel_loop3A_659 : i32
        %parallel_loop3A_661 = vector.broadcast %parallel_loop3A_660 : i32 to vector<16xi32>
        %parallel_loop3A_662 = arith.addi %iota3A, %parallel_loop3A_661 : vector<16xi32>
        %parallel_loop3A_663 = arith.addi %parallel_loop3A_656, %parallel_loop3A_662 : vector<16xi32>
        tpu.vector_store_idx %arg6[%parallel_loop3A_663], %broadcast_in_dim3A_174 {add = true} : memref<32768xi32, #tpu.memory_space<vmem>>[vector<16xi32>], vector<16xi32>,
      } {sc.loop_unroll_factor = 8 : i64, sc.parallel_access}
      %parallel_loop3A_189 = arith.constant 0 : i32
      %parallel_loop3A_190 = arith.constant 128 : i32
      %parallel_loop3A_191 = arith.constant 1 : i32
      scf.for %parallel_loop3A_643 = %parallel_loop3A_189 to %parallel_loop3A_190 step %parallel_loop3A_191  : i32 {
        %parallel_loop3A_644 = arith.constant 2 : i32
        %parallel_loop3A_645 = arith.muli %parallel_loop3A_643, %parallel_loop3A_644 : i32
        %parallel_loop3A_646 = arith.constant 0 : i32
        %parallel_loop3A_647 = arith.addi %parallel_loop3A_645, %parallel_loop3A_646 : i32
        %parallel_loop3A_648 = arith.constant 16 : i32
        %parallel_loop3A_649 = arith.muli %parallel_loop3A_647, %parallel_loop3A_648 : i32
        %parallel_loop3A_650 = arith.constant 0 : i32
        %parallel_loop3A_651 = arith.addi %parallel_loop3A_650, %parallel_loop3A_649 : i32
        %parallel_loop3A_652 = arith.index_cast %parallel_loop3A_651 : i32 to index
        %parallel_loop3A_653 = tpu.vector_load %arg6[%parallel_loop3A_652] {strides = array<i32>} : memref<32768xi32, #tpu.memory_space<vmem>>, vector<16xi32>,
        %parallel_loop3A_654 = arith.constant 4096 : i32
        %parallel_loop3A_655 = arith.addi %parallel_loop3A_654, %parallel_loop3A_649 : i32
        %parallel_loop3A_656 = arith.index_cast %parallel_loop3A_655 : i32 to index
        %parallel_loop3A_657 = tpu.vector_load %arg6[%parallel_loop3A_656] {strides = array<i32>} : memref<32768xi32, #tpu.memory_space<vmem>>, vector<16xi32>,
        %parallel_loop3A_658 = arith.constant 8192 : i32
        %parallel_loop3A_659 = arith.addi %parallel_loop3A_658, %parallel_loop3A_649 : i32
        %parallel_loop3A_660 = arith.index_cast %parallel_loop3A_659 : i32 to index
        %parallel_loop3A_661 = tpu.vector_load %arg6[%parallel_loop3A_660] {strides = array<i32>} : memref<32768xi32, #tpu.memory_space<vmem>>, vector<16xi32>,
        %parallel_loop3A_662 = arith.constant 12288 : i32
        %parallel_loop3A_663 = arith.addi %parallel_loop3A_662, %parallel_loop3A_649 : i32
        %parallel_loop3A_664 = arith.index_cast %parallel_loop3A_663 : i32 to index
        %parallel_loop3A_665 = tpu.vector_load %arg6[%parallel_loop3A_664] {strides = array<i32>} : memref<32768xi32, #tpu.memory_space<vmem>>, vector<16xi32>,
        %parallel_loop3A_666 = arith.constant 16384 : i32
        %parallel_loop3A_667 = arith.addi %parallel_loop3A_666, %parallel_loop3A_649 : i32
        %parallel_loop3A_668 = arith.index_cast %parallel_loop3A_667 : i32 to index
        %parallel_loop3A_669 = tpu.vector_load %arg6[%parallel_loop3A_668] {strides = array<i32>} : memref<32768xi32, #tpu.memory_space<vmem>>, vector<16xi32>,
        %parallel_loop3A_670 = arith.constant 20480 : i32
        %parallel_loop3A_671 = arith.addi %parallel_loop3A_670, %parallel_loop3A_649 : i32
        %parallel_loop3A_672 = arith.index_cast %parallel_loop3A_671 : i32 to index
        %parallel_loop3A_673 = tpu.vector_load %arg6[%parallel_loop3A_672] {strides = array<i32>} : memref<32768xi32, #tpu.memory_space<vmem>>, vector<16xi32>,
        %parallel_loop3A_674 = arith.constant 24576 : i32
        %parallel_loop3A_675 = arith.addi %parallel_loop3A_674, %parallel_loop3A_649 : i32
        %parallel_loop3A_676 = arith.index_cast %parallel_loop3A_675 : i32 to index
        %parallel_loop3A_677 = tpu.vector_load %arg6[%parallel_loop3A_676] {strides = array<i32>} : memref<32768xi32, #tpu.memory_space<vmem>>, vector<16xi32>,
        %parallel_loop3A_678 = arith.constant 28672 : i32
        %parallel_loop3A_679 = arith.addi %parallel_loop3A_678, %parallel_loop3A_649 : i32
        %parallel_loop3A_680 = arith.index_cast %parallel_loop3A_679 : i32 to index
        %parallel_loop3A_681 = tpu.vector_load %arg6[%parallel_loop3A_680] {strides = array<i32>} : memref<32768xi32, #tpu.memory_space<vmem>>, vector<16xi32>,
        %parallel_loop3A_682 = arith.constant 2 : i32
        %parallel_loop3A_683 = arith.muli %parallel_loop3A_643, %parallel_loop3A_682 : i32
        %parallel_loop3A_684 = arith.constant 1 : i32
        %parallel_loop3A_685 = arith.addi %parallel_loop3A_683, %parallel_loop3A_684 : i32
        %parallel_loop3A_686 = arith.constant 16 : i32
        %parallel_loop3A_687 = arith.muli %parallel_loop3A_685, %parallel_loop3A_686 : i32
        %parallel_loop3A_688 = arith.constant 0 : i32
        %parallel_loop3A_689 = arith.addi %parallel_loop3A_688, %parallel_loop3A_687 : i32
        %parallel_loop3A_690 = arith.index_cast %parallel_loop3A_689 : i32 to index
        %parallel_loop3A_691 = tpu.vector_load %arg6[%parallel_loop3A_690] {strides = array<i32>} : memref<32768xi32, #tpu.memory_space<vmem>>, vector<16xi32>,
        %parallel_loop3A_692 = arith.constant 4096 : i32
        %parallel_loop3A_693 = arith.addi %parallel_loop3A_692, %parallel_loop3A_687 : i32
        %parallel_loop3A_694 = arith.index_cast %parallel_loop3A_693 : i32 to index
        %parallel_loop3A_695 = tpu.vector_load %arg6[%parallel_loop3A_694] {strides = array<i32>} : memref<32768xi32, #tpu.memory_space<vmem>>, vector<16xi32>,
        %parallel_loop3A_696 = arith.constant 8192 : i32
        %parallel_loop3A_697 = arith.addi %parallel_loop3A_696, %parallel_loop3A_687 : i32
        %parallel_loop3A_698 = arith.index_cast %parallel_loop3A_697 : i32 to index
        %parallel_loop3A_699 = tpu.vector_load %arg6[%parallel_loop3A_698] {strides = array<i32>} : memref<32768xi32, #tpu.memory_space<vmem>>, vector<16xi32>,
        %parallel_loop3A_700 = arith.constant 12288 : i32
        %parallel_loop3A_701 = arith.addi %parallel_loop3A_700, %parallel_loop3A_687 : i32
        %parallel_loop3A_702 = arith.index_cast %parallel_loop3A_701 : i32 to index
        %parallel_loop3A_703 = tpu.vector_load %arg6[%parallel_loop3A_702] {strides = array<i32>} : memref<32768xi32, #tpu.memory_space<vmem>>, vector<16xi32>,
        %parallel_loop3A_704 = arith.constant 16384 : i32
        %parallel_loop3A_705 = arith.addi %parallel_loop3A_704, %parallel_loop3A_687 : i32
        %parallel_loop3A_706 = arith.index_cast %parallel_loop3A_705 : i32 to index
        %parallel_loop3A_707 = tpu.vector_load %arg6[%parallel_loop3A_706] {strides = array<i32>} : memref<32768xi32, #tpu.memory_space<vmem>>, vector<16xi32>,
        %parallel_loop3A_708 = arith.constant 20480 : i32
        %parallel_loop3A_709 = arith.addi %parallel_loop3A_708, %parallel_loop3A_687 : i32
        %parallel_loop3A_710 = arith.index_cast %parallel_loop3A_709 : i32 to index
        %parallel_loop3A_711 = tpu.vector_load %arg6[%parallel_loop3A_710] {strides = array<i32>} : memref<32768xi32, #tpu.memory_space<vmem>>, vector<16xi32>,
        %parallel_loop3A_712 = arith.constant 24576 : i32
        %parallel_loop3A_713 = arith.addi %parallel_loop3A_712, %parallel_loop3A_687 : i32
        %parallel_loop3A_714 = arith.index_cast %parallel_loop3A_713 : i32 to index
        %parallel_loop3A_715 = tpu.vector_load %arg6[%parallel_loop3A_714] {strides = array<i32>} : memref<32768xi32, #tpu.memory_space<vmem>>, vector<16xi32>,
        %parallel_loop3A_716 = arith.constant 28672 : i32
        %parallel_loop3A_717 = arith.addi %parallel_loop3A_716, %parallel_loop3A_687 : i32
        %parallel_loop3A_718 = arith.index_cast %parallel_loop3A_717 : i32 to index
        %parallel_loop3A_719 = tpu.vector_load %arg6[%parallel_loop3A_718] {strides = array<i32>} : memref<32768xi32, #tpu.memory_space<vmem>>, vector<16xi32>,
        %parallel_loop3A_720 = arith.constant 2 : i32
        %parallel_loop3A_721 = arith.muli %parallel_loop3A_643, %parallel_loop3A_720 : i32
        %parallel_loop3A_722 = arith.constant 0 : i32
        %parallel_loop3A_723 = arith.addi %parallel_loop3A_721, %parallel_loop3A_722 : i32
        %parallel_loop3A_724 = arith.constant 16 : i32
        %parallel_loop3A_725 = arith.muli %parallel_loop3A_723, %parallel_loop3A_724 : i32
        %parallel_loop3A_726 = arith.addi %parallel_loop3A_653, %parallel_loop3A_657 : vector<16xi32>
        %parallel_loop3A_727 = arith.addi %parallel_loop3A_661, %parallel_loop3A_665 : vector<16xi32>
        %parallel_loop3A_728 = arith.addi %parallel_loop3A_726, %parallel_loop3A_727 : vector<16xi32>
        %parallel_loop3A_729 = arith.addi %parallel_loop3A_669, %parallel_loop3A_673 : vector<16xi32>
        %parallel_loop3A_730 = arith.addi %parallel_loop3A_677, %parallel_loop3A_681 : vector<16xi32>
        %parallel_loop3A_731 = arith.addi %parallel_loop3A_729, %parallel_loop3A_730 : vector<16xi32>
        %parallel_loop3A_732 = arith.addi %parallel_loop3A_728, %parallel_loop3A_731 : vector<16xi32>
        %parallel_loop3A_733 = arith.constant true
        %parallel_loop3A_734 = vector.broadcast %parallel_loop3A_733 : i1 to vector<16xi1>
        %parallel_loop3A_735 = tpu.scan <sum>, %parallel_loop3A_732 masked %parallel_loop3A_734 : vector<16xi32>, vector<16xi1> -> vector<16xi32>
        %parallel_loop3A_736 = arith.subi %parallel_loop3A_735, %parallel_loop3A_732 : vector<16xi32>
        %parallel_loop3A_737 = arith.constant 0 : i32
        %parallel_loop3A_738 = arith.addi %parallel_loop3A_737, %parallel_loop3A_725 : i32
        %parallel_loop3A_739 = arith.index_cast %parallel_loop3A_738 : i32 to index
        %parallel_loop3A_740 = tpu.vector_load %arg6[%parallel_loop3A_739] {strides = array<i32>} : memref<32768xi32, #tpu.memory_space<vmem>>, vector<16xi32>,
        tpu.vector_store %arg6[%parallel_loop3A_739], %parallel_loop3A_736 {strides = array<i32>} : memref<32768xi32, #tpu.memory_space<vmem>>, vector<16xi32>,
        %parallel_loop3A_741 = arith.addi %parallel_loop3A_736, %parallel_loop3A_653 : vector<16xi32>
        %parallel_loop3A_742 = arith.constant 4096 : i32
        %parallel_loop3A_743 = arith.addi %parallel_loop3A_742, %parallel_loop3A_725 : i32
        %parallel_loop3A_744 = arith.index_cast %parallel_loop3A_743 : i32 to index
        %parallel_loop3A_745 = tpu.vector_load %arg6[%parallel_loop3A_744] {strides = array<i32>} : memref<32768xi32, #tpu.memory_space<vmem>>, vector<16xi32>,
        tpu.vector_store %arg6[%parallel_loop3A_744], %parallel_loop3A_741 {strides = array<i32>} : memref<32768xi32, #tpu.memory_space<vmem>>, vector<16xi32>,
        %parallel_loop3A_746 = arith.addi %parallel_loop3A_741, %parallel_loop3A_657 : vector<16xi32>
        %parallel_loop3A_747 = arith.constant 8192 : i32
        %parallel_loop3A_748 = arith.addi %parallel_loop3A_747, %parallel_loop3A_725 : i32
        %parallel_loop3A_749 = arith.index_cast %parallel_loop3A_748 : i32 to index
        %parallel_loop3A_750 = tpu.vector_load %arg6[%parallel_loop3A_749] {strides = array<i32>} : memref<32768xi32, #tpu.memory_space<vmem>>, vector<16xi32>,
        tpu.vector_store %arg6[%parallel_loop3A_749], %parallel_loop3A_746 {strides = array<i32>} : memref<32768xi32, #tpu.memory_space<vmem>>, vector<16xi32>,
        %parallel_loop3A_751 = arith.addi %parallel_loop3A_746, %parallel_loop3A_661 : vector<16xi32>
        %parallel_loop3A_752 = arith.constant 12288 : i32
        %parallel_loop3A_753 = arith.addi %parallel_loop3A_752, %parallel_loop3A_725 : i32
        %parallel_loop3A_754 = arith.index_cast %parallel_loop3A_753 : i32 to index
        %parallel_loop3A_755 = tpu.vector_load %arg6[%parallel_loop3A_754] {strides = array<i32>} : memref<32768xi32, #tpu.memory_space<vmem>>, vector<16xi32>,
        tpu.vector_store %arg6[%parallel_loop3A_754], %parallel_loop3A_751 {strides = array<i32>} : memref<32768xi32, #tpu.memory_space<vmem>>, vector<16xi32>,
        %parallel_loop3A_756 = arith.addi %parallel_loop3A_751, %parallel_loop3A_665 : vector<16xi32>
        %parallel_loop3A_757 = arith.constant 16384 : i32
        %parallel_loop3A_758 = arith.addi %parallel_loop3A_757, %parallel_loop3A_725 : i32
        %parallel_loop3A_759 = arith.index_cast %parallel_loop3A_758 : i32 to index
        %parallel_loop3A_760 = tpu.vector_load %arg6[%parallel_loop3A_759] {strides = array<i32>} : memref<32768xi32, #tpu.memory_space<vmem>>, vector<16xi32>,
        tpu.vector_store %arg6[%parallel_loop3A_759], %parallel_loop3A_756 {strides = array<i32>} : memref<32768xi32, #tpu.memory_space<vmem>>, vector<16xi32>,
        %parallel_loop3A_761 = arith.addi %parallel_loop3A_756, %parallel_loop3A_669 : vector<16xi32>
        %parallel_loop3A_762 = arith.constant 20480 : i32
        %parallel_loop3A_763 = arith.addi %parallel_loop3A_762, %parallel_loop3A_725 : i32
        %parallel_loop3A_764 = arith.index_cast %parallel_loop3A_763 : i32 to index
        %parallel_loop3A_765 = tpu.vector_load %arg6[%parallel_loop3A_764] {strides = array<i32>} : memref<32768xi32, #tpu.memory_space<vmem>>, vector<16xi32>,
        tpu.vector_store %arg6[%parallel_loop3A_764], %parallel_loop3A_761 {strides = array<i32>} : memref<32768xi32, #tpu.memory_space<vmem>>, vector<16xi32>,
        %parallel_loop3A_766 = arith.addi %parallel_loop3A_761, %parallel_loop3A_673 : vector<16xi32>
        %parallel_loop3A_767 = arith.constant 24576 : i32
        %parallel_loop3A_768 = arith.addi %parallel_loop3A_767, %parallel_loop3A_725 : i32
        %parallel_loop3A_769 = arith.index_cast %parallel_loop3A_768 : i32 to index
        %parallel_loop3A_770 = tpu.vector_load %arg6[%parallel_loop3A_769] {strides = array<i32>} : memref<32768xi32, #tpu.memory_space<vmem>>, vector<16xi32>,
        tpu.vector_store %arg6[%parallel_loop3A_769], %parallel_loop3A_766 {strides = array<i32>} : memref<32768xi32, #tpu.memory_space<vmem>>, vector<16xi32>,
        %parallel_loop3A_771 = arith.addi %parallel_loop3A_766, %parallel_loop3A_677 : vector<16xi32>
        %parallel_loop3A_772 = arith.constant 28672 : i32
        %parallel_loop3A_773 = arith.addi %parallel_loop3A_772, %parallel_loop3A_725 : i32
        %parallel_loop3A_774 = arith.index_cast %parallel_loop3A_773 : i32 to index
        %parallel_loop3A_775 = tpu.vector_load %arg6[%parallel_loop3A_774] {strides = array<i32>} : memref<32768xi32, #tpu.memory_space<vmem>>, vector<16xi32>,
        tpu.vector_store %arg6[%parallel_loop3A_774], %parallel_loop3A_771 {strides = array<i32>} : memref<32768xi32, #tpu.memory_space<vmem>>, vector<16xi32>,
        %parallel_loop3A_776 = arith.addi %parallel_loop3A_771, %parallel_loop3A_681 : vector<16xi32>
        %parallel_loop3A_777 = arith.constant true
        %parallel_loop3A_778 = vector.broadcast %parallel_loop3A_777 : i1 to vector<16xi1>
        %parallel_loop3A_779 = tpu.scan <sum>, %parallel_loop3A_732 masked %parallel_loop3A_778 : vector<16xi32>, vector<16xi1> -> vector<16xi32>
        %parallel_loop3A_780 = vector.extract %parallel_loop3A_779[15] : i32 from vector<16xi32>
        %parallel_loop3A_781 = vector.broadcast %parallel_loop3A_723 : i32 to vector<16xi32>
        %parallel_loop3A_782 = vector.broadcast %parallel_loop3A_780 : i32 to vector<16xi32>
        tpu.vector_store_idx %arg7[%parallel_loop3A_781], %parallel_loop3A_782 masked %eq3A_179 : memref<256xi32, #tpu.memory_space<vmem>>[vector<16xi32>], vector<16xi32>, vector<16xi1>
        %parallel_loop3A_783 = arith.constant 2 : i32
        %parallel_loop3A_784 = arith.muli %parallel_loop3A_643, %parallel_loop3A_783 : i32
        %parallel_loop3A_785 = arith.constant 1 : i32
        %parallel_loop3A_786 = arith.addi %parallel_loop3A_784, %parallel_loop3A_785 : i32
        %parallel_loop3A_787 = arith.constant 16 : i32
        %parallel_loop3A_788 = arith.muli %parallel_loop3A_786, %parallel_loop3A_787 : i32
        %parallel_loop3A_789 = arith.addi %parallel_loop3A_691, %parallel_loop3A_695 : vector<16xi32>
        %parallel_loop3A_790 = arith.addi %parallel_loop3A_699, %parallel_loop3A_703 : vector<16xi32>
        %parallel_loop3A_791 = arith.addi %parallel_loop3A_789, %parallel_loop3A_790 : vector<16xi32>
        %parallel_loop3A_792 = arith.addi %parallel_loop3A_707, %parallel_loop3A_711 : vector<16xi32>
        %parallel_loop3A_793 = arith.addi %parallel_loop3A_715, %parallel_loop3A_719 : vector<16xi32>
        %parallel_loop3A_794 = arith.addi %parallel_loop3A_792, %parallel_loop3A_793 : vector<16xi32>
        %parallel_loop3A_795 = arith.addi %parallel_loop3A_791, %parallel_loop3A_794 : vector<16xi32>
        %parallel_loop3A_796 = arith.constant true
        %parallel_loop3A_797 = vector.broadcast %parallel_loop3A_796 : i1 to vector<16xi1>
        %parallel_loop3A_798 = tpu.scan <sum>, %parallel_loop3A_795 masked %parallel_loop3A_797 : vector<16xi32>, vector<16xi1> -> vector<16xi32>
        %parallel_loop3A_799 = arith.subi %parallel_loop3A_798, %parallel_loop3A_795 : vector<16xi32>
        %parallel_loop3A_800 = arith.constant 0 : i32
        %parallel_loop3A_801 = arith.addi %parallel_loop3A_800, %parallel_loop3A_788 : i32
        %parallel_loop3A_802 = arith.index_cast %parallel_loop3A_801 : i32 to index
        %parallel_loop3A_803 = tpu.vector_load %arg6[%parallel_loop3A_802] {strides = array<i32>} : memref<32768xi32, #tpu.memory_space<vmem>>, vector<16xi32>,
        tpu.vector_store %arg6[%parallel_loop3A_802], %parallel_loop3A_799 {strides = array<i32>} : memref<32768xi32, #tpu.memory_space<vmem>>, vector<16xi32>,
        %parallel_loop3A_804 = arith.addi %parallel_loop3A_799, %parallel_loop3A_691 : vector<16xi32>
        %parallel_loop3A_805 = arith.constant 4096 : i32
        %parallel_loop3A_806 = arith.addi %parallel_loop3A_805, %parallel_loop3A_788 : i32
        %parallel_loop3A_807 = arith.index_cast %parallel_loop3A_806 : i32 to index
        %parallel_loop3A_808 = tpu.vector_load %arg6[%parallel_loop3A_807] {strides = array<i32>} : memref<32768xi32, #tpu.memory_space<vmem>>, vector<16xi32>,
        tpu.vector_store %arg6[%parallel_loop3A_807], %parallel_loop3A_804 {strides = array<i32>} : memref<32768xi32, #tpu.memory_space<vmem>>, vector<16xi32>,
        %parallel_loop3A_809 = arith.addi %parallel_loop3A_804, %parallel_loop3A_695 : vector<16xi32>
        %parallel_loop3A_810 = arith.constant 8192 : i32
        %parallel_loop3A_811 = arith.addi %parallel_loop3A_810, %parallel_loop3A_788 : i32
        %parallel_loop3A_812 = arith.index_cast %parallel_loop3A_811 : i32 to index
        %parallel_loop3A_813 = tpu.vector_load %arg6[%parallel_loop3A_812] {strides = array<i32>} : memref<32768xi32, #tpu.memory_space<vmem>>, vector<16xi32>,
        tpu.vector_store %arg6[%parallel_loop3A_812], %parallel_loop3A_809 {strides = array<i32>} : memref<32768xi32, #tpu.memory_space<vmem>>, vector<16xi32>,
        %parallel_loop3A_814 = arith.addi %parallel_loop3A_809, %parallel_loop3A_699 : vector<16xi32>
        %parallel_loop3A_815 = arith.constant 12288 : i32
        %parallel_loop3A_816 = arith.addi %parallel_loop3A_815, %parallel_loop3A_788 : i32
        %parallel_loop3A_817 = arith.index_cast %parallel_loop3A_816 : i32 to index
        %parallel_loop3A_818 = tpu.vector_load %arg6[%parallel_loop3A_817] {strides = array<i32>} : memref<32768xi32, #tpu.memory_space<vmem>>, vector<16xi32>,
        tpu.vector_store %arg6[%parallel_loop3A_817], %parallel_loop3A_814 {strides = array<i32>} : memref<32768xi32, #tpu.memory_space<vmem>>, vector<16xi32>,
        %parallel_loop3A_819 = arith.addi %parallel_loop3A_814, %parallel_loop3A_703 : vector<16xi32>
        %parallel_loop3A_820 = arith.constant 16384 : i32
        %parallel_loop3A_821 = arith.addi %parallel_loop3A_820, %parallel_loop3A_788 : i32
        %parallel_loop3A_822 = arith.index_cast %parallel_loop3A_821 : i32 to index
        %parallel_loop3A_823 = tpu.vector_load %arg6[%parallel_loop3A_822] {strides = array<i32>} : memref<32768xi32, #tpu.memory_space<vmem>>, vector<16xi32>,
        tpu.vector_store %arg6[%parallel_loop3A_822], %parallel_loop3A_819 {strides = array<i32>} : memref<32768xi32, #tpu.memory_space<vmem>>, vector<16xi32>,
        %parallel_loop3A_824 = arith.addi %parallel_loop3A_819, %parallel_loop3A_707 : vector<16xi32>
        %parallel_loop3A_825 = arith.constant 20480 : i32
        %parallel_loop3A_826 = arith.addi %parallel_loop3A_825, %parallel_loop3A_788 : i32
        %parallel_loop3A_827 = arith.index_cast %parallel_loop3A_826 : i32 to index
        %parallel_loop3A_828 = tpu.vector_load %arg6[%parallel_loop3A_827] {strides = array<i32>} : memref<32768xi32, #tpu.memory_space<vmem>>, vector<16xi32>,
        tpu.vector_store %arg6[%parallel_loop3A_827], %parallel_loop3A_824 {strides = array<i32>} : memref<32768xi32, #tpu.memory_space<vmem>>, vector<16xi32>,
        %parallel_loop3A_829 = arith.addi %parallel_loop3A_824, %parallel_loop3A_711 : vector<16xi32>
        %parallel_loop3A_830 = arith.constant 24576 : i32
        %parallel_loop3A_831 = arith.addi %parallel_loop3A_830, %parallel_loop3A_788 : i32
        %parallel_loop3A_832 = arith.index_cast %parallel_loop3A_831 : i32 to index
        %parallel_loop3A_833 = tpu.vector_load %arg6[%parallel_loop3A_832] {strides = array<i32>} : memref<32768xi32, #tpu.memory_space<vmem>>, vector<16xi32>,
        tpu.vector_store %arg6[%parallel_loop3A_832], %parallel_loop3A_829 {strides = array<i32>} : memref<32768xi32, #tpu.memory_space<vmem>>, vector<16xi32>,
        %parallel_loop3A_834 = arith.addi %parallel_loop3A_829, %parallel_loop3A_715 : vector<16xi32>
        %parallel_loop3A_835 = arith.constant 28672 : i32
        %parallel_loop3A_836 = arith.addi %parallel_loop3A_835, %parallel_loop3A_788 : i32
        %parallel_loop3A_837 = arith.index_cast %parallel_loop3A_836 : i32 to index
        %parallel_loop3A_838 = tpu.vector_load %arg6[%parallel_loop3A_837] {strides = array<i32>} : memref<32768xi32, #tpu.memory_space<vmem>>, vector<16xi32>,
        tpu.vector_store %arg6[%parallel_loop3A_837], %parallel_loop3A_834 {strides = array<i32>} : memref<32768xi32, #tpu.memory_space<vmem>>, vector<16xi32>,
        %parallel_loop3A_839 = arith.addi %parallel_loop3A_834, %parallel_loop3A_719 : vector<16xi32>
        %parallel_loop3A_840 = arith.constant true
        %parallel_loop3A_841 = vector.broadcast %parallel_loop3A_840 : i1 to vector<16xi1>
        %parallel_loop3A_842 = tpu.scan <sum>, %parallel_loop3A_795 masked %parallel_loop3A_841 : vector<16xi32>, vector<16xi1> -> vector<16xi32>
        %parallel_loop3A_843 = vector.extract %parallel_loop3A_842[15] : i32 from vector<16xi32>
        %parallel_loop3A_844 = vector.broadcast %parallel_loop3A_786 : i32 to vector<16xi32>
        %parallel_loop3A_845 = vector.broadcast %parallel_loop3A_843 : i32 to vector<16xi32>
        tpu.vector_store_idx %arg7[%parallel_loop3A_844], %parallel_loop3A_845 masked %eq3A_179 : memref<256xi32, #tpu.memory_space<vmem>>[vector<16xi32>], vector<16xi32>, vector<16xi1>
      } {sc.loop_unroll_factor = 1 : i64, sc.parallel_access}
      %scan3A_192 = arith.constant 0 : i32
      %scan3A_193 = arith.constant 0 : i32
      %scan3A_194 = arith.constant 16 : i32
      %scan3A_195 = arith.addi %scan3A_193, %scan3A_194 : i32
      %scan3A_196 = arith.constant 1 : i32
      %scan3A_197 = scf.for %scan3A_643 = %scan3A_193 to %scan3A_195 step %scan3A_196 iter_args(%scan3A_644 = %scan3A_192) -> (i32)  : i32 {
        %mul3A_645 = arith.constant 16 : i32
        %mul3A_646 = arith.muli %scan3A_643, %mul3A_645 : i32
        %get3A = arith.index_cast %mul3A_646 : i32 to index
        %get3A_647 = tpu.vector_load %arg7[%get3A] {strides = array<i32>} : memref<256xi32, #tpu.memory_space<vmem>>, vector<16xi32>,
        %broadcast_in_dim3A_648 = arith.constant true
        %broadcast_in_dim3A_649 = vector.broadcast %broadcast_in_dim3A_648 : i1 to vector<16xi1>
        %masked_cumsum3A = tpu.scan <sum>, %get3A_647 masked %broadcast_in_dim3A_649 : vector<16xi32>, vector<16xi1> -> vector<16xi32>
        %sub3A = arith.subi %masked_cumsum3A, %get3A_647 : vector<16xi32>
        %add3A_650 = vector.broadcast %scan3A_644 : i32 to vector<16xi32>
        %add3A_651 = arith.addi %sub3A, %add3A_650 : vector<16xi32>
        %mul3A_652 = arith.constant 16 : i32
        %mul3A_653 = arith.muli %scan3A_643, %mul3A_652 : i32
        %swap3A = arith.index_cast %mul3A_653 : i32 to index
        %swap3A_654 = tpu.vector_load %arg7[%swap3A] {strides = array<i32>} : memref<256xi32, #tpu.memory_space<vmem>>, vector<16xi32>,
        tpu.vector_store %arg7[%swap3A], %add3A_651 {strides = array<i32>} : memref<256xi32, #tpu.memory_space<vmem>>, vector<16xi32>,
        %reduce_sum3A = arith.constant true
        %reduce_sum3A_655 = vector.broadcast %reduce_sum3A : i1 to vector<16xi1>
        %reduce_sum3A_656 = tpu.scan <sum>, %get3A_647 masked %reduce_sum3A_655 : vector<16xi32>, vector<16xi1> -> vector<16xi32>
        %reduce_sum3A_657 = vector.extract %reduce_sum3A_656[15] : i32 from vector<16xi32>
        %add3A_658 = arith.addi %scan3A_644, %reduce_sum3A_657 : i32
        scf.yield %add3A_658 : i32
      }
      %scan3A_198 = arith.constant 16 : i32
      %parallel_loop3A_199 = arith.constant 0 : i32
      %parallel_loop3A_200 = arith.constant 64 : i32
      %parallel_loop3A_201 = arith.constant 1 : i32
      scf.for %parallel_loop3A_643 = %parallel_loop3A_199 to %parallel_loop3A_200 step %parallel_loop3A_201  : i32 {
        %parallel_loop3A_644 = arith.constant 4 : i32
        %parallel_loop3A_645 = arith.muli %parallel_loop3A_643, %parallel_loop3A_644 : i32
        %parallel_loop3A_646 = arith.constant 0 : i32
        %parallel_loop3A_647 = arith.addi %parallel_loop3A_645, %parallel_loop3A_646 : i32
        %parallel_loop3A_648 = vector.broadcast %parallel_loop3A_647 : i32 to vector<16xi32>
        %parallel_loop3A_649 = tpu.vector_load_idx %arg7[%parallel_loop3A_648] : memref<256xi32, #tpu.memory_space<vmem>>[vector<16xi32>], vector<16xi32>,
        %parallel_loop3A_650 = arith.constant 4 : i32
        %parallel_loop3A_651 = arith.muli %parallel_loop3A_643, %parallel_loop3A_650 : i32
        %parallel_loop3A_652 = arith.constant 1 : i32
        %parallel_loop3A_653 = arith.addi %parallel_loop3A_651, %parallel_loop3A_652 : i32
        %parallel_loop3A_654 = vector.broadcast %parallel_loop3A_653 : i32 to vector<16xi32>
        %parallel_loop3A_655 = tpu.vector_load_idx %arg7[%parallel_loop3A_654] : memref<256xi32, #tpu.memory_space<vmem>>[vector<16xi32>], vector<16xi32>,
        %parallel_loop3A_656 = arith.constant 4 : i32
        %parallel_loop3A_657 = arith.muli %parallel_loop3A_643, %parallel_loop3A_656 : i32
        %parallel_loop3A_658 = arith.constant 2 : i32
        %parallel_loop3A_659 = arith.addi %parallel_loop3A_657, %parallel_loop3A_658 : i32
        %parallel_loop3A_660 = vector.broadcast %parallel_loop3A_659 : i32 to vector<16xi32>
        %parallel_loop3A_661 = tpu.vector_load_idx %arg7[%parallel_loop3A_660] : memref<256xi32, #tpu.memory_space<vmem>>[vector<16xi32>], vector<16xi32>,
        %parallel_loop3A_662 = arith.constant 4 : i32
        %parallel_loop3A_663 = arith.muli %parallel_loop3A_643, %parallel_loop3A_662 : i32
        %parallel_loop3A_664 = arith.constant 3 : i32
        %parallel_loop3A_665 = arith.addi %parallel_loop3A_663, %parallel_loop3A_664 : i32
        %parallel_loop3A_666 = vector.broadcast %parallel_loop3A_665 : i32 to vector<16xi32>
        %parallel_loop3A_667 = tpu.vector_load_idx %arg7[%parallel_loop3A_666] : memref<256xi32, #tpu.memory_space<vmem>>[vector<16xi32>], vector<16xi32>,
        %parallel_loop3A_668 = arith.constant 4 : i32
        %parallel_loop3A_669 = arith.muli %parallel_loop3A_643, %parallel_loop3A_668 : i32
        %parallel_loop3A_670 = arith.constant 0 : i32
        %parallel_loop3A_671 = arith.addi %parallel_loop3A_669, %parallel_loop3A_670 : i32
        %parallel_loop3A_672 = arith.constant 16 : i32
        %parallel_loop3A_673 = arith.muli %parallel_loop3A_671, %parallel_loop3A_672 : i32
        %parallel_loop3A_674 = arith.constant 0 : i32
        %parallel_loop3A_675 = arith.addi %parallel_loop3A_674, %parallel_loop3A_673 : i32
        %parallel_loop3A_676 = arith.index_cast %parallel_loop3A_675 : i32 to index
        %parallel_loop3A_677 = tpu.vector_load %arg6[%parallel_loop3A_676] {strides = array<i32>} : memref<32768xi32, #tpu.memory_space<vmem>>, vector<16xi32>,
        tpu.vector_store %arg6[%parallel_loop3A_676], %parallel_loop3A_649 {add = true, strides = array<i32>} : memref<32768xi32, #tpu.memory_space<vmem>>, vector<16xi32>,
        %parallel_loop3A_678 = arith.constant 4096 : i32
        %parallel_loop3A_679 = arith.addi %parallel_loop3A_678, %parallel_loop3A_673 : i32
        %parallel_loop3A_680 = arith.index_cast %parallel_loop3A_679 : i32 to index
        %parallel_loop3A_681 = tpu.vector_load %arg6[%parallel_loop3A_680] {strides = array<i32>} : memref<32768xi32, #tpu.memory_space<vmem>>, vector<16xi32>,
        tpu.vector_store %arg6[%parallel_loop3A_680], %parallel_loop3A_649 {add = true, strides = array<i32>} : memref<32768xi32, #tpu.memory_space<vmem>>, vector<16xi32>,
        %parallel_loop3A_682 = arith.constant 8192 : i32
        %parallel_loop3A_683 = arith.addi %parallel_loop3A_682, %parallel_loop3A_673 : i32
        %parallel_loop3A_684 = arith.index_cast %parallel_loop3A_683 : i32 to index
        %parallel_loop3A_685 = tpu.vector_load %arg6[%parallel_loop3A_684] {strides = array<i32>} : memref<32768xi32, #tpu.memory_space<vmem>>, vector<16xi32>,
        tpu.vector_store %arg6[%parallel_loop3A_684], %parallel_loop3A_649 {add = true, strides = array<i32>} : memref<32768xi32, #tpu.memory_space<vmem>>, vector<16xi32>,
        %parallel_loop3A_686 = arith.constant 12288 : i32
        %parallel_loop3A_687 = arith.addi %parallel_loop3A_686, %parallel_loop3A_673 : i32
        %parallel_loop3A_688 = arith.index_cast %parallel_loop3A_687 : i32 to index
        %parallel_loop3A_689 = tpu.vector_load %arg6[%parallel_loop3A_688] {strides = array<i32>} : memref<32768xi32, #tpu.memory_space<vmem>>, vector<16xi32>,
        tpu.vector_store %arg6[%parallel_loop3A_688], %parallel_loop3A_649 {add = true, strides = array<i32>} : memref<32768xi32, #tpu.memory_space<vmem>>, vector<16xi32>,
        %parallel_loop3A_690 = arith.constant 16384 : i32
        %parallel_loop3A_691 = arith.addi %parallel_loop3A_690, %parallel_loop3A_673 : i32
        %parallel_loop3A_692 = arith.index_cast %parallel_loop3A_691 : i32 to index
        %parallel_loop3A_693 = tpu.vector_load %arg6[%parallel_loop3A_692] {strides = array<i32>} : memref<32768xi32, #tpu.memory_space<vmem>>, vector<16xi32>,
        tpu.vector_store %arg6[%parallel_loop3A_692], %parallel_loop3A_649 {add = true, strides = array<i32>} : memref<32768xi32, #tpu.memory_space<vmem>>, vector<16xi32>,
        %parallel_loop3A_694 = arith.constant 20480 : i32
        %parallel_loop3A_695 = arith.addi %parallel_loop3A_694, %parallel_loop3A_673 : i32
        %parallel_loop3A_696 = arith.index_cast %parallel_loop3A_695 : i32 to index
        %parallel_loop3A_697 = tpu.vector_load %arg6[%parallel_loop3A_696] {strides = array<i32>} : memref<32768xi32, #tpu.memory_space<vmem>>, vector<16xi32>,
        tpu.vector_store %arg6[%parallel_loop3A_696], %parallel_loop3A_649 {add = true, strides = array<i32>} : memref<32768xi32, #tpu.memory_space<vmem>>, vector<16xi32>,
        %parallel_loop3A_698 = arith.constant 24576 : i32
        %parallel_loop3A_699 = arith.addi %parallel_loop3A_698, %parallel_loop3A_673 : i32
        %parallel_loop3A_700 = arith.index_cast %parallel_loop3A_699 : i32 to index
        %parallel_loop3A_701 = tpu.vector_load %arg6[%parallel_loop3A_700] {strides = array<i32>} : memref<32768xi32, #tpu.memory_space<vmem>>, vector<16xi32>,
        tpu.vector_store %arg6[%parallel_loop3A_700], %parallel_loop3A_649 {add = true, strides = array<i32>} : memref<32768xi32, #tpu.memory_space<vmem>>, vector<16xi32>,
        %parallel_loop3A_702 = arith.constant 28672 : i32
        %parallel_loop3A_703 = arith.addi %parallel_loop3A_702, %parallel_loop3A_673 : i32
        %parallel_loop3A_704 = arith.index_cast %parallel_loop3A_703 : i32 to index
        %parallel_loop3A_705 = tpu.vector_load %arg6[%parallel_loop3A_704] {strides = array<i32>} : memref<32768xi32, #tpu.memory_space<vmem>>, vector<16xi32>,
        tpu.vector_store %arg6[%parallel_loop3A_704], %parallel_loop3A_649 {add = true, strides = array<i32>} : memref<32768xi32, #tpu.memory_space<vmem>>, vector<16xi32>,
        %parallel_loop3A_706 = arith.constant 4 : i32
        %parallel_loop3A_707 = arith.muli %parallel_loop3A_643, %parallel_loop3A_706 : i32
        %parallel_loop3A_708 = arith.constant 1 : i32
        %parallel_loop3A_709 = arith.addi %parallel_loop3A_707, %parallel_loop3A_708 : i32
        %parallel_loop3A_710 = arith.constant 16 : i32
        %parallel_loop3A_711 = arith.muli %parallel_loop3A_709, %parallel_loop3A_710 : i32
        %parallel_loop3A_712 = arith.constant 0 : i32
        %parallel_loop3A_713 = arith.addi %parallel_loop3A_712, %parallel_loop3A_711 : i32
        %parallel_loop3A_714 = arith.index_cast %parallel_loop3A_713 : i32 to index
        %parallel_loop3A_715 = tpu.vector_load %arg6[%parallel_loop3A_714] {strides = array<i32>} : memref<32768xi32, #tpu.memory_space<vmem>>, vector<16xi32>,
        tpu.vector_store %arg6[%parallel_loop3A_714], %parallel_loop3A_655 {add = true, strides = array<i32>} : memref<32768xi32, #tpu.memory_space<vmem>>, vector<16xi32>,
        %parallel_loop3A_716 = arith.constant 4096 : i32
        %parallel_loop3A_717 = arith.addi %parallel_loop3A_716, %parallel_loop3A_711 : i32
        %parallel_loop3A_718 = arith.index_cast %parallel_loop3A_717 : i32 to index
        %parallel_loop3A_719 = tpu.vector_load %arg6[%parallel_loop3A_718] {strides = array<i32>} : memref<32768xi32, #tpu.memory_space<vmem>>, vector<16xi32>,
        tpu.vector_store %arg6[%parallel_loop3A_718], %parallel_loop3A_655 {add = true, strides = array<i32>} : memref<32768xi32, #tpu.memory_space<vmem>>, vector<16xi32>,
        %parallel_loop3A_720 = arith.constant 8192 : i32
        %parallel_loop3A_721 = arith.addi %parallel_loop3A_720, %parallel_loop3A_711 : i32
        %parallel_loop3A_722 = arith.index_cast %parallel_loop3A_721 : i32 to index
        %parallel_loop3A_723 = tpu.vector_load %arg6[%parallel_loop3A_722] {strides = array<i32>} : memref<32768xi32, #tpu.memory_space<vmem>>, vector<16xi32>,
        tpu.vector_store %arg6[%parallel_loop3A_722], %parallel_loop3A_655 {add = true, strides = array<i32>} : memref<32768xi32, #tpu.memory_space<vmem>>, vector<16xi32>,
        %parallel_loop3A_724 = arith.constant 12288 : i32
        %parallel_loop3A_725 = arith.addi %parallel_loop3A_724, %parallel_loop3A_711 : i32
        %parallel_loop3A_726 = arith.index_cast %parallel_loop3A_725 : i32 to index
        %parallel_loop3A_727 = tpu.vector_load %arg6[%parallel_loop3A_726] {strides = array<i32>} : memref<32768xi32, #tpu.memory_space<vmem>>, vector<16xi32>,
        tpu.vector_store %arg6[%parallel_loop3A_726], %parallel_loop3A_655 {add = true, strides = array<i32>} : memref<32768xi32, #tpu.memory_space<vmem>>, vector<16xi32>,
        %parallel_loop3A_728 = arith.constant 16384 : i32
        %parallel_loop3A_729 = arith.addi %parallel_loop3A_728, %parallel_loop3A_711 : i32
        %parallel_loop3A_730 = arith.index_cast %parallel_loop3A_729 : i32 to index
        %parallel_loop3A_731 = tpu.vector_load %arg6[%parallel_loop3A_730] {strides = array<i32>} : memref<32768xi32, #tpu.memory_space<vmem>>, vector<16xi32>,
        tpu.vector_store %arg6[%parallel_loop3A_730], %parallel_loop3A_655 {add = true, strides = array<i32>} : memref<32768xi32, #tpu.memory_space<vmem>>, vector<16xi32>,
        %parallel_loop3A_732 = arith.constant 20480 : i32
        %parallel_loop3A_733 = arith.addi %parallel_loop3A_732, %parallel_loop3A_711 : i32
        %parallel_loop3A_734 = arith.index_cast %parallel_loop3A_733 : i32 to index
        %parallel_loop3A_735 = tpu.vector_load %arg6[%parallel_loop3A_734] {strides = array<i32>} : memref<32768xi32, #tpu.memory_space<vmem>>, vector<16xi32>,
        tpu.vector_store %arg6[%parallel_loop3A_734], %parallel_loop3A_655 {add = true, strides = array<i32>} : memref<32768xi32, #tpu.memory_space<vmem>>, vector<16xi32>,
        %parallel_loop3A_736 = arith.constant 24576 : i32
        %parallel_loop3A_737 = arith.addi %parallel_loop3A_736, %parallel_loop3A_711 : i32
        %parallel_loop3A_738 = arith.index_cast %parallel_loop3A_737 : i32 to index
        %parallel_loop3A_739 = tpu.vector_load %arg6[%parallel_loop3A_738] {strides = array<i32>} : memref<32768xi32, #tpu.memory_space<vmem>>, vector<16xi32>,
        tpu.vector_store %arg6[%parallel_loop3A_738], %parallel_loop3A_655 {add = true, strides = array<i32>} : memref<32768xi32, #tpu.memory_space<vmem>>, vector<16xi32>,
        %parallel_loop3A_740 = arith.constant 28672 : i32
        %parallel_loop3A_741 = arith.addi %parallel_loop3A_740, %parallel_loop3A_711 : i32
        %parallel_loop3A_742 = arith.index_cast %parallel_loop3A_741 : i32 to index
        %parallel_loop3A_743 = tpu.vector_load %arg6[%parallel_loop3A_742] {strides = array<i32>} : memref<32768xi32, #tpu.memory_space<vmem>>, vector<16xi32>,
        tpu.vector_store %arg6[%parallel_loop3A_742], %parallel_loop3A_655 {add = true, strides = array<i32>} : memref<32768xi32, #tpu.memory_space<vmem>>, vector<16xi32>,
        %parallel_loop3A_744 = arith.constant 4 : i32
        %parallel_loop3A_745 = arith.muli %parallel_loop3A_643, %parallel_loop3A_744 : i32
        %parallel_loop3A_746 = arith.constant 2 : i32
        %parallel_loop3A_747 = arith.addi %parallel_loop3A_745, %parallel_loop3A_746 : i32
        %parallel_loop3A_748 = arith.constant 16 : i32
        %parallel_loop3A_749 = arith.muli %parallel_loop3A_747, %parallel_loop3A_748 : i32
        %parallel_loop3A_750 = arith.constant 0 : i32
        %parallel_loop3A_751 = arith.addi %parallel_loop3A_750, %parallel_loop3A_749 : i32
        %parallel_loop3A_752 = arith.index_cast %parallel_loop3A_751 : i32 to index
        %parallel_loop3A_753 = tpu.vector_load %arg6[%parallel_loop3A_752] {strides = array<i32>} : memref<32768xi32, #tpu.memory_space<vmem>>, vector<16xi32>,
        tpu.vector_store %arg6[%parallel_loop3A_752], %parallel_loop3A_661 {add = true, strides = array<i32>} : memref<32768xi32, #tpu.memory_space<vmem>>, vector<16xi32>,
        %parallel_loop3A_754 = arith.constant 4096 : i32
        %parallel_loop3A_755 = arith.addi %parallel_loop3A_754, %parallel_loop3A_749 : i32
        %parallel_loop3A_756 = arith.index_cast %parallel_loop3A_755 : i32 to index
        %parallel_loop3A_757 = tpu.vector_load %arg6[%parallel_loop3A_756] {strides = array<i32>} : memref<32768xi32, #tpu.memory_space<vmem>>, vector<16xi32>,
        tpu.vector_store %arg6[%parallel_loop3A_756], %parallel_loop3A_661 {add = true, strides = array<i32>} : memref<32768xi32, #tpu.memory_space<vmem>>, vector<16xi32>,
        %parallel_loop3A_758 = arith.constant 8192 : i32
        %parallel_loop3A_759 = arith.addi %parallel_loop3A_758, %parallel_loop3A_749 : i32
        %parallel_loop3A_760 = arith.index_cast %parallel_loop3A_759 : i32 to index
        %parallel_loop3A_761 = tpu.vector_load %arg6[%parallel_loop3A_760] {strides = array<i32>} : memref<32768xi32, #tpu.memory_space<vmem>>, vector<16xi32>,
        tpu.vector_store %arg6[%parallel_loop3A_760], %parallel_loop3A_661 {add = true, strides = array<i32>} : memref<32768xi32, #tpu.memory_space<vmem>>, vector<16xi32>,
        %parallel_loop3A_762 = arith.constant 12288 : i32
        %parallel_loop3A_763 = arith.addi %parallel_loop3A_762, %parallel_loop3A_749 : i32
        %parallel_loop3A_764 = arith.index_cast %parallel_loop3A_763 : i32 to index
        %parallel_loop3A_765 = tpu.vector_load %arg6[%parallel_loop3A_764] {strides = array<i32>} : memref<32768xi32, #tpu.memory_space<vmem>>, vector<16xi32>,
        tpu.vector_store %arg6[%parallel_loop3A_764], %parallel_loop3A_661 {add = true, strides = array<i32>} : memref<32768xi32, #tpu.memory_space<vmem>>, vector<16xi32>,
        %parallel_loop3A_766 = arith.constant 16384 : i32
        %parallel_loop3A_767 = arith.addi %parallel_loop3A_766, %parallel_loop3A_749 : i32
        %parallel_loop3A_768 = arith.index_cast %parallel_loop3A_767 : i32 to index
        %parallel_loop3A_769 = tpu.vector_load %arg6[%parallel_loop3A_768] {strides = array<i32>} : memref<32768xi32, #tpu.memory_space<vmem>>, vector<16xi32>,
        tpu.vector_store %arg6[%parallel_loop3A_768], %parallel_loop3A_661 {add = true, strides = array<i32>} : memref<32768xi32, #tpu.memory_space<vmem>>, vector<16xi32>,
        %parallel_loop3A_770 = arith.constant 20480 : i32
        %parallel_loop3A_771 = arith.addi %parallel_loop3A_770, %parallel_loop3A_749 : i32
        %parallel_loop3A_772 = arith.index_cast %parallel_loop3A_771 : i32 to index
        %parallel_loop3A_773 = tpu.vector_load %arg6[%parallel_loop3A_772] {strides = array<i32>} : memref<32768xi32, #tpu.memory_space<vmem>>, vector<16xi32>,
        tpu.vector_store %arg6[%parallel_loop3A_772], %parallel_loop3A_661 {add = true, strides = array<i32>} : memref<32768xi32, #tpu.memory_space<vmem>>, vector<16xi32>,
        %parallel_loop3A_774 = arith.constant 24576 : i32
        %parallel_loop3A_775 = arith.addi %parallel_loop3A_774, %parallel_loop3A_749 : i32
        %parallel_loop3A_776 = arith.index_cast %parallel_loop3A_775 : i32 to index
        %parallel_loop3A_777 = tpu.vector_load %arg6[%parallel_loop3A_776] {strides = array<i32>} : memref<32768xi32, #tpu.memory_space<vmem>>, vector<16xi32>,
        tpu.vector_store %arg6[%parallel_loop3A_776], %parallel_loop3A_661 {add = true, strides = array<i32>} : memref<32768xi32, #tpu.memory_space<vmem>>, vector<16xi32>,
        %parallel_loop3A_778 = arith.constant 28672 : i32
        %parallel_loop3A_779 = arith.addi %parallel_loop3A_778, %parallel_loop3A_749 : i32
        %parallel_loop3A_780 = arith.index_cast %parallel_loop3A_779 : i32 to index
        %parallel_loop3A_781 = tpu.vector_load %arg6[%parallel_loop3A_780] {strides = array<i32>} : memref<32768xi32, #tpu.memory_space<vmem>>, vector<16xi32>,
        tpu.vector_store %arg6[%parallel_loop3A_780], %parallel_loop3A_661 {add = true, strides = array<i32>} : memref<32768xi32, #tpu.memory_space<vmem>>, vector<16xi32>,
        %parallel_loop3A_782 = arith.constant 4 : i32
        %parallel_loop3A_783 = arith.muli %parallel_loop3A_643, %parallel_loop3A_782 : i32
        %parallel_loop3A_784 = arith.constant 3 : i32
        %parallel_loop3A_785 = arith.addi %parallel_loop3A_783, %parallel_loop3A_784 : i32
        %parallel_loop3A_786 = arith.constant 16 : i32
        %parallel_loop3A_787 = arith.muli %parallel_loop3A_785, %parallel_loop3A_786 : i32
        %parallel_loop3A_788 = arith.constant 0 : i32
        %parallel_loop3A_789 = arith.addi %parallel_loop3A_788, %parallel_loop3A_787 : i32
        %parallel_loop3A_790 = arith.index_cast %parallel_loop3A_789 : i32 to index
        %parallel_loop3A_791 = tpu.vector_load %arg6[%parallel_loop3A_790] {strides = array<i32>} : memref<32768xi32, #tpu.memory_space<vmem>>, vector<16xi32>,
        tpu.vector_store %arg6[%parallel_loop3A_790], %parallel_loop3A_667 {add = true, strides = array<i32>} : memref<32768xi32, #tpu.memory_space<vmem>>, vector<16xi32>,
        %parallel_loop3A_792 = arith.constant 4096 : i32
        %parallel_loop3A_793 = arith.addi %parallel_loop3A_792, %parallel_loop3A_787 : i32
        %parallel_loop3A_794 = arith.index_cast %parallel_loop3A_793 : i32 to index
        %parallel_loop3A_795 = tpu.vector_load %arg6[%parallel_loop3A_794] {strides = array<i32>} : memref<32768xi32, #tpu.memory_space<vmem>>, vector<16xi32>,
        tpu.vector_store %arg6[%parallel_loop3A_794], %parallel_loop3A_667 {add = true, strides = array<i32>} : memref<32768xi32, #tpu.memory_space<vmem>>, vector<16xi32>,
        %parallel_loop3A_796 = arith.constant 8192 : i32
        %parallel_loop3A_797 = arith.addi %parallel_loop3A_796, %parallel_loop3A_787 : i32
        %parallel_loop3A_798 = arith.index_cast %parallel_loop3A_797 : i32 to index
        %parallel_loop3A_799 = tpu.vector_load %arg6[%parallel_loop3A_798] {strides = array<i32>} : memref<32768xi32, #tpu.memory_space<vmem>>, vector<16xi32>,
        tpu.vector_store %arg6[%parallel_loop3A_798], %parallel_loop3A_667 {add = true, strides = array<i32>} : memref<32768xi32, #tpu.memory_space<vmem>>, vector<16xi32>,
        %parallel_loop3A_800 = arith.constant 12288 : i32
        %parallel_loop3A_801 = arith.addi %parallel_loop3A_800, %parallel_loop3A_787 : i32
        %parallel_loop3A_802 = arith.index_cast %parallel_loop3A_801 : i32 to index
        %parallel_loop3A_803 = tpu.vector_load %arg6[%parallel_loop3A_802] {strides = array<i32>} : memref<32768xi32, #tpu.memory_space<vmem>>, vector<16xi32>,
        tpu.vector_store %arg6[%parallel_loop3A_802], %parallel_loop3A_667 {add = true, strides = array<i32>} : memref<32768xi32, #tpu.memory_space<vmem>>, vector<16xi32>,
        %parallel_loop3A_804 = arith.constant 16384 : i32
        %parallel_loop3A_805 = arith.addi %parallel_loop3A_804, %parallel_loop3A_787 : i32
        %parallel_loop3A_806 = arith.index_cast %parallel_loop3A_805 : i32 to index
        %parallel_loop3A_807 = tpu.vector_load %arg6[%parallel_loop3A_806] {strides = array<i32>} : memref<32768xi32, #tpu.memory_space<vmem>>, vector<16xi32>,
        tpu.vector_store %arg6[%parallel_loop3A_806], %parallel_loop3A_667 {add = true, strides = array<i32>} : memref<32768xi32, #tpu.memory_space<vmem>>, vector<16xi32>,
        %parallel_loop3A_808 = arith.constant 20480 : i32
        %parallel_loop3A_809 = arith.addi %parallel_loop3A_808, %parallel_loop3A_787 : i32
        %parallel_loop3A_810 = arith.index_cast %parallel_loop3A_809 : i32 to index
        %parallel_loop3A_811 = tpu.vector_load %arg6[%parallel_loop3A_810] {strides = array<i32>} : memref<32768xi32, #tpu.memory_space<vmem>>, vector<16xi32>,
        tpu.vector_store %arg6[%parallel_loop3A_810], %parallel_loop3A_667 {add = true, strides = array<i32>} : memref<32768xi32, #tpu.memory_space<vmem>>, vector<16xi32>,
        %parallel_loop3A_812 = arith.constant 24576 : i32
        %parallel_loop3A_813 = arith.addi %parallel_loop3A_812, %parallel_loop3A_787 : i32
        %parallel_loop3A_814 = arith.index_cast %parallel_loop3A_813 : i32 to index
        %parallel_loop3A_815 = tpu.vector_load %arg6[%parallel_loop3A_814] {strides = array<i32>} : memref<32768xi32, #tpu.memory_space<vmem>>, vector<16xi32>,
        tpu.vector_store %arg6[%parallel_loop3A_814], %parallel_loop3A_667 {add = true, strides = array<i32>} : memref<32768xi32, #tpu.memory_space<vmem>>, vector<16xi32>,
        %parallel_loop3A_816 = arith.constant 28672 : i32
        %parallel_loop3A_817 = arith.addi %parallel_loop3A_816, %parallel_loop3A_787 : i32
        %parallel_loop3A_818 = arith.index_cast %parallel_loop3A_817 : i32 to index
        %parallel_loop3A_819 = tpu.vector_load %arg6[%parallel_loop3A_818] {strides = array<i32>} : memref<32768xi32, #tpu.memory_space<vmem>>, vector<16xi32>,
        tpu.vector_store %arg6[%parallel_loop3A_818], %parallel_loop3A_667 {add = true, strides = array<i32>} : memref<32768xi32, #tpu.memory_space<vmem>>, vector<16xi32>,
      } {sc.loop_unroll_factor = 1 : i64, sc.parallel_access}
      %add3A_202 = arith.constant 0 : i32
      %add3A_203 = vector.broadcast %add3A_202 : i32 to vector<16xi32>
      %add3A_204 = arith.addi %mul3A_182, %add3A_203 : vector<16xi32>
      %gather3A_205 = tpu.vector_load_idx %arg5[%add3A_204] : memref<32768xf32, #tpu.memory_space<vmem>>[vector<16xi32>], vector<16xf32>,
      %bitcast3A_206 = vector.bitcast %gather3A_205 : vector<16xf32> to vector<16xi32>
      %shift_right_arithmetic3A_207 = arith.constant 8 : i32
      %shift_right_arithmetic3A_208 = vector.broadcast %shift_right_arithmetic3A_207 : i32 to vector<16xi32>
      %shift_right_arithmetic3A_209 = arith.shrsi %bitcast3A_206, %shift_right_arithmetic3A_208 : vector<16xi32>
      %and3A_210 = arith.constant 255 : i32
      %and3A_211 = vector.broadcast %and3A_210 : i32 to vector<16xi32>
      %and3A_212 = arith.andi %shift_right_arithmetic3A_209, %and3A_211 : vector<16xi32>
      %shift_left3A_213 = arith.constant 4 : i32
      %shift_left3A_214 = vector.broadcast %shift_left3A_213 : i32 to vector<16xi32>
      %shift_left3A_215 = arith.shli %and3A_212, %shift_left3A_214 : vector<16xi32>
      %add3A_216 = arith.constant 0 : i32
      %add3A_217 = vector.broadcast %add3A_216 : i32 to vector<16xi32>
      %add3A_218 = arith.addi %iota3A, %add3A_217 : vector<16xi32>
      %add3A_219 = arith.addi %shift_left3A_215, %add3A_218 : vector<16xi32>
      %add3A_220 = arith.constant 256 : i32
      %add3A_221 = vector.broadcast %add3A_220 : i32 to vector<16xi32>
      %add3A_222 = arith.addi %mul3A_182, %add3A_221 : vector<16xi32>
      %gather3A_223 = tpu.vector_load_idx %arg5[%add3A_222] : memref<32768xf32, #tpu.memory_space<vmem>>[vector<16xi32>], vector<16xf32>,
      %scan3A_224 = arith.constant 0 : i32
      %scan3A_225 = arith.constant 2044 : i32
      %scan3A_226 = arith.addi %scan3A_224, %scan3A_225 : i32
      %scan3A_227 = arith.constant 4 : i32
      %scan3A_228:3 = scf.for %scan3A_643 = %scan3A_224 to %scan3A_226 step %scan3A_227 iter_args(%scan3A_644 = %bitcast3A_206, %scan3A_645 = %add3A_219, %scan3A_646 = %gather3A_223) -> (vector<16xi32>, vector<16xi32>, vector<16xf32>)  : i32 {
        %add3A_647 = arith.constant 2 : i32
        %add3A_648 = arith.addi %scan3A_643, %add3A_647 : i32
        %and3A_649 = arith.constant 7 : i32
        %and3A_650 = arith.andi %add3A_648, %and3A_649 : i32
        %shift_right_arithmetic3A_651 = arith.constant 3 : i32
        %shift_right_arithmetic3A_652 = arith.shrsi %add3A_648, %shift_right_arithmetic3A_651 : i32
        %mul3A_653 = arith.constant 256 : i32
        %mul3A_654 = arith.muli %and3A_650, %mul3A_653 : i32
        %add3A_655 = arith.addi %mul3A_654, %shift_right_arithmetic3A_652 : i32
        %add3A_656 = vector.broadcast %add3A_655 : i32 to vector<16xi32>
        %add3A_657 = arith.addi %mul3A_182, %add3A_656 : vector<16xi32>
        %gather3A_658 = tpu.vector_load_idx %arg5[%add3A_657] : memref<32768xf32, #tpu.memory_space<vmem>>[vector<16xi32>], vector<16xf32>,
        %add3A_659 = arith.constant 1 : i32
        %add3A_660 = arith.addi %scan3A_643, %add3A_659 : i32
        %bitcast3A_661 = vector.bitcast %scan3A_646 : vector<16xf32> to vector<16xi32>
        %shift_right_arithmetic3A_662 = arith.constant 8 : i32
        %shift_right_arithmetic3A_663 = vector.broadcast %shift_right_arithmetic3A_662 : i32 to vector<16xi32>
        %shift_right_arithmetic3A_664 = arith.shrsi %bitcast3A_661, %shift_right_arithmetic3A_663 : vector<16xi32>
        %and3A_665 = arith.constant 255 : i32
        %and3A_666 = vector.broadcast %and3A_665 : i32 to vector<16xi32>
        %and3A_667 = arith.andi %shift_right_arithmetic3A_664, %and3A_666 : vector<16xi32>
        %shift_left3A_668 = arith.constant 4 : i32
        %shift_left3A_669 = vector.broadcast %shift_left3A_668 : i32 to vector<16xi32>
        %shift_left3A_670 = arith.shli %and3A_667, %shift_left3A_669 : vector<16xi32>
        %and3A_671 = arith.constant 7 : i32
        %and3A_672 = arith.andi %add3A_660, %and3A_671 : i32
        %shift_left3A_673 = arith.constant 12 : i32
        %shift_left3A_674 = arith.shli %and3A_672, %shift_left3A_673 : i32
        %add3A_675 = vector.broadcast %shift_left3A_674 : i32 to vector<16xi32>
        %add3A_676 = arith.addi %iota3A, %add3A_675 : vector<16xi32>
        %add3A_677 = arith.addi %shift_left3A_670, %add3A_676 : vector<16xi32>
        %gather3A_678 = tpu.vector_load_idx %arg6[%scan3A_645] : memref<32768xi32, #tpu.memory_space<vmem>>[vector<16xi32>], vector<16xi32>,
        %bitcast3A_679 = vector.bitcast %scan3A_644 : vector<16xi32> to vector<16xf32>
        tpu.vector_store_idx %arg4[%gather3A_678], %bitcast3A_679 : memref<32768xf32, #tpu.memory_space<vmem>>[vector<16xi32>], vector<16xf32>,
        tpu.vector_store_idx %arg6[%scan3A_645], %broadcast_in_dim3A_174 {add = true} : memref<32768xi32, #tpu.memory_space<vmem>>[vector<16xi32>], vector<16xi32>,
        %scan3A_680 = arith.constant 1 : i32
        %scan3A_681 = arith.addi %scan3A_643, %scan3A_680 : i32
        %add3A_682 = arith.constant 2 : i32
        %add3A_683 = arith.addi %scan3A_681, %add3A_682 : i32
        %and3A_684 = arith.constant 7 : i32
        %and3A_685 = arith.andi %add3A_683, %and3A_684 : i32
        %shift_right_arithmetic3A_686 = arith.constant 3 : i32
        %shift_right_arithmetic3A_687 = arith.shrsi %add3A_683, %shift_right_arithmetic3A_686 : i32
        %mul3A_688 = arith.constant 256 : i32
        %mul3A_689 = arith.muli %and3A_685, %mul3A_688 : i32
        %add3A_690 = arith.addi %mul3A_689, %shift_right_arithmetic3A_687 : i32
        %add3A_691 = vector.broadcast %add3A_690 : i32 to vector<16xi32>
        %add3A_692 = arith.addi %mul3A_182, %add3A_691 : vector<16xi32>
        %gather3A_693 = tpu.vector_load_idx %arg5[%add3A_692] : memref<32768xf32, #tpu.memory_space<vmem>>[vector<16xi32>], vector<16xf32>,
        %add3A_694 = arith.constant 1 : i32
        %add3A_695 = arith.addi %scan3A_681, %add3A_694 : i32
        %bitcast3A_696 = vector.bitcast %gather3A_658 : vector<16xf32> to vector<16xi32>
        %shift_right_arithmetic3A_697 = arith.constant 8 : i32
        %shift_right_arithmetic3A_698 = vector.broadcast %shift_right_arithmetic3A_697 : i32 to vector<16xi32>
        %shift_right_arithmetic3A_699 = arith.shrsi %bitcast3A_696, %shift_right_arithmetic3A_698 : vector<16xi32>
        %and3A_700 = arith.constant 255 : i32
        %and3A_701 = vector.broadcast %and3A_700 : i32 to vector<16xi32>
        %and3A_702 = arith.andi %shift_right_arithmetic3A_699, %and3A_701 : vector<16xi32>
        %shift_left3A_703 = arith.constant 4 : i32
        %shift_left3A_704 = vector.broadcast %shift_left3A_703 : i32 to vector<16xi32>
        %shift_left3A_705 = arith.shli %and3A_702, %shift_left3A_704 : vector<16xi32>
        %and3A_706 = arith.constant 7 : i32
        %and3A_707 = arith.andi %add3A_695, %and3A_706 : i32
        %shift_left3A_708 = arith.constant 12 : i32
        %shift_left3A_709 = arith.shli %and3A_707, %shift_left3A_708 : i32
        %add3A_710 = vector.broadcast %shift_left3A_709 : i32 to vector<16xi32>
        %add3A_711 = arith.addi %iota3A, %add3A_710 : vector<16xi32>
        %add3A_712 = arith.addi %shift_left3A_705, %add3A_711 : vector<16xi32>
        %gather3A_713 = tpu.vector_load_idx %arg6[%add3A_677] : memref<32768xi32, #tpu.memory_space<vmem>>[vector<16xi32>], vector<16xi32>,
        %bitcast3A_714 = vector.bitcast %bitcast3A_661 : vector<16xi32> to vector<16xf32>
        tpu.vector_store_idx %arg4[%gather3A_713], %bitcast3A_714 : memref<32768xf32, #tpu.memory_space<vmem>>[vector<16xi32>], vector<16xf32>,
        tpu.vector_store_idx %arg6[%add3A_677], %broadcast_in_dim3A_174 {add = true} : memref<32768xi32, #tpu.memory_space<vmem>>[vector<16xi32>], vector<16xi32>,
        %scan3A_715 = arith.constant 2 : i32
        %scan3A_716 = arith.addi %scan3A_643, %scan3A_715 : i32
        %add3A_717 = arith.constant 2 : i32
        %add3A_718 = arith.addi %scan3A_716, %add3A_717 : i32
        %and3A_719 = arith.constant 7 : i32
        %and3A_720 = arith.andi %add3A_718, %and3A_719 : i32
        %shift_right_arithmetic3A_721 = arith.constant 3 : i32
        %shift_right_arithmetic3A_722 = arith.shrsi %add3A_718, %shift_right_arithmetic3A_721 : i32
        %mul3A_723 = arith.constant 256 : i32
        %mul3A_724 = arith.muli %and3A_720, %mul3A_723 : i32
        %add3A_725 = arith.addi %mul3A_724, %shift_right_arithmetic3A_722 : i32
        %add3A_726 = vector.broadcast %add3A_725 : i32 to vector<16xi32>
        %add3A_727 = arith.addi %mul3A_182, %add3A_726 : vector<16xi32>
        %gather3A_728 = tpu.vector_load_idx %arg5[%add3A_727] : memref<32768xf32, #tpu.memory_space<vmem>>[vector<16xi32>], vector<16xf32>,
        %add3A_729 = arith.constant 1 : i32
        %add3A_730 = arith.addi %scan3A_716, %add3A_729 : i32
        %bitcast3A_731 = vector.bitcast %gather3A_693 : vector<16xf32> to vector<16xi32>
        %shift_right_arithmetic3A_732 = arith.constant 8 : i32
        %shift_right_arithmetic3A_733 = vector.broadcast %shift_right_arithmetic3A_732 : i32 to vector<16xi32>
        %shift_right_arithmetic3A_734 = arith.shrsi %bitcast3A_731, %shift_right_arithmetic3A_733 : vector<16xi32>
        %and3A_735 = arith.constant 255 : i32
        %and3A_736 = vector.broadcast %and3A_735 : i32 to vector<16xi32>
        %and3A_737 = arith.andi %shift_right_arithmetic3A_734, %and3A_736 : vector<16xi32>
        %shift_left3A_738 = arith.constant 4 : i32
        %shift_left3A_739 = vector.broadcast %shift_left3A_738 : i32 to vector<16xi32>
        %shift_left3A_740 = arith.shli %and3A_737, %shift_left3A_739 : vector<16xi32>
        %and3A_741 = arith.constant 7 : i32
        %and3A_742 = arith.andi %add3A_730, %and3A_741 : i32
        %shift_left3A_743 = arith.constant 12 : i32
        %shift_left3A_744 = arith.shli %and3A_742, %shift_left3A_743 : i32
        %add3A_745 = vector.broadcast %shift_left3A_744 : i32 to vector<16xi32>
        %add3A_746 = arith.addi %iota3A, %add3A_745 : vector<16xi32>
        %add3A_747 = arith.addi %shift_left3A_740, %add3A_746 : vector<16xi32>
        %gather3A_748 = tpu.vector_load_idx %arg6[%add3A_712] : memref<32768xi32, #tpu.memory_space<vmem>>[vector<16xi32>], vector<16xi32>,
        %bitcast3A_749 = vector.bitcast %bitcast3A_696 : vector<16xi32> to vector<16xf32>
        tpu.vector_store_idx %arg4[%gather3A_748], %bitcast3A_749 : memref<32768xf32, #tpu.memory_space<vmem>>[vector<16xi32>], vector<16xf32>,
        tpu.vector_store_idx %arg6[%add3A_712], %broadcast_in_dim3A_174 {add = true} : memref<32768xi32, #tpu.memory_space<vmem>>[vector<16xi32>], vector<16xi32>,
        %scan3A_750 = arith.constant 3 : i32
        %scan3A_751 = arith.addi %scan3A_643, %scan3A_750 : i32
        %add3A_752 = arith.constant 2 : i32
        %add3A_753 = arith.addi %scan3A_751, %add3A_752 : i32
        %and3A_754 = arith.constant 7 : i32
        %and3A_755 = arith.andi %add3A_753, %and3A_754 : i32
        %shift_right_arithmetic3A_756 = arith.constant 3 : i32
        %shift_right_arithmetic3A_757 = arith.shrsi %add3A_753, %shift_right_arithmetic3A_756 : i32
        %mul3A_758 = arith.constant 256 : i32
        %mul3A_759 = arith.muli %and3A_755, %mul3A_758 : i32
        %add3A_760 = arith.addi %mul3A_759, %shift_right_arithmetic3A_757 : i32
        %add3A_761 = vector.broadcast %add3A_760 : i32 to vector<16xi32>
        %add3A_762 = arith.addi %mul3A_182, %add3A_761 : vector<16xi32>
        %gather3A_763 = tpu.vector_load_idx %arg5[%add3A_762] : memref<32768xf32, #tpu.memory_space<vmem>>[vector<16xi32>], vector<16xf32>,
        %add3A_764 = arith.constant 1 : i32
        %add3A_765 = arith.addi %scan3A_751, %add3A_764 : i32
        %bitcast3A_766 = vector.bitcast %gather3A_728 : vector<16xf32> to vector<16xi32>
        %shift_right_arithmetic3A_767 = arith.constant 8 : i32
        %shift_right_arithmetic3A_768 = vector.broadcast %shift_right_arithmetic3A_767 : i32 to vector<16xi32>
        %shift_right_arithmetic3A_769 = arith.shrsi %bitcast3A_766, %shift_right_arithmetic3A_768 : vector<16xi32>
        %and3A_770 = arith.constant 255 : i32
        %and3A_771 = vector.broadcast %and3A_770 : i32 to vector<16xi32>
        %and3A_772 = arith.andi %shift_right_arithmetic3A_769, %and3A_771 : vector<16xi32>
        %shift_left3A_773 = arith.constant 4 : i32
        %shift_left3A_774 = vector.broadcast %shift_left3A_773 : i32 to vector<16xi32>
        %shift_left3A_775 = arith.shli %and3A_772, %shift_left3A_774 : vector<16xi32>
        %and3A_776 = arith.constant 7 : i32
        %and3A_777 = arith.andi %add3A_765, %and3A_776 : i32
        %shift_left3A_778 = arith.constant 12 : i32
        %shift_left3A_779 = arith.shli %and3A_777, %shift_left3A_778 : i32
        %add3A_780 = vector.broadcast %shift_left3A_779 : i32 to vector<16xi32>
        %add3A_781 = arith.addi %iota3A, %add3A_780 : vector<16xi32>
        %add3A_782 = arith.addi %shift_left3A_775, %add3A_781 : vector<16xi32>
        %gather3A_783 = tpu.vector_load_idx %arg6[%add3A_747] : memref<32768xi32, #tpu.memory_space<vmem>>[vector<16xi32>], vector<16xi32>,
        %bitcast3A_784 = vector.bitcast %bitcast3A_731 : vector<16xi32> to vector<16xf32>
        tpu.vector_store_idx %arg4[%gather3A_783], %bitcast3A_784 : memref<32768xf32, #tpu.memory_space<vmem>>[vector<16xi32>], vector<16xf32>,
        tpu.vector_store_idx %arg6[%add3A_747], %broadcast_in_dim3A_174 {add = true} : memref<32768xi32, #tpu.memory_space<vmem>>[vector<16xi32>], vector<16xi32>,
        scf.yield %bitcast3A_766, %add3A_782, %gather3A_763 : vector<16xi32>, vector<16xi32>, vector<16xf32>
      }
      %scan3A_229 = arith.constant 2044 : i32
      %scan3A_230 = arith.addi %scan3A_224, %scan3A_229 : i32
      %add3A_231 = arith.constant 2 : i32
      %add3A_232 = arith.addi %scan3A_230, %add3A_231 : i32
      %and3A_233 = arith.constant 7 : i32
      %and3A_234 = arith.andi %add3A_232, %and3A_233 : i32
      %shift_right_arithmetic3A_235 = arith.constant 3 : i32
      %shift_right_arithmetic3A_236 = arith.shrsi %add3A_232, %shift_right_arithmetic3A_235 : i32
      %mul3A_237 = arith.constant 256 : i32
      %mul3A_238 = arith.muli %and3A_234, %mul3A_237 : i32
      %add3A_239 = arith.addi %mul3A_238, %shift_right_arithmetic3A_236 : i32
      %add3A_240 = vector.broadcast %add3A_239 : i32 to vector<16xi32>
      %add3A_241 = arith.addi %mul3A_182, %add3A_240 : vector<16xi32>
      %gather3A_242 = tpu.vector_load_idx %arg5[%add3A_241] : memref<32768xf32, #tpu.memory_space<vmem>>[vector<16xi32>], vector<16xf32>,
      %add3A_243 = arith.constant 1 : i32
      %add3A_244 = arith.addi %scan3A_230, %add3A_243 : i32
      %bitcast3A_245 = vector.bitcast %scan3A_228#2 : vector<16xf32> to vector<16xi32>
      %shift_right_arithmetic3A_246 = arith.constant 8 : i32
      %shift_right_arithmetic3A_247 = vector.broadcast %shift_right_arithmetic3A_246 : i32 to vector<16xi32>
      %shift_right_arithmetic3A_248 = arith.shrsi %bitcast3A_245, %shift_right_arithmetic3A_247 : vector<16xi32>
      %and3A_249 = arith.constant 255 : i32
      %and3A_250 = vector.broadcast %and3A_249 : i32 to vector<16xi32>
      %and3A_251 = arith.andi %shift_right_arithmetic3A_248, %and3A_250 : vector<16xi32>
      %shift_left3A_252 = arith.constant 4 : i32
      %shift_left3A_253 = vector.broadcast %shift_left3A_252 : i32 to vector<16xi32>
      %shift_left3A_254 = arith.shli %and3A_251, %shift_left3A_253 : vector<16xi32>
      %and3A_255 = arith.constant 7 : i32
      %and3A_256 = arith.andi %add3A_244, %and3A_255 : i32
      %shift_left3A_257 = arith.constant 12 : i32
      %shift_left3A_258 = arith.shli %and3A_256, %shift_left3A_257 : i32
      %add3A_259 = vector.broadcast %shift_left3A_258 : i32 to vector<16xi32>
      %add3A_260 = arith.addi %iota3A, %add3A_259 : vector<16xi32>
      %add3A_261 = arith.addi %shift_left3A_254, %add3A_260 : vector<16xi32>
      %gather3A_262 = tpu.vector_load_idx %arg6[%scan3A_228#1] : memref<32768xi32, #tpu.memory_space<vmem>>[vector<16xi32>], vector<16xi32>,
      %bitcast3A_263 = vector.bitcast %scan3A_228#0 : vector<16xi32> to vector<16xf32>
      tpu.vector_store_idx %arg4[%gather3A_262], %bitcast3A_263 : memref<32768xf32, #tpu.memory_space<vmem>>[vector<16xi32>], vector<16xf32>,
      tpu.vector_store_idx %arg6[%scan3A_228#1], %broadcast_in_dim3A_174 {add = true} : memref<32768xi32, #tpu.memory_space<vmem>>[vector<16xi32>], vector<16xi32>,
      %scan3A_264 = arith.constant 2045 : i32
      %scan3A_265 = arith.addi %scan3A_224, %scan3A_264 : i32
      %add3A_266 = arith.constant 2 : i32
      %add3A_267 = arith.addi %scan3A_265, %add3A_266 : i32
      %and3A_268 = arith.constant 7 : i32
      %and3A_269 = arith.andi %add3A_267, %and3A_268 : i32
      %shift_right_arithmetic3A_270 = arith.constant 3 : i32
      %shift_right_arithmetic3A_271 = arith.shrsi %add3A_267, %shift_right_arithmetic3A_270 : i32
      %mul3A_272 = arith.constant 256 : i32
      %mul3A_273 = arith.muli %and3A_269, %mul3A_272 : i32
      %add3A_274 = arith.addi %mul3A_273, %shift_right_arithmetic3A_271 : i32
      %add3A_275 = vector.broadcast %add3A_274 : i32 to vector<16xi32>
      %add3A_276 = arith.addi %mul3A_182, %add3A_275 : vector<16xi32>
      %gather3A_277 = tpu.vector_load_idx %arg5[%add3A_276] : memref<32768xf32, #tpu.memory_space<vmem>>[vector<16xi32>], vector<16xf32>,
      %add3A_278 = arith.constant 1 : i32
      %add3A_279 = arith.addi %scan3A_265, %add3A_278 : i32
      %bitcast3A_280 = vector.bitcast %gather3A_242 : vector<16xf32> to vector<16xi32>
      %shift_right_arithmetic3A_281 = arith.constant 8 : i32
      %shift_right_arithmetic3A_282 = vector.broadcast %shift_right_arithmetic3A_281 : i32 to vector<16xi32>
      %shift_right_arithmetic3A_283 = arith.shrsi %bitcast3A_280, %shift_right_arithmetic3A_282 : vector<16xi32>
      %and3A_284 = arith.constant 255 : i32
      %and3A_285 = vector.broadcast %and3A_284 : i32 to vector<16xi32>
      %and3A_286 = arith.andi %shift_right_arithmetic3A_283, %and3A_285 : vector<16xi32>
      %shift_left3A_287 = arith.constant 4 : i32
      %shift_left3A_288 = vector.broadcast %shift_left3A_287 : i32 to vector<16xi32>
      %shift_left3A_289 = arith.shli %and3A_286, %shift_left3A_288 : vector<16xi32>
      %and3A_290 = arith.constant 7 : i32
      %and3A_291 = arith.andi %add3A_279, %and3A_290 : i32
      %shift_left3A_292 = arith.constant 12 : i32
      %shift_left3A_293 = arith.shli %and3A_291, %shift_left3A_292 : i32
      %add3A_294 = vector.broadcast %shift_left3A_293 : i32 to vector<16xi32>
      %add3A_295 = arith.addi %iota3A, %add3A_294 : vector<16xi32>
      %add3A_296 = arith.addi %shift_left3A_289, %add3A_295 : vector<16xi32>
      %gather3A_297 = tpu.vector_load_idx %arg6[%add3A_261] : memref<32768xi32, #tpu.memory_space<vmem>>[vector<16xi32>], vector<16xi32>,
      %bitcast3A_298 = vector.bitcast %bitcast3A_245 : vector<16xi32> to vector<16xf32>
      tpu.vector_store_idx %arg4[%gather3A_297], %bitcast3A_298 : memref<32768xf32, #tpu.memory_space<vmem>>[vector<16xi32>], vector<16xf32>,
      tpu.vector_store_idx %arg6[%add3A_261], %broadcast_in_dim3A_174 {add = true} : memref<32768xi32, #tpu.memory_space<vmem>>[vector<16xi32>], vector<16xi32>,
      %scan3A_299 = arith.constant 2046 : i32
      %gather3A_300 = tpu.vector_load_idx %arg6[%add3A_296] : memref<32768xi32, #tpu.memory_space<vmem>>[vector<16xi32>], vector<16xi32>,
      %bitcast3A_301 = vector.bitcast %bitcast3A_280 : vector<16xi32> to vector<16xf32>
      tpu.vector_store_idx %arg4[%gather3A_300], %bitcast3A_301 : memref<32768xf32, #tpu.memory_space<vmem>>[vector<16xi32>], vector<16xf32>,
      tpu.vector_store_idx %arg6[%add3A_296], %broadcast_in_dim3A_174 {add = true} : memref<32768xi32, #tpu.memory_space<vmem>>[vector<16xi32>], vector<16xi32>,
      %bitcast3A_302 = vector.bitcast %gather3A_277 : vector<16xf32> to vector<16xi32>
      %shift_right_arithmetic3A_303 = arith.constant 8 : i32
      %shift_right_arithmetic3A_304 = vector.broadcast %shift_right_arithmetic3A_303 : i32 to vector<16xi32>
      %shift_right_arithmetic3A_305 = arith.shrsi %bitcast3A_302, %shift_right_arithmetic3A_304 : vector<16xi32>
      %and3A_306 = arith.constant 255 : i32
      %and3A_307 = vector.broadcast %and3A_306 : i32 to vector<16xi32>
      %and3A_308 = arith.andi %shift_right_arithmetic3A_305, %and3A_307 : vector<16xi32>
      %shift_left3A_309 = arith.constant 4 : i32
      %shift_left3A_310 = vector.broadcast %shift_left3A_309 : i32 to vector<16xi32>
      %shift_left3A_311 = arith.shli %and3A_308, %shift_left3A_310 : vector<16xi32>
      %add3A_312 = arith.constant 28672 : i32
      %add3A_313 = vector.broadcast %add3A_312 : i32 to vector<16xi32>
      %add3A_314 = arith.addi %iota3A, %add3A_313 : vector<16xi32>
      %add3A_315 = arith.addi %shift_left3A_311, %add3A_314 : vector<16xi32>
      %gather3A_316 = tpu.vector_load_idx %arg6[%add3A_315] : memref<32768xi32, #tpu.memory_space<vmem>>[vector<16xi32>], vector<16xi32>,
      %bitcast3A_317 = vector.bitcast %bitcast3A_302 : vector<16xi32> to vector<16xf32>
      tpu.vector_store_idx %arg4[%gather3A_316], %bitcast3A_317 : memref<32768xf32, #tpu.memory_space<vmem>>[vector<16xi32>], vector<16xf32>,
      tpu.vector_store_idx %arg6[%add3A_315], %broadcast_in_dim3A_174 {add = true} : memref<32768xi32, #tpu.memory_space<vmem>>[vector<16xi32>], vector<16xi32>,
      %broadcast_in_dim3A_318 = arith.constant 1 : i32
      %broadcast_in_dim3A_319 = vector.broadcast %broadcast_in_dim3A_318 : i32 to vector<16xi32>
      %broadcast_in_dim3A_320 = arith.constant 0 : i32
      %broadcast_in_dim3A_321 = vector.broadcast %broadcast_in_dim3A_320 : i32 to vector<16xi32>
      %eq3A_322 = arith.constant 0 : i32
      %eq3A_323 = vector.broadcast %eq3A_322 : i32 to vector<16xi32>
      %eq3A_324 = arith.cmpi eq, %iota3A, %eq3A_323 : vector<16xi32>
      %mul3A_325 = arith.constant 2048 : i32
      %mul3A_326 = vector.broadcast %mul3A_325 : i32 to vector<16xi32>
      %mul3A_327 = arith.muli %iota3A, %mul3A_326 : vector<16xi32>
      %parallel_loop3A_328 = arith.constant 0 : i32
      %parallel_loop3A_329 = arith.constant 1024 : i32
      %parallel_loop3A_330 = arith.constant 1 : i32
      scf.for %parallel_loop3A_643 = %parallel_loop3A_328 to %parallel_loop3A_329 step %parallel_loop3A_330  : i32 {
        %parallel_loop3A_644 = arith.constant 2 : i32
        %parallel_loop3A_645 = arith.muli %parallel_loop3A_643, %parallel_loop3A_644 : i32
        %parallel_loop3A_646 = arith.constant 16 : i32
        %parallel_loop3A_647 = arith.muli %parallel_loop3A_645, %parallel_loop3A_646 : i32
        %parallel_loop3A_648 = arith.index_cast %parallel_loop3A_647 : i32 to index
        %parallel_loop3A_649 = tpu.vector_load %arg6[%parallel_loop3A_648] {strides = array<i32>} : memref<32768xi32, #tpu.memory_space<vmem>>, vector<16xi32>,
        tpu.vector_store %arg6[%parallel_loop3A_648], %broadcast_in_dim3A_321 {strides = array<i32>} : memref<32768xi32, #tpu.memory_space<vmem>>, vector<16xi32>,
        %parallel_loop3A_650 = arith.constant 2 : i32
        %parallel_loop3A_651 = arith.muli %parallel_loop3A_643, %parallel_loop3A_650 : i32
        %parallel_loop3A_652 = arith.constant 16 : i32
        %parallel_loop3A_653 = arith.muli %parallel_loop3A_651, %parallel_loop3A_652 : i32
        %parallel_loop3A_654 = arith.constant 16 : i32
        %parallel_loop3A_655 = arith.addi %parallel_loop3A_653, %parallel_loop3A_654 : i32
        %parallel_loop3A_656 = arith.index_cast %parallel_loop3A_655 : i32 to index
        %parallel_loop3A_657 = tpu.vector_load %arg6[%parallel_loop3A_656] {strides = array<i32>} : memref<32768xi32, #tpu.memory_space<vmem>>, vector<16xi32>,
        tpu.vector_store %arg6[%parallel_loop3A_656], %broadcast_in_dim3A_321 {strides = array<i32>} : memref<32768xi32, #tpu.memory_space<vmem>>, vector<16xi32>,
      } {sc.loop_unroll_factor = 8 : i64, sc.parallel_access}
      %parallel_loop3A_331 = arith.constant 0 : i32
      %parallel_loop3A_332 = arith.constant 2048 : i32
      %parallel_loop3A_333 = arith.constant 1 : i32
      scf.for %parallel_loop3A_643 = %parallel_loop3A_331 to %parallel_loop3A_332 step %parallel_loop3A_333  : i32 {
        %parallel_loop3A_644 = vector.broadcast %parallel_loop3A_643 : i32 to vector<16xi32>
        %parallel_loop3A_645 = arith.addi %mul3A_327, %parallel_loop3A_644 : vector<16xi32>
        %parallel_loop3A_646 = tpu.vector_load_idx %arg4[%parallel_loop3A_645] : memref<32768xf32, #tpu.memory_space<vmem>>[vector<16xi32>], vector<16xf32>,
        %parallel_loop3A_647 = vector.bitcast %parallel_loop3A_646 : vector<16xf32> to vector<16xi32>
        %parallel_loop3A_648 = arith.constant 16 : i32
        %parallel_loop3A_649 = vector.broadcast %parallel_loop3A_648 : i32 to vector<16xi32>
        %parallel_loop3A_650 = arith.shrsi %parallel_loop3A_647, %parallel_loop3A_649 : vector<16xi32>
        %parallel_loop3A_651 = arith.constant 255 : i32
        %parallel_loop3A_652 = vector.broadcast %parallel_loop3A_651 : i32 to vector<16xi32>
        %parallel_loop3A_653 = arith.andi %parallel_loop3A_650, %parallel_loop3A_652 : vector<16xi32>
        %parallel_loop3A_654 = arith.constant 4 : i32
        %parallel_loop3A_655 = vector.broadcast %parallel_loop3A_654 : i32 to vector<16xi32>
        %parallel_loop3A_656 = arith.shli %parallel_loop3A_653, %parallel_loop3A_655 : vector<16xi32>
        %parallel_loop3A_657 = arith.constant 8 : i32
        %parallel_loop3A_658 = arith.shrsi %parallel_loop3A_643, %parallel_loop3A_657 : i32
        %parallel_loop3A_659 = arith.constant 12 : i32
        %parallel_loop3A_660 = arith.shli %parallel_loop3A_658, %parallel_loop3A_659 : i32
        %parallel_loop3A_661 = vector.broadcast %parallel_loop3A_660 : i32 to vector<16xi32>
        %parallel_loop3A_662 = arith.addi %iota3A, %parallel_loop3A_661 : vector<16xi32>
        %parallel_loop3A_663 = arith.addi %parallel_loop3A_656, %parallel_loop3A_662 : vector<16xi32>
        tpu.vector_store_idx %arg6[%parallel_loop3A_663], %broadcast_in_dim3A_319 {add = true} : memref<32768xi32, #tpu.memory_space<vmem>>[vector<16xi32>], vector<16xi32>,
      } {sc.loop_unroll_factor = 8 : i64, sc.parallel_access}
      %parallel_loop3A_334 = arith.constant 0 : i32
      %parallel_loop3A_335 = arith.constant 128 : i32
      %parallel_loop3A_336 = arith.constant 1 : i32
      scf.for %parallel_loop3A_643 = %parallel_loop3A_334 to %parallel_loop3A_335 step %parallel_loop3A_336  : i32 {
        %parallel_loop3A_644 = arith.constant 2 : i32
        %parallel_loop3A_645 = arith.muli %parallel_loop3A_643, %parallel_loop3A_644 : i32
        %parallel_loop3A_646 = arith.constant 0 : i32
        %parallel_loop3A_647 = arith.addi %parallel_loop3A_645, %parallel_loop3A_646 : i32
        %parallel_loop3A_648 = arith.constant 16 : i32
        %parallel_loop3A_649 = arith.muli %parallel_loop3A_647, %parallel_loop3A_648 : i32
        %parallel_loop3A_650 = arith.constant 0 : i32
        %parallel_loop3A_651 = arith.addi %parallel_loop3A_650, %parallel_loop3A_649 : i32
        %parallel_loop3A_652 = arith.index_cast %parallel_loop3A_651 : i32 to index
        %parallel_loop3A_653 = tpu.vector_load %arg6[%parallel_loop3A_652] {strides = array<i32>} : memref<32768xi32, #tpu.memory_space<vmem>>, vector<16xi32>,
        %parallel_loop3A_654 = arith.constant 4096 : i32
        %parallel_loop3A_655 = arith.addi %parallel_loop3A_654, %parallel_loop3A_649 : i32
        %parallel_loop3A_656 = arith.index_cast %parallel_loop3A_655 : i32 to index
        %parallel_loop3A_657 = tpu.vector_load %arg6[%parallel_loop3A_656] {strides = array<i32>} : memref<32768xi32, #tpu.memory_space<vmem>>, vector<16xi32>,
        %parallel_loop3A_658 = arith.constant 8192 : i32
        %parallel_loop3A_659 = arith.addi %parallel_loop3A_658, %parallel_loop3A_649 : i32
        %parallel_loop3A_660 = arith.index_cast %parallel_loop3A_659 : i32 to index
        %parallel_loop3A_661 = tpu.vector_load %arg6[%parallel_loop3A_660] {strides = array<i32>} : memref<32768xi32, #tpu.memory_space<vmem>>, vector<16xi32>,
        %parallel_loop3A_662 = arith.constant 12288 : i32
        %parallel_loop3A_663 = arith.addi %parallel_loop3A_662, %parallel_loop3A_649 : i32
        %parallel_loop3A_664 = arith.index_cast %parallel_loop3A_663 : i32 to index
        %parallel_loop3A_665 = tpu.vector_load %arg6[%parallel_loop3A_664] {strides = array<i32>} : memref<32768xi32, #tpu.memory_space<vmem>>, vector<16xi32>,
        %parallel_loop3A_666 = arith.constant 16384 : i32
        %parallel_loop3A_667 = arith.addi %parallel_loop3A_666, %parallel_loop3A_649 : i32
        %parallel_loop3A_668 = arith.index_cast %parallel_loop3A_667 : i32 to index
        %parallel_loop3A_669 = tpu.vector_load %arg6[%parallel_loop3A_668] {strides = array<i32>} : memref<32768xi32, #tpu.memory_space<vmem>>, vector<16xi32>,
        %parallel_loop3A_670 = arith.constant 20480 : i32
        %parallel_loop3A_671 = arith.addi %parallel_loop3A_670, %parallel_loop3A_649 : i32
        %parallel_loop3A_672 = arith.index_cast %parallel_loop3A_671 : i32 to index
        %parallel_loop3A_673 = tpu.vector_load %arg6[%parallel_loop3A_672] {strides = array<i32>} : memref<32768xi32, #tpu.memory_space<vmem>>, vector<16xi32>,
        %parallel_loop3A_674 = arith.constant 24576 : i32
        %parallel_loop3A_675 = arith.addi %parallel_loop3A_674, %parallel_loop3A_649 : i32
        %parallel_loop3A_676 = arith.index_cast %parallel_loop3A_675 : i32 to index
        %parallel_loop3A_677 = tpu.vector_load %arg6[%parallel_loop3A_676] {strides = array<i32>} : memref<32768xi32, #tpu.memory_space<vmem>>, vector<16xi32>,
        %parallel_loop3A_678 = arith.constant 28672 : i32
        %parallel_loop3A_679 = arith.addi %parallel_loop3A_678, %parallel_loop3A_649 : i32
        %parallel_loop3A_680 = arith.index_cast %parallel_loop3A_679 : i32 to index
        %parallel_loop3A_681 = tpu.vector_load %arg6[%parallel_loop3A_680] {strides = array<i32>} : memref<32768xi32, #tpu.memory_space<vmem>>, vector<16xi32>,
        %parallel_loop3A_682 = arith.constant 2 : i32
        %parallel_loop3A_683 = arith.muli %parallel_loop3A_643, %parallel_loop3A_682 : i32
        %parallel_loop3A_684 = arith.constant 1 : i32
        %parallel_loop3A_685 = arith.addi %parallel_loop3A_683, %parallel_loop3A_684 : i32
        %parallel_loop3A_686 = arith.constant 16 : i32
        %parallel_loop3A_687 = arith.muli %parallel_loop3A_685, %parallel_loop3A_686 : i32
        %parallel_loop3A_688 = arith.constant 0 : i32
        %parallel_loop3A_689 = arith.addi %parallel_loop3A_688, %parallel_loop3A_687 : i32
        %parallel_loop3A_690 = arith.index_cast %parallel_loop3A_689 : i32 to index
        %parallel_loop3A_691 = tpu.vector_load %arg6[%parallel_loop3A_690] {strides = array<i32>} : memref<32768xi32, #tpu.memory_space<vmem>>, vector<16xi32>,
        %parallel_loop3A_692 = arith.constant 4096 : i32
        %parallel_loop3A_693 = arith.addi %parallel_loop3A_692, %parallel_loop3A_687 : i32
        %parallel_loop3A_694 = arith.index_cast %parallel_loop3A_693 : i32 to index
        %parallel_loop3A_695 = tpu.vector_load %arg6[%parallel_loop3A_694] {strides = array<i32>} : memref<32768xi32, #tpu.memory_space<vmem>>, vector<16xi32>,
        %parallel_loop3A_696 = arith.constant 8192 : i32
        %parallel_loop3A_697 = arith.addi %parallel_loop3A_696, %parallel_loop3A_687 : i32
        %parallel_loop3A_698 = arith.index_cast %parallel_loop3A_697 : i32 to index
        %parallel_loop3A_699 = tpu.vector_load %arg6[%parallel_loop3A_698] {strides = array<i32>} : memref<32768xi32, #tpu.memory_space<vmem>>, vector<16xi32>,
        %parallel_loop3A_700 = arith.constant 12288 : i32
        %parallel_loop3A_701 = arith.addi %parallel_loop3A_700, %parallel_loop3A_687 : i32
        %parallel_loop3A_702 = arith.index_cast %parallel_loop3A_701 : i32 to index
        %parallel_loop3A_703 = tpu.vector_load %arg6[%parallel_loop3A_702] {strides = array<i32>} : memref<32768xi32, #tpu.memory_space<vmem>>, vector<16xi32>,
        %parallel_loop3A_704 = arith.constant 16384 : i32
        %parallel_loop3A_705 = arith.addi %parallel_loop3A_704, %parallel_loop3A_687 : i32
        %parallel_loop3A_706 = arith.index_cast %parallel_loop3A_705 : i32 to index
        %parallel_loop3A_707 = tpu.vector_load %arg6[%parallel_loop3A_706] {strides = array<i32>} : memref<32768xi32, #tpu.memory_space<vmem>>, vector<16xi32>,
        %parallel_loop3A_708 = arith.constant 20480 : i32
        %parallel_loop3A_709 = arith.addi %parallel_loop3A_708, %parallel_loop3A_687 : i32
        %parallel_loop3A_710 = arith.index_cast %parallel_loop3A_709 : i32 to index
        %parallel_loop3A_711 = tpu.vector_load %arg6[%parallel_loop3A_710] {strides = array<i32>} : memref<32768xi32, #tpu.memory_space<vmem>>, vector<16xi32>,
        %parallel_loop3A_712 = arith.constant 24576 : i32
        %parallel_loop3A_713 = arith.addi %parallel_loop3A_712, %parallel_loop3A_687 : i32
        %parallel_loop3A_714 = arith.index_cast %parallel_loop3A_713 : i32 to index
        %parallel_loop3A_715 = tpu.vector_load %arg6[%parallel_loop3A_714] {strides = array<i32>} : memref<32768xi32, #tpu.memory_space<vmem>>, vector<16xi32>,
        %parallel_loop3A_716 = arith.constant 28672 : i32
        %parallel_loop3A_717 = arith.addi %parallel_loop3A_716, %parallel_loop3A_687 : i32
        %parallel_loop3A_718 = arith.index_cast %parallel_loop3A_717 : i32 to index
        %parallel_loop3A_719 = tpu.vector_load %arg6[%parallel_loop3A_718] {strides = array<i32>} : memref<32768xi32, #tpu.memory_space<vmem>>, vector<16xi32>,
        %parallel_loop3A_720 = arith.constant 2 : i32
        %parallel_loop3A_721 = arith.muli %parallel_loop3A_643, %parallel_loop3A_720 : i32
        %parallel_loop3A_722 = arith.constant 0 : i32
        %parallel_loop3A_723 = arith.addi %parallel_loop3A_721, %parallel_loop3A_722 : i32
        %parallel_loop3A_724 = arith.constant 16 : i32
        %parallel_loop3A_725 = arith.muli %parallel_loop3A_723, %parallel_loop3A_724 : i32
        %parallel_loop3A_726 = arith.addi %parallel_loop3A_653, %parallel_loop3A_657 : vector<16xi32>
        %parallel_loop3A_727 = arith.addi %parallel_loop3A_661, %parallel_loop3A_665 : vector<16xi32>
        %parallel_loop3A_728 = arith.addi %parallel_loop3A_726, %parallel_loop3A_727 : vector<16xi32>
        %parallel_loop3A_729 = arith.addi %parallel_loop3A_669, %parallel_loop3A_673 : vector<16xi32>
        %parallel_loop3A_730 = arith.addi %parallel_loop3A_677, %parallel_loop3A_681 : vector<16xi32>
        %parallel_loop3A_731 = arith.addi %parallel_loop3A_729, %parallel_loop3A_730 : vector<16xi32>
        %parallel_loop3A_732 = arith.addi %parallel_loop3A_728, %parallel_loop3A_731 : vector<16xi32>
        %parallel_loop3A_733 = arith.constant true
        %parallel_loop3A_734 = vector.broadcast %parallel_loop3A_733 : i1 to vector<16xi1>
        %parallel_loop3A_735 = tpu.scan <sum>, %parallel_loop3A_732 masked %parallel_loop3A_734 : vector<16xi32>, vector<16xi1> -> vector<16xi32>
        %parallel_loop3A_736 = arith.subi %parallel_loop3A_735, %parallel_loop3A_732 : vector<16xi32>
        %parallel_loop3A_737 = arith.constant 0 : i32
        %parallel_loop3A_738 = arith.addi %parallel_loop3A_737, %parallel_loop3A_725 : i32
        %parallel_loop3A_739 = arith.index_cast %parallel_loop3A_738 : i32 to index
        %parallel_loop3A_740 = tpu.vector_load %arg6[%parallel_loop3A_739] {strides = array<i32>} : memref<32768xi32, #tpu.memory_space<vmem>>, vector<16xi32>,
        tpu.vector_store %arg6[%parallel_loop3A_739], %parallel_loop3A_736 {strides = array<i32>} : memref<32768xi32, #tpu.memory_space<vmem>>, vector<16xi32>,
        %parallel_loop3A_741 = arith.addi %parallel_loop3A_736, %parallel_loop3A_653 : vector<16xi32>
        %parallel_loop3A_742 = arith.constant 4096 : i32
        %parallel_loop3A_743 = arith.addi %parallel_loop3A_742, %parallel_loop3A_725 : i32
        %parallel_loop3A_744 = arith.index_cast %parallel_loop3A_743 : i32 to index
        %parallel_loop3A_745 = tpu.vector_load %arg6[%parallel_loop3A_744] {strides = array<i32>} : memref<32768xi32, #tpu.memory_space<vmem>>, vector<16xi32>,
        tpu.vector_store %arg6[%parallel_loop3A_744], %parallel_loop3A_741 {strides = array<i32>} : memref<32768xi32, #tpu.memory_space<vmem>>, vector<16xi32>,
        %parallel_loop3A_746 = arith.addi %parallel_loop3A_741, %parallel_loop3A_657 : vector<16xi32>
        %parallel_loop3A_747 = arith.constant 8192 : i32
        %parallel_loop3A_748 = arith.addi %parallel_loop3A_747, %parallel_loop3A_725 : i32
        %parallel_loop3A_749 = arith.index_cast %parallel_loop3A_748 : i32 to index
        %parallel_loop3A_750 = tpu.vector_load %arg6[%parallel_loop3A_749] {strides = array<i32>} : memref<32768xi32, #tpu.memory_space<vmem>>, vector<16xi32>,
        tpu.vector_store %arg6[%parallel_loop3A_749], %parallel_loop3A_746 {strides = array<i32>} : memref<32768xi32, #tpu.memory_space<vmem>>, vector<16xi32>,
        %parallel_loop3A_751 = arith.addi %parallel_loop3A_746, %parallel_loop3A_661 : vector<16xi32>
        %parallel_loop3A_752 = arith.constant 12288 : i32
        %parallel_loop3A_753 = arith.addi %parallel_loop3A_752, %parallel_loop3A_725 : i32
        %parallel_loop3A_754 = arith.index_cast %parallel_loop3A_753 : i32 to index
        %parallel_loop3A_755 = tpu.vector_load %arg6[%parallel_loop3A_754] {strides = array<i32>} : memref<32768xi32, #tpu.memory_space<vmem>>, vector<16xi32>,
        tpu.vector_store %arg6[%parallel_loop3A_754], %parallel_loop3A_751 {strides = array<i32>} : memref<32768xi32, #tpu.memory_space<vmem>>, vector<16xi32>,
        %parallel_loop3A_756 = arith.addi %parallel_loop3A_751, %parallel_loop3A_665 : vector<16xi32>
        %parallel_loop3A_757 = arith.constant 16384 : i32
        %parallel_loop3A_758 = arith.addi %parallel_loop3A_757, %parallel_loop3A_725 : i32
        %parallel_loop3A_759 = arith.index_cast %parallel_loop3A_758 : i32 to index
        %parallel_loop3A_760 = tpu.vector_load %arg6[%parallel_loop3A_759] {strides = array<i32>} : memref<32768xi32, #tpu.memory_space<vmem>>, vector<16xi32>,
        tpu.vector_store %arg6[%parallel_loop3A_759], %parallel_loop3A_756 {strides = array<i32>} : memref<32768xi32, #tpu.memory_space<vmem>>, vector<16xi32>,
        %parallel_loop3A_761 = arith.addi %parallel_loop3A_756, %parallel_loop3A_669 : vector<16xi32>
        %parallel_loop3A_762 = arith.constant 20480 : i32
        %parallel_loop3A_763 = arith.addi %parallel_loop3A_762, %parallel_loop3A_725 : i32
        %parallel_loop3A_764 = arith.index_cast %parallel_loop3A_763 : i32 to index
        %parallel_loop3A_765 = tpu.vector_load %arg6[%parallel_loop3A_764] {strides = array<i32>} : memref<32768xi32, #tpu.memory_space<vmem>>, vector<16xi32>,
        tpu.vector_store %arg6[%parallel_loop3A_764], %parallel_loop3A_761 {strides = array<i32>} : memref<32768xi32, #tpu.memory_space<vmem>>, vector<16xi32>,
        %parallel_loop3A_766 = arith.addi %parallel_loop3A_761, %parallel_loop3A_673 : vector<16xi32>
        %parallel_loop3A_767 = arith.constant 24576 : i32
        %parallel_loop3A_768 = arith.addi %parallel_loop3A_767, %parallel_loop3A_725 : i32
        %parallel_loop3A_769 = arith.index_cast %parallel_loop3A_768 : i32 to index
        %parallel_loop3A_770 = tpu.vector_load %arg6[%parallel_loop3A_769] {strides = array<i32>} : memref<32768xi32, #tpu.memory_space<vmem>>, vector<16xi32>,
        tpu.vector_store %arg6[%parallel_loop3A_769], %parallel_loop3A_766 {strides = array<i32>} : memref<32768xi32, #tpu.memory_space<vmem>>, vector<16xi32>,
        %parallel_loop3A_771 = arith.addi %parallel_loop3A_766, %parallel_loop3A_677 : vector<16xi32>
        %parallel_loop3A_772 = arith.constant 28672 : i32
        %parallel_loop3A_773 = arith.addi %parallel_loop3A_772, %parallel_loop3A_725 : i32
        %parallel_loop3A_774 = arith.index_cast %parallel_loop3A_773 : i32 to index
        %parallel_loop3A_775 = tpu.vector_load %arg6[%parallel_loop3A_774] {strides = array<i32>} : memref<32768xi32, #tpu.memory_space<vmem>>, vector<16xi32>,
        tpu.vector_store %arg6[%parallel_loop3A_774], %parallel_loop3A_771 {strides = array<i32>} : memref<32768xi32, #tpu.memory_space<vmem>>, vector<16xi32>,
        %parallel_loop3A_776 = arith.addi %parallel_loop3A_771, %parallel_loop3A_681 : vector<16xi32>
        %parallel_loop3A_777 = arith.constant true
        %parallel_loop3A_778 = vector.broadcast %parallel_loop3A_777 : i1 to vector<16xi1>
        %parallel_loop3A_779 = tpu.scan <sum>, %parallel_loop3A_732 masked %parallel_loop3A_778 : vector<16xi32>, vector<16xi1> -> vector<16xi32>
        %parallel_loop3A_780 = vector.extract %parallel_loop3A_779[15] : i32 from vector<16xi32>
        %parallel_loop3A_781 = vector.broadcast %parallel_loop3A_723 : i32 to vector<16xi32>
        %parallel_loop3A_782 = vector.broadcast %parallel_loop3A_780 : i32 to vector<16xi32>
        tpu.vector_store_idx %arg7[%parallel_loop3A_781], %parallel_loop3A_782 masked %eq3A_324 : memref<256xi32, #tpu.memory_space<vmem>>[vector<16xi32>], vector<16xi32>, vector<16xi1>
        %parallel_loop3A_783 = arith.constant 2 : i32
        %parallel_loop3A_784 = arith.muli %parallel_loop3A_643, %parallel_loop3A_783 : i32
        %parallel_loop3A_785 = arith.constant 1 : i32
        %parallel_loop3A_786 = arith.addi %parallel_loop3A_784, %parallel_loop3A_785 : i32
        %parallel_loop3A_787 = arith.constant 16 : i32
        %parallel_loop3A_788 = arith.muli %parallel_loop3A_786, %parallel_loop3A_787 : i32
        %parallel_loop3A_789 = arith.addi %parallel_loop3A_691, %parallel_loop3A_695 : vector<16xi32>
        %parallel_loop3A_790 = arith.addi %parallel_loop3A_699, %parallel_loop3A_703 : vector<16xi32>
        %parallel_loop3A_791 = arith.addi %parallel_loop3A_789, %parallel_loop3A_790 : vector<16xi32>
        %parallel_loop3A_792 = arith.addi %parallel_loop3A_707, %parallel_loop3A_711 : vector<16xi32>
        %parallel_loop3A_793 = arith.addi %parallel_loop3A_715, %parallel_loop3A_719 : vector<16xi32>
        %parallel_loop3A_794 = arith.addi %parallel_loop3A_792, %parallel_loop3A_793 : vector<16xi32>
        %parallel_loop3A_795 = arith.addi %parallel_loop3A_791, %parallel_loop3A_794 : vector<16xi32>
        %parallel_loop3A_796 = arith.constant true
        %parallel_loop3A_797 = vector.broadcast %parallel_loop3A_796 : i1 to vector<16xi1>
        %parallel_loop3A_798 = tpu.scan <sum>, %parallel_loop3A_795 masked %parallel_loop3A_797 : vector<16xi32>, vector<16xi1> -> vector<16xi32>
        %parallel_loop3A_799 = arith.subi %parallel_loop3A_798, %parallel_loop3A_795 : vector<16xi32>
        %parallel_loop3A_800 = arith.constant 0 : i32
        %parallel_loop3A_801 = arith.addi %parallel_loop3A_800, %parallel_loop3A_788 : i32
        %parallel_loop3A_802 = arith.index_cast %parallel_loop3A_801 : i32 to index
        %parallel_loop3A_803 = tpu.vector_load %arg6[%parallel_loop3A_802] {strides = array<i32>} : memref<32768xi32, #tpu.memory_space<vmem>>, vector<16xi32>,
        tpu.vector_store %arg6[%parallel_loop3A_802], %parallel_loop3A_799 {strides = array<i32>} : memref<32768xi32, #tpu.memory_space<vmem>>, vector<16xi32>,
        %parallel_loop3A_804 = arith.addi %parallel_loop3A_799, %parallel_loop3A_691 : vector<16xi32>
        %parallel_loop3A_805 = arith.constant 4096 : i32
        %parallel_loop3A_806 = arith.addi %parallel_loop3A_805, %parallel_loop3A_788 : i32
        %parallel_loop3A_807 = arith.index_cast %parallel_loop3A_806 : i32 to index
        %parallel_loop3A_808 = tpu.vector_load %arg6[%parallel_loop3A_807] {strides = array<i32>} : memref<32768xi32, #tpu.memory_space<vmem>>, vector<16xi32>,
        tpu.vector_store %arg6[%parallel_loop3A_807], %parallel_loop3A_804 {strides = array<i32>} : memref<32768xi32, #tpu.memory_space<vmem>>, vector<16xi32>,
        %parallel_loop3A_809 = arith.addi %parallel_loop3A_804, %parallel_loop3A_695 : vector<16xi32>
        %parallel_loop3A_810 = arith.constant 8192 : i32
        %parallel_loop3A_811 = arith.addi %parallel_loop3A_810, %parallel_loop3A_788 : i32
        %parallel_loop3A_812 = arith.index_cast %parallel_loop3A_811 : i32 to index
        %parallel_loop3A_813 = tpu.vector_load %arg6[%parallel_loop3A_812] {strides = array<i32>} : memref<32768xi32, #tpu.memory_space<vmem>>, vector<16xi32>,
        tpu.vector_store %arg6[%parallel_loop3A_812], %parallel_loop3A_809 {strides = array<i32>} : memref<32768xi32, #tpu.memory_space<vmem>>, vector<16xi32>,
        %parallel_loop3A_814 = arith.addi %parallel_loop3A_809, %parallel_loop3A_699 : vector<16xi32>
        %parallel_loop3A_815 = arith.constant 12288 : i32
        %parallel_loop3A_816 = arith.addi %parallel_loop3A_815, %parallel_loop3A_788 : i32
        %parallel_loop3A_817 = arith.index_cast %parallel_loop3A_816 : i32 to index
        %parallel_loop3A_818 = tpu.vector_load %arg6[%parallel_loop3A_817] {strides = array<i32>} : memref<32768xi32, #tpu.memory_space<vmem>>, vector<16xi32>,
        tpu.vector_store %arg6[%parallel_loop3A_817], %parallel_loop3A_814 {strides = array<i32>} : memref<32768xi32, #tpu.memory_space<vmem>>, vector<16xi32>,
        %parallel_loop3A_819 = arith.addi %parallel_loop3A_814, %parallel_loop3A_703 : vector<16xi32>
        %parallel_loop3A_820 = arith.constant 16384 : i32
        %parallel_loop3A_821 = arith.addi %parallel_loop3A_820, %parallel_loop3A_788 : i32
        %parallel_loop3A_822 = arith.index_cast %parallel_loop3A_821 : i32 to index
        %parallel_loop3A_823 = tpu.vector_load %arg6[%parallel_loop3A_822] {strides = array<i32>} : memref<32768xi32, #tpu.memory_space<vmem>>, vector<16xi32>,
        tpu.vector_store %arg6[%parallel_loop3A_822], %parallel_loop3A_819 {strides = array<i32>} : memref<32768xi32, #tpu.memory_space<vmem>>, vector<16xi32>,
        %parallel_loop3A_824 = arith.addi %parallel_loop3A_819, %parallel_loop3A_707 : vector<16xi32>
        %parallel_loop3A_825 = arith.constant 20480 : i32
        %parallel_loop3A_826 = arith.addi %parallel_loop3A_825, %parallel_loop3A_788 : i32
        %parallel_loop3A_827 = arith.index_cast %parallel_loop3A_826 : i32 to index
        %parallel_loop3A_828 = tpu.vector_load %arg6[%parallel_loop3A_827] {strides = array<i32>} : memref<32768xi32, #tpu.memory_space<vmem>>, vector<16xi32>,
        tpu.vector_store %arg6[%parallel_loop3A_827], %parallel_loop3A_824 {strides = array<i32>} : memref<32768xi32, #tpu.memory_space<vmem>>, vector<16xi32>,
        %parallel_loop3A_829 = arith.addi %parallel_loop3A_824, %parallel_loop3A_711 : vector<16xi32>
        %parallel_loop3A_830 = arith.constant 24576 : i32
        %parallel_loop3A_831 = arith.addi %parallel_loop3A_830, %parallel_loop3A_788 : i32
        %parallel_loop3A_832 = arith.index_cast %parallel_loop3A_831 : i32 to index
        %parallel_loop3A_833 = tpu.vector_load %arg6[%parallel_loop3A_832] {strides = array<i32>} : memref<32768xi32, #tpu.memory_space<vmem>>, vector<16xi32>,
        tpu.vector_store %arg6[%parallel_loop3A_832], %parallel_loop3A_829 {strides = array<i32>} : memref<32768xi32, #tpu.memory_space<vmem>>, vector<16xi32>,
        %parallel_loop3A_834 = arith.addi %parallel_loop3A_829, %parallel_loop3A_715 : vector<16xi32>
        %parallel_loop3A_835 = arith.constant 28672 : i32
        %parallel_loop3A_836 = arith.addi %parallel_loop3A_835, %parallel_loop3A_788 : i32
        %parallel_loop3A_837 = arith.index_cast %parallel_loop3A_836 : i32 to index
        %parallel_loop3A_838 = tpu.vector_load %arg6[%parallel_loop3A_837] {strides = array<i32>} : memref<32768xi32, #tpu.memory_space<vmem>>, vector<16xi32>,
        tpu.vector_store %arg6[%parallel_loop3A_837], %parallel_loop3A_834 {strides = array<i32>} : memref<32768xi32, #tpu.memory_space<vmem>>, vector<16xi32>,
        %parallel_loop3A_839 = arith.addi %parallel_loop3A_834, %parallel_loop3A_719 : vector<16xi32>
        %parallel_loop3A_840 = arith.constant true
        %parallel_loop3A_841 = vector.broadcast %parallel_loop3A_840 : i1 to vector<16xi1>
        %parallel_loop3A_842 = tpu.scan <sum>, %parallel_loop3A_795 masked %parallel_loop3A_841 : vector<16xi32>, vector<16xi1> -> vector<16xi32>
        %parallel_loop3A_843 = vector.extract %parallel_loop3A_842[15] : i32 from vector<16xi32>
        %parallel_loop3A_844 = vector.broadcast %parallel_loop3A_786 : i32 to vector<16xi32>
        %parallel_loop3A_845 = vector.broadcast %parallel_loop3A_843 : i32 to vector<16xi32>
        tpu.vector_store_idx %arg7[%parallel_loop3A_844], %parallel_loop3A_845 masked %eq3A_324 : memref<256xi32, #tpu.memory_space<vmem>>[vector<16xi32>], vector<16xi32>, vector<16xi1>
      } {sc.loop_unroll_factor = 1 : i64, sc.parallel_access}
      %scan3A_337 = arith.constant 0 : i32
      %scan3A_338 = arith.constant 0 : i32
      %scan3A_339 = arith.constant 16 : i32
      %scan3A_340 = arith.addi %scan3A_338, %scan3A_339 : i32
      %scan3A_341 = arith.constant 1 : i32
      %scan3A_342 = scf.for %scan3A_643 = %scan3A_338 to %scan3A_340 step %scan3A_341 iter_args(%scan3A_644 = %scan3A_337) -> (i32)  : i32 {
        %mul3A_645 = arith.constant 16 : i32
        %mul3A_646 = arith.muli %scan3A_643, %mul3A_645 : i32
        %get3A = arith.index_cast %mul3A_646 : i32 to index
        %get3A_647 = tpu.vector_load %arg7[%get3A] {strides = array<i32>} : memref<256xi32, #tpu.memory_space<vmem>>, vector<16xi32>,
        %broadcast_in_dim3A_648 = arith.constant true
        %broadcast_in_dim3A_649 = vector.broadcast %broadcast_in_dim3A_648 : i1 to vector<16xi1>
        %masked_cumsum3A = tpu.scan <sum>, %get3A_647 masked %broadcast_in_dim3A_649 : vector<16xi32>, vector<16xi1> -> vector<16xi32>
        %sub3A = arith.subi %masked_cumsum3A, %get3A_647 : vector<16xi32>
        %add3A_650 = vector.broadcast %scan3A_644 : i32 to vector<16xi32>
        %add3A_651 = arith.addi %sub3A, %add3A_650 : vector<16xi32>
        %mul3A_652 = arith.constant 16 : i32
        %mul3A_653 = arith.muli %scan3A_643, %mul3A_652 : i32
        %swap3A = arith.index_cast %mul3A_653 : i32 to index
        %swap3A_654 = tpu.vector_load %arg7[%swap3A] {strides = array<i32>} : memref<256xi32, #tpu.memory_space<vmem>>, vector<16xi32>,
        tpu.vector_store %arg7[%swap3A], %add3A_651 {strides = array<i32>} : memref<256xi32, #tpu.memory_space<vmem>>, vector<16xi32>,
        %reduce_sum3A = arith.constant true
        %reduce_sum3A_655 = vector.broadcast %reduce_sum3A : i1 to vector<16xi1>
        %reduce_sum3A_656 = tpu.scan <sum>, %get3A_647 masked %reduce_sum3A_655 : vector<16xi32>, vector<16xi1> -> vector<16xi32>
        %reduce_sum3A_657 = vector.extract %reduce_sum3A_656[15] : i32 from vector<16xi32>
        %add3A_658 = arith.addi %scan3A_644, %reduce_sum3A_657 : i32
        scf.yield %add3A_658 : i32
      }
      %scan3A_343 = arith.constant 16 : i32
      %parallel_loop3A_344 = arith.constant 0 : i32
      %parallel_loop3A_345 = arith.constant 64 : i32
      %parallel_loop3A_346 = arith.constant 1 : i32
      scf.for %parallel_loop3A_643 = %parallel_loop3A_344 to %parallel_loop3A_345 step %parallel_loop3A_346  : i32 {
        %parallel_loop3A_644 = arith.constant 4 : i32
        %parallel_loop3A_645 = arith.muli %parallel_loop3A_643, %parallel_loop3A_644 : i32
        %parallel_loop3A_646 = arith.constant 0 : i32
        %parallel_loop3A_647 = arith.addi %parallel_loop3A_645, %parallel_loop3A_646 : i32
        %parallel_loop3A_648 = vector.broadcast %parallel_loop3A_647 : i32 to vector<16xi32>
        %parallel_loop3A_649 = tpu.vector_load_idx %arg7[%parallel_loop3A_648] : memref<256xi32, #tpu.memory_space<vmem>>[vector<16xi32>], vector<16xi32>,
        %parallel_loop3A_650 = arith.constant 4 : i32
        %parallel_loop3A_651 = arith.muli %parallel_loop3A_643, %parallel_loop3A_650 : i32
        %parallel_loop3A_652 = arith.constant 1 : i32
        %parallel_loop3A_653 = arith.addi %parallel_loop3A_651, %parallel_loop3A_652 : i32
        %parallel_loop3A_654 = vector.broadcast %parallel_loop3A_653 : i32 to vector<16xi32>
        %parallel_loop3A_655 = tpu.vector_load_idx %arg7[%parallel_loop3A_654] : memref<256xi32, #tpu.memory_space<vmem>>[vector<16xi32>], vector<16xi32>,
        %parallel_loop3A_656 = arith.constant 4 : i32
        %parallel_loop3A_657 = arith.muli %parallel_loop3A_643, %parallel_loop3A_656 : i32
        %parallel_loop3A_658 = arith.constant 2 : i32
        %parallel_loop3A_659 = arith.addi %parallel_loop3A_657, %parallel_loop3A_658 : i32
        %parallel_loop3A_660 = vector.broadcast %parallel_loop3A_659 : i32 to vector<16xi32>
        %parallel_loop3A_661 = tpu.vector_load_idx %arg7[%parallel_loop3A_660] : memref<256xi32, #tpu.memory_space<vmem>>[vector<16xi32>], vector<16xi32>,
        %parallel_loop3A_662 = arith.constant 4 : i32
        %parallel_loop3A_663 = arith.muli %parallel_loop3A_643, %parallel_loop3A_662 : i32
        %parallel_loop3A_664 = arith.constant 3 : i32
        %parallel_loop3A_665 = arith.addi %parallel_loop3A_663, %parallel_loop3A_664 : i32
        %parallel_loop3A_666 = vector.broadcast %parallel_loop3A_665 : i32 to vector<16xi32>
        %parallel_loop3A_667 = tpu.vector_load_idx %arg7[%parallel_loop3A_666] : memref<256xi32, #tpu.memory_space<vmem>>[vector<16xi32>], vector<16xi32>,
        %parallel_loop3A_668 = arith.constant 4 : i32
        %parallel_loop3A_669 = arith.muli %parallel_loop3A_643, %parallel_loop3A_668 : i32
        %parallel_loop3A_670 = arith.constant 0 : i32
        %parallel_loop3A_671 = arith.addi %parallel_loop3A_669, %parallel_loop3A_670 : i32
        %parallel_loop3A_672 = arith.constant 16 : i32
        %parallel_loop3A_673 = arith.muli %parallel_loop3A_671, %parallel_loop3A_672 : i32
        %parallel_loop3A_674 = arith.constant 0 : i32
        %parallel_loop3A_675 = arith.addi %parallel_loop3A_674, %parallel_loop3A_673 : i32
        %parallel_loop3A_676 = arith.index_cast %parallel_loop3A_675 : i32 to index
        %parallel_loop3A_677 = tpu.vector_load %arg6[%parallel_loop3A_676] {strides = array<i32>} : memref<32768xi32, #tpu.memory_space<vmem>>, vector<16xi32>,
        tpu.vector_store %arg6[%parallel_loop3A_676], %parallel_loop3A_649 {add = true, strides = array<i32>} : memref<32768xi32, #tpu.memory_space<vmem>>, vector<16xi32>,
        %parallel_loop3A_678 = arith.constant 4096 : i32
        %parallel_loop3A_679 = arith.addi %parallel_loop3A_678, %parallel_loop3A_673 : i32
        %parallel_loop3A_680 = arith.index_cast %parallel_loop3A_679 : i32 to index
        %parallel_loop3A_681 = tpu.vector_load %arg6[%parallel_loop3A_680] {strides = array<i32>} : memref<32768xi32, #tpu.memory_space<vmem>>, vector<16xi32>,
        tpu.vector_store %arg6[%parallel_loop3A_680], %parallel_loop3A_649 {add = true, strides = array<i32>} : memref<32768xi32, #tpu.memory_space<vmem>>, vector<16xi32>,
        %parallel_loop3A_682 = arith.constant 8192 : i32
        %parallel_loop3A_683 = arith.addi %parallel_loop3A_682, %parallel_loop3A_673 : i32
        %parallel_loop3A_684 = arith.index_cast %parallel_loop3A_683 : i32 to index
        %parallel_loop3A_685 = tpu.vector_load %arg6[%parallel_loop3A_684] {strides = array<i32>} : memref<32768xi32, #tpu.memory_space<vmem>>, vector<16xi32>,
        tpu.vector_store %arg6[%parallel_loop3A_684], %parallel_loop3A_649 {add = true, strides = array<i32>} : memref<32768xi32, #tpu.memory_space<vmem>>, vector<16xi32>,
        %parallel_loop3A_686 = arith.constant 12288 : i32
        %parallel_loop3A_687 = arith.addi %parallel_loop3A_686, %parallel_loop3A_673 : i32
        %parallel_loop3A_688 = arith.index_cast %parallel_loop3A_687 : i32 to index
        %parallel_loop3A_689 = tpu.vector_load %arg6[%parallel_loop3A_688] {strides = array<i32>} : memref<32768xi32, #tpu.memory_space<vmem>>, vector<16xi32>,
        tpu.vector_store %arg6[%parallel_loop3A_688], %parallel_loop3A_649 {add = true, strides = array<i32>} : memref<32768xi32, #tpu.memory_space<vmem>>, vector<16xi32>,
        %parallel_loop3A_690 = arith.constant 16384 : i32
        %parallel_loop3A_691 = arith.addi %parallel_loop3A_690, %parallel_loop3A_673 : i32
        %parallel_loop3A_692 = arith.index_cast %parallel_loop3A_691 : i32 to index
        %parallel_loop3A_693 = tpu.vector_load %arg6[%parallel_loop3A_692] {strides = array<i32>} : memref<32768xi32, #tpu.memory_space<vmem>>, vector<16xi32>,
        tpu.vector_store %arg6[%parallel_loop3A_692], %parallel_loop3A_649 {add = true, strides = array<i32>} : memref<32768xi32, #tpu.memory_space<vmem>>, vector<16xi32>,
        %parallel_loop3A_694 = arith.constant 20480 : i32
        %parallel_loop3A_695 = arith.addi %parallel_loop3A_694, %parallel_loop3A_673 : i32
        %parallel_loop3A_696 = arith.index_cast %parallel_loop3A_695 : i32 to index
        %parallel_loop3A_697 = tpu.vector_load %arg6[%parallel_loop3A_696] {strides = array<i32>} : memref<32768xi32, #tpu.memory_space<vmem>>, vector<16xi32>,
        tpu.vector_store %arg6[%parallel_loop3A_696], %parallel_loop3A_649 {add = true, strides = array<i32>} : memref<32768xi32, #tpu.memory_space<vmem>>, vector<16xi32>,
        %parallel_loop3A_698 = arith.constant 24576 : i32
        %parallel_loop3A_699 = arith.addi %parallel_loop3A_698, %parallel_loop3A_673 : i32
        %parallel_loop3A_700 = arith.index_cast %parallel_loop3A_699 : i32 to index
        %parallel_loop3A_701 = tpu.vector_load %arg6[%parallel_loop3A_700] {strides = array<i32>} : memref<32768xi32, #tpu.memory_space<vmem>>, vector<16xi32>,
        tpu.vector_store %arg6[%parallel_loop3A_700], %parallel_loop3A_649 {add = true, strides = array<i32>} : memref<32768xi32, #tpu.memory_space<vmem>>, vector<16xi32>,
        %parallel_loop3A_702 = arith.constant 28672 : i32
        %parallel_loop3A_703 = arith.addi %parallel_loop3A_702, %parallel_loop3A_673 : i32
        %parallel_loop3A_704 = arith.index_cast %parallel_loop3A_703 : i32 to index
        %parallel_loop3A_705 = tpu.vector_load %arg6[%parallel_loop3A_704] {strides = array<i32>} : memref<32768xi32, #tpu.memory_space<vmem>>, vector<16xi32>,
        tpu.vector_store %arg6[%parallel_loop3A_704], %parallel_loop3A_649 {add = true, strides = array<i32>} : memref<32768xi32, #tpu.memory_space<vmem>>, vector<16xi32>,
        %parallel_loop3A_706 = arith.constant 4 : i32
        %parallel_loop3A_707 = arith.muli %parallel_loop3A_643, %parallel_loop3A_706 : i32
        %parallel_loop3A_708 = arith.constant 1 : i32
        %parallel_loop3A_709 = arith.addi %parallel_loop3A_707, %parallel_loop3A_708 : i32
        %parallel_loop3A_710 = arith.constant 16 : i32
        %parallel_loop3A_711 = arith.muli %parallel_loop3A_709, %parallel_loop3A_710 : i32
        %parallel_loop3A_712 = arith.constant 0 : i32
        %parallel_loop3A_713 = arith.addi %parallel_loop3A_712, %parallel_loop3A_711 : i32
        %parallel_loop3A_714 = arith.index_cast %parallel_loop3A_713 : i32 to index
        %parallel_loop3A_715 = tpu.vector_load %arg6[%parallel_loop3A_714] {strides = array<i32>} : memref<32768xi32, #tpu.memory_space<vmem>>, vector<16xi32>,
        tpu.vector_store %arg6[%parallel_loop3A_714], %parallel_loop3A_655 {add = true, strides = array<i32>} : memref<32768xi32, #tpu.memory_space<vmem>>, vector<16xi32>,
        %parallel_loop3A_716 = arith.constant 4096 : i32
        %parallel_loop3A_717 = arith.addi %parallel_loop3A_716, %parallel_loop3A_711 : i32
        %parallel_loop3A_718 = arith.index_cast %parallel_loop3A_717 : i32 to index
        %parallel_loop3A_719 = tpu.vector_load %arg6[%parallel_loop3A_718] {strides = array<i32>} : memref<32768xi32, #tpu.memory_space<vmem>>, vector<16xi32>,
        tpu.vector_store %arg6[%parallel_loop3A_718], %parallel_loop3A_655 {add = true, strides = array<i32>} : memref<32768xi32, #tpu.memory_space<vmem>>, vector<16xi32>,
        %parallel_loop3A_720 = arith.constant 8192 : i32
        %parallel_loop3A_721 = arith.addi %parallel_loop3A_720, %parallel_loop3A_711 : i32
        %parallel_loop3A_722 = arith.index_cast %parallel_loop3A_721 : i32 to index
        %parallel_loop3A_723 = tpu.vector_load %arg6[%parallel_loop3A_722] {strides = array<i32>} : memref<32768xi32, #tpu.memory_space<vmem>>, vector<16xi32>,
        tpu.vector_store %arg6[%parallel_loop3A_722], %parallel_loop3A_655 {add = true, strides = array<i32>} : memref<32768xi32, #tpu.memory_space<vmem>>, vector<16xi32>,
        %parallel_loop3A_724 = arith.constant 12288 : i32
        %parallel_loop3A_725 = arith.addi %parallel_loop3A_724, %parallel_loop3A_711 : i32
        %parallel_loop3A_726 = arith.index_cast %parallel_loop3A_725 : i32 to index
        %parallel_loop3A_727 = tpu.vector_load %arg6[%parallel_loop3A_726] {strides = array<i32>} : memref<32768xi32, #tpu.memory_space<vmem>>, vector<16xi32>,
        tpu.vector_store %arg6[%parallel_loop3A_726], %parallel_loop3A_655 {add = true, strides = array<i32>} : memref<32768xi32, #tpu.memory_space<vmem>>, vector<16xi32>,
        %parallel_loop3A_728 = arith.constant 16384 : i32
        %parallel_loop3A_729 = arith.addi %parallel_loop3A_728, %parallel_loop3A_711 : i32
        %parallel_loop3A_730 = arith.index_cast %parallel_loop3A_729 : i32 to index
        %parallel_loop3A_731 = tpu.vector_load %arg6[%parallel_loop3A_730] {strides = array<i32>} : memref<32768xi32, #tpu.memory_space<vmem>>, vector<16xi32>,
        tpu.vector_store %arg6[%parallel_loop3A_730], %parallel_loop3A_655 {add = true, strides = array<i32>} : memref<32768xi32, #tpu.memory_space<vmem>>, vector<16xi32>,
        %parallel_loop3A_732 = arith.constant 20480 : i32
        %parallel_loop3A_733 = arith.addi %parallel_loop3A_732, %parallel_loop3A_711 : i32
        %parallel_loop3A_734 = arith.index_cast %parallel_loop3A_733 : i32 to index
        %parallel_loop3A_735 = tpu.vector_load %arg6[%parallel_loop3A_734] {strides = array<i32>} : memref<32768xi32, #tpu.memory_space<vmem>>, vector<16xi32>,
        tpu.vector_store %arg6[%parallel_loop3A_734], %parallel_loop3A_655 {add = true, strides = array<i32>} : memref<32768xi32, #tpu.memory_space<vmem>>, vector<16xi32>,
        %parallel_loop3A_736 = arith.constant 24576 : i32
        %parallel_loop3A_737 = arith.addi %parallel_loop3A_736, %parallel_loop3A_711 : i32
        %parallel_loop3A_738 = arith.index_cast %parallel_loop3A_737 : i32 to index
        %parallel_loop3A_739 = tpu.vector_load %arg6[%parallel_loop3A_738] {strides = array<i32>} : memref<32768xi32, #tpu.memory_space<vmem>>, vector<16xi32>,
        tpu.vector_store %arg6[%parallel_loop3A_738], %parallel_loop3A_655 {add = true, strides = array<i32>} : memref<32768xi32, #tpu.memory_space<vmem>>, vector<16xi32>,
        %parallel_loop3A_740 = arith.constant 28672 : i32
        %parallel_loop3A_741 = arith.addi %parallel_loop3A_740, %parallel_loop3A_711 : i32
        %parallel_loop3A_742 = arith.index_cast %parallel_loop3A_741 : i32 to index
        %parallel_loop3A_743 = tpu.vector_load %arg6[%parallel_loop3A_742] {strides = array<i32>} : memref<32768xi32, #tpu.memory_space<vmem>>, vector<16xi32>,
        tpu.vector_store %arg6[%parallel_loop3A_742], %parallel_loop3A_655 {add = true, strides = array<i32>} : memref<32768xi32, #tpu.memory_space<vmem>>, vector<16xi32>,
        %parallel_loop3A_744 = arith.constant 4 : i32
        %parallel_loop3A_745 = arith.muli %parallel_loop3A_643, %parallel_loop3A_744 : i32
        %parallel_loop3A_746 = arith.constant 2 : i32
        %parallel_loop3A_747 = arith.addi %parallel_loop3A_745, %parallel_loop3A_746 : i32
        %parallel_loop3A_748 = arith.constant 16 : i32
        %parallel_loop3A_749 = arith.muli %parallel_loop3A_747, %parallel_loop3A_748 : i32
        %parallel_loop3A_750 = arith.constant 0 : i32
        %parallel_loop3A_751 = arith.addi %parallel_loop3A_750, %parallel_loop3A_749 : i32
        %parallel_loop3A_752 = arith.index_cast %parallel_loop3A_751 : i32 to index
        %parallel_loop3A_753 = tpu.vector_load %arg6[%parallel_loop3A_752] {strides = array<i32>} : memref<32768xi32, #tpu.memory_space<vmem>>, vector<16xi32>,
        tpu.vector_store %arg6[%parallel_loop3A_752], %parallel_loop3A_661 {add = true, strides = array<i32>} : memref<32768xi32, #tpu.memory_space<vmem>>, vector<16xi32>,
        %parallel_loop3A_754 = arith.constant 4096 : i32
        %parallel_loop3A_755 = arith.addi %parallel_loop3A_754, %parallel_loop3A_749 : i32
        %parallel_loop3A_756 = arith.index_cast %parallel_loop3A_755 : i32 to index
        %parallel_loop3A_757 = tpu.vector_load %arg6[%parallel_loop3A_756] {strides = array<i32>} : memref<32768xi32, #tpu.memory_space<vmem>>, vector<16xi32>,
        tpu.vector_store %arg6[%parallel_loop3A_756], %parallel_loop3A_661 {add = true, strides = array<i32>} : memref<32768xi32, #tpu.memory_space<vmem>>, vector<16xi32>,
        %parallel_loop3A_758 = arith.constant 8192 : i32
        %parallel_loop3A_759 = arith.addi %parallel_loop3A_758, %parallel_loop3A_749 : i32
        %parallel_loop3A_760 = arith.index_cast %parallel_loop3A_759 : i32 to index
        %parallel_loop3A_761 = tpu.vector_load %arg6[%parallel_loop3A_760] {strides = array<i32>} : memref<32768xi32, #tpu.memory_space<vmem>>, vector<16xi32>,
        tpu.vector_store %arg6[%parallel_loop3A_760], %parallel_loop3A_661 {add = true, strides = array<i32>} : memref<32768xi32, #tpu.memory_space<vmem>>, vector<16xi32>,
        %parallel_loop3A_762 = arith.constant 12288 : i32
        %parallel_loop3A_763 = arith.addi %parallel_loop3A_762, %parallel_loop3A_749 : i32
        %parallel_loop3A_764 = arith.index_cast %parallel_loop3A_763 : i32 to index
        %parallel_loop3A_765 = tpu.vector_load %arg6[%parallel_loop3A_764] {strides = array<i32>} : memref<32768xi32, #tpu.memory_space<vmem>>, vector<16xi32>,
        tpu.vector_store %arg6[%parallel_loop3A_764], %parallel_loop3A_661 {add = true, strides = array<i32>} : memref<32768xi32, #tpu.memory_space<vmem>>, vector<16xi32>,
        %parallel_loop3A_766 = arith.constant 16384 : i32
        %parallel_loop3A_767 = arith.addi %parallel_loop3A_766, %parallel_loop3A_749 : i32
        %parallel_loop3A_768 = arith.index_cast %parallel_loop3A_767 : i32 to index
        %parallel_loop3A_769 = tpu.vector_load %arg6[%parallel_loop3A_768] {strides = array<i32>} : memref<32768xi32, #tpu.memory_space<vmem>>, vector<16xi32>,
        tpu.vector_store %arg6[%parallel_loop3A_768], %parallel_loop3A_661 {add = true, strides = array<i32>} : memref<32768xi32, #tpu.memory_space<vmem>>, vector<16xi32>,
        %parallel_loop3A_770 = arith.constant 20480 : i32
        %parallel_loop3A_771 = arith.addi %parallel_loop3A_770, %parallel_loop3A_749 : i32
        %parallel_loop3A_772 = arith.index_cast %parallel_loop3A_771 : i32 to index
        %parallel_loop3A_773 = tpu.vector_load %arg6[%parallel_loop3A_772] {strides = array<i32>} : memref<32768xi32, #tpu.memory_space<vmem>>, vector<16xi32>,
        tpu.vector_store %arg6[%parallel_loop3A_772], %parallel_loop3A_661 {add = true, strides = array<i32>} : memref<32768xi32, #tpu.memory_space<vmem>>, vector<16xi32>,
        %parallel_loop3A_774 = arith.constant 24576 : i32
        %parallel_loop3A_775 = arith.addi %parallel_loop3A_774, %parallel_loop3A_749 : i32
        %parallel_loop3A_776 = arith.index_cast %parallel_loop3A_775 : i32 to index
        %parallel_loop3A_777 = tpu.vector_load %arg6[%parallel_loop3A_776] {strides = array<i32>} : memref<32768xi32, #tpu.memory_space<vmem>>, vector<16xi32>,
        tpu.vector_store %arg6[%parallel_loop3A_776], %parallel_loop3A_661 {add = true, strides = array<i32>} : memref<32768xi32, #tpu.memory_space<vmem>>, vector<16xi32>,
        %parallel_loop3A_778 = arith.constant 28672 : i32
        %parallel_loop3A_779 = arith.addi %parallel_loop3A_778, %parallel_loop3A_749 : i32
        %parallel_loop3A_780 = arith.index_cast %parallel_loop3A_779 : i32 to index
        %parallel_loop3A_781 = tpu.vector_load %arg6[%parallel_loop3A_780] {strides = array<i32>} : memref<32768xi32, #tpu.memory_space<vmem>>, vector<16xi32>,
        tpu.vector_store %arg6[%parallel_loop3A_780], %parallel_loop3A_661 {add = true, strides = array<i32>} : memref<32768xi32, #tpu.memory_space<vmem>>, vector<16xi32>,
        %parallel_loop3A_782 = arith.constant 4 : i32
        %parallel_loop3A_783 = arith.muli %parallel_loop3A_643, %parallel_loop3A_782 : i32
        %parallel_loop3A_784 = arith.constant 3 : i32
        %parallel_loop3A_785 = arith.addi %parallel_loop3A_783, %parallel_loop3A_784 : i32
        %parallel_loop3A_786 = arith.constant 16 : i32
        %parallel_loop3A_787 = arith.muli %parallel_loop3A_785, %parallel_loop3A_786 : i32
        %parallel_loop3A_788 = arith.constant 0 : i32
        %parallel_loop3A_789 = arith.addi %parallel_loop3A_788, %parallel_loop3A_787 : i32
        %parallel_loop3A_790 = arith.index_cast %parallel_loop3A_789 : i32 to index
        %parallel_loop3A_791 = tpu.vector_load %arg6[%parallel_loop3A_790] {strides = array<i32>} : memref<32768xi32, #tpu.memory_space<vmem>>, vector<16xi32>,
        tpu.vector_store %arg6[%parallel_loop3A_790], %parallel_loop3A_667 {add = true, strides = array<i32>} : memref<32768xi32, #tpu.memory_space<vmem>>, vector<16xi32>,
        %parallel_loop3A_792 = arith.constant 4096 : i32
        %parallel_loop3A_793 = arith.addi %parallel_loop3A_792, %parallel_loop3A_787 : i32
        %parallel_loop3A_794 = arith.index_cast %parallel_loop3A_793 : i32 to index
        %parallel_loop3A_795 = tpu.vector_load %arg6[%parallel_loop3A_794] {strides = array<i32>} : memref<32768xi32, #tpu.memory_space<vmem>>, vector<16xi32>,
        tpu.vector_store %arg6[%parallel_loop3A_794], %parallel_loop3A_667 {add = true, strides = array<i32>} : memref<32768xi32, #tpu.memory_space<vmem>>, vector<16xi32>,
        %parallel_loop3A_796 = arith.constant 8192 : i32
        %parallel_loop3A_797 = arith.addi %parallel_loop3A_796, %parallel_loop3A_787 : i32
        %parallel_loop3A_798 = arith.index_cast %parallel_loop3A_797 : i32 to index
        %parallel_loop3A_799 = tpu.vector_load %arg6[%parallel_loop3A_798] {strides = array<i32>} : memref<32768xi32, #tpu.memory_space<vmem>>, vector<16xi32>,
        tpu.vector_store %arg6[%parallel_loop3A_798], %parallel_loop3A_667 {add = true, strides = array<i32>} : memref<32768xi32, #tpu.memory_space<vmem>>, vector<16xi32>,
        %parallel_loop3A_800 = arith.constant 12288 : i32
        %parallel_loop3A_801 = arith.addi %parallel_loop3A_800, %parallel_loop3A_787 : i32
        %parallel_loop3A_802 = arith.index_cast %parallel_loop3A_801 : i32 to index
        %parallel_loop3A_803 = tpu.vector_load %arg6[%parallel_loop3A_802] {strides = array<i32>} : memref<32768xi32, #tpu.memory_space<vmem>>, vector<16xi32>,
        tpu.vector_store %arg6[%parallel_loop3A_802], %parallel_loop3A_667 {add = true, strides = array<i32>} : memref<32768xi32, #tpu.memory_space<vmem>>, vector<16xi32>,
        %parallel_loop3A_804 = arith.constant 16384 : i32
        %parallel_loop3A_805 = arith.addi %parallel_loop3A_804, %parallel_loop3A_787 : i32
        %parallel_loop3A_806 = arith.index_cast %parallel_loop3A_805 : i32 to index
        %parallel_loop3A_807 = tpu.vector_load %arg6[%parallel_loop3A_806] {strides = array<i32>} : memref<32768xi32, #tpu.memory_space<vmem>>, vector<16xi32>,
        tpu.vector_store %arg6[%parallel_loop3A_806], %parallel_loop3A_667 {add = true, strides = array<i32>} : memref<32768xi32, #tpu.memory_space<vmem>>, vector<16xi32>,
        %parallel_loop3A_808 = arith.constant 20480 : i32
        %parallel_loop3A_809 = arith.addi %parallel_loop3A_808, %parallel_loop3A_787 : i32
        %parallel_loop3A_810 = arith.index_cast %parallel_loop3A_809 : i32 to index
        %parallel_loop3A_811 = tpu.vector_load %arg6[%parallel_loop3A_810] {strides = array<i32>} : memref<32768xi32, #tpu.memory_space<vmem>>, vector<16xi32>,
        tpu.vector_store %arg6[%parallel_loop3A_810], %parallel_loop3A_667 {add = true, strides = array<i32>} : memref<32768xi32, #tpu.memory_space<vmem>>, vector<16xi32>,
        %parallel_loop3A_812 = arith.constant 24576 : i32
        %parallel_loop3A_813 = arith.addi %parallel_loop3A_812, %parallel_loop3A_787 : i32
        %parallel_loop3A_814 = arith.index_cast %parallel_loop3A_813 : i32 to index
        %parallel_loop3A_815 = tpu.vector_load %arg6[%parallel_loop3A_814] {strides = array<i32>} : memref<32768xi32, #tpu.memory_space<vmem>>, vector<16xi32>,
        tpu.vector_store %arg6[%parallel_loop3A_814], %parallel_loop3A_667 {add = true, strides = array<i32>} : memref<32768xi32, #tpu.memory_space<vmem>>, vector<16xi32>,
        %parallel_loop3A_816 = arith.constant 28672 : i32
        %parallel_loop3A_817 = arith.addi %parallel_loop3A_816, %parallel_loop3A_787 : i32
        %parallel_loop3A_818 = arith.index_cast %parallel_loop3A_817 : i32 to index
        %parallel_loop3A_819 = tpu.vector_load %arg6[%parallel_loop3A_818] {strides = array<i32>} : memref<32768xi32, #tpu.memory_space<vmem>>, vector<16xi32>,
        tpu.vector_store %arg6[%parallel_loop3A_818], %parallel_loop3A_667 {add = true, strides = array<i32>} : memref<32768xi32, #tpu.memory_space<vmem>>, vector<16xi32>,
      } {sc.loop_unroll_factor = 1 : i64, sc.parallel_access}
      %add3A_347 = arith.constant 0 : i32
      %add3A_348 = vector.broadcast %add3A_347 : i32 to vector<16xi32>
      %add3A_349 = arith.addi %mul3A_327, %add3A_348 : vector<16xi32>
      %gather3A_350 = tpu.vector_load_idx %arg4[%add3A_349] : memref<32768xf32, #tpu.memory_space<vmem>>[vector<16xi32>], vector<16xf32>,
      %bitcast3A_351 = vector.bitcast %gather3A_350 : vector<16xf32> to vector<16xi32>
      %shift_right_arithmetic3A_352 = arith.constant 16 : i32
      %shift_right_arithmetic3A_353 = vector.broadcast %shift_right_arithmetic3A_352 : i32 to vector<16xi32>
      %shift_right_arithmetic3A_354 = arith.shrsi %bitcast3A_351, %shift_right_arithmetic3A_353 : vector<16xi32>
      %and3A_355 = arith.constant 255 : i32
      %and3A_356 = vector.broadcast %and3A_355 : i32 to vector<16xi32>
      %and3A_357 = arith.andi %shift_right_arithmetic3A_354, %and3A_356 : vector<16xi32>
      %shift_left3A_358 = arith.constant 4 : i32
      %shift_left3A_359 = vector.broadcast %shift_left3A_358 : i32 to vector<16xi32>
      %shift_left3A_360 = arith.shli %and3A_357, %shift_left3A_359 : vector<16xi32>
      %add3A_361 = arith.constant 0 : i32
      %add3A_362 = vector.broadcast %add3A_361 : i32 to vector<16xi32>
      %add3A_363 = arith.addi %iota3A, %add3A_362 : vector<16xi32>
      %add3A_364 = arith.addi %shift_left3A_360, %add3A_363 : vector<16xi32>
      %add3A_365 = arith.constant 256 : i32
      %add3A_366 = vector.broadcast %add3A_365 : i32 to vector<16xi32>
      %add3A_367 = arith.addi %mul3A_327, %add3A_366 : vector<16xi32>
      %gather3A_368 = tpu.vector_load_idx %arg4[%add3A_367] : memref<32768xf32, #tpu.memory_space<vmem>>[vector<16xi32>], vector<16xf32>,
      %scan3A_369 = arith.constant 0 : i32
      %scan3A_370 = arith.constant 2044 : i32
      %scan3A_371 = arith.addi %scan3A_369, %scan3A_370 : i32
      %scan3A_372 = arith.constant 4 : i32
      %scan3A_373:3 = scf.for %scan3A_643 = %scan3A_369 to %scan3A_371 step %scan3A_372 iter_args(%scan3A_644 = %bitcast3A_351, %scan3A_645 = %add3A_364, %scan3A_646 = %gather3A_368) -> (vector<16xi32>, vector<16xi32>, vector<16xf32>)  : i32 {
        %add3A_647 = arith.constant 2 : i32
        %add3A_648 = arith.addi %scan3A_643, %add3A_647 : i32
        %and3A_649 = arith.constant 7 : i32
        %and3A_650 = arith.andi %add3A_648, %and3A_649 : i32
        %shift_right_arithmetic3A_651 = arith.constant 3 : i32
        %shift_right_arithmetic3A_652 = arith.shrsi %add3A_648, %shift_right_arithmetic3A_651 : i32
        %mul3A_653 = arith.constant 256 : i32
        %mul3A_654 = arith.muli %and3A_650, %mul3A_653 : i32
        %add3A_655 = arith.addi %mul3A_654, %shift_right_arithmetic3A_652 : i32
        %add3A_656 = vector.broadcast %add3A_655 : i32 to vector<16xi32>
        %add3A_657 = arith.addi %mul3A_327, %add3A_656 : vector<16xi32>
        %gather3A_658 = tpu.vector_load_idx %arg4[%add3A_657] : memref<32768xf32, #tpu.memory_space<vmem>>[vector<16xi32>], vector<16xf32>,
        %add3A_659 = arith.constant 1 : i32
        %add3A_660 = arith.addi %scan3A_643, %add3A_659 : i32
        %bitcast3A_661 = vector.bitcast %scan3A_646 : vector<16xf32> to vector<16xi32>
        %shift_right_arithmetic3A_662 = arith.constant 16 : i32
        %shift_right_arithmetic3A_663 = vector.broadcast %shift_right_arithmetic3A_662 : i32 to vector<16xi32>
        %shift_right_arithmetic3A_664 = arith.shrsi %bitcast3A_661, %shift_right_arithmetic3A_663 : vector<16xi32>
        %and3A_665 = arith.constant 255 : i32
        %and3A_666 = vector.broadcast %and3A_665 : i32 to vector<16xi32>
        %and3A_667 = arith.andi %shift_right_arithmetic3A_664, %and3A_666 : vector<16xi32>
        %shift_left3A_668 = arith.constant 4 : i32
        %shift_left3A_669 = vector.broadcast %shift_left3A_668 : i32 to vector<16xi32>
        %shift_left3A_670 = arith.shli %and3A_667, %shift_left3A_669 : vector<16xi32>
        %and3A_671 = arith.constant 7 : i32
        %and3A_672 = arith.andi %add3A_660, %and3A_671 : i32
        %shift_left3A_673 = arith.constant 12 : i32
        %shift_left3A_674 = arith.shli %and3A_672, %shift_left3A_673 : i32
        %add3A_675 = vector.broadcast %shift_left3A_674 : i32 to vector<16xi32>
        %add3A_676 = arith.addi %iota3A, %add3A_675 : vector<16xi32>
        %add3A_677 = arith.addi %shift_left3A_670, %add3A_676 : vector<16xi32>
        %gather3A_678 = tpu.vector_load_idx %arg6[%scan3A_645] : memref<32768xi32, #tpu.memory_space<vmem>>[vector<16xi32>], vector<16xi32>,
        %bitcast3A_679 = vector.bitcast %scan3A_644 : vector<16xi32> to vector<16xf32>
        tpu.vector_store_idx %arg5[%gather3A_678], %bitcast3A_679 : memref<32768xf32, #tpu.memory_space<vmem>>[vector<16xi32>], vector<16xf32>,
        tpu.vector_store_idx %arg6[%scan3A_645], %broadcast_in_dim3A_319 {add = true} : memref<32768xi32, #tpu.memory_space<vmem>>[vector<16xi32>], vector<16xi32>,
        %scan3A_680 = arith.constant 1 : i32
        %scan3A_681 = arith.addi %scan3A_643, %scan3A_680 : i32
        %add3A_682 = arith.constant 2 : i32
        %add3A_683 = arith.addi %scan3A_681, %add3A_682 : i32
        %and3A_684 = arith.constant 7 : i32
        %and3A_685 = arith.andi %add3A_683, %and3A_684 : i32
        %shift_right_arithmetic3A_686 = arith.constant 3 : i32
        %shift_right_arithmetic3A_687 = arith.shrsi %add3A_683, %shift_right_arithmetic3A_686 : i32
        %mul3A_688 = arith.constant 256 : i32
        %mul3A_689 = arith.muli %and3A_685, %mul3A_688 : i32
        %add3A_690 = arith.addi %mul3A_689, %shift_right_arithmetic3A_687 : i32
        %add3A_691 = vector.broadcast %add3A_690 : i32 to vector<16xi32>
        %add3A_692 = arith.addi %mul3A_327, %add3A_691 : vector<16xi32>
        %gather3A_693 = tpu.vector_load_idx %arg4[%add3A_692] : memref<32768xf32, #tpu.memory_space<vmem>>[vector<16xi32>], vector<16xf32>,
        %add3A_694 = arith.constant 1 : i32
        %add3A_695 = arith.addi %scan3A_681, %add3A_694 : i32
        %bitcast3A_696 = vector.bitcast %gather3A_658 : vector<16xf32> to vector<16xi32>
        %shift_right_arithmetic3A_697 = arith.constant 16 : i32
        %shift_right_arithmetic3A_698 = vector.broadcast %shift_right_arithmetic3A_697 : i32 to vector<16xi32>
        %shift_right_arithmetic3A_699 = arith.shrsi %bitcast3A_696, %shift_right_arithmetic3A_698 : vector<16xi32>
        %and3A_700 = arith.constant 255 : i32
        %and3A_701 = vector.broadcast %and3A_700 : i32 to vector<16xi32>
        %and3A_702 = arith.andi %shift_right_arithmetic3A_699, %and3A_701 : vector<16xi32>
        %shift_left3A_703 = arith.constant 4 : i32
        %shift_left3A_704 = vector.broadcast %shift_left3A_703 : i32 to vector<16xi32>
        %shift_left3A_705 = arith.shli %and3A_702, %shift_left3A_704 : vector<16xi32>
        %and3A_706 = arith.constant 7 : i32
        %and3A_707 = arith.andi %add3A_695, %and3A_706 : i32
        %shift_left3A_708 = arith.constant 12 : i32
        %shift_left3A_709 = arith.shli %and3A_707, %shift_left3A_708 : i32
        %add3A_710 = vector.broadcast %shift_left3A_709 : i32 to vector<16xi32>
        %add3A_711 = arith.addi %iota3A, %add3A_710 : vector<16xi32>
        %add3A_712 = arith.addi %shift_left3A_705, %add3A_711 : vector<16xi32>
        %gather3A_713 = tpu.vector_load_idx %arg6[%add3A_677] : memref<32768xi32, #tpu.memory_space<vmem>>[vector<16xi32>], vector<16xi32>,
        %bitcast3A_714 = vector.bitcast %bitcast3A_661 : vector<16xi32> to vector<16xf32>
        tpu.vector_store_idx %arg5[%gather3A_713], %bitcast3A_714 : memref<32768xf32, #tpu.memory_space<vmem>>[vector<16xi32>], vector<16xf32>,
        tpu.vector_store_idx %arg6[%add3A_677], %broadcast_in_dim3A_319 {add = true} : memref<32768xi32, #tpu.memory_space<vmem>>[vector<16xi32>], vector<16xi32>,
        %scan3A_715 = arith.constant 2 : i32
        %scan3A_716 = arith.addi %scan3A_643, %scan3A_715 : i32
        %add3A_717 = arith.constant 2 : i32
        %add3A_718 = arith.addi %scan3A_716, %add3A_717 : i32
        %and3A_719 = arith.constant 7 : i32
        %and3A_720 = arith.andi %add3A_718, %and3A_719 : i32
        %shift_right_arithmetic3A_721 = arith.constant 3 : i32
        %shift_right_arithmetic3A_722 = arith.shrsi %add3A_718, %shift_right_arithmetic3A_721 : i32
        %mul3A_723 = arith.constant 256 : i32
        %mul3A_724 = arith.muli %and3A_720, %mul3A_723 : i32
        %add3A_725 = arith.addi %mul3A_724, %shift_right_arithmetic3A_722 : i32
        %add3A_726 = vector.broadcast %add3A_725 : i32 to vector<16xi32>
        %add3A_727 = arith.addi %mul3A_327, %add3A_726 : vector<16xi32>
        %gather3A_728 = tpu.vector_load_idx %arg4[%add3A_727] : memref<32768xf32, #tpu.memory_space<vmem>>[vector<16xi32>], vector<16xf32>,
        %add3A_729 = arith.constant 1 : i32
        %add3A_730 = arith.addi %scan3A_716, %add3A_729 : i32
        %bitcast3A_731 = vector.bitcast %gather3A_693 : vector<16xf32> to vector<16xi32>
        %shift_right_arithmetic3A_732 = arith.constant 16 : i32
        %shift_right_arithmetic3A_733 = vector.broadcast %shift_right_arithmetic3A_732 : i32 to vector<16xi32>
        %shift_right_arithmetic3A_734 = arith.shrsi %bitcast3A_731, %shift_right_arithmetic3A_733 : vector<16xi32>
        %and3A_735 = arith.constant 255 : i32
        %and3A_736 = vector.broadcast %and3A_735 : i32 to vector<16xi32>
        %and3A_737 = arith.andi %shift_right_arithmetic3A_734, %and3A_736 : vector<16xi32>
        %shift_left3A_738 = arith.constant 4 : i32
        %shift_left3A_739 = vector.broadcast %shift_left3A_738 : i32 to vector<16xi32>
        %shift_left3A_740 = arith.shli %and3A_737, %shift_left3A_739 : vector<16xi32>
        %and3A_741 = arith.constant 7 : i32
        %and3A_742 = arith.andi %add3A_730, %and3A_741 : i32
        %shift_left3A_743 = arith.constant 12 : i32
        %shift_left3A_744 = arith.shli %and3A_742, %shift_left3A_743 : i32
        %add3A_745 = vector.broadcast %shift_left3A_744 : i32 to vector<16xi32>
        %add3A_746 = arith.addi %iota3A, %add3A_745 : vector<16xi32>
        %add3A_747 = arith.addi %shift_left3A_740, %add3A_746 : vector<16xi32>
        %gather3A_748 = tpu.vector_load_idx %arg6[%add3A_712] : memref<32768xi32, #tpu.memory_space<vmem>>[vector<16xi32>], vector<16xi32>,
        %bitcast3A_749 = vector.bitcast %bitcast3A_696 : vector<16xi32> to vector<16xf32>
        tpu.vector_store_idx %arg5[%gather3A_748], %bitcast3A_749 : memref<32768xf32, #tpu.memory_space<vmem>>[vector<16xi32>], vector<16xf32>,
        tpu.vector_store_idx %arg6[%add3A_712], %broadcast_in_dim3A_319 {add = true} : memref<32768xi32, #tpu.memory_space<vmem>>[vector<16xi32>], vector<16xi32>,
        %scan3A_750 = arith.constant 3 : i32
        %scan3A_751 = arith.addi %scan3A_643, %scan3A_750 : i32
        %add3A_752 = arith.constant 2 : i32
        %add3A_753 = arith.addi %scan3A_751, %add3A_752 : i32
        %and3A_754 = arith.constant 7 : i32
        %and3A_755 = arith.andi %add3A_753, %and3A_754 : i32
        %shift_right_arithmetic3A_756 = arith.constant 3 : i32
        %shift_right_arithmetic3A_757 = arith.shrsi %add3A_753, %shift_right_arithmetic3A_756 : i32
        %mul3A_758 = arith.constant 256 : i32
        %mul3A_759 = arith.muli %and3A_755, %mul3A_758 : i32
        %add3A_760 = arith.addi %mul3A_759, %shift_right_arithmetic3A_757 : i32
        %add3A_761 = vector.broadcast %add3A_760 : i32 to vector<16xi32>
        %add3A_762 = arith.addi %mul3A_327, %add3A_761 : vector<16xi32>
        %gather3A_763 = tpu.vector_load_idx %arg4[%add3A_762] : memref<32768xf32, #tpu.memory_space<vmem>>[vector<16xi32>], vector<16xf32>,
        %add3A_764 = arith.constant 1 : i32
        %add3A_765 = arith.addi %scan3A_751, %add3A_764 : i32
        %bitcast3A_766 = vector.bitcast %gather3A_728 : vector<16xf32> to vector<16xi32>
        %shift_right_arithmetic3A_767 = arith.constant 16 : i32
        %shift_right_arithmetic3A_768 = vector.broadcast %shift_right_arithmetic3A_767 : i32 to vector<16xi32>
        %shift_right_arithmetic3A_769 = arith.shrsi %bitcast3A_766, %shift_right_arithmetic3A_768 : vector<16xi32>
        %and3A_770 = arith.constant 255 : i32
        %and3A_771 = vector.broadcast %and3A_770 : i32 to vector<16xi32>
        %and3A_772 = arith.andi %shift_right_arithmetic3A_769, %and3A_771 : vector<16xi32>
        %shift_left3A_773 = arith.constant 4 : i32
        %shift_left3A_774 = vector.broadcast %shift_left3A_773 : i32 to vector<16xi32>
        %shift_left3A_775 = arith.shli %and3A_772, %shift_left3A_774 : vector<16xi32>
        %and3A_776 = arith.constant 7 : i32
        %and3A_777 = arith.andi %add3A_765, %and3A_776 : i32
        %shift_left3A_778 = arith.constant 12 : i32
        %shift_left3A_779 = arith.shli %and3A_777, %shift_left3A_778 : i32
        %add3A_780 = vector.broadcast %shift_left3A_779 : i32 to vector<16xi32>
        %add3A_781 = arith.addi %iota3A, %add3A_780 : vector<16xi32>
        %add3A_782 = arith.addi %shift_left3A_775, %add3A_781 : vector<16xi32>
        %gather3A_783 = tpu.vector_load_idx %arg6[%add3A_747] : memref<32768xi32, #tpu.memory_space<vmem>>[vector<16xi32>], vector<16xi32>,
        %bitcast3A_784 = vector.bitcast %bitcast3A_731 : vector<16xi32> to vector<16xf32>
        tpu.vector_store_idx %arg5[%gather3A_783], %bitcast3A_784 : memref<32768xf32, #tpu.memory_space<vmem>>[vector<16xi32>], vector<16xf32>,
        tpu.vector_store_idx %arg6[%add3A_747], %broadcast_in_dim3A_319 {add = true} : memref<32768xi32, #tpu.memory_space<vmem>>[vector<16xi32>], vector<16xi32>,
        scf.yield %bitcast3A_766, %add3A_782, %gather3A_763 : vector<16xi32>, vector<16xi32>, vector<16xf32>
      }
      %scan3A_374 = arith.constant 2044 : i32
      %scan3A_375 = arith.addi %scan3A_369, %scan3A_374 : i32
      %add3A_376 = arith.constant 2 : i32
      %add3A_377 = arith.addi %scan3A_375, %add3A_376 : i32
      %and3A_378 = arith.constant 7 : i32
      %and3A_379 = arith.andi %add3A_377, %and3A_378 : i32
      %shift_right_arithmetic3A_380 = arith.constant 3 : i32
      %shift_right_arithmetic3A_381 = arith.shrsi %add3A_377, %shift_right_arithmetic3A_380 : i32
      %mul3A_382 = arith.constant 256 : i32
      %mul3A_383 = arith.muli %and3A_379, %mul3A_382 : i32
      %add3A_384 = arith.addi %mul3A_383, %shift_right_arithmetic3A_381 : i32
      %add3A_385 = vector.broadcast %add3A_384 : i32 to vector<16xi32>
      %add3A_386 = arith.addi %mul3A_327, %add3A_385 : vector<16xi32>
      %gather3A_387 = tpu.vector_load_idx %arg4[%add3A_386] : memref<32768xf32, #tpu.memory_space<vmem>>[vector<16xi32>], vector<16xf32>,
      %add3A_388 = arith.constant 1 : i32
      %add3A_389 = arith.addi %scan3A_375, %add3A_388 : i32
      %bitcast3A_390 = vector.bitcast %scan3A_373#2 : vector<16xf32> to vector<16xi32>
      %shift_right_arithmetic3A_391 = arith.constant 16 : i32
      %shift_right_arithmetic3A_392 = vector.broadcast %shift_right_arithmetic3A_391 : i32 to vector<16xi32>
      %shift_right_arithmetic3A_393 = arith.shrsi %bitcast3A_390, %shift_right_arithmetic3A_392 : vector<16xi32>
      %and3A_394 = arith.constant 255 : i32
      %and3A_395 = vector.broadcast %and3A_394 : i32 to vector<16xi32>
      %and3A_396 = arith.andi %shift_right_arithmetic3A_393, %and3A_395 : vector<16xi32>
      %shift_left3A_397 = arith.constant 4 : i32
      %shift_left3A_398 = vector.broadcast %shift_left3A_397 : i32 to vector<16xi32>
      %shift_left3A_399 = arith.shli %and3A_396, %shift_left3A_398 : vector<16xi32>
      %and3A_400 = arith.constant 7 : i32
      %and3A_401 = arith.andi %add3A_389, %and3A_400 : i32
      %shift_left3A_402 = arith.constant 12 : i32
      %shift_left3A_403 = arith.shli %and3A_401, %shift_left3A_402 : i32
      %add3A_404 = vector.broadcast %shift_left3A_403 : i32 to vector<16xi32>
      %add3A_405 = arith.addi %iota3A, %add3A_404 : vector<16xi32>
      %add3A_406 = arith.addi %shift_left3A_399, %add3A_405 : vector<16xi32>
      %gather3A_407 = tpu.vector_load_idx %arg6[%scan3A_373#1] : memref<32768xi32, #tpu.memory_space<vmem>>[vector<16xi32>], vector<16xi32>,
      %bitcast3A_408 = vector.bitcast %scan3A_373#0 : vector<16xi32> to vector<16xf32>
      tpu.vector_store_idx %arg5[%gather3A_407], %bitcast3A_408 : memref<32768xf32, #tpu.memory_space<vmem>>[vector<16xi32>], vector<16xf32>,
      tpu.vector_store_idx %arg6[%scan3A_373#1], %broadcast_in_dim3A_319 {add = true} : memref<32768xi32, #tpu.memory_space<vmem>>[vector<16xi32>], vector<16xi32>,
      %scan3A_409 = arith.constant 2045 : i32
      %scan3A_410 = arith.addi %scan3A_369, %scan3A_409 : i32
      %add3A_411 = arith.constant 2 : i32
      %add3A_412 = arith.addi %scan3A_410, %add3A_411 : i32
      %and3A_413 = arith.constant 7 : i32
      %and3A_414 = arith.andi %add3A_412, %and3A_413 : i32
      %shift_right_arithmetic3A_415 = arith.constant 3 : i32
      %shift_right_arithmetic3A_416 = arith.shrsi %add3A_412, %shift_right_arithmetic3A_415 : i32
      %mul3A_417 = arith.constant 256 : i32
      %mul3A_418 = arith.muli %and3A_414, %mul3A_417 : i32
      %add3A_419 = arith.addi %mul3A_418, %shift_right_arithmetic3A_416 : i32
      %add3A_420 = vector.broadcast %add3A_419 : i32 to vector<16xi32>
      %add3A_421 = arith.addi %mul3A_327, %add3A_420 : vector<16xi32>
      %gather3A_422 = tpu.vector_load_idx %arg4[%add3A_421] : memref<32768xf32, #tpu.memory_space<vmem>>[vector<16xi32>], vector<16xf32>,
      %add3A_423 = arith.constant 1 : i32
      %add3A_424 = arith.addi %scan3A_410, %add3A_423 : i32
      %bitcast3A_425 = vector.bitcast %gather3A_387 : vector<16xf32> to vector<16xi32>
      %shift_right_arithmetic3A_426 = arith.constant 16 : i32
      %shift_right_arithmetic3A_427 = vector.broadcast %shift_right_arithmetic3A_426 : i32 to vector<16xi32>
      %shift_right_arithmetic3A_428 = arith.shrsi %bitcast3A_425, %shift_right_arithmetic3A_427 : vector<16xi32>
      %and3A_429 = arith.constant 255 : i32
      %and3A_430 = vector.broadcast %and3A_429 : i32 to vector<16xi32>
      %and3A_431 = arith.andi %shift_right_arithmetic3A_428, %and3A_430 : vector<16xi32>
      %shift_left3A_432 = arith.constant 4 : i32
      %shift_left3A_433 = vector.broadcast %shift_left3A_432 : i32 to vector<16xi32>
      %shift_left3A_434 = arith.shli %and3A_431, %shift_left3A_433 : vector<16xi32>
      %and3A_435 = arith.constant 7 : i32
      %and3A_436 = arith.andi %add3A_424, %and3A_435 : i32
      %shift_left3A_437 = arith.constant 12 : i32
      %shift_left3A_438 = arith.shli %and3A_436, %shift_left3A_437 : i32
      %add3A_439 = vector.broadcast %shift_left3A_438 : i32 to vector<16xi32>
      %add3A_440 = arith.addi %iota3A, %add3A_439 : vector<16xi32>
      %add3A_441 = arith.addi %shift_left3A_434, %add3A_440 : vector<16xi32>
      %gather3A_442 = tpu.vector_load_idx %arg6[%add3A_406] : memref<32768xi32, #tpu.memory_space<vmem>>[vector<16xi32>], vector<16xi32>,
      %bitcast3A_443 = vector.bitcast %bitcast3A_390 : vector<16xi32> to vector<16xf32>
      tpu.vector_store_idx %arg5[%gather3A_442], %bitcast3A_443 : memref<32768xf32, #tpu.memory_space<vmem>>[vector<16xi32>], vector<16xf32>,
      tpu.vector_store_idx %arg6[%add3A_406], %broadcast_in_dim3A_319 {add = true} : memref<32768xi32, #tpu.memory_space<vmem>>[vector<16xi32>], vector<16xi32>,
      %scan3A_444 = arith.constant 2046 : i32
      %gather3A_445 = tpu.vector_load_idx %arg6[%add3A_441] : memref<32768xi32, #tpu.memory_space<vmem>>[vector<16xi32>], vector<16xi32>,
      %bitcast3A_446 = vector.bitcast %bitcast3A_425 : vector<16xi32> to vector<16xf32>
      tpu.vector_store_idx %arg5[%gather3A_445], %bitcast3A_446 : memref<32768xf32, #tpu.memory_space<vmem>>[vector<16xi32>], vector<16xf32>,
      tpu.vector_store_idx %arg6[%add3A_441], %broadcast_in_dim3A_319 {add = true} : memref<32768xi32, #tpu.memory_space<vmem>>[vector<16xi32>], vector<16xi32>,
      %bitcast3A_447 = vector.bitcast %gather3A_422 : vector<16xf32> to vector<16xi32>
      %shift_right_arithmetic3A_448 = arith.constant 16 : i32
      %shift_right_arithmetic3A_449 = vector.broadcast %shift_right_arithmetic3A_448 : i32 to vector<16xi32>
      %shift_right_arithmetic3A_450 = arith.shrsi %bitcast3A_447, %shift_right_arithmetic3A_449 : vector<16xi32>
      %and3A_451 = arith.constant 255 : i32
      %and3A_452 = vector.broadcast %and3A_451 : i32 to vector<16xi32>
      %and3A_453 = arith.andi %shift_right_arithmetic3A_450, %and3A_452 : vector<16xi32>
      %shift_left3A_454 = arith.constant 4 : i32
      %shift_left3A_455 = vector.broadcast %shift_left3A_454 : i32 to vector<16xi32>
      %shift_left3A_456 = arith.shli %and3A_453, %shift_left3A_455 : vector<16xi32>
      %add3A_457 = arith.constant 28672 : i32
      %add3A_458 = vector.broadcast %add3A_457 : i32 to vector<16xi32>
      %add3A_459 = arith.addi %iota3A, %add3A_458 : vector<16xi32>
      %add3A_460 = arith.addi %shift_left3A_456, %add3A_459 : vector<16xi32>
      %gather3A_461 = tpu.vector_load_idx %arg6[%add3A_460] : memref<32768xi32, #tpu.memory_space<vmem>>[vector<16xi32>], vector<16xi32>,
      %bitcast3A_462 = vector.bitcast %bitcast3A_447 : vector<16xi32> to vector<16xf32>
      tpu.vector_store_idx %arg5[%gather3A_461], %bitcast3A_462 : memref<32768xf32, #tpu.memory_space<vmem>>[vector<16xi32>], vector<16xf32>,
      tpu.vector_store_idx %arg6[%add3A_460], %broadcast_in_dim3A_319 {add = true} : memref<32768xi32, #tpu.memory_space<vmem>>[vector<16xi32>], vector<16xi32>,
      %broadcast_in_dim3A_463 = arith.constant 1 : i32
      %broadcast_in_dim3A_464 = vector.broadcast %broadcast_in_dim3A_463 : i32 to vector<16xi32>
      %broadcast_in_dim3A_465 = arith.constant 0 : i32
      %broadcast_in_dim3A_466 = vector.broadcast %broadcast_in_dim3A_465 : i32 to vector<16xi32>
      %eq3A_467 = arith.constant 0 : i32
      %eq3A_468 = vector.broadcast %eq3A_467 : i32 to vector<16xi32>
      %eq3A_469 = arith.cmpi eq, %iota3A, %eq3A_468 : vector<16xi32>
      %mul3A_470 = arith.constant 2048 : i32
      %mul3A_471 = vector.broadcast %mul3A_470 : i32 to vector<16xi32>
      %mul3A_472 = arith.muli %iota3A, %mul3A_471 : vector<16xi32>
      %parallel_loop3A_473 = arith.constant 0 : i32
      %parallel_loop3A_474 = arith.constant 1024 : i32
      %parallel_loop3A_475 = arith.constant 1 : i32
      scf.for %parallel_loop3A_643 = %parallel_loop3A_473 to %parallel_loop3A_474 step %parallel_loop3A_475  : i32 {
        %parallel_loop3A_644 = arith.constant 2 : i32
        %parallel_loop3A_645 = arith.muli %parallel_loop3A_643, %parallel_loop3A_644 : i32
        %parallel_loop3A_646 = arith.constant 16 : i32
        %parallel_loop3A_647 = arith.muli %parallel_loop3A_645, %parallel_loop3A_646 : i32
        %parallel_loop3A_648 = arith.index_cast %parallel_loop3A_647 : i32 to index
        %parallel_loop3A_649 = tpu.vector_load %arg6[%parallel_loop3A_648] {strides = array<i32>} : memref<32768xi32, #tpu.memory_space<vmem>>, vector<16xi32>,
        tpu.vector_store %arg6[%parallel_loop3A_648], %broadcast_in_dim3A_466 {strides = array<i32>} : memref<32768xi32, #tpu.memory_space<vmem>>, vector<16xi32>,
        %parallel_loop3A_650 = arith.constant 2 : i32
        %parallel_loop3A_651 = arith.muli %parallel_loop3A_643, %parallel_loop3A_650 : i32
        %parallel_loop3A_652 = arith.constant 16 : i32
        %parallel_loop3A_653 = arith.muli %parallel_loop3A_651, %parallel_loop3A_652 : i32
        %parallel_loop3A_654 = arith.constant 16 : i32
        %parallel_loop3A_655 = arith.addi %parallel_loop3A_653, %parallel_loop3A_654 : i32
        %parallel_loop3A_656 = arith.index_cast %parallel_loop3A_655 : i32 to index
        %parallel_loop3A_657 = tpu.vector_load %arg6[%parallel_loop3A_656] {strides = array<i32>} : memref<32768xi32, #tpu.memory_space<vmem>>, vector<16xi32>,
        tpu.vector_store %arg6[%parallel_loop3A_656], %broadcast_in_dim3A_466 {strides = array<i32>} : memref<32768xi32, #tpu.memory_space<vmem>>, vector<16xi32>,
      } {sc.loop_unroll_factor = 8 : i64, sc.parallel_access}
      %parallel_loop3A_476 = arith.constant 0 : i32
      %parallel_loop3A_477 = arith.constant 2048 : i32
      %parallel_loop3A_478 = arith.constant 1 : i32
      scf.for %parallel_loop3A_643 = %parallel_loop3A_476 to %parallel_loop3A_477 step %parallel_loop3A_478  : i32 {
        %parallel_loop3A_644 = vector.broadcast %parallel_loop3A_643 : i32 to vector<16xi32>
        %parallel_loop3A_645 = arith.addi %mul3A_472, %parallel_loop3A_644 : vector<16xi32>
        %parallel_loop3A_646 = tpu.vector_load_idx %arg5[%parallel_loop3A_645] : memref<32768xf32, #tpu.memory_space<vmem>>[vector<16xi32>], vector<16xf32>,
        %parallel_loop3A_647 = vector.bitcast %parallel_loop3A_646 : vector<16xf32> to vector<16xi32>
        %parallel_loop3A_648 = arith.constant 24 : i32
        %parallel_loop3A_649 = vector.broadcast %parallel_loop3A_648 : i32 to vector<16xi32>
        %parallel_loop3A_650 = arith.shrsi %parallel_loop3A_647, %parallel_loop3A_649 : vector<16xi32>
        %parallel_loop3A_651 = arith.constant 255 : i32
        %parallel_loop3A_652 = vector.broadcast %parallel_loop3A_651 : i32 to vector<16xi32>
        %parallel_loop3A_653 = arith.andi %parallel_loop3A_650, %parallel_loop3A_652 : vector<16xi32>
        %parallel_loop3A_654 = arith.constant 4 : i32
        %parallel_loop3A_655 = vector.broadcast %parallel_loop3A_654 : i32 to vector<16xi32>
        %parallel_loop3A_656 = arith.shli %parallel_loop3A_653, %parallel_loop3A_655 : vector<16xi32>
        %parallel_loop3A_657 = arith.constant 8 : i32
        %parallel_loop3A_658 = arith.shrsi %parallel_loop3A_643, %parallel_loop3A_657 : i32
        %parallel_loop3A_659 = arith.constant 12 : i32
        %parallel_loop3A_660 = arith.shli %parallel_loop3A_658, %parallel_loop3A_659 : i32
        %parallel_loop3A_661 = vector.broadcast %parallel_loop3A_660 : i32 to vector<16xi32>
        %parallel_loop3A_662 = arith.addi %iota3A, %parallel_loop3A_661 : vector<16xi32>
        %parallel_loop3A_663 = arith.addi %parallel_loop3A_656, %parallel_loop3A_662 : vector<16xi32>
        tpu.vector_store_idx %arg6[%parallel_loop3A_663], %broadcast_in_dim3A_464 {add = true} : memref<32768xi32, #tpu.memory_space<vmem>>[vector<16xi32>], vector<16xi32>,
      } {sc.loop_unroll_factor = 8 : i64, sc.parallel_access}
      %parallel_loop3A_479 = arith.constant 0 : i32
      %parallel_loop3A_480 = arith.constant 128 : i32
      %parallel_loop3A_481 = arith.constant 1 : i32
      scf.for %parallel_loop3A_643 = %parallel_loop3A_479 to %parallel_loop3A_480 step %parallel_loop3A_481  : i32 {
        %parallel_loop3A_644 = arith.constant 2 : i32
        %parallel_loop3A_645 = arith.muli %parallel_loop3A_643, %parallel_loop3A_644 : i32
        %parallel_loop3A_646 = arith.constant 0 : i32
        %parallel_loop3A_647 = arith.addi %parallel_loop3A_645, %parallel_loop3A_646 : i32
        %parallel_loop3A_648 = arith.constant 16 : i32
        %parallel_loop3A_649 = arith.muli %parallel_loop3A_647, %parallel_loop3A_648 : i32
        %parallel_loop3A_650 = arith.constant 0 : i32
        %parallel_loop3A_651 = arith.addi %parallel_loop3A_650, %parallel_loop3A_649 : i32
        %parallel_loop3A_652 = arith.index_cast %parallel_loop3A_651 : i32 to index
        %parallel_loop3A_653 = tpu.vector_load %arg6[%parallel_loop3A_652] {strides = array<i32>} : memref<32768xi32, #tpu.memory_space<vmem>>, vector<16xi32>,
        %parallel_loop3A_654 = arith.constant 4096 : i32
        %parallel_loop3A_655 = arith.addi %parallel_loop3A_654, %parallel_loop3A_649 : i32
        %parallel_loop3A_656 = arith.index_cast %parallel_loop3A_655 : i32 to index
        %parallel_loop3A_657 = tpu.vector_load %arg6[%parallel_loop3A_656] {strides = array<i32>} : memref<32768xi32, #tpu.memory_space<vmem>>, vector<16xi32>,
        %parallel_loop3A_658 = arith.constant 8192 : i32
        %parallel_loop3A_659 = arith.addi %parallel_loop3A_658, %parallel_loop3A_649 : i32
        %parallel_loop3A_660 = arith.index_cast %parallel_loop3A_659 : i32 to index
        %parallel_loop3A_661 = tpu.vector_load %arg6[%parallel_loop3A_660] {strides = array<i32>} : memref<32768xi32, #tpu.memory_space<vmem>>, vector<16xi32>,
        %parallel_loop3A_662 = arith.constant 12288 : i32
        %parallel_loop3A_663 = arith.addi %parallel_loop3A_662, %parallel_loop3A_649 : i32
        %parallel_loop3A_664 = arith.index_cast %parallel_loop3A_663 : i32 to index
        %parallel_loop3A_665 = tpu.vector_load %arg6[%parallel_loop3A_664] {strides = array<i32>} : memref<32768xi32, #tpu.memory_space<vmem>>, vector<16xi32>,
        %parallel_loop3A_666 = arith.constant 16384 : i32
        %parallel_loop3A_667 = arith.addi %parallel_loop3A_666, %parallel_loop3A_649 : i32
        %parallel_loop3A_668 = arith.index_cast %parallel_loop3A_667 : i32 to index
        %parallel_loop3A_669 = tpu.vector_load %arg6[%parallel_loop3A_668] {strides = array<i32>} : memref<32768xi32, #tpu.memory_space<vmem>>, vector<16xi32>,
        %parallel_loop3A_670 = arith.constant 20480 : i32
        %parallel_loop3A_671 = arith.addi %parallel_loop3A_670, %parallel_loop3A_649 : i32
        %parallel_loop3A_672 = arith.index_cast %parallel_loop3A_671 : i32 to index
        %parallel_loop3A_673 = tpu.vector_load %arg6[%parallel_loop3A_672] {strides = array<i32>} : memref<32768xi32, #tpu.memory_space<vmem>>, vector<16xi32>,
        %parallel_loop3A_674 = arith.constant 24576 : i32
        %parallel_loop3A_675 = arith.addi %parallel_loop3A_674, %parallel_loop3A_649 : i32
        %parallel_loop3A_676 = arith.index_cast %parallel_loop3A_675 : i32 to index
        %parallel_loop3A_677 = tpu.vector_load %arg6[%parallel_loop3A_676] {strides = array<i32>} : memref<32768xi32, #tpu.memory_space<vmem>>, vector<16xi32>,
        %parallel_loop3A_678 = arith.constant 28672 : i32
        %parallel_loop3A_679 = arith.addi %parallel_loop3A_678, %parallel_loop3A_649 : i32
        %parallel_loop3A_680 = arith.index_cast %parallel_loop3A_679 : i32 to index
        %parallel_loop3A_681 = tpu.vector_load %arg6[%parallel_loop3A_680] {strides = array<i32>} : memref<32768xi32, #tpu.memory_space<vmem>>, vector<16xi32>,
        %parallel_loop3A_682 = arith.constant 2 : i32
        %parallel_loop3A_683 = arith.muli %parallel_loop3A_643, %parallel_loop3A_682 : i32
        %parallel_loop3A_684 = arith.constant 1 : i32
        %parallel_loop3A_685 = arith.addi %parallel_loop3A_683, %parallel_loop3A_684 : i32
        %parallel_loop3A_686 = arith.constant 16 : i32
        %parallel_loop3A_687 = arith.muli %parallel_loop3A_685, %parallel_loop3A_686 : i32
        %parallel_loop3A_688 = arith.constant 0 : i32
        %parallel_loop3A_689 = arith.addi %parallel_loop3A_688, %parallel_loop3A_687 : i32
        %parallel_loop3A_690 = arith.index_cast %parallel_loop3A_689 : i32 to index
        %parallel_loop3A_691 = tpu.vector_load %arg6[%parallel_loop3A_690] {strides = array<i32>} : memref<32768xi32, #tpu.memory_space<vmem>>, vector<16xi32>,
        %parallel_loop3A_692 = arith.constant 4096 : i32
        %parallel_loop3A_693 = arith.addi %parallel_loop3A_692, %parallel_loop3A_687 : i32
        %parallel_loop3A_694 = arith.index_cast %parallel_loop3A_693 : i32 to index
        %parallel_loop3A_695 = tpu.vector_load %arg6[%parallel_loop3A_694] {strides = array<i32>} : memref<32768xi32, #tpu.memory_space<vmem>>, vector<16xi32>,
        %parallel_loop3A_696 = arith.constant 8192 : i32
        %parallel_loop3A_697 = arith.addi %parallel_loop3A_696, %parallel_loop3A_687 : i32
        %parallel_loop3A_698 = arith.index_cast %parallel_loop3A_697 : i32 to index
        %parallel_loop3A_699 = tpu.vector_load %arg6[%parallel_loop3A_698] {strides = array<i32>} : memref<32768xi32, #tpu.memory_space<vmem>>, vector<16xi32>,
        %parallel_loop3A_700 = arith.constant 12288 : i32
        %parallel_loop3A_701 = arith.addi %parallel_loop3A_700, %parallel_loop3A_687 : i32
        %parallel_loop3A_702 = arith.index_cast %parallel_loop3A_701 : i32 to index
        %parallel_loop3A_703 = tpu.vector_load %arg6[%parallel_loop3A_702] {strides = array<i32>} : memref<32768xi32, #tpu.memory_space<vmem>>, vector<16xi32>,
        %parallel_loop3A_704 = arith.constant 16384 : i32
        %parallel_loop3A_705 = arith.addi %parallel_loop3A_704, %parallel_loop3A_687 : i32
        %parallel_loop3A_706 = arith.index_cast %parallel_loop3A_705 : i32 to index
        %parallel_loop3A_707 = tpu.vector_load %arg6[%parallel_loop3A_706] {strides = array<i32>} : memref<32768xi32, #tpu.memory_space<vmem>>, vector<16xi32>,
        %parallel_loop3A_708 = arith.constant 20480 : i32
        %parallel_loop3A_709 = arith.addi %parallel_loop3A_708, %parallel_loop3A_687 : i32
        %parallel_loop3A_710 = arith.index_cast %parallel_loop3A_709 : i32 to index
        %parallel_loop3A_711 = tpu.vector_load %arg6[%parallel_loop3A_710] {strides = array<i32>} : memref<32768xi32, #tpu.memory_space<vmem>>, vector<16xi32>,
        %parallel_loop3A_712 = arith.constant 24576 : i32
        %parallel_loop3A_713 = arith.addi %parallel_loop3A_712, %parallel_loop3A_687 : i32
        %parallel_loop3A_714 = arith.index_cast %parallel_loop3A_713 : i32 to index
        %parallel_loop3A_715 = tpu.vector_load %arg6[%parallel_loop3A_714] {strides = array<i32>} : memref<32768xi32, #tpu.memory_space<vmem>>, vector<16xi32>,
        %parallel_loop3A_716 = arith.constant 28672 : i32
        %parallel_loop3A_717 = arith.addi %parallel_loop3A_716, %parallel_loop3A_687 : i32
        %parallel_loop3A_718 = arith.index_cast %parallel_loop3A_717 : i32 to index
        %parallel_loop3A_719 = tpu.vector_load %arg6[%parallel_loop3A_718] {strides = array<i32>} : memref<32768xi32, #tpu.memory_space<vmem>>, vector<16xi32>,
        %parallel_loop3A_720 = arith.constant 2 : i32
        %parallel_loop3A_721 = arith.muli %parallel_loop3A_643, %parallel_loop3A_720 : i32
        %parallel_loop3A_722 = arith.constant 0 : i32
        %parallel_loop3A_723 = arith.addi %parallel_loop3A_721, %parallel_loop3A_722 : i32
        %parallel_loop3A_724 = arith.constant 16 : i32
        %parallel_loop3A_725 = arith.muli %parallel_loop3A_723, %parallel_loop3A_724 : i32
        %parallel_loop3A_726 = arith.addi %parallel_loop3A_653, %parallel_loop3A_657 : vector<16xi32>
        %parallel_loop3A_727 = arith.addi %parallel_loop3A_661, %parallel_loop3A_665 : vector<16xi32>
        %parallel_loop3A_728 = arith.addi %parallel_loop3A_726, %parallel_loop3A_727 : vector<16xi32>
        %parallel_loop3A_729 = arith.addi %parallel_loop3A_669, %parallel_loop3A_673 : vector<16xi32>
        %parallel_loop3A_730 = arith.addi %parallel_loop3A_677, %parallel_loop3A_681 : vector<16xi32>
        %parallel_loop3A_731 = arith.addi %parallel_loop3A_729, %parallel_loop3A_730 : vector<16xi32>
        %parallel_loop3A_732 = arith.addi %parallel_loop3A_728, %parallel_loop3A_731 : vector<16xi32>
        %parallel_loop3A_733 = arith.constant true
        %parallel_loop3A_734 = vector.broadcast %parallel_loop3A_733 : i1 to vector<16xi1>
        %parallel_loop3A_735 = tpu.scan <sum>, %parallel_loop3A_732 masked %parallel_loop3A_734 : vector<16xi32>, vector<16xi1> -> vector<16xi32>
        %parallel_loop3A_736 = arith.subi %parallel_loop3A_735, %parallel_loop3A_732 : vector<16xi32>
        %parallel_loop3A_737 = arith.constant 0 : i32
        %parallel_loop3A_738 = arith.addi %parallel_loop3A_737, %parallel_loop3A_725 : i32
        %parallel_loop3A_739 = arith.index_cast %parallel_loop3A_738 : i32 to index
        %parallel_loop3A_740 = tpu.vector_load %arg6[%parallel_loop3A_739] {strides = array<i32>} : memref<32768xi32, #tpu.memory_space<vmem>>, vector<16xi32>,
        tpu.vector_store %arg6[%parallel_loop3A_739], %parallel_loop3A_736 {strides = array<i32>} : memref<32768xi32, #tpu.memory_space<vmem>>, vector<16xi32>,
        %parallel_loop3A_741 = arith.addi %parallel_loop3A_736, %parallel_loop3A_653 : vector<16xi32>
        %parallel_loop3A_742 = arith.constant 4096 : i32
        %parallel_loop3A_743 = arith.addi %parallel_loop3A_742, %parallel_loop3A_725 : i32
        %parallel_loop3A_744 = arith.index_cast %parallel_loop3A_743 : i32 to index
        %parallel_loop3A_745 = tpu.vector_load %arg6[%parallel_loop3A_744] {strides = array<i32>} : memref<32768xi32, #tpu.memory_space<vmem>>, vector<16xi32>,
        tpu.vector_store %arg6[%parallel_loop3A_744], %parallel_loop3A_741 {strides = array<i32>} : memref<32768xi32, #tpu.memory_space<vmem>>, vector<16xi32>,
        %parallel_loop3A_746 = arith.addi %parallel_loop3A_741, %parallel_loop3A_657 : vector<16xi32>
        %parallel_loop3A_747 = arith.constant 8192 : i32
        %parallel_loop3A_748 = arith.addi %parallel_loop3A_747, %parallel_loop3A_725 : i32
        %parallel_loop3A_749 = arith.index_cast %parallel_loop3A_748 : i32 to index
        %parallel_loop3A_750 = tpu.vector_load %arg6[%parallel_loop3A_749] {strides = array<i32>} : memref<32768xi32, #tpu.memory_space<vmem>>, vector<16xi32>,
        tpu.vector_store %arg6[%parallel_loop3A_749], %parallel_loop3A_746 {strides = array<i32>} : memref<32768xi32, #tpu.memory_space<vmem>>, vector<16xi32>,
        %parallel_loop3A_751 = arith.addi %parallel_loop3A_746, %parallel_loop3A_661 : vector<16xi32>
        %parallel_loop3A_752 = arith.constant 12288 : i32
        %parallel_loop3A_753 = arith.addi %parallel_loop3A_752, %parallel_loop3A_725 : i32
        %parallel_loop3A_754 = arith.index_cast %parallel_loop3A_753 : i32 to index
        %parallel_loop3A_755 = tpu.vector_load %arg6[%parallel_loop3A_754] {strides = array<i32>} : memref<32768xi32, #tpu.memory_space<vmem>>, vector<16xi32>,
        tpu.vector_store %arg6[%parallel_loop3A_754], %parallel_loop3A_751 {strides = array<i32>} : memref<32768xi32, #tpu.memory_space<vmem>>, vector<16xi32>,
        %parallel_loop3A_756 = arith.addi %parallel_loop3A_751, %parallel_loop3A_665 : vector<16xi32>
        %parallel_loop3A_757 = arith.constant 16384 : i32
        %parallel_loop3A_758 = arith.addi %parallel_loop3A_757, %parallel_loop3A_725 : i32
        %parallel_loop3A_759 = arith.index_cast %parallel_loop3A_758 : i32 to index
        %parallel_loop3A_760 = tpu.vector_load %arg6[%parallel_loop3A_759] {strides = array<i32>} : memref<32768xi32, #tpu.memory_space<vmem>>, vector<16xi32>,
        tpu.vector_store %arg6[%parallel_loop3A_759], %parallel_loop3A_756 {strides = array<i32>} : memref<32768xi32, #tpu.memory_space<vmem>>, vector<16xi32>,
        %parallel_loop3A_761 = arith.addi %parallel_loop3A_756, %parallel_loop3A_669 : vector<16xi32>
        %parallel_loop3A_762 = arith.constant 20480 : i32
        %parallel_loop3A_763 = arith.addi %parallel_loop3A_762, %parallel_loop3A_725 : i32
        %parallel_loop3A_764 = arith.index_cast %parallel_loop3A_763 : i32 to index
        %parallel_loop3A_765 = tpu.vector_load %arg6[%parallel_loop3A_764] {strides = array<i32>} : memref<32768xi32, #tpu.memory_space<vmem>>, vector<16xi32>,
        tpu.vector_store %arg6[%parallel_loop3A_764], %parallel_loop3A_761 {strides = array<i32>} : memref<32768xi32, #tpu.memory_space<vmem>>, vector<16xi32>,
        %parallel_loop3A_766 = arith.addi %parallel_loop3A_761, %parallel_loop3A_673 : vector<16xi32>
        %parallel_loop3A_767 = arith.constant 24576 : i32
        %parallel_loop3A_768 = arith.addi %parallel_loop3A_767, %parallel_loop3A_725 : i32
        %parallel_loop3A_769 = arith.index_cast %parallel_loop3A_768 : i32 to index
        %parallel_loop3A_770 = tpu.vector_load %arg6[%parallel_loop3A_769] {strides = array<i32>} : memref<32768xi32, #tpu.memory_space<vmem>>, vector<16xi32>,
        tpu.vector_store %arg6[%parallel_loop3A_769], %parallel_loop3A_766 {strides = array<i32>} : memref<32768xi32, #tpu.memory_space<vmem>>, vector<16xi32>,
        %parallel_loop3A_771 = arith.addi %parallel_loop3A_766, %parallel_loop3A_677 : vector<16xi32>
        %parallel_loop3A_772 = arith.constant 28672 : i32
        %parallel_loop3A_773 = arith.addi %parallel_loop3A_772, %parallel_loop3A_725 : i32
        %parallel_loop3A_774 = arith.index_cast %parallel_loop3A_773 : i32 to index
        %parallel_loop3A_775 = tpu.vector_load %arg6[%parallel_loop3A_774] {strides = array<i32>} : memref<32768xi32, #tpu.memory_space<vmem>>, vector<16xi32>,
        tpu.vector_store %arg6[%parallel_loop3A_774], %parallel_loop3A_771 {strides = array<i32>} : memref<32768xi32, #tpu.memory_space<vmem>>, vector<16xi32>,
        %parallel_loop3A_776 = arith.addi %parallel_loop3A_771, %parallel_loop3A_681 : vector<16xi32>
        %parallel_loop3A_777 = arith.constant true
        %parallel_loop3A_778 = vector.broadcast %parallel_loop3A_777 : i1 to vector<16xi1>
        %parallel_loop3A_779 = tpu.scan <sum>, %parallel_loop3A_732 masked %parallel_loop3A_778 : vector<16xi32>, vector<16xi1> -> vector<16xi32>
        %parallel_loop3A_780 = vector.extract %parallel_loop3A_779[15] : i32 from vector<16xi32>
        %parallel_loop3A_781 = vector.broadcast %parallel_loop3A_723 : i32 to vector<16xi32>
        %parallel_loop3A_782 = vector.broadcast %parallel_loop3A_780 : i32 to vector<16xi32>
        tpu.vector_store_idx %arg7[%parallel_loop3A_781], %parallel_loop3A_782 masked %eq3A_469 : memref<256xi32, #tpu.memory_space<vmem>>[vector<16xi32>], vector<16xi32>, vector<16xi1>
        %parallel_loop3A_783 = arith.constant 2 : i32
        %parallel_loop3A_784 = arith.muli %parallel_loop3A_643, %parallel_loop3A_783 : i32
        %parallel_loop3A_785 = arith.constant 1 : i32
        %parallel_loop3A_786 = arith.addi %parallel_loop3A_784, %parallel_loop3A_785 : i32
        %parallel_loop3A_787 = arith.constant 16 : i32
        %parallel_loop3A_788 = arith.muli %parallel_loop3A_786, %parallel_loop3A_787 : i32
        %parallel_loop3A_789 = arith.addi %parallel_loop3A_691, %parallel_loop3A_695 : vector<16xi32>
        %parallel_loop3A_790 = arith.addi %parallel_loop3A_699, %parallel_loop3A_703 : vector<16xi32>
        %parallel_loop3A_791 = arith.addi %parallel_loop3A_789, %parallel_loop3A_790 : vector<16xi32>
        %parallel_loop3A_792 = arith.addi %parallel_loop3A_707, %parallel_loop3A_711 : vector<16xi32>
        %parallel_loop3A_793 = arith.addi %parallel_loop3A_715, %parallel_loop3A_719 : vector<16xi32>
        %parallel_loop3A_794 = arith.addi %parallel_loop3A_792, %parallel_loop3A_793 : vector<16xi32>
        %parallel_loop3A_795 = arith.addi %parallel_loop3A_791, %parallel_loop3A_794 : vector<16xi32>
        %parallel_loop3A_796 = arith.constant true
        %parallel_loop3A_797 = vector.broadcast %parallel_loop3A_796 : i1 to vector<16xi1>
        %parallel_loop3A_798 = tpu.scan <sum>, %parallel_loop3A_795 masked %parallel_loop3A_797 : vector<16xi32>, vector<16xi1> -> vector<16xi32>
        %parallel_loop3A_799 = arith.subi %parallel_loop3A_798, %parallel_loop3A_795 : vector<16xi32>
        %parallel_loop3A_800 = arith.constant 0 : i32
        %parallel_loop3A_801 = arith.addi %parallel_loop3A_800, %parallel_loop3A_788 : i32
        %parallel_loop3A_802 = arith.index_cast %parallel_loop3A_801 : i32 to index
        %parallel_loop3A_803 = tpu.vector_load %arg6[%parallel_loop3A_802] {strides = array<i32>} : memref<32768xi32, #tpu.memory_space<vmem>>, vector<16xi32>,
        tpu.vector_store %arg6[%parallel_loop3A_802], %parallel_loop3A_799 {strides = array<i32>} : memref<32768xi32, #tpu.memory_space<vmem>>, vector<16xi32>,
        %parallel_loop3A_804 = arith.addi %parallel_loop3A_799, %parallel_loop3A_691 : vector<16xi32>
        %parallel_loop3A_805 = arith.constant 4096 : i32
        %parallel_loop3A_806 = arith.addi %parallel_loop3A_805, %parallel_loop3A_788 : i32
        %parallel_loop3A_807 = arith.index_cast %parallel_loop3A_806 : i32 to index
        %parallel_loop3A_808 = tpu.vector_load %arg6[%parallel_loop3A_807] {strides = array<i32>} : memref<32768xi32, #tpu.memory_space<vmem>>, vector<16xi32>,
        tpu.vector_store %arg6[%parallel_loop3A_807], %parallel_loop3A_804 {strides = array<i32>} : memref<32768xi32, #tpu.memory_space<vmem>>, vector<16xi32>,
        %parallel_loop3A_809 = arith.addi %parallel_loop3A_804, %parallel_loop3A_695 : vector<16xi32>
        %parallel_loop3A_810 = arith.constant 8192 : i32
        %parallel_loop3A_811 = arith.addi %parallel_loop3A_810, %parallel_loop3A_788 : i32
        %parallel_loop3A_812 = arith.index_cast %parallel_loop3A_811 : i32 to index
        %parallel_loop3A_813 = tpu.vector_load %arg6[%parallel_loop3A_812] {strides = array<i32>} : memref<32768xi32, #tpu.memory_space<vmem>>, vector<16xi32>,
        tpu.vector_store %arg6[%parallel_loop3A_812], %parallel_loop3A_809 {strides = array<i32>} : memref<32768xi32, #tpu.memory_space<vmem>>, vector<16xi32>,
        %parallel_loop3A_814 = arith.addi %parallel_loop3A_809, %parallel_loop3A_699 : vector<16xi32>
        %parallel_loop3A_815 = arith.constant 12288 : i32
        %parallel_loop3A_816 = arith.addi %parallel_loop3A_815, %parallel_loop3A_788 : i32
        %parallel_loop3A_817 = arith.index_cast %parallel_loop3A_816 : i32 to index
        %parallel_loop3A_818 = tpu.vector_load %arg6[%parallel_loop3A_817] {strides = array<i32>} : memref<32768xi32, #tpu.memory_space<vmem>>, vector<16xi32>,
        tpu.vector_store %arg6[%parallel_loop3A_817], %parallel_loop3A_814 {strides = array<i32>} : memref<32768xi32, #tpu.memory_space<vmem>>, vector<16xi32>,
        %parallel_loop3A_819 = arith.addi %parallel_loop3A_814, %parallel_loop3A_703 : vector<16xi32>
        %parallel_loop3A_820 = arith.constant 16384 : i32
        %parallel_loop3A_821 = arith.addi %parallel_loop3A_820, %parallel_loop3A_788 : i32
        %parallel_loop3A_822 = arith.index_cast %parallel_loop3A_821 : i32 to index
        %parallel_loop3A_823 = tpu.vector_load %arg6[%parallel_loop3A_822] {strides = array<i32>} : memref<32768xi32, #tpu.memory_space<vmem>>, vector<16xi32>,
        tpu.vector_store %arg6[%parallel_loop3A_822], %parallel_loop3A_819 {strides = array<i32>} : memref<32768xi32, #tpu.memory_space<vmem>>, vector<16xi32>,
        %parallel_loop3A_824 = arith.addi %parallel_loop3A_819, %parallel_loop3A_707 : vector<16xi32>
        %parallel_loop3A_825 = arith.constant 20480 : i32
        %parallel_loop3A_826 = arith.addi %parallel_loop3A_825, %parallel_loop3A_788 : i32
        %parallel_loop3A_827 = arith.index_cast %parallel_loop3A_826 : i32 to index
        %parallel_loop3A_828 = tpu.vector_load %arg6[%parallel_loop3A_827] {strides = array<i32>} : memref<32768xi32, #tpu.memory_space<vmem>>, vector<16xi32>,
        tpu.vector_store %arg6[%parallel_loop3A_827], %parallel_loop3A_824 {strides = array<i32>} : memref<32768xi32, #tpu.memory_space<vmem>>, vector<16xi32>,
        %parallel_loop3A_829 = arith.addi %parallel_loop3A_824, %parallel_loop3A_711 : vector<16xi32>
        %parallel_loop3A_830 = arith.constant 24576 : i32
        %parallel_loop3A_831 = arith.addi %parallel_loop3A_830, %parallel_loop3A_788 : i32
        %parallel_loop3A_832 = arith.index_cast %parallel_loop3A_831 : i32 to index
        %parallel_loop3A_833 = tpu.vector_load %arg6[%parallel_loop3A_832] {strides = array<i32>} : memref<32768xi32, #tpu.memory_space<vmem>>, vector<16xi32>,
        tpu.vector_store %arg6[%parallel_loop3A_832], %parallel_loop3A_829 {strides = array<i32>} : memref<32768xi32, #tpu.memory_space<vmem>>, vector<16xi32>,
        %parallel_loop3A_834 = arith.addi %parallel_loop3A_829, %parallel_loop3A_715 : vector<16xi32>
        %parallel_loop3A_835 = arith.constant 28672 : i32
        %parallel_loop3A_836 = arith.addi %parallel_loop3A_835, %parallel_loop3A_788 : i32
        %parallel_loop3A_837 = arith.index_cast %parallel_loop3A_836 : i32 to index
        %parallel_loop3A_838 = tpu.vector_load %arg6[%parallel_loop3A_837] {strides = array<i32>} : memref<32768xi32, #tpu.memory_space<vmem>>, vector<16xi32>,
        tpu.vector_store %arg6[%parallel_loop3A_837], %parallel_loop3A_834 {strides = array<i32>} : memref<32768xi32, #tpu.memory_space<vmem>>, vector<16xi32>,
        %parallel_loop3A_839 = arith.addi %parallel_loop3A_834, %parallel_loop3A_719 : vector<16xi32>
        %parallel_loop3A_840 = arith.constant true
        %parallel_loop3A_841 = vector.broadcast %parallel_loop3A_840 : i1 to vector<16xi1>
        %parallel_loop3A_842 = tpu.scan <sum>, %parallel_loop3A_795 masked %parallel_loop3A_841 : vector<16xi32>, vector<16xi1> -> vector<16xi32>
        %parallel_loop3A_843 = vector.extract %parallel_loop3A_842[15] : i32 from vector<16xi32>
        %parallel_loop3A_844 = vector.broadcast %parallel_loop3A_786 : i32 to vector<16xi32>
        %parallel_loop3A_845 = vector.broadcast %parallel_loop3A_843 : i32 to vector<16xi32>
        tpu.vector_store_idx %arg7[%parallel_loop3A_844], %parallel_loop3A_845 masked %eq3A_469 : memref<256xi32, #tpu.memory_space<vmem>>[vector<16xi32>], vector<16xi32>, vector<16xi1>
      } {sc.loop_unroll_factor = 1 : i64, sc.parallel_access}
      %scan3A_482 = arith.constant 0 : i32
      %scan3A_483 = arith.constant 0 : i32
      %scan3A_484 = arith.constant 16 : i32
      %scan3A_485 = arith.addi %scan3A_483, %scan3A_484 : i32
      %scan3A_486 = arith.constant 1 : i32
      %scan3A_487 = scf.for %scan3A_643 = %scan3A_483 to %scan3A_485 step %scan3A_486 iter_args(%scan3A_644 = %scan3A_482) -> (i32)  : i32 {
        %mul3A_645 = arith.constant 16 : i32
        %mul3A_646 = arith.muli %scan3A_643, %mul3A_645 : i32
        %get3A = arith.index_cast %mul3A_646 : i32 to index
        %get3A_647 = tpu.vector_load %arg7[%get3A] {strides = array<i32>} : memref<256xi32, #tpu.memory_space<vmem>>, vector<16xi32>,
        %broadcast_in_dim3A_648 = arith.constant true
        %broadcast_in_dim3A_649 = vector.broadcast %broadcast_in_dim3A_648 : i1 to vector<16xi1>
        %masked_cumsum3A = tpu.scan <sum>, %get3A_647 masked %broadcast_in_dim3A_649 : vector<16xi32>, vector<16xi1> -> vector<16xi32>
        %sub3A = arith.subi %masked_cumsum3A, %get3A_647 : vector<16xi32>
        %add3A_650 = vector.broadcast %scan3A_644 : i32 to vector<16xi32>
        %add3A_651 = arith.addi %sub3A, %add3A_650 : vector<16xi32>
        %mul3A_652 = arith.constant 16 : i32
        %mul3A_653 = arith.muli %scan3A_643, %mul3A_652 : i32
        %swap3A = arith.index_cast %mul3A_653 : i32 to index
        %swap3A_654 = tpu.vector_load %arg7[%swap3A] {strides = array<i32>} : memref<256xi32, #tpu.memory_space<vmem>>, vector<16xi32>,
        tpu.vector_store %arg7[%swap3A], %add3A_651 {strides = array<i32>} : memref<256xi32, #tpu.memory_space<vmem>>, vector<16xi32>,
        %reduce_sum3A = arith.constant true
        %reduce_sum3A_655 = vector.broadcast %reduce_sum3A : i1 to vector<16xi1>
        %reduce_sum3A_656 = tpu.scan <sum>, %get3A_647 masked %reduce_sum3A_655 : vector<16xi32>, vector<16xi1> -> vector<16xi32>
        %reduce_sum3A_657 = vector.extract %reduce_sum3A_656[15] : i32 from vector<16xi32>
        %add3A_658 = arith.addi %scan3A_644, %reduce_sum3A_657 : i32
        scf.yield %add3A_658 : i32
      }
      %scan3A_488 = arith.constant 16 : i32
      %parallel_loop3A_489 = arith.constant 0 : i32
      %parallel_loop3A_490 = arith.constant 64 : i32
      %parallel_loop3A_491 = arith.constant 1 : i32
      scf.for %parallel_loop3A_643 = %parallel_loop3A_489 to %parallel_loop3A_490 step %parallel_loop3A_491  : i32 {
        %parallel_loop3A_644 = arith.constant 4 : i32
        %parallel_loop3A_645 = arith.muli %parallel_loop3A_643, %parallel_loop3A_644 : i32
        %parallel_loop3A_646 = arith.constant 0 : i32
        %parallel_loop3A_647 = arith.addi %parallel_loop3A_645, %parallel_loop3A_646 : i32
        %parallel_loop3A_648 = vector.broadcast %parallel_loop3A_647 : i32 to vector<16xi32>
        %parallel_loop3A_649 = tpu.vector_load_idx %arg7[%parallel_loop3A_648] : memref<256xi32, #tpu.memory_space<vmem>>[vector<16xi32>], vector<16xi32>,
        %parallel_loop3A_650 = arith.constant 4 : i32
        %parallel_loop3A_651 = arith.muli %parallel_loop3A_643, %parallel_loop3A_650 : i32
        %parallel_loop3A_652 = arith.constant 1 : i32
        %parallel_loop3A_653 = arith.addi %parallel_loop3A_651, %parallel_loop3A_652 : i32
        %parallel_loop3A_654 = vector.broadcast %parallel_loop3A_653 : i32 to vector<16xi32>
        %parallel_loop3A_655 = tpu.vector_load_idx %arg7[%parallel_loop3A_654] : memref<256xi32, #tpu.memory_space<vmem>>[vector<16xi32>], vector<16xi32>,
        %parallel_loop3A_656 = arith.constant 4 : i32
        %parallel_loop3A_657 = arith.muli %parallel_loop3A_643, %parallel_loop3A_656 : i32
        %parallel_loop3A_658 = arith.constant 2 : i32
        %parallel_loop3A_659 = arith.addi %parallel_loop3A_657, %parallel_loop3A_658 : i32
        %parallel_loop3A_660 = vector.broadcast %parallel_loop3A_659 : i32 to vector<16xi32>
        %parallel_loop3A_661 = tpu.vector_load_idx %arg7[%parallel_loop3A_660] : memref<256xi32, #tpu.memory_space<vmem>>[vector<16xi32>], vector<16xi32>,
        %parallel_loop3A_662 = arith.constant 4 : i32
        %parallel_loop3A_663 = arith.muli %parallel_loop3A_643, %parallel_loop3A_662 : i32
        %parallel_loop3A_664 = arith.constant 3 : i32
        %parallel_loop3A_665 = arith.addi %parallel_loop3A_663, %parallel_loop3A_664 : i32
        %parallel_loop3A_666 = vector.broadcast %parallel_loop3A_665 : i32 to vector<16xi32>
        %parallel_loop3A_667 = tpu.vector_load_idx %arg7[%parallel_loop3A_666] : memref<256xi32, #tpu.memory_space<vmem>>[vector<16xi32>], vector<16xi32>,
        %parallel_loop3A_668 = arith.constant 4 : i32
        %parallel_loop3A_669 = arith.muli %parallel_loop3A_643, %parallel_loop3A_668 : i32
        %parallel_loop3A_670 = arith.constant 0 : i32
        %parallel_loop3A_671 = arith.addi %parallel_loop3A_669, %parallel_loop3A_670 : i32
        %parallel_loop3A_672 = arith.constant 16 : i32
        %parallel_loop3A_673 = arith.muli %parallel_loop3A_671, %parallel_loop3A_672 : i32
        %parallel_loop3A_674 = arith.constant 0 : i32
        %parallel_loop3A_675 = arith.addi %parallel_loop3A_674, %parallel_loop3A_673 : i32
        %parallel_loop3A_676 = arith.index_cast %parallel_loop3A_675 : i32 to index
        %parallel_loop3A_677 = tpu.vector_load %arg6[%parallel_loop3A_676] {strides = array<i32>} : memref<32768xi32, #tpu.memory_space<vmem>>, vector<16xi32>,
        tpu.vector_store %arg6[%parallel_loop3A_676], %parallel_loop3A_649 {add = true, strides = array<i32>} : memref<32768xi32, #tpu.memory_space<vmem>>, vector<16xi32>,
        %parallel_loop3A_678 = arith.constant 4096 : i32
        %parallel_loop3A_679 = arith.addi %parallel_loop3A_678, %parallel_loop3A_673 : i32
        %parallel_loop3A_680 = arith.index_cast %parallel_loop3A_679 : i32 to index
        %parallel_loop3A_681 = tpu.vector_load %arg6[%parallel_loop3A_680] {strides = array<i32>} : memref<32768xi32, #tpu.memory_space<vmem>>, vector<16xi32>,
        tpu.vector_store %arg6[%parallel_loop3A_680], %parallel_loop3A_649 {add = true, strides = array<i32>} : memref<32768xi32, #tpu.memory_space<vmem>>, vector<16xi32>,
        %parallel_loop3A_682 = arith.constant 8192 : i32
        %parallel_loop3A_683 = arith.addi %parallel_loop3A_682, %parallel_loop3A_673 : i32
        %parallel_loop3A_684 = arith.index_cast %parallel_loop3A_683 : i32 to index
        %parallel_loop3A_685 = tpu.vector_load %arg6[%parallel_loop3A_684] {strides = array<i32>} : memref<32768xi32, #tpu.memory_space<vmem>>, vector<16xi32>,
        tpu.vector_store %arg6[%parallel_loop3A_684], %parallel_loop3A_649 {add = true, strides = array<i32>} : memref<32768xi32, #tpu.memory_space<vmem>>, vector<16xi32>,
        %parallel_loop3A_686 = arith.constant 12288 : i32
        %parallel_loop3A_687 = arith.addi %parallel_loop3A_686, %parallel_loop3A_673 : i32
        %parallel_loop3A_688 = arith.index_cast %parallel_loop3A_687 : i32 to index
        %parallel_loop3A_689 = tpu.vector_load %arg6[%parallel_loop3A_688] {strides = array<i32>} : memref<32768xi32, #tpu.memory_space<vmem>>, vector<16xi32>,
        tpu.vector_store %arg6[%parallel_loop3A_688], %parallel_loop3A_649 {add = true, strides = array<i32>} : memref<32768xi32, #tpu.memory_space<vmem>>, vector<16xi32>,
        %parallel_loop3A_690 = arith.constant 16384 : i32
        %parallel_loop3A_691 = arith.addi %parallel_loop3A_690, %parallel_loop3A_673 : i32
        %parallel_loop3A_692 = arith.index_cast %parallel_loop3A_691 : i32 to index
        %parallel_loop3A_693 = tpu.vector_load %arg6[%parallel_loop3A_692] {strides = array<i32>} : memref<32768xi32, #tpu.memory_space<vmem>>, vector<16xi32>,
        tpu.vector_store %arg6[%parallel_loop3A_692], %parallel_loop3A_649 {add = true, strides = array<i32>} : memref<32768xi32, #tpu.memory_space<vmem>>, vector<16xi32>,
        %parallel_loop3A_694 = arith.constant 20480 : i32
        %parallel_loop3A_695 = arith.addi %parallel_loop3A_694, %parallel_loop3A_673 : i32
        %parallel_loop3A_696 = arith.index_cast %parallel_loop3A_695 : i32 to index
        %parallel_loop3A_697 = tpu.vector_load %arg6[%parallel_loop3A_696] {strides = array<i32>} : memref<32768xi32, #tpu.memory_space<vmem>>, vector<16xi32>,
        tpu.vector_store %arg6[%parallel_loop3A_696], %parallel_loop3A_649 {add = true, strides = array<i32>} : memref<32768xi32, #tpu.memory_space<vmem>>, vector<16xi32>,
        %parallel_loop3A_698 = arith.constant 24576 : i32
        %parallel_loop3A_699 = arith.addi %parallel_loop3A_698, %parallel_loop3A_673 : i32
        %parallel_loop3A_700 = arith.index_cast %parallel_loop3A_699 : i32 to index
        %parallel_loop3A_701 = tpu.vector_load %arg6[%parallel_loop3A_700] {strides = array<i32>} : memref<32768xi32, #tpu.memory_space<vmem>>, vector<16xi32>,
        tpu.vector_store %arg6[%parallel_loop3A_700], %parallel_loop3A_649 {add = true, strides = array<i32>} : memref<32768xi32, #tpu.memory_space<vmem>>, vector<16xi32>,
        %parallel_loop3A_702 = arith.constant 28672 : i32
        %parallel_loop3A_703 = arith.addi %parallel_loop3A_702, %parallel_loop3A_673 : i32
        %parallel_loop3A_704 = arith.index_cast %parallel_loop3A_703 : i32 to index
        %parallel_loop3A_705 = tpu.vector_load %arg6[%parallel_loop3A_704] {strides = array<i32>} : memref<32768xi32, #tpu.memory_space<vmem>>, vector<16xi32>,
        tpu.vector_store %arg6[%parallel_loop3A_704], %parallel_loop3A_649 {add = true, strides = array<i32>} : memref<32768xi32, #tpu.memory_space<vmem>>, vector<16xi32>,
        %parallel_loop3A_706 = arith.constant 4 : i32
        %parallel_loop3A_707 = arith.muli %parallel_loop3A_643, %parallel_loop3A_706 : i32
        %parallel_loop3A_708 = arith.constant 1 : i32
        %parallel_loop3A_709 = arith.addi %parallel_loop3A_707, %parallel_loop3A_708 : i32
        %parallel_loop3A_710 = arith.constant 16 : i32
        %parallel_loop3A_711 = arith.muli %parallel_loop3A_709, %parallel_loop3A_710 : i32
        %parallel_loop3A_712 = arith.constant 0 : i32
        %parallel_loop3A_713 = arith.addi %parallel_loop3A_712, %parallel_loop3A_711 : i32
        %parallel_loop3A_714 = arith.index_cast %parallel_loop3A_713 : i32 to index
        %parallel_loop3A_715 = tpu.vector_load %arg6[%parallel_loop3A_714] {strides = array<i32>} : memref<32768xi32, #tpu.memory_space<vmem>>, vector<16xi32>,
        tpu.vector_store %arg6[%parallel_loop3A_714], %parallel_loop3A_655 {add = true, strides = array<i32>} : memref<32768xi32, #tpu.memory_space<vmem>>, vector<16xi32>,
        %parallel_loop3A_716 = arith.constant 4096 : i32
        %parallel_loop3A_717 = arith.addi %parallel_loop3A_716, %parallel_loop3A_711 : i32
        %parallel_loop3A_718 = arith.index_cast %parallel_loop3A_717 : i32 to index
        %parallel_loop3A_719 = tpu.vector_load %arg6[%parallel_loop3A_718] {strides = array<i32>} : memref<32768xi32, #tpu.memory_space<vmem>>, vector<16xi32>,
        tpu.vector_store %arg6[%parallel_loop3A_718], %parallel_loop3A_655 {add = true, strides = array<i32>} : memref<32768xi32, #tpu.memory_space<vmem>>, vector<16xi32>,
        %parallel_loop3A_720 = arith.constant 8192 : i32
        %parallel_loop3A_721 = arith.addi %parallel_loop3A_720, %parallel_loop3A_711 : i32
        %parallel_loop3A_722 = arith.index_cast %parallel_loop3A_721 : i32 to index
        %parallel_loop3A_723 = tpu.vector_load %arg6[%parallel_loop3A_722] {strides = array<i32>} : memref<32768xi32, #tpu.memory_space<vmem>>, vector<16xi32>,
        tpu.vector_store %arg6[%parallel_loop3A_722], %parallel_loop3A_655 {add = true, strides = array<i32>} : memref<32768xi32, #tpu.memory_space<vmem>>, vector<16xi32>,
        %parallel_loop3A_724 = arith.constant 12288 : i32
        %parallel_loop3A_725 = arith.addi %parallel_loop3A_724, %parallel_loop3A_711 : i32
        %parallel_loop3A_726 = arith.index_cast %parallel_loop3A_725 : i32 to index
        %parallel_loop3A_727 = tpu.vector_load %arg6[%parallel_loop3A_726] {strides = array<i32>} : memref<32768xi32, #tpu.memory_space<vmem>>, vector<16xi32>,
        tpu.vector_store %arg6[%parallel_loop3A_726], %parallel_loop3A_655 {add = true, strides = array<i32>} : memref<32768xi32, #tpu.memory_space<vmem>>, vector<16xi32>,
        %parallel_loop3A_728 = arith.constant 16384 : i32
        %parallel_loop3A_729 = arith.addi %parallel_loop3A_728, %parallel_loop3A_711 : i32
        %parallel_loop3A_730 = arith.index_cast %parallel_loop3A_729 : i32 to index
        %parallel_loop3A_731 = tpu.vector_load %arg6[%parallel_loop3A_730] {strides = array<i32>} : memref<32768xi32, #tpu.memory_space<vmem>>, vector<16xi32>,
        tpu.vector_store %arg6[%parallel_loop3A_730], %parallel_loop3A_655 {add = true, strides = array<i32>} : memref<32768xi32, #tpu.memory_space<vmem>>, vector<16xi32>,
        %parallel_loop3A_732 = arith.constant 20480 : i32
        %parallel_loop3A_733 = arith.addi %parallel_loop3A_732, %parallel_loop3A_711 : i32
        %parallel_loop3A_734 = arith.index_cast %parallel_loop3A_733 : i32 to index
        %parallel_loop3A_735 = tpu.vector_load %arg6[%parallel_loop3A_734] {strides = array<i32>} : memref<32768xi32, #tpu.memory_space<vmem>>, vector<16xi32>,
        tpu.vector_store %arg6[%parallel_loop3A_734], %parallel_loop3A_655 {add = true, strides = array<i32>} : memref<32768xi32, #tpu.memory_space<vmem>>, vector<16xi32>,
        %parallel_loop3A_736 = arith.constant 24576 : i32
        %parallel_loop3A_737 = arith.addi %parallel_loop3A_736, %parallel_loop3A_711 : i32
        %parallel_loop3A_738 = arith.index_cast %parallel_loop3A_737 : i32 to index
        %parallel_loop3A_739 = tpu.vector_load %arg6[%parallel_loop3A_738] {strides = array<i32>} : memref<32768xi32, #tpu.memory_space<vmem>>, vector<16xi32>,
        tpu.vector_store %arg6[%parallel_loop3A_738], %parallel_loop3A_655 {add = true, strides = array<i32>} : memref<32768xi32, #tpu.memory_space<vmem>>, vector<16xi32>,
        %parallel_loop3A_740 = arith.constant 28672 : i32
        %parallel_loop3A_741 = arith.addi %parallel_loop3A_740, %parallel_loop3A_711 : i32
        %parallel_loop3A_742 = arith.index_cast %parallel_loop3A_741 : i32 to index
        %parallel_loop3A_743 = tpu.vector_load %arg6[%parallel_loop3A_742] {strides = array<i32>} : memref<32768xi32, #tpu.memory_space<vmem>>, vector<16xi32>,
        tpu.vector_store %arg6[%parallel_loop3A_742], %parallel_loop3A_655 {add = true, strides = array<i32>} : memref<32768xi32, #tpu.memory_space<vmem>>, vector<16xi32>,
        %parallel_loop3A_744 = arith.constant 4 : i32
        %parallel_loop3A_745 = arith.muli %parallel_loop3A_643, %parallel_loop3A_744 : i32
        %parallel_loop3A_746 = arith.constant 2 : i32
        %parallel_loop3A_747 = arith.addi %parallel_loop3A_745, %parallel_loop3A_746 : i32
        %parallel_loop3A_748 = arith.constant 16 : i32
        %parallel_loop3A_749 = arith.muli %parallel_loop3A_747, %parallel_loop3A_748 : i32
        %parallel_loop3A_750 = arith.constant 0 : i32
        %parallel_loop3A_751 = arith.addi %parallel_loop3A_750, %parallel_loop3A_749 : i32
        %parallel_loop3A_752 = arith.index_cast %parallel_loop3A_751 : i32 to index
        %parallel_loop3A_753 = tpu.vector_load %arg6[%parallel_loop3A_752] {strides = array<i32>} : memref<32768xi32, #tpu.memory_space<vmem>>, vector<16xi32>,
        tpu.vector_store %arg6[%parallel_loop3A_752], %parallel_loop3A_661 {add = true, strides = array<i32>} : memref<32768xi32, #tpu.memory_space<vmem>>, vector<16xi32>,
        %parallel_loop3A_754 = arith.constant 4096 : i32
        %parallel_loop3A_755 = arith.addi %parallel_loop3A_754, %parallel_loop3A_749 : i32
        %parallel_loop3A_756 = arith.index_cast %parallel_loop3A_755 : i32 to index
        %parallel_loop3A_757 = tpu.vector_load %arg6[%parallel_loop3A_756] {strides = array<i32>} : memref<32768xi32, #tpu.memory_space<vmem>>, vector<16xi32>,
        tpu.vector_store %arg6[%parallel_loop3A_756], %parallel_loop3A_661 {add = true, strides = array<i32>} : memref<32768xi32, #tpu.memory_space<vmem>>, vector<16xi32>,
        %parallel_loop3A_758 = arith.constant 8192 : i32
        %parallel_loop3A_759 = arith.addi %parallel_loop3A_758, %parallel_loop3A_749 : i32
        %parallel_loop3A_760 = arith.index_cast %parallel_loop3A_759 : i32 to index
        %parallel_loop3A_761 = tpu.vector_load %arg6[%parallel_loop3A_760] {strides = array<i32>} : memref<32768xi32, #tpu.memory_space<vmem>>, vector<16xi32>,
        tpu.vector_store %arg6[%parallel_loop3A_760], %parallel_loop3A_661 {add = true, strides = array<i32>} : memref<32768xi32, #tpu.memory_space<vmem>>, vector<16xi32>,
        %parallel_loop3A_762 = arith.constant 12288 : i32
        %parallel_loop3A_763 = arith.addi %parallel_loop3A_762, %parallel_loop3A_749 : i32
        %parallel_loop3A_764 = arith.index_cast %parallel_loop3A_763 : i32 to index
        %parallel_loop3A_765 = tpu.vector_load %arg6[%parallel_loop3A_764] {strides = array<i32>} : memref<32768xi32, #tpu.memory_space<vmem>>, vector<16xi32>,
        tpu.vector_store %arg6[%parallel_loop3A_764], %parallel_loop3A_661 {add = true, strides = array<i32>} : memref<32768xi32, #tpu.memory_space<vmem>>, vector<16xi32>,
        %parallel_loop3A_766 = arith.constant 16384 : i32
        %parallel_loop3A_767 = arith.addi %parallel_loop3A_766, %parallel_loop3A_749 : i32
        %parallel_loop3A_768 = arith.index_cast %parallel_loop3A_767 : i32 to index
        %parallel_loop3A_769 = tpu.vector_load %arg6[%parallel_loop3A_768] {strides = array<i32>} : memref<32768xi32, #tpu.memory_space<vmem>>, vector<16xi32>,
        tpu.vector_store %arg6[%parallel_loop3A_768], %parallel_loop3A_661 {add = true, strides = array<i32>} : memref<32768xi32, #tpu.memory_space<vmem>>, vector<16xi32>,
        %parallel_loop3A_770 = arith.constant 20480 : i32
        %parallel_loop3A_771 = arith.addi %parallel_loop3A_770, %parallel_loop3A_749 : i32
        %parallel_loop3A_772 = arith.index_cast %parallel_loop3A_771 : i32 to index
        %parallel_loop3A_773 = tpu.vector_load %arg6[%parallel_loop3A_772] {strides = array<i32>} : memref<32768xi32, #tpu.memory_space<vmem>>, vector<16xi32>,
        tpu.vector_store %arg6[%parallel_loop3A_772], %parallel_loop3A_661 {add = true, strides = array<i32>} : memref<32768xi32, #tpu.memory_space<vmem>>, vector<16xi32>,
        %parallel_loop3A_774 = arith.constant 24576 : i32
        %parallel_loop3A_775 = arith.addi %parallel_loop3A_774, %parallel_loop3A_749 : i32
        %parallel_loop3A_776 = arith.index_cast %parallel_loop3A_775 : i32 to index
        %parallel_loop3A_777 = tpu.vector_load %arg6[%parallel_loop3A_776] {strides = array<i32>} : memref<32768xi32, #tpu.memory_space<vmem>>, vector<16xi32>,
        tpu.vector_store %arg6[%parallel_loop3A_776], %parallel_loop3A_661 {add = true, strides = array<i32>} : memref<32768xi32, #tpu.memory_space<vmem>>, vector<16xi32>,
        %parallel_loop3A_778 = arith.constant 28672 : i32
        %parallel_loop3A_779 = arith.addi %parallel_loop3A_778, %parallel_loop3A_749 : i32
        %parallel_loop3A_780 = arith.index_cast %parallel_loop3A_779 : i32 to index
        %parallel_loop3A_781 = tpu.vector_load %arg6[%parallel_loop3A_780] {strides = array<i32>} : memref<32768xi32, #tpu.memory_space<vmem>>, vector<16xi32>,
        tpu.vector_store %arg6[%parallel_loop3A_780], %parallel_loop3A_661 {add = true, strides = array<i32>} : memref<32768xi32, #tpu.memory_space<vmem>>, vector<16xi32>,
        %parallel_loop3A_782 = arith.constant 4 : i32
        %parallel_loop3A_783 = arith.muli %parallel_loop3A_643, %parallel_loop3A_782 : i32
        %parallel_loop3A_784 = arith.constant 3 : i32
        %parallel_loop3A_785 = arith.addi %parallel_loop3A_783, %parallel_loop3A_784 : i32
        %parallel_loop3A_786 = arith.constant 16 : i32
        %parallel_loop3A_787 = arith.muli %parallel_loop3A_785, %parallel_loop3A_786 : i32
        %parallel_loop3A_788 = arith.constant 0 : i32
        %parallel_loop3A_789 = arith.addi %parallel_loop3A_788, %parallel_loop3A_787 : i32
        %parallel_loop3A_790 = arith.index_cast %parallel_loop3A_789 : i32 to index
        %parallel_loop3A_791 = tpu.vector_load %arg6[%parallel_loop3A_790] {strides = array<i32>} : memref<32768xi32, #tpu.memory_space<vmem>>, vector<16xi32>,
        tpu.vector_store %arg6[%parallel_loop3A_790], %parallel_loop3A_667 {add = true, strides = array<i32>} : memref<32768xi32, #tpu.memory_space<vmem>>, vector<16xi32>,
        %parallel_loop3A_792 = arith.constant 4096 : i32
        %parallel_loop3A_793 = arith.addi %parallel_loop3A_792, %parallel_loop3A_787 : i32
        %parallel_loop3A_794 = arith.index_cast %parallel_loop3A_793 : i32 to index
        %parallel_loop3A_795 = tpu.vector_load %arg6[%parallel_loop3A_794] {strides = array<i32>} : memref<32768xi32, #tpu.memory_space<vmem>>, vector<16xi32>,
        tpu.vector_store %arg6[%parallel_loop3A_794], %parallel_loop3A_667 {add = true, strides = array<i32>} : memref<32768xi32, #tpu.memory_space<vmem>>, vector<16xi32>,
        %parallel_loop3A_796 = arith.constant 8192 : i32
        %parallel_loop3A_797 = arith.addi %parallel_loop3A_796, %parallel_loop3A_787 : i32
        %parallel_loop3A_798 = arith.index_cast %parallel_loop3A_797 : i32 to index
        %parallel_loop3A_799 = tpu.vector_load %arg6[%parallel_loop3A_798] {strides = array<i32>} : memref<32768xi32, #tpu.memory_space<vmem>>, vector<16xi32>,
        tpu.vector_store %arg6[%parallel_loop3A_798], %parallel_loop3A_667 {add = true, strides = array<i32>} : memref<32768xi32, #tpu.memory_space<vmem>>, vector<16xi32>,
        %parallel_loop3A_800 = arith.constant 12288 : i32
        %parallel_loop3A_801 = arith.addi %parallel_loop3A_800, %parallel_loop3A_787 : i32
        %parallel_loop3A_802 = arith.index_cast %parallel_loop3A_801 : i32 to index
        %parallel_loop3A_803 = tpu.vector_load %arg6[%parallel_loop3A_802] {strides = array<i32>} : memref<32768xi32, #tpu.memory_space<vmem>>, vector<16xi32>,
        tpu.vector_store %arg6[%parallel_loop3A_802], %parallel_loop3A_667 {add = true, strides = array<i32>} : memref<32768xi32, #tpu.memory_space<vmem>>, vector<16xi32>,
        %parallel_loop3A_804 = arith.constant 16384 : i32
        %parallel_loop3A_805 = arith.addi %parallel_loop3A_804, %parallel_loop3A_787 : i32
        %parallel_loop3A_806 = arith.index_cast %parallel_loop3A_805 : i32 to index
        %parallel_loop3A_807 = tpu.vector_load %arg6[%parallel_loop3A_806] {strides = array<i32>} : memref<32768xi32, #tpu.memory_space<vmem>>, vector<16xi32>,
        tpu.vector_store %arg6[%parallel_loop3A_806], %parallel_loop3A_667 {add = true, strides = array<i32>} : memref<32768xi32, #tpu.memory_space<vmem>>, vector<16xi32>,
        %parallel_loop3A_808 = arith.constant 20480 : i32
        %parallel_loop3A_809 = arith.addi %parallel_loop3A_808, %parallel_loop3A_787 : i32
        %parallel_loop3A_810 = arith.index_cast %parallel_loop3A_809 : i32 to index
        %parallel_loop3A_811 = tpu.vector_load %arg6[%parallel_loop3A_810] {strides = array<i32>} : memref<32768xi32, #tpu.memory_space<vmem>>, vector<16xi32>,
        tpu.vector_store %arg6[%parallel_loop3A_810], %parallel_loop3A_667 {add = true, strides = array<i32>} : memref<32768xi32, #tpu.memory_space<vmem>>, vector<16xi32>,
        %parallel_loop3A_812 = arith.constant 24576 : i32
        %parallel_loop3A_813 = arith.addi %parallel_loop3A_812, %parallel_loop3A_787 : i32
        %parallel_loop3A_814 = arith.index_cast %parallel_loop3A_813 : i32 to index
        %parallel_loop3A_815 = tpu.vector_load %arg6[%parallel_loop3A_814] {strides = array<i32>} : memref<32768xi32, #tpu.memory_space<vmem>>, vector<16xi32>,
        tpu.vector_store %arg6[%parallel_loop3A_814], %parallel_loop3A_667 {add = true, strides = array<i32>} : memref<32768xi32, #tpu.memory_space<vmem>>, vector<16xi32>,
        %parallel_loop3A_816 = arith.constant 28672 : i32
        %parallel_loop3A_817 = arith.addi %parallel_loop3A_816, %parallel_loop3A_787 : i32
        %parallel_loop3A_818 = arith.index_cast %parallel_loop3A_817 : i32 to index
        %parallel_loop3A_819 = tpu.vector_load %arg6[%parallel_loop3A_818] {strides = array<i32>} : memref<32768xi32, #tpu.memory_space<vmem>>, vector<16xi32>,
        tpu.vector_store %arg6[%parallel_loop3A_818], %parallel_loop3A_667 {add = true, strides = array<i32>} : memref<32768xi32, #tpu.memory_space<vmem>>, vector<16xi32>,
      } {sc.loop_unroll_factor = 1 : i64, sc.parallel_access}
      %add3A_492 = arith.constant 0 : i32
      %add3A_493 = vector.broadcast %add3A_492 : i32 to vector<16xi32>
      %add3A_494 = arith.addi %mul3A_472, %add3A_493 : vector<16xi32>
      %gather3A_495 = tpu.vector_load_idx %arg5[%add3A_494] : memref<32768xf32, #tpu.memory_space<vmem>>[vector<16xi32>], vector<16xf32>,
      %bitcast3A_496 = vector.bitcast %gather3A_495 : vector<16xf32> to vector<16xi32>
      %shift_right_arithmetic3A_497 = arith.constant 24 : i32
      %shift_right_arithmetic3A_498 = vector.broadcast %shift_right_arithmetic3A_497 : i32 to vector<16xi32>
      %shift_right_arithmetic3A_499 = arith.shrsi %bitcast3A_496, %shift_right_arithmetic3A_498 : vector<16xi32>
      %and3A_500 = arith.constant 255 : i32
      %and3A_501 = vector.broadcast %and3A_500 : i32 to vector<16xi32>
      %and3A_502 = arith.andi %shift_right_arithmetic3A_499, %and3A_501 : vector<16xi32>
      %shift_left3A_503 = arith.constant 4 : i32
      %shift_left3A_504 = vector.broadcast %shift_left3A_503 : i32 to vector<16xi32>
      %shift_left3A_505 = arith.shli %and3A_502, %shift_left3A_504 : vector<16xi32>
      %add3A_506 = arith.constant 0 : i32
      %add3A_507 = vector.broadcast %add3A_506 : i32 to vector<16xi32>
      %add3A_508 = arith.addi %iota3A, %add3A_507 : vector<16xi32>
      %add3A_509 = arith.addi %shift_left3A_505, %add3A_508 : vector<16xi32>
      %add3A_510 = arith.constant 256 : i32
      %add3A_511 = vector.broadcast %add3A_510 : i32 to vector<16xi32>
      %add3A_512 = arith.addi %mul3A_472, %add3A_511 : vector<16xi32>
      %gather3A_513 = tpu.vector_load_idx %arg5[%add3A_512] : memref<32768xf32, #tpu.memory_space<vmem>>[vector<16xi32>], vector<16xf32>,
      %scan3A_514 = arith.constant 0 : i32
      %scan3A_515 = arith.constant 2044 : i32
      %scan3A_516 = arith.addi %scan3A_514, %scan3A_515 : i32
      %scan3A_517 = arith.constant 4 : i32
      %scan3A_518:3 = scf.for %scan3A_643 = %scan3A_514 to %scan3A_516 step %scan3A_517 iter_args(%scan3A_644 = %bitcast3A_496, %scan3A_645 = %add3A_509, %scan3A_646 = %gather3A_513) -> (vector<16xi32>, vector<16xi32>, vector<16xf32>)  : i32 {
        %add3A_647 = arith.constant 2 : i32
        %add3A_648 = arith.addi %scan3A_643, %add3A_647 : i32
        %and3A_649 = arith.constant 7 : i32
        %and3A_650 = arith.andi %add3A_648, %and3A_649 : i32
        %shift_right_arithmetic3A_651 = arith.constant 3 : i32
        %shift_right_arithmetic3A_652 = arith.shrsi %add3A_648, %shift_right_arithmetic3A_651 : i32
        %mul3A_653 = arith.constant 256 : i32
        %mul3A_654 = arith.muli %and3A_650, %mul3A_653 : i32
        %add3A_655 = arith.addi %mul3A_654, %shift_right_arithmetic3A_652 : i32
        %add3A_656 = vector.broadcast %add3A_655 : i32 to vector<16xi32>
        %add3A_657 = arith.addi %mul3A_472, %add3A_656 : vector<16xi32>
        %gather3A_658 = tpu.vector_load_idx %arg5[%add3A_657] : memref<32768xf32, #tpu.memory_space<vmem>>[vector<16xi32>], vector<16xf32>,
        %add3A_659 = arith.constant 1 : i32
        %add3A_660 = arith.addi %scan3A_643, %add3A_659 : i32
        %bitcast3A_661 = vector.bitcast %scan3A_646 : vector<16xf32> to vector<16xi32>
        %shift_right_arithmetic3A_662 = arith.constant 24 : i32
        %shift_right_arithmetic3A_663 = vector.broadcast %shift_right_arithmetic3A_662 : i32 to vector<16xi32>
        %shift_right_arithmetic3A_664 = arith.shrsi %bitcast3A_661, %shift_right_arithmetic3A_663 : vector<16xi32>
        %and3A_665 = arith.constant 255 : i32
        %and3A_666 = vector.broadcast %and3A_665 : i32 to vector<16xi32>
        %and3A_667 = arith.andi %shift_right_arithmetic3A_664, %and3A_666 : vector<16xi32>
        %shift_left3A_668 = arith.constant 4 : i32
        %shift_left3A_669 = vector.broadcast %shift_left3A_668 : i32 to vector<16xi32>
        %shift_left3A_670 = arith.shli %and3A_667, %shift_left3A_669 : vector<16xi32>
        %and3A_671 = arith.constant 7 : i32
        %and3A_672 = arith.andi %add3A_660, %and3A_671 : i32
        %shift_left3A_673 = arith.constant 12 : i32
        %shift_left3A_674 = arith.shli %and3A_672, %shift_left3A_673 : i32
        %add3A_675 = vector.broadcast %shift_left3A_674 : i32 to vector<16xi32>
        %add3A_676 = arith.addi %iota3A, %add3A_675 : vector<16xi32>
        %add3A_677 = arith.addi %shift_left3A_670, %add3A_676 : vector<16xi32>
        %gather3A_678 = tpu.vector_load_idx %arg6[%scan3A_645] : memref<32768xi32, #tpu.memory_space<vmem>>[vector<16xi32>], vector<16xi32>,
        %not3A_679 = arith.constant dense<-1> : vector<16xi32>
        %not3A_680 = arith.xori %scan3A_644, %not3A_679 : vector<16xi32>
        %shift_right_arithmetic3A_681 = arith.constant 31 : i32
        %shift_right_arithmetic3A_682 = vector.broadcast %shift_right_arithmetic3A_681 : i32 to vector<16xi32>
        %shift_right_arithmetic3A_683 = arith.shrsi %not3A_680, %shift_right_arithmetic3A_682 : vector<16xi32>
        %or3A_684 = arith.constant -2147483648 : i32
        %or3A_685 = vector.broadcast %or3A_684 : i32 to vector<16xi32>
        %or3A_686 = arith.ori %shift_right_arithmetic3A_683, %or3A_685 : vector<16xi32>
        %xor3A_687 = arith.xori %scan3A_644, %or3A_686 : vector<16xi32>
        %bitcast3A_688 = vector.bitcast %xor3A_687 : vector<16xi32> to vector<16xf32>
        tpu.vector_store_idx %arg4[%gather3A_678], %bitcast3A_688 : memref<32768xf32, #tpu.memory_space<vmem>>[vector<16xi32>], vector<16xf32>,
        tpu.vector_store_idx %arg6[%scan3A_645], %broadcast_in_dim3A_464 {add = true} : memref<32768xi32, #tpu.memory_space<vmem>>[vector<16xi32>], vector<16xi32>,
        %scan3A_689 = arith.constant 1 : i32
        %scan3A_690 = arith.addi %scan3A_643, %scan3A_689 : i32
        %add3A_691 = arith.constant 2 : i32
        %add3A_692 = arith.addi %scan3A_690, %add3A_691 : i32
        %and3A_693 = arith.constant 7 : i32
        %and3A_694 = arith.andi %add3A_692, %and3A_693 : i32
        %shift_right_arithmetic3A_695 = arith.constant 3 : i32
        %shift_right_arithmetic3A_696 = arith.shrsi %add3A_692, %shift_right_arithmetic3A_695 : i32
        %mul3A_697 = arith.constant 256 : i32
        %mul3A_698 = arith.muli %and3A_694, %mul3A_697 : i32
        %add3A_699 = arith.addi %mul3A_698, %shift_right_arithmetic3A_696 : i32
        %add3A_700 = vector.broadcast %add3A_699 : i32 to vector<16xi32>
        %add3A_701 = arith.addi %mul3A_472, %add3A_700 : vector<16xi32>
        %gather3A_702 = tpu.vector_load_idx %arg5[%add3A_701] : memref<32768xf32, #tpu.memory_space<vmem>>[vector<16xi32>], vector<16xf32>,
        %add3A_703 = arith.constant 1 : i32
        %add3A_704 = arith.addi %scan3A_690, %add3A_703 : i32
        %bitcast3A_705 = vector.bitcast %gather3A_658 : vector<16xf32> to vector<16xi32>
        %shift_right_arithmetic3A_706 = arith.constant 24 : i32
        %shift_right_arithmetic3A_707 = vector.broadcast %shift_right_arithmetic3A_706 : i32 to vector<16xi32>
        %shift_right_arithmetic3A_708 = arith.shrsi %bitcast3A_705, %shift_right_arithmetic3A_707 : vector<16xi32>
        %and3A_709 = arith.constant 255 : i32
        %and3A_710 = vector.broadcast %and3A_709 : i32 to vector<16xi32>
        %and3A_711 = arith.andi %shift_right_arithmetic3A_708, %and3A_710 : vector<16xi32>
        %shift_left3A_712 = arith.constant 4 : i32
        %shift_left3A_713 = vector.broadcast %shift_left3A_712 : i32 to vector<16xi32>
        %shift_left3A_714 = arith.shli %and3A_711, %shift_left3A_713 : vector<16xi32>
        %and3A_715 = arith.constant 7 : i32
        %and3A_716 = arith.andi %add3A_704, %and3A_715 : i32
        %shift_left3A_717 = arith.constant 12 : i32
        %shift_left3A_718 = arith.shli %and3A_716, %shift_left3A_717 : i32
        %add3A_719 = vector.broadcast %shift_left3A_718 : i32 to vector<16xi32>
        %add3A_720 = arith.addi %iota3A, %add3A_719 : vector<16xi32>
        %add3A_721 = arith.addi %shift_left3A_714, %add3A_720 : vector<16xi32>
        %gather3A_722 = tpu.vector_load_idx %arg6[%add3A_677] : memref<32768xi32, #tpu.memory_space<vmem>>[vector<16xi32>], vector<16xi32>,
        %not3A_723 = arith.constant dense<-1> : vector<16xi32>
        %not3A_724 = arith.xori %bitcast3A_661, %not3A_723 : vector<16xi32>
        %shift_right_arithmetic3A_725 = arith.constant 31 : i32
        %shift_right_arithmetic3A_726 = vector.broadcast %shift_right_arithmetic3A_725 : i32 to vector<16xi32>
        %shift_right_arithmetic3A_727 = arith.shrsi %not3A_724, %shift_right_arithmetic3A_726 : vector<16xi32>
        %or3A_728 = arith.constant -2147483648 : i32
        %or3A_729 = vector.broadcast %or3A_728 : i32 to vector<16xi32>
        %or3A_730 = arith.ori %shift_right_arithmetic3A_727, %or3A_729 : vector<16xi32>
        %xor3A_731 = arith.xori %bitcast3A_661, %or3A_730 : vector<16xi32>
        %bitcast3A_732 = vector.bitcast %xor3A_731 : vector<16xi32> to vector<16xf32>
        tpu.vector_store_idx %arg4[%gather3A_722], %bitcast3A_732 : memref<32768xf32, #tpu.memory_space<vmem>>[vector<16xi32>], vector<16xf32>,
        tpu.vector_store_idx %arg6[%add3A_677], %broadcast_in_dim3A_464 {add = true} : memref<32768xi32, #tpu.memory_space<vmem>>[vector<16xi32>], vector<16xi32>,
        %scan3A_733 = arith.constant 2 : i32
        %scan3A_734 = arith.addi %scan3A_643, %scan3A_733 : i32
        %add3A_735 = arith.constant 2 : i32
        %add3A_736 = arith.addi %scan3A_734, %add3A_735 : i32
        %and3A_737 = arith.constant 7 : i32
        %and3A_738 = arith.andi %add3A_736, %and3A_737 : i32
        %shift_right_arithmetic3A_739 = arith.constant 3 : i32
        %shift_right_arithmetic3A_740 = arith.shrsi %add3A_736, %shift_right_arithmetic3A_739 : i32
        %mul3A_741 = arith.constant 256 : i32
        %mul3A_742 = arith.muli %and3A_738, %mul3A_741 : i32
        %add3A_743 = arith.addi %mul3A_742, %shift_right_arithmetic3A_740 : i32
        %add3A_744 = vector.broadcast %add3A_743 : i32 to vector<16xi32>
        %add3A_745 = arith.addi %mul3A_472, %add3A_744 : vector<16xi32>
        %gather3A_746 = tpu.vector_load_idx %arg5[%add3A_745] : memref<32768xf32, #tpu.memory_space<vmem>>[vector<16xi32>], vector<16xf32>,
        %add3A_747 = arith.constant 1 : i32
        %add3A_748 = arith.addi %scan3A_734, %add3A_747 : i32
        %bitcast3A_749 = vector.bitcast %gather3A_702 : vector<16xf32> to vector<16xi32>
        %shift_right_arithmetic3A_750 = arith.constant 24 : i32
        %shift_right_arithmetic3A_751 = vector.broadcast %shift_right_arithmetic3A_750 : i32 to vector<16xi32>
        %shift_right_arithmetic3A_752 = arith.shrsi %bitcast3A_749, %shift_right_arithmetic3A_751 : vector<16xi32>
        %and3A_753 = arith.constant 255 : i32
        %and3A_754 = vector.broadcast %and3A_753 : i32 to vector<16xi32>
        %and3A_755 = arith.andi %shift_right_arithmetic3A_752, %and3A_754 : vector<16xi32>
        %shift_left3A_756 = arith.constant 4 : i32
        %shift_left3A_757 = vector.broadcast %shift_left3A_756 : i32 to vector<16xi32>
        %shift_left3A_758 = arith.shli %and3A_755, %shift_left3A_757 : vector<16xi32>
        %and3A_759 = arith.constant 7 : i32
        %and3A_760 = arith.andi %add3A_748, %and3A_759 : i32
        %shift_left3A_761 = arith.constant 12 : i32
        %shift_left3A_762 = arith.shli %and3A_760, %shift_left3A_761 : i32
        %add3A_763 = vector.broadcast %shift_left3A_762 : i32 to vector<16xi32>
        %add3A_764 = arith.addi %iota3A, %add3A_763 : vector<16xi32>
        %add3A_765 = arith.addi %shift_left3A_758, %add3A_764 : vector<16xi32>
        %gather3A_766 = tpu.vector_load_idx %arg6[%add3A_721] : memref<32768xi32, #tpu.memory_space<vmem>>[vector<16xi32>], vector<16xi32>,
        %not3A_767 = arith.constant dense<-1> : vector<16xi32>
        %not3A_768 = arith.xori %bitcast3A_705, %not3A_767 : vector<16xi32>
        %shift_right_arithmetic3A_769 = arith.constant 31 : i32
        %shift_right_arithmetic3A_770 = vector.broadcast %shift_right_arithmetic3A_769 : i32 to vector<16xi32>
        %shift_right_arithmetic3A_771 = arith.shrsi %not3A_768, %shift_right_arithmetic3A_770 : vector<16xi32>
        %or3A_772 = arith.constant -2147483648 : i32
        %or3A_773 = vector.broadcast %or3A_772 : i32 to vector<16xi32>
        %or3A_774 = arith.ori %shift_right_arithmetic3A_771, %or3A_773 : vector<16xi32>
        %xor3A_775 = arith.xori %bitcast3A_705, %or3A_774 : vector<16xi32>
        %bitcast3A_776 = vector.bitcast %xor3A_775 : vector<16xi32> to vector<16xf32>
        tpu.vector_store_idx %arg4[%gather3A_766], %bitcast3A_776 : memref<32768xf32, #tpu.memory_space<vmem>>[vector<16xi32>], vector<16xf32>,
        tpu.vector_store_idx %arg6[%add3A_721], %broadcast_in_dim3A_464 {add = true} : memref<32768xi32, #tpu.memory_space<vmem>>[vector<16xi32>], vector<16xi32>,
        %scan3A_777 = arith.constant 3 : i32
        %scan3A_778 = arith.addi %scan3A_643, %scan3A_777 : i32
        %add3A_779 = arith.constant 2 : i32
        %add3A_780 = arith.addi %scan3A_778, %add3A_779 : i32
        %and3A_781 = arith.constant 7 : i32
        %and3A_782 = arith.andi %add3A_780, %and3A_781 : i32
        %shift_right_arithmetic3A_783 = arith.constant 3 : i32
        %shift_right_arithmetic3A_784 = arith.shrsi %add3A_780, %shift_right_arithmetic3A_783 : i32
        %mul3A_785 = arith.constant 256 : i32
        %mul3A_786 = arith.muli %and3A_782, %mul3A_785 : i32
        %add3A_787 = arith.addi %mul3A_786, %shift_right_arithmetic3A_784 : i32
        %add3A_788 = vector.broadcast %add3A_787 : i32 to vector<16xi32>
        %add3A_789 = arith.addi %mul3A_472, %add3A_788 : vector<16xi32>
        %gather3A_790 = tpu.vector_load_idx %arg5[%add3A_789] : memref<32768xf32, #tpu.memory_space<vmem>>[vector<16xi32>], vector<16xf32>,
        %add3A_791 = arith.constant 1 : i32
        %add3A_792 = arith.addi %scan3A_778, %add3A_791 : i32
        %bitcast3A_793 = vector.bitcast %gather3A_746 : vector<16xf32> to vector<16xi32>
        %shift_right_arithmetic3A_794 = arith.constant 24 : i32
        %shift_right_arithmetic3A_795 = vector.broadcast %shift_right_arithmetic3A_794 : i32 to vector<16xi32>
        %shift_right_arithmetic3A_796 = arith.shrsi %bitcast3A_793, %shift_right_arithmetic3A_795 : vector<16xi32>
        %and3A_797 = arith.constant 255 : i32
        %and3A_798 = vector.broadcast %and3A_797 : i32 to vector<16xi32>
        %and3A_799 = arith.andi %shift_right_arithmetic3A_796, %and3A_798 : vector<16xi32>
        %shift_left3A_800 = arith.constant 4 : i32
        %shift_left3A_801 = vector.broadcast %shift_left3A_800 : i32 to vector<16xi32>
        %shift_left3A_802 = arith.shli %and3A_799, %shift_left3A_801 : vector<16xi32>
        %and3A_803 = arith.constant 7 : i32
        %and3A_804 = arith.andi %add3A_792, %and3A_803 : i32
        %shift_left3A_805 = arith.constant 12 : i32
        %shift_left3A_806 = arith.shli %and3A_804, %shift_left3A_805 : i32
        %add3A_807 = vector.broadcast %shift_left3A_806 : i32 to vector<16xi32>
        %add3A_808 = arith.addi %iota3A, %add3A_807 : vector<16xi32>
        %add3A_809 = arith.addi %shift_left3A_802, %add3A_808 : vector<16xi32>
        %gather3A_810 = tpu.vector_load_idx %arg6[%add3A_765] : memref<32768xi32, #tpu.memory_space<vmem>>[vector<16xi32>], vector<16xi32>,
        %not3A_811 = arith.constant dense<-1> : vector<16xi32>
        %not3A_812 = arith.xori %bitcast3A_749, %not3A_811 : vector<16xi32>
        %shift_right_arithmetic3A_813 = arith.constant 31 : i32
        %shift_right_arithmetic3A_814 = vector.broadcast %shift_right_arithmetic3A_813 : i32 to vector<16xi32>
        %shift_right_arithmetic3A_815 = arith.shrsi %not3A_812, %shift_right_arithmetic3A_814 : vector<16xi32>
        %or3A_816 = arith.constant -2147483648 : i32
        %or3A_817 = vector.broadcast %or3A_816 : i32 to vector<16xi32>
        %or3A_818 = arith.ori %shift_right_arithmetic3A_815, %or3A_817 : vector<16xi32>
        %xor3A_819 = arith.xori %bitcast3A_749, %or3A_818 : vector<16xi32>
        %bitcast3A_820 = vector.bitcast %xor3A_819 : vector<16xi32> to vector<16xf32>
        tpu.vector_store_idx %arg4[%gather3A_810], %bitcast3A_820 : memref<32768xf32, #tpu.memory_space<vmem>>[vector<16xi32>], vector<16xf32>,
        tpu.vector_store_idx %arg6[%add3A_765], %broadcast_in_dim3A_464 {add = true} : memref<32768xi32, #tpu.memory_space<vmem>>[vector<16xi32>], vector<16xi32>,
        scf.yield %bitcast3A_793, %add3A_809, %gather3A_790 : vector<16xi32>, vector<16xi32>, vector<16xf32>
      }
      %scan3A_519 = arith.constant 2044 : i32
      %scan3A_520 = arith.addi %scan3A_514, %scan3A_519 : i32
      %add3A_521 = arith.constant 2 : i32
      %add3A_522 = arith.addi %scan3A_520, %add3A_521 : i32
      %and3A_523 = arith.constant 7 : i32
      %and3A_524 = arith.andi %add3A_522, %and3A_523 : i32
      %shift_right_arithmetic3A_525 = arith.constant 3 : i32
      %shift_right_arithmetic3A_526 = arith.shrsi %add3A_522, %shift_right_arithmetic3A_525 : i32
      %mul3A_527 = arith.constant 256 : i32
      %mul3A_528 = arith.muli %and3A_524, %mul3A_527 : i32
      %add3A_529 = arith.addi %mul3A_528, %shift_right_arithmetic3A_526 : i32
      %add3A_530 = vector.broadcast %add3A_529 : i32 to vector<16xi32>
      %add3A_531 = arith.addi %mul3A_472, %add3A_530 : vector<16xi32>
      %gather3A_532 = tpu.vector_load_idx %arg5[%add3A_531] : memref<32768xf32, #tpu.memory_space<vmem>>[vector<16xi32>], vector<16xf32>,
      %add3A_533 = arith.constant 1 : i32
      %add3A_534 = arith.addi %scan3A_520, %add3A_533 : i32
      %bitcast3A_535 = vector.bitcast %scan3A_518#2 : vector<16xf32> to vector<16xi32>
      %shift_right_arithmetic3A_536 = arith.constant 24 : i32
      %shift_right_arithmetic3A_537 = vector.broadcast %shift_right_arithmetic3A_536 : i32 to vector<16xi32>
      %shift_right_arithmetic3A_538 = arith.shrsi %bitcast3A_535, %shift_right_arithmetic3A_537 : vector<16xi32>
      %and3A_539 = arith.constant 255 : i32
      %and3A_540 = vector.broadcast %and3A_539 : i32 to vector<16xi32>
      %and3A_541 = arith.andi %shift_right_arithmetic3A_538, %and3A_540 : vector<16xi32>
      %shift_left3A_542 = arith.constant 4 : i32
      %shift_left3A_543 = vector.broadcast %shift_left3A_542 : i32 to vector<16xi32>
      %shift_left3A_544 = arith.shli %and3A_541, %shift_left3A_543 : vector<16xi32>
      %and3A_545 = arith.constant 7 : i32
      %and3A_546 = arith.andi %add3A_534, %and3A_545 : i32
      %shift_left3A_547 = arith.constant 12 : i32
      %shift_left3A_548 = arith.shli %and3A_546, %shift_left3A_547 : i32
      %add3A_549 = vector.broadcast %shift_left3A_548 : i32 to vector<16xi32>
      %add3A_550 = arith.addi %iota3A, %add3A_549 : vector<16xi32>
      %add3A_551 = arith.addi %shift_left3A_544, %add3A_550 : vector<16xi32>
      %gather3A_552 = tpu.vector_load_idx %arg6[%scan3A_518#1] : memref<32768xi32, #tpu.memory_space<vmem>>[vector<16xi32>], vector<16xi32>,
      %not3A = arith.constant dense<-1> : vector<16xi32>
      %not3A_553 = arith.xori %scan3A_518#0, %not3A : vector<16xi32>
      %shift_right_arithmetic3A_554 = arith.constant 31 : i32
      %shift_right_arithmetic3A_555 = vector.broadcast %shift_right_arithmetic3A_554 : i32 to vector<16xi32>
      %shift_right_arithmetic3A_556 = arith.shrsi %not3A_553, %shift_right_arithmetic3A_555 : vector<16xi32>
      %or3A_557 = arith.constant -2147483648 : i32
      %or3A_558 = vector.broadcast %or3A_557 : i32 to vector<16xi32>
      %or3A_559 = arith.ori %shift_right_arithmetic3A_556, %or3A_558 : vector<16xi32>
      %xor3A_560 = arith.xori %scan3A_518#0, %or3A_559 : vector<16xi32>
      %bitcast3A_561 = vector.bitcast %xor3A_560 : vector<16xi32> to vector<16xf32>
      tpu.vector_store_idx %arg4[%gather3A_552], %bitcast3A_561 : memref<32768xf32, #tpu.memory_space<vmem>>[vector<16xi32>], vector<16xf32>,
      tpu.vector_store_idx %arg6[%scan3A_518#1], %broadcast_in_dim3A_464 {add = true} : memref<32768xi32, #tpu.memory_space<vmem>>[vector<16xi32>], vector<16xi32>,
      %scan3A_562 = arith.constant 2045 : i32
      %scan3A_563 = arith.addi %scan3A_514, %scan3A_562 : i32
      %add3A_564 = arith.constant 2 : i32
      %add3A_565 = arith.addi %scan3A_563, %add3A_564 : i32
      %and3A_566 = arith.constant 7 : i32
      %and3A_567 = arith.andi %add3A_565, %and3A_566 : i32
      %shift_right_arithmetic3A_568 = arith.constant 3 : i32
      %shift_right_arithmetic3A_569 = arith.shrsi %add3A_565, %shift_right_arithmetic3A_568 : i32
      %mul3A_570 = arith.constant 256 : i32
      %mul3A_571 = arith.muli %and3A_567, %mul3A_570 : i32
      %add3A_572 = arith.addi %mul3A_571, %shift_right_arithmetic3A_569 : i32
      %add3A_573 = vector.broadcast %add3A_572 : i32 to vector<16xi32>
      %add3A_574 = arith.addi %mul3A_472, %add3A_573 : vector<16xi32>
      %gather3A_575 = tpu.vector_load_idx %arg5[%add3A_574] : memref<32768xf32, #tpu.memory_space<vmem>>[vector<16xi32>], vector<16xf32>,
      %add3A_576 = arith.constant 1 : i32
      %add3A_577 = arith.addi %scan3A_563, %add3A_576 : i32
      %bitcast3A_578 = vector.bitcast %gather3A_532 : vector<16xf32> to vector<16xi32>
      %shift_right_arithmetic3A_579 = arith.constant 24 : i32
      %shift_right_arithmetic3A_580 = vector.broadcast %shift_right_arithmetic3A_579 : i32 to vector<16xi32>
      %shift_right_arithmetic3A_581 = arith.shrsi %bitcast3A_578, %shift_right_arithmetic3A_580 : vector<16xi32>
      %and3A_582 = arith.constant 255 : i32
      %and3A_583 = vector.broadcast %and3A_582 : i32 to vector<16xi32>
      %and3A_584 = arith.andi %shift_right_arithmetic3A_581, %and3A_583 : vector<16xi32>
      %shift_left3A_585 = arith.constant 4 : i32
      %shift_left3A_586 = vector.broadcast %shift_left3A_585 : i32 to vector<16xi32>
      %shift_left3A_587 = arith.shli %and3A_584, %shift_left3A_586 : vector<16xi32>
      %and3A_588 = arith.constant 7 : i32
      %and3A_589 = arith.andi %add3A_577, %and3A_588 : i32
      %shift_left3A_590 = arith.constant 12 : i32
      %shift_left3A_591 = arith.shli %and3A_589, %shift_left3A_590 : i32
      %add3A_592 = vector.broadcast %shift_left3A_591 : i32 to vector<16xi32>
      %add3A_593 = arith.addi %iota3A, %add3A_592 : vector<16xi32>
      %add3A_594 = arith.addi %shift_left3A_587, %add3A_593 : vector<16xi32>
      %gather3A_595 = tpu.vector_load_idx %arg6[%add3A_551] : memref<32768xi32, #tpu.memory_space<vmem>>[vector<16xi32>], vector<16xi32>,
      %not3A_596 = arith.constant dense<-1> : vector<16xi32>
      %not3A_597 = arith.xori %bitcast3A_535, %not3A_596 : vector<16xi32>
      %shift_right_arithmetic3A_598 = arith.constant 31 : i32
      %shift_right_arithmetic3A_599 = vector.broadcast %shift_right_arithmetic3A_598 : i32 to vector<16xi32>
      %shift_right_arithmetic3A_600 = arith.shrsi %not3A_597, %shift_right_arithmetic3A_599 : vector<16xi32>
      %or3A_601 = arith.constant -2147483648 : i32
      %or3A_602 = vector.broadcast %or3A_601 : i32 to vector<16xi32>
      %or3A_603 = arith.ori %shift_right_arithmetic3A_600, %or3A_602 : vector<16xi32>
      %xor3A_604 = arith.xori %bitcast3A_535, %or3A_603 : vector<16xi32>
      %bitcast3A_605 = vector.bitcast %xor3A_604 : vector<16xi32> to vector<16xf32>
      tpu.vector_store_idx %arg4[%gather3A_595], %bitcast3A_605 : memref<32768xf32, #tpu.memory_space<vmem>>[vector<16xi32>], vector<16xf32>,
      tpu.vector_store_idx %arg6[%add3A_551], %broadcast_in_dim3A_464 {add = true} : memref<32768xi32, #tpu.memory_space<vmem>>[vector<16xi32>], vector<16xi32>,
      %scan3A_606 = arith.constant 2046 : i32
      %gather3A_607 = tpu.vector_load_idx %arg6[%add3A_594] : memref<32768xi32, #tpu.memory_space<vmem>>[vector<16xi32>], vector<16xi32>,
      %not3A_608 = arith.constant dense<-1> : vector<16xi32>
      %not3A_609 = arith.xori %bitcast3A_578, %not3A_608 : vector<16xi32>
      %shift_right_arithmetic3A_610 = arith.constant 31 : i32
      %shift_right_arithmetic3A_611 = vector.broadcast %shift_right_arithmetic3A_610 : i32 to vector<16xi32>
      %shift_right_arithmetic3A_612 = arith.shrsi %not3A_609, %shift_right_arithmetic3A_611 : vector<16xi32>
      %or3A_613 = arith.constant -2147483648 : i32
      %or3A_614 = vector.broadcast %or3A_613 : i32 to vector<16xi32>
      %or3A_615 = arith.ori %shift_right_arithmetic3A_612, %or3A_614 : vector<16xi32>
      %xor3A_616 = arith.xori %bitcast3A_578, %or3A_615 : vector<16xi32>
      %bitcast3A_617 = vector.bitcast %xor3A_616 : vector<16xi32> to vector<16xf32>
      tpu.vector_store_idx %arg4[%gather3A_607], %bitcast3A_617 : memref<32768xf32, #tpu.memory_space<vmem>>[vector<16xi32>], vector<16xf32>,
      tpu.vector_store_idx %arg6[%add3A_594], %broadcast_in_dim3A_464 {add = true} : memref<32768xi32, #tpu.memory_space<vmem>>[vector<16xi32>], vector<16xi32>,
      %bitcast3A_618 = vector.bitcast %gather3A_575 : vector<16xf32> to vector<16xi32>
      %shift_right_arithmetic3A_619 = arith.constant 24 : i32
      %shift_right_arithmetic3A_620 = vector.broadcast %shift_right_arithmetic3A_619 : i32 to vector<16xi32>
      %shift_right_arithmetic3A_621 = arith.shrsi %bitcast3A_618, %shift_right_arithmetic3A_620 : vector<16xi32>
      %and3A_622 = arith.constant 255 : i32
      %and3A_623 = vector.broadcast %and3A_622 : i32 to vector<16xi32>
      %and3A_624 = arith.andi %shift_right_arithmetic3A_621, %and3A_623 : vector<16xi32>
      %shift_left3A_625 = arith.constant 4 : i32
      %shift_left3A_626 = vector.broadcast %shift_left3A_625 : i32 to vector<16xi32>
      %shift_left3A_627 = arith.shli %and3A_624, %shift_left3A_626 : vector<16xi32>
      %add3A_628 = arith.constant 28672 : i32
      %add3A_629 = vector.broadcast %add3A_628 : i32 to vector<16xi32>
      %add3A_630 = arith.addi %iota3A, %add3A_629 : vector<16xi32>
      %add3A_631 = arith.addi %shift_left3A_627, %add3A_630 : vector<16xi32>
      %gather3A_632 = tpu.vector_load_idx %arg6[%add3A_631] : memref<32768xi32, #tpu.memory_space<vmem>>[vector<16xi32>], vector<16xi32>,
      %not3A_633 = arith.constant dense<-1> : vector<16xi32>
      %not3A_634 = arith.xori %bitcast3A_618, %not3A_633 : vector<16xi32>
      %shift_right_arithmetic3A_635 = arith.constant 31 : i32
      %shift_right_arithmetic3A_636 = vector.broadcast %shift_right_arithmetic3A_635 : i32 to vector<16xi32>
      %shift_right_arithmetic3A_637 = arith.shrsi %not3A_634, %shift_right_arithmetic3A_636 : vector<16xi32>
      %or3A_638 = arith.constant -2147483648 : i32
      %or3A_639 = vector.broadcast %or3A_638 : i32 to vector<16xi32>
      %or3A_640 = arith.ori %shift_right_arithmetic3A_637, %or3A_639 : vector<16xi32>
      %xor3A_641 = arith.xori %bitcast3A_618, %or3A_640 : vector<16xi32>
      %bitcast3A_642 = vector.bitcast %xor3A_641 : vector<16xi32> to vector<16xf32>
      tpu.vector_store_idx %arg4[%gather3A_632], %bitcast3A_642 : memref<32768xf32, #tpu.memory_space<vmem>>[vector<16xi32>], vector<16xf32>,
      tpu.vector_store_idx %arg6[%add3A_631], %broadcast_in_dim3A_464 {add = true} : memref<32768xi32, #tpu.memory_space<vmem>>[vector<16xi32>], vector<16xi32>,
      "tpu.region"() ({
        %run_scoped3A = tpu.sem_alloc : memref<!tpu.dma_semaphore, #tpu.memory_space<semaphore_mem>>
        %dma_start3A = arith.constant 0 : i32
        %dma_start3A_643 = tpu.memref_slice %arg3[%add3A_9, %dma_start3A] : memref<128x32768xf32, #tpu.memory_space<hbm>> -> memref<1x32768xf32, #tpu.memory_space<hbm>>
        %dma_start3A_644 = tpu.memref_squeeze %dma_start3A_643 : memref<1x32768xf32, #tpu.memory_space<hbm>> -> memref<32768xf32, #tpu.memory_space<hbm>>
        %dma_start3A_645 = arith.constant 0 : i32
        %dma_start3A_646 = tpu.memref_slice %arg3[%add3A_9, %dma_start3A_645] : memref<128x32768xf32, #tpu.memory_space<hbm>> -> memref<1x32768xf32, #tpu.memory_space<hbm>>
        %dma_start3A_647 = tpu.memref_squeeze %dma_start3A_646 : memref<1x32768xf32, #tpu.memory_space<hbm>> -> memref<32768xf32, #tpu.memory_space<hbm>>
        tpu.enqueue_dma source(%arg4 : memref<32768xf32, #tpu.memory_space<vmem>>) target(%dma_start3A_647 : memref<32768xf32, #tpu.memory_space<hbm>>) target_semaphore(%run_scoped3A : memref<!tpu.dma_semaphore, #tpu.memory_space<semaphore_mem>>)
        %dma_wait3A = arith.constant 0 : i32
        %dma_wait3A_648 = tpu.memref_slice %arg3[%add3A_9, %dma_wait3A] : memref<128x32768xf32, #tpu.memory_space<hbm>> -> memref<1x32768xf32, #tpu.memory_space<hbm>>
        %dma_wait3A_649 = tpu.memref_squeeze %dma_wait3A_648 : memref<1x32768xf32, #tpu.memory_space<hbm>> -> memref<32768xf32, #tpu.memory_space<hbm>>
        %dma_wait3A_650 = arith.constant 0 : i32
        %dma_wait3A_651 = tpu.memref_slice %arg3[%add3A_9, %dma_wait3A_650] : memref<128x32768xf32, #tpu.memory_space<hbm>> -> memref<1x32768xf32, #tpu.memory_space<hbm>>
        %dma_wait3A_652 = tpu.memref_squeeze %dma_wait3A_651 : memref<1x32768xf32, #tpu.memory_space<hbm>> -> memref<32768xf32, #tpu.memory_space<hbm>>
        tpu.wait_dma2 semaphore(%run_scoped3A : memref<!tpu.dma_semaphore, #tpu.memory_space<semaphore_mem>>) src(%arg4 : memref<32768xf32, #tpu.memory_space<vmem>>) dst(%dma_wait3A_652 : memref<32768xf32, #tpu.memory_space<hbm>>)
        tpu.yield
      }) : () -> ()
    }
    %scan3A_5 = arith.constant 4 : i32
    return
  }
}

</mosaic_0001>

<sc_bundles>
// kernel: kernel.3.cloned.1.call-start
scs
__scs_entry_jumppad:
0x0: {  	(pc) =	sbr.rel $0x88, $3  }
0x1: {  	(tag) =	ssettag $0x0;
	lr =	simm.s32 $0x1  }
0x2: {  	[smem:$0x3FA0] =	sst lr;
	_ =	strace $0xD0000000  }
0x3: {  	_ = 	snop  }
0x4: {  	_ = 	snop  }
0x5: {  	_ = 	snop  }
0x6: {  	_ = 	snop  }
0x7: {  	_ = 	snop  }
__scs_overlays_trampoline_lowered:
0x8: {  	[smem:$0x3FAF] =	sst s0  }
0x9: {  	[smem:$0x3FB0] =	sst s1  }
0xa: {  	[smem:$0x3FB1] =	sst s2  }
0xb: {  	[smem:$0x3FB2] =	sst s3  }
0xc: {  	[smem:$0x3FB3] =	sst s4  }
0xd: {  	[smem:$0x3FB4] =	sst s5  }
0xe: {  	[smem:$0x3FB5] =	sst s6  }
0xf: {  	[smem:$0x3FB6] =	sst s7  }
0x10: {  	[smem:$0x3FB7] =	sst s8  }
0x11: {  	[smem:$0x3FB8] =	sst s9;
	s0 =	simm.s32 @!p0 $0x0  }
0x12: {  	s1 =	sld [smem:$0x3F9E];
	s0 =	simm.s32 @p0 $0x1  }
0x13: {  	[smem:$0x3FB9] =	sst s0;
	s0 =	simm.s32 @!p1 $0x0  }
0x14: {  	s2 =	sld [smem:$0x3F9D];
	s0 =	simm.s32 @p1 $0x1  }
0x15: {  	[smem:$0x3FBA] =	sst s0;
	s0 =	simm.s32 @!p2 $0x0  }
0x16: {  	s3 =	sld [smem:$0x3FDB];
	s0 =	simm.s32 @p2 $0x1  }
0x17: {  	s4 =	simm.s32 $0x1BF5;
	[smem:$0x3FBC] =	sst s0  }
0x18: {  	s0 =	sld [smem:$0x3F9F];
	_ =	swait.ge [sflag:s4], $0x0  }
0x19: {  	s7 =	sld [smem:$0x3FA0]  }
0x1a: {  	s8 =	sadd.s32 $0xFFFFE003, lr  }
0x1b: {  	s9 =	sadd.s32 $0xFFFFFEF7, lr;
	s5 =	simm.s32 $0xFFFFFFFF;
	p2 =	slt.u32 s8, $0xFFFFF086  }
0x1c: {  	p1 =	slt.u32 s9, $0xF7A;
	s5 =	simm.s32 @!p2 $0x0  }
0x1d: {  	s5 =	simm.s32 @p1 $0x1;
	p0 =	seq.s32 s7, s2  }
0x1e: {  	s7 =	smul.u32 @!p0 $0xF7A, s2;
	p2 =	seq.s32 @!p0 s5, $0x0  }
0x1f: {  	s9 =	smul.u32 $0xF7A, s1;
	s8 =	simm.s32 @!p0 $0x1BF5;
	p2 =	por !p2, p0  }
0x20: {  	[sflag:s8] =	ssyncset.s32 @!p0 $0xFFFFF086;
	s6 =	sadd.s32 @!p0 s3, s7;
	s7 =	simm.s32 @!p0 $0x108  }
0x21: {  	s3 =	sadd.s32 s3, s9;
	s6 =	sadd.s32 @!p0 $0x88, s6;
	s7 =	simm.s32 @p2 $0x1082  }
0x22: {  	[simem:s7], [sflag:s8] =	dma.local @!p0 [hbm:s6], $0xF7A  }
0x23: {  	s9 =	sor.u32 $0xD0000000, s2;
	s6 =	simm.s32 $0x108;
	_ =	swait.ge @!p0 [sflag:s8], $0x0  }
0x24: {  	s3 =	sadd.s32 $0x88, s3;
	s6 =	simm.s32 @!p1 $0x1082;
	[sflag:s4] =	ssyncset.s32 $0xFFFFF086  }
0x25: {  	[simem:s6], [sflag:s4] =	dma.local [hbm:s3], $0xF7A  }
0x26: {  	[smem:$0x3FA0] =	sst s1;
	(tag) =	ssettag s2;
	_ =	strace s9  }
0x27: {  	s1 =	sld [smem:$0x3FB0]  }
0x28: {  	s2 =	sld [smem:$0x3FB1]  }
0x29: {  	s4 =	sld [smem:$0x3FB3]  }
0x2a: {  	p0 =	seq.s32 s5, $0x0;
	s5 =	sld [smem:$0x3FB4]  }
0x2b: {  	s6 =	sld [smem:$0x3FB5]  }
0x2c: {  	s7 =	sld [smem:$0x3FB6]  }
0x2d: {  	s3 =	simm.s32 $0x108;
	s8 =	sld [smem:$0x3FB7]  }
0x2e: {  	s3 =	simm.s32 @!p0 $0x1082;
	s9 =	sld [smem:$0x3FB8]  }
0x2f: {  	lr =	sadd.s32 s0, s3;
	s0 =	sld [smem:$0x3FAF]  }
0x30: {  	s3 =	sld [smem:$0x3FB2]  }
0x31: {  	[smem:$0x3FBB] =	sst s10  }
0x32: {  	s10 =	sld [smem:$0x3FB9];
	_ =	sdelay $0x3  }
0x33: {  	p0 =	seq.s32 s10, $0x1;
	s10 =	sld [smem:$0x3FBB];
	_ =	sdelay $0x3  }
0x34: {  	[smem:$0x3FBB] =	sst s10  }
0x35: {  	s10 =	sld [smem:$0x3FBA];
	_ =	sdelay $0x3  }
0x36: {  	p1 =	seq.s32 s10, $0x1;
	s10 =	sld [smem:$0x3FBB];
	_ =	sdelay $0x3  }
0x37: {  	[smem:$0x3FBB] =	sst s10  }
0x38: {  	s10 =	sld [smem:$0x3FBC]  }
0x39: {  	_ = 	snop;
	(pc) =	sbr.ind lr, $3  }
0x3a: {  	_ = 	snop  }
0x3b: {  	_ = 	snop  }
0x3c: {  	p2 =	seq.s32 s10, $0x1;
	s10 =	sld [smem:$0x3FBB]  }
0x3d: {  	_ =	shalt  }
0x3e: {  	_ =	shalt  }
0x3f: {  	_ =	shalt  }
0x40: {  	_ =	shalt  }
0x41: {  	_ =	shalt  }
0x42: {  	_ =	shalt  }
0x43: {  	_ =	shalt  }
0x44: {  	_ =	shalt  }
0x45: {  	_ =	shalt  }
0x46: {  	_ =	shalt  }
0x47: {  	_ =	shalt  }
0x48: {  	_ =	shalt  }
0x49: {  	_ =	shalt  }
0x4a: {  	_ =	shalt  }
0x4b: {  	_ =	shalt  }
0x4c: {  	_ =	shalt  }
0x4d: {  	_ =	shalt  }
0x4e: {  	_ =	shalt  }
0x4f: {  	_ =	shalt  }
0x50: {  	_ =	shalt  }
0x51: {  	_ =	shalt  }
0x52: {  	_ =	shalt  }
0x53: {  	_ =	shalt  }
0x54: {  	_ =	shalt  }
0x55: {  	_ =	shalt  }
0x56: {  	_ =	shalt  }
0x57: {  	_ =	shalt  }
0x58: {  	_ =	shalt  }
0x59: {  	_ =	shalt  }
0x5a: {  	_ =	shalt  }
0x5b: {  	_ =	shalt  }
0x5c: {  	_ =	shalt  }
0x5d: {  	_ =	shalt  }
0x5e: {  	_ =	shalt  }
0x5f: {  	_ =	shalt  }
0x60: {  	_ =	shalt  }
0x61: {  	_ =	shalt  }
0x62: {  	_ =	shalt  }
0x63: {  	_ =	shalt  }
0x64: {  	_ =	shalt  }
0x65: {  	_ =	shalt  }
0x66: {  	_ =	shalt  }
0x67: {  	_ =	shalt  }
0x68: {  	_ =	shalt  }
0x69: {  	_ =	shalt  }
0x6a: {  	_ =	shalt  }
0x6b: {  	_ =	shalt  }
0x6c: {  	_ =	shalt  }
0x6d: {  	_ =	shalt  }
0x6e: {  	_ =	shalt  }
0x6f: {  	_ =	shalt  }
0x70: {  	_ =	shalt  }
0x71: {  	_ =	shalt  }
0x72: {  	_ =	shalt  }
0x73: {  	_ =	shalt  }
0x74: {  	_ =	shalt  }
0x75: {  	_ =	shalt  }
0x76: {  	_ =	shalt  }
0x77: {  	_ =	shalt  }
0x78: {  	_ =	shalt  }
0x79: {  	_ =	shalt  }
0x7a: {  	_ =	shalt  }
0x7b: {  	_ =	shalt  }
0x7c: {  	_ =	shalt  }
0x7d: {  	_ =	shalt  }
0x7e: {  	_ =	shalt  }
0x7f: {  	_ =	shalt  }
0x80: {  	_ =	shalt  }
0x81: {  	_ =	shalt  }
0x82: {  	_ =	shalt  }
0x83: {  	_ =	shalt  }
0x84: {  	_ =	shalt  }
0x85: {  	_ =	shalt  }
0x86: {  	_ =	shalt  }
0x87: {  	_ =	shalt  }
.Lfunc_end0:
.L_simem_size_0:
called_computation_lowered:
.L_overlay_start_0:
0x88: {  	s2 =	sld [smem:$0x3FD9]  }
0x89: {  	s3 =	sld [smem:$0x3FFE];
	_ =	sdelay $0x1  }
0x8a: {  	s1 =	srdreg.scid  }
0x8b: {  	s0 =	sand.u32 $0x1, s1  }
0x8c: {  	s18 =	sshll.u32 s0, $0xA;
	s2 =	sadd.s32 s3, s2  }
0x8d: {  	s2 =	sadd.s32 s2, s18  }
0x8e: {  	[smem:$0x3FC7] =	sst s2  }
0x8f: {  	_ = 	snop  }
0x90: {  	s2 =	sld [smem:$0x3FC9]  }
0x91: {  	s19 =	sld [smem:$0x3FD0];
	(tm) =	ssettm $0x1  }
0x92: {  	s4 =	sld [smem:$0x3FFB];
	_ =	sdelay $0x3  }
0x93: {  	_ =	strace s4  }
0x94: {  	s4 =	sld [smem:$0x3FFC];
	_ =	sdelay $0x3  }
0x95: {  	_ =	strace s4  }
0x96: {  	s4 =	sld [smem:$0x3FFD];
	_ =	sdelay $0x3  }
0x97: {  	_ =	strace s4  }
0x98: {  	_ =	strace $0x8FFFFFFF  }
0x99: {  	s20 =	sld [smem:$0x3FDB];
	_ =	sdelay $0x1  }
0x9a: {  	s5 =	simm.s32 $_scs_section_size  }
0x9b: {  	s6 =	simm.s32 $_size__tile_overlayer_lowered;
	s7 =	simm.s32 $_tile_overlayer_lowered  }
0x9c: {  	s23 =	simm.s32 $0x1BFF;
	s22 =	sshll.u32 s7, $0x1;
	s4 =	sadd.s32 s5, s20  }
0x9d: {  	s8 =	simm.s32 $0x0;
	s21 =	sshll.u32 s6, $0x1;
	s6 =	sadd.s32 s22, s4  }
0x9e: {  	[timem:s8], [sflag:s23] =	dma.local [hbm:s6], s21  }
0x9f: {  	_ =	swait.ge [sflag:s23], s21  }
0xa0: {  	s5 =	ssub.s32 $0x0, s21;
	[sflag:s23] =	ssyncset.done $0x0  }
0xa1: {  	[sflag:s23] =	ssyncadd.s32 s5;
	_ =	sdelay $0x1  }
0xa2: {  	s24 =	simm.s32 $0x1B8B  }
0xa3: {  	_ =	swait.ge [sflag:s24], $0x1  }
0xa4: {  	[sflag:s24] =	ssyncset.done $0x0  }
0xa5: {  	s25 =	simm.s32 $0x1B8E;
	[sflag:s24] =	ssyncadd.s32 $0xFFFFFFFF  }
0xa6: {  	s26 =	simm.s32 $execute0_lowered;
	[smem:$0x3FD2] =	sst s25  }
0xa7: {  	s5 =	sshll.u32 s26, $0x1;
	_ =	strace $0x80000046;
	[dreg:$0x1] =	wrdreg $0xFFFFFFFF  }
0xa8: {  	s28 =	simm.s32 $_size_execute0_lowered;
	s4 =	sadd.s32 s4, s5;
	[dreg:$0x0] =	wrdreg $0x0  }
0xa9: {  	s5 =	sshll.u32 s28, $0x1;
	[dreg:$0x2] =	wrdreg s4  }
0xaa: {  	[dreg:$0x3] =	wrdreg s5  }
0xab: {  	[dreg:$0x4] =	wrdreg $0xC0  }
0xac: {  	_ =	task [dreg:s8], $0x5FFFF  }
0xad: {  	[dreg:$0x1] =	wrdreg $0xFFFFFFFF  }
0xae: {  	[dreg:$0x0] =	wrdreg $0x60  }
0xaf: {  	[dreg:$0x2] =	wrdreg s2  }
0xb0: {  	[dreg:$0x3] =	wrdreg s19  }
0xb1: {  	[dreg:$0x4] =	wrdreg $0x9  }
0xb2: {  	_ =	task.clear_ibuf [dreg:s8], $0x5FFFF;
	_ =	strace $0x90000046  }
0xb3: {  	s29 =	simm.s32 $0x9;
	_ =	strace $0x80000048  }
0xb4: {  	_ =	swait.ge [sflag:s29], $0x1  }
0xb5: {  	[sflag:s29] =	ssyncadd.s32 $0xFFFFFFFF  }
0xb6: {  	_ =	strace $0x90000048  }
0xb7: {  	_ =	sfence  }
0xb8: {  	s30 =	sld [smem:$0x0];
	_ =	sdelay $0x2  }
0xb9: {  	s31 =	sshll.u32 s1, $0xD;
	s1 =	sshrl.u32 s1, $0x2  }
0xba: {  	s3 =	sand.u32 $0x4000, s31;
	s1 =	sadd.s32 s1, s30  }
0xbb: {  	s0 =	sor.u32 s3, s0;
	s1 =	sshll.u32 s1, $0x11  }
0xbc: {  	s0 =	sor.u32 s1, s0  }
0xbd: {  	s0 =	sadd.s32 $0x8F2B, s0  }
0xbe: {  	[sflag:s0] =	ssyncadd.remote.s32 $0x1  }
0xbf: {  	_ =	sfence.sel $0xFFFF  }
0xc0: {  	[dreg:$0x0] =	wrdreg $0xFFFFFFFF;
	(pc) =	sbr.abs _section_cstart, $3  }
0xc1: {  	[dreg:$0x1] =	wrdreg $0xFFFFFFFF  }
0xc2: {  	_ =	task.clear_ibuf [dreg:s8], $0x2FFFF;
	_ =	strace $0x9FFFFFFF  }
0xc3: {  	(tm) =	ssettm $0x7FFFFFFF  }
tec
execute0_lowered:
.L_overlay_start_1:
0x0: {  	(tag) =	ssettag $0x1  }
0x1: {  	s1 =	rddreg [dreg:$0x0]  }
0x2: {  	s2 =	rddreg [dreg:$0x1];
	s3 =	srdreg.scid  }
0x3: {  	s0 =	rddreg [dreg:$0x2];
	s4 =	simm.s32 $0x0;
	s10 =	simm.s32 $0x10000  }
0x4: {  	s11 =	simm.s32 $0x18000;
	s12 =	simm.s32 $0x8000;
	s13 =	simm.s32 $0x0  }
0x5: {  	s5 =	sand.u32 $0x1, s3;
	[smem:$0x7FF] =	sst s4;
	s3 =	stileid.u32  }
0x6: {  	s6 =	ssub.s32 $0x2, s5;
	_ =	strace $0x80000047;
	s8 =	sshll.u32 s3, $0xE  }
0x7: {  	v0 =	vlaneseq.u32;
	s5 =	sshll.u32 s5, $0x12;
	s9 =	sshll.u32 s3, $0x6;
	s7 =	sshrl.u32 s6, $0x1  }
0x8: {  	v1 =	vmul.u32 $0x800, v0;
	s8 =	sand.u32 $0x38000, s8;
	s31 =	sand.u32 $0x40, s9;
	s9 =	simm.s32 $0x1  }
0x9: {  	v2 =	vimm.s32 $0x0;
	s6 =	ssub.s32 s6, s7;
	s5 =	sor.u32 s5, s8;
	s7 =	simm.s32 $0x80  }
0xa: {  	v3 =	vimm.s32 $0x1;
	v5 =	vimm.s32 $0x80000000;
	v4 =	vor.u32 $0x100, v1;
	s8 =	simm.s32 $0x400;
	s5 =	sor.u32 s5, s31;
	s6 =	smax.u32 s6, $0x1  }
.LBB2_1:
0xb: {  	s14 =	simm.s32 $0x0  }
.LBB2_2:
0xc: {  	s15 =	sshll.u32 s14, $0x4  }
0xd: {  	s15 =	sadd.s32 s5, s15  }
0xe: {  	s16 =	sadd.s32 s1, s15  }
0xf: {  	[tilespmem:s4], [sflag:$0x1] =	stream.strided.gather [hbm4b:s16+s7], $0x8000, s8, s7, $0x38;
	[tilespmem:$0x18100] =	vst v63  }
0x10: {  	_ =	swait.ge [sflag:s9], $0x8000  }
0x11: {  	[sflag:s9] =	ssyncset.done $0x0  }
0x12: {  	s18 =	simm.s32 $0x10080;
	[sflag:s9] =	ssyncadd.s32 $0xFFFF8000  }
0x13: {  	[tilespmem:s18+$0xFFFFFF80] =	vst v2  }
0x14: {  	[tilespmem:s18+$0x70] =	vst v2  }
0x15: {  	[tilespmem:s18+$0x60] =	vst v2  }
0x16: {  	[tilespmem:s18+$0x50] =	vst v2  }
0x17: {  	[tilespmem:s18+$0x40] =	vst v2  }
0x18: {  	[tilespmem:s18+$0x30] =	vst v2  }
0x19: {  	[tilespmem:s18+$0x20] =	vst v2  }
0x1a: {  	[tilespmem:s18+$0x10] =	vst v2  }
0x1b: {  	[tilespmem:s18+$0x0] =	vst v2  }
0x1c: {  	[tilespmem:s18+$0xFFFFFFF0] =	vst v2  }
0x1d: {  	[tilespmem:s18+$0xFFFFFFE0] =	vst v2  }
0x1e: {  	[tilespmem:s18+$0xFFFFFFD0] =	vst v2  }
0x1f: {  	[tilespmem:s18+$0xFFFFFFC0] =	vst v2  }
0x20: {  	[tilespmem:s18+$0xFFFFFFB0] =	vst v2  }
0x21: {  	s16 =	simm.s32 $0x0;
	[tilespmem:s18+$0xFFFFFFA0] =	vst v2  }
.LBB2_3:
0x22: {  	s16 =	sadd.s32 $0x8, s16;
	[tilespmem:s18+$0xFFFFFF90] =	vst v2;
	s18 =	sadd.s32 $0x100, s18  }
0x23: {  	[tilespmem:s18+$0xFFFFFF80] =	vst v2;
	p0 =	slt.u32 s16, $0x3F8  }
0x24: {  	[tilespmem:s18+$0x70] =	vst v2  }
0x25: {  	[tilespmem:s18+$0x60] =	vst v2  }
0x26: {  	[tilespmem:s18+$0x50] =	vst v2  }
0x27: {  	[tilespmem:s18+$0x40] =	vst v2  }
0x28: {  	[tilespmem:s18+$0x30] =	vst v2  }
0x29: {  	[tilespmem:s18+$0x20] =	vst v2  }
0x2a: {  	[tilespmem:s18+$0x10] =	vst v2  }
0x2b: {  	[tilespmem:s18+$0x0] =	vst v2  }
0x2c: {  	[tilespmem:s18+$0xFFFFFFF0] =	vst v2  }
.Ltmp0:
0x2d: {  	[tilespmem:s18+$0xFFFFFFE0] =	vst v2;
	(pc) =	sbr.rel @p0 .LBB2_3-.Ltmp0, $4  }
0x2e: {  	[tilespmem:s18+$0xFFFFFFD0] =	vst v2  }
0x2f: {  	[tilespmem:s18+$0xFFFFFFC0] =	vst v2  }
0x30: {  	[tilespmem:s18+$0xFFFFFFB0] =	vst v2  }
0x31: {  	[tilespmem:s18+$0xFFFFFFA0] =	vst v2  }
0x32: {  	s17 =	simm.s32 $0x0  }
0x33: {  	s19 =	simm.s32 $0x1;
	v6 =	vor.u32 s17, v1  }
0x34: {  	s16 =	simm.s32 $0x2;
	v7 =	vor.u32 s19, v1  }
0x35: {  	s31 =	simm.s32 $0x3;
	v8 =	vor.u32 s16, v1  }
0x36: {  	s20 =	simm.s32 $0x4;
	v9 =	vor.u32 s31, v1  }
0x37: {  	[tilespmem:s18+$0xFFFFFF90] =	vst v2;
	v10 =	vor.u32 s20, v1  }
0x38: {  	s21 =	simm.s32 $0x5;
	v12 =	vld.idx.msk [tilespmem:v6+s17+$0x0], $0xffff  }
0x39: {  	v11 =	vor.u32 s21, v1;
	v13 =	vld.idx.msk [tilespmem:v7+s17+$0x0], $0xffff  }
0x3a: {  	s22 =	simm.s32 $0x6;
	v8 =	vld.idx.msk [tilespmem:v8+s17+$0x0], $0xffff  }
0x3b: {  	v6 =	vor.u32 s22, v1;
	v9 =	vld.idx.msk [tilespmem:v9+s17+$0x0], $0xffff  }
0x3c: {  	s23 =	simm.s32 $0x7;
	s24 =	simm.s32 $0x8;
	v10 =	vld.idx.msk [tilespmem:v10+s17+$0x0], $0xffff  }
0x3d: {  	s25 =	simm.s32 $0x9;
	s26 =	simm.s32 $0xA;
	s28 =	simm.s32 $0xC;
	v14 =	vor.u32 s23, v1;
	v15 =	vor.u32 s24, v1  }
0x3e: {  	s29 =	simm.s32 $0xD;
	s20 =	simm.s32 $0xB;
	v17 =	vor.u32 s25, v1;
	v18 =	vor.u32 s26, v1;
	v22 =	vor.u32 s28, v1;
	v11 =	vld.idx.msk [tilespmem:v11+s17+$0x0], $0xffff  }
0x3f: {  	s30 =	simm.s32 $0xE;
	v19 =	vor.u32 s20, v1;
	v7 =	vor.u32 s29, v1;
	v20 =	vshra.s32 v12, $0x1F  }
0x40: {  	v16 =	vld.idx.msk [tilespmem:v6+s17+$0x0], $0xffff;
	v6 =	vor.u32 s30, v1;
	v21 =	vshra.s32 v8, $0x1F;
	v23 =	vshra.s32 v9, $0x1F  }
0x41: {  	v24 =	vshra.s32 v10, $0x1F;
	v12 =	vxor.u32 v12, v20;
	v20 =	vshra.s32 v13, $0x1F  }
0x42: {  	v14 =	vld.idx.msk [tilespmem:v14+s17+$0x0], $0xffff;
	v8 =	vxor.u32 v8, v21;
	v9 =	vxor.u32 v9, v23;
	v10 =	vxor.u32 v10, v24  }
0x43: {  	v13 =	vxor.u32 v13, v20;
	v20 =	vshra.s32 v11, $0x1F;
	v12 =	vshll.u32 v12, $0x4  }
0x44: {  	v8 =	vshll.u32 v8, $0x4;
	v9 =	vshll.u32 v9, $0x4;
	v10 =	vshll.u32 v10, $0x4  }
0x45: {  	v11 =	vxor.u32 v11, v20;
	v12 =	vand.u32 $0xFF0, v12;
	v13 =	vshll.u32 v13, $0x4  }
0x46: {  	v8 =	vand.u32 $0xFF0, v8;
	v23 =	vand.u32 $0xFF0, v9;
	v21 =	vshra.s32 v16, $0x1F  }
0x47: {  	v10 =	vand.u32 $0xFF0, v10;
	v16 =	vxor.u32 v16, v21;
	v21 =	vshra.s32 v14, $0x1F  }
0x48: {  	s31 =	sand.u32 $0x7000, s17;
	v9 =	vld.idx.msk [tilespmem:v17+s17+$0x0], $0xffff;
	v20 =	vshll.u32 v11, $0x4;
	v13 =	vand.u32 $0xFF0, v13;
	v14 =	vxor.u32 v14, v21  }
0x49: {  	v11 =	vld.idx.msk [tilespmem:v15+s17+$0x0], $0xffff;
	v63 =	vand.u32 $0xFF0, v20;
	v20 =	vor.u32 s31, v0;
	v14 =	vshll.u32 v14, $0x4  }
0x4a: {  	v15 =	vld.idx.msk [tilespmem:v18+s17+$0x0], $0xffff;
	v18 =	vor.u32 v20, v13;
	v16 =	vshll.u32 v16, $0x4;
	v14 =	vand.u32 $0xFF0, v14  }
0x4b: {  	v13 =	vor.u32 v20, v8;
	v21 =	vand.u32 $0xFF0, v16;
	v16 =	vld.idx.msk [tilespmem:v19+s17+$0x0], $0xffff;
	v19 =	vor.u32 v20, v14  }
0x4c: {  	s21 =	simm.s32 $0xF;
	s19 =	simm.s32 $0x0;
	s20 =	simm.s32 $0x10;
	v17 =	vld.idx.msk [tilespmem:v22+s17+$0x0], $0xffff;
	v10 =	vor.u32 v20, v10;
	v8 =	vor.u32 v20, v63;
	v14 =	vor.u32 v20, v23  }
.LBB2_5:
0x4d: {  	p0 =	slt.u32 s20, $0x7F8;
	v22 =	vld.idx.msk [tilespmem:v7+s17+$0x0], $0xffff;
	v23 =	vor.u32 s21, v1;
	v24 =	vor.u32 v20, v12;
	v20 =	vor.u32 v20, v21  }
0x4e: {  	v21 =	vor.u32 s20, v1;
	s18 =	sadd.s32 $0x1, s20;
	s21 =	sadd.s32 $0x2, s20;
	s22 =	sadd.s32 $0x3, s20;
	v12 =	vld.idx.msk [tilespmem:v6+s17+$0x0], $0xffff  }
0x4f: {  	v25 =	vor.u32 s18, v1;
	v26 =	vor.u32 s21, v1;
	v27 =	vor.u32 s22, v1;
	s18 =	sadd.s32 $0x4, s20;
	s21 =	sadd.s32 $0x5, s20  }
0x50: {  	v29 =	vshra.s32 v11, $0x1F;
	v28 =	vor.u32 s18, v1;
	v7 =	vor.u32 s21, v1;
	s21 =	sadd.s32 $0x6, s20;
	s18 =	simm.s32 $0x10010;
	[tilespmem:v19+s10+$0x0] =	vst.idx.add.s32.msk $0xffff, v3  }
0x51: {  	v11 =	vxor.u32 v11, v29;
	v6 =	vor.u32 s21, v1;
	v19 =	vshra.s32 v9, $0x1F;
	[tilespmem:v18+s10+$0x0] =	vst.idx.add.s32.msk $0xffff, v3  }
0x52: {  	v29 =	vshra.s32 v16, $0x1F;
	v18 =	vshra.s32 v15, $0x1F;
	v30 =	vshra.s32 v17, $0x1F;
	v23 =	vld.idx.msk [tilespmem:v23+s17+$0x0], $0xffff  }
0x53: {  	v9 =	vxor.u32 v9, v19;
	v15 =	vxor.u32 v15, v18;
	v18 =	vshra.s32 v22, $0x1F;
	[tilespmem:v13+s10+$0x0] =	vst.idx.add.s32.msk $0xffff, v3  }
0x54: {  	v13 =	vxor.u32 v16, v29;
	v16 =	vxor.u32 v17, v30;
	v17 =	vshra.s32 v12, $0x1F;
	[tilespmem:v14+s10+$0x0] =	vst.idx.add.s32.msk $0xffff, v3  }
0x55: {  	v11 =	vshll.u32 v11, $0x4;
	v14 =	vxor.u32 v22, v18;
	v17 =	vxor.u32 v12, v17;
	[tilespmem:v10+s10+$0x0] =	vst.idx.add.s32.msk $0xffff, v3  }
0x56: {  	v9 =	vshll.u32 v9, $0x4;
	v12 =	vand.u32 $0xFF0, v11;
	v10 =	vshll.u32 v15, $0x4;
	[tilespmem:v8+s10+$0x0] =	vst.idx.add.s32.msk $0xffff, v3  }
0x57: {  	v14 =	vshll.u32 v14, $0x4;
	v8 =	vshll.u32 v13, $0x4;
	v13 =	vshll.u32 v16, $0x4;
	[tilespmem:v20+s10+$0x0] =	vst.idx.add.s32.msk $0xffff, v3  }
0x58: {  	v18 =	vand.u32 $0xFF0, v9;
	v16 =	vshll.u32 v17, $0x4;
	v9 =	vshra.s32 v23, $0x1F;
	[tilespmem:v24+s10+$0x0] =	vst.idx.add.s32.msk $0xffff, v3  }
.Ltmp1:
0x59: {  	s19 =	sadd.s32 $0x80, s19;
	v10 =	vand.u32 $0xFF0, v10;
	v8 =	vand.u32 $0xFF0, v8;
	v15 =	vxor.u32 v23, v9;
	v11 =	vld.idx.msk [tilespmem:v21+s17+$0x0], $0xffff;
	(pc) =	sbr.rel @p0 .LBB2_5-.Ltmp1, $4  }
0x5a: {  	s21 =	sand.u32 $0x7000, s19;
	v22 =	vand.u32 $0xFF0, v13;
	v23 =	vand.u32 $0xFF0, v14;
	v13 =	vshll.u32 v15, $0x4;
	v9 =	vld.idx.msk [tilespmem:v25+s17+$0x0], $0xffff  }
0x5b: {  	v20 =	vor.u32 s21, v0;
	v21 =	vand.u32 $0xFF0, v16;
	v14 =	vand.u32 $0xFF0, v13;
	v15 =	vld.idx.msk [tilespmem:v26+s17+$0x0], $0xffff  }
0x5c: {  	v18 =	vor.u32 v20, v18;
	v13 =	vor.u32 v20, v10;
	v19 =	vor.u32 v20, v14;
	v16 =	vld.idx.msk [tilespmem:v27+s17+$0x0], $0xffff  }
0x5d: {  	s21 =	sadd.s32 $0x7, s20;
	s20 =	sadd.s32 $0x8, s20;
	v10 =	vor.u32 v20, v22;
	v14 =	vor.u32 v20, v8;
	v8 =	vor.u32 v20, v23;
	v17 =	vld.idx.msk [tilespmem:v28+s17+$0x0], $0xffff  }
0x5e: {  	_ =	sdelay $0x3  }
0x5f: {  	v22 =	vor.u32 s21, v1;
	v7 =	vld.idx.msk [tilespmem:v7+s17+$0x0], $0xffff;
	v23 =	vshra.s32 v11, $0x1F  }
0x60: {  	v6 =	vld.idx.msk [tilespmem:v6+s17+$0x0], $0xffff;
	v12 =	vor.u32 v20, v12;
	v20 =	vor.u32 v20, v21;
	s19 =	sadd.s32 $0x80, s19;
	v21 =	vshra.s32 v9, $0x1F  }
0x61: {  	v11 =	vxor.u32 v11, v23;
	s19 =	sand.u32 $0x7000, s19;
	v23 =	vshra.s32 v15, $0x1F;
	v9 =	vxor.u32 v9, v21  }
0x62: {  	[tilespmem:v13+s10+$0x0] =	vst.idx.add.s32.msk $0xffff, v3;
	v13 =	vor.u32 s19, v0;
	v11 =	vshll.u32 v11, $0x4;
	v24 =	vshra.s32 v16, $0x1F  }
0x63: {  	[tilespmem:v19+s10+$0x0] =	vst.idx.add.s32.msk $0xffff, v3;
	v15 =	vxor.u32 v15, v23;
	v9 =	vshll.u32 v9, $0x4;
	v25 =	vshra.s32 v17, $0x1F  }
0x64: {  	[tilespmem:v14+s10+$0x0] =	vst.idx.add.s32.msk $0xffff, v3;
	v16 =	vxor.u32 v16, v24;
	v14 =	vshll.u32 v15, $0x4;
	v9 =	vand.u32 $0xFF0, v9  }
0x65: {  	v22 =	vld.idx.msk [tilespmem:v22+s17+$0x0], $0xffff;
	v21 =	vshra.s32 v7, $0x1F;
	v17 =	vxor.u32 v17, v25;
	v19 =	vshra.s32 v6, $0x1F  }
0x66: {  	[tilespmem:v10+s10+$0x0] =	vst.idx.add.s32.msk $0xffff, v3;
	v10 =	vshll.u32 v16, $0x4;
	v14 =	vand.u32 $0xFF0, v14;
	v9 =	vor.u32 v13, v9  }
0x67: {  	[tilespmem:v8+s10+$0x0] =	vst.idx.add.s32.msk $0xffff, v3;
	v7 =	vxor.u32 v7, v21;
	v6 =	vxor.u32 v6, v19;
	v8 =	vshll.u32 v17, $0x4  }
0x68: {  	v10 =	vand.u32 $0xFF0, v10;
	v14 =	vor.u32 v13, v14;
	v7 =	vshll.u32 v7, $0x4  }
0x69: {  	[tilespmem:v18+s10+$0x0] =	vst.idx.add.s32.msk $0xffff, v3;
	v8 =	vand.u32 $0xFF0, v8;
	v10 =	vor.u32 v13, v10;
	v6 =	vshll.u32 v6, $0x4  }
0x6a: {  	[tilespmem:v20+s10+$0x0] =	vst.idx.add.s32.msk $0xffff, v3;
	v7 =	vand.u32 $0xFF0, v7;
	v8 =	vor.u32 v13, v8;
	v23 =	vshra.s32 v22, $0x1F  }
0x6b: {  	[tilespmem:v12+s10+$0x0] =	vst.idx.add.s32.msk $0xffff, v3;
	v6 =	vand.u32 $0xFF0, v6;
	v7 =	vor.u32 v13, v7;
	v22 =	vxor.u32 v22, v23  }
0x6c: {  	v11 =	vand.u32 $0xFF0, v11;
	v6 =	vor.u32 v13, v6;
	[tilespmem:v9+s10+$0x0] =	vst.idx.add.s32.msk $0xffff, v3;
	v18 =	vshll.u32 v22, $0x4  }
0x6d: {  	v9 =	vor.u32 v13, v11;
	[tilespmem:v14+s10+$0x0] =	vst.idx.add.s32.msk $0xffff, v3;
	v18 =	vand.u32 $0xFF0, v18  }
0x6e: {  	[tilespmem:v10+s10+$0x0] =	vst.idx.add.s32.msk $0xffff, v3;
	v15 =	vor.u32 v13, v18  }
0x6f: {  	[tilespmem:v8+s10+$0x0] =	vst.idx.add.s32.msk $0xffff, v3  }
0x70: {  	[tilespmem:v7+s10+$0x0] =	vst.idx.add.s32.msk $0xffff, v3  }
0x71: {  	[tilespmem:v6+s10+$0x0] =	vst.idx.add.s32.msk $0xffff, v3  }
0x72: {  	[tilespmem:v9+s10+$0x0] =	vst.idx.add.s32.msk $0xffff, v3  }
0x73: {  	[tilespmem:v15+s10+$0x0] =	vst.idx.add.s32.msk $0xffff, v3  }
0x74: {  	s21 =	sand.u32 $0xFE0, s17;
	v10 =	vld [tilespmem:s18+$0xFFFFFFF0]  }
0x75: {  	v18 =	vld [tilespmem:s21+$0x11000]  }
0x76: {  	v19 =	vld [tilespmem:s21+$0x12000]  }
0x77: {  	v20 =	vld [tilespmem:s21+$0x13000]  }
0x78: {  	v22 =	vld [tilespmem:s21+$0x14000]  }
0x79: {  	v24 =	vld [tilespmem:s21+$0x15000]  }
0x7a: {  	v26 =	vld [tilespmem:s21+$0x16000];
	v6 =	vadd.s32 v10, v18  }
0x7b: {  	v7 =	vld [tilespmem:s21+$0x17000];
	v6 =	vadd.s32 v19, v6  }
0x7c: {  	v6 =	vadd.s32 v20, v6  }
0x7d: {  	v6 =	vadd.s32 v22, v6  }
0x7e: {  	s31 =	simm.s32 $0x10;
	v6 =	vadd.s32 v24, v6  }
0x7f: {  	s20 =	sand.u32 $0xFF0, s31;
	v15 =	vld [tilespmem:s18+$0x0];
	v6 =	vadd.s32 v26, v6  }
0x80: {  	v17 =	vld [tilespmem:s20+$0x11000];
	v6 =	vadd.s32 v7, v6  }
0x81: {  	v16 =	vld [tilespmem:s20+$0x12000];
	(xrf0) =	vadd.scan.msk.s32 $0xffff, v6  }
0x82: {  	v14 =	vld [tilespmem:s20+$0x13000]  }
0x83: {  	v13 =	vld [tilespmem:s20+$0x14000]  }
0x84: {  	v12 =	vld [tilespmem:s20+$0x15000]  }
0x85: {  	v11 =	vld [tilespmem:s20+$0x16000];
	v7 =	vadd.s32 v15, v17  }
0x86: {  	v21 =	vld [tilespmem:s20+$0x17000];
	v7 =	vadd.s32 v16, v7  }
0x87: {  	s23 =	simm.s32 $0x20;
	s19 =	simm.s32 $0x10030;
	v7 =	vadd.s32 v14, v7;
	v27, _, _ =	vpop (xrf0)  }
0x88: {  	s22 =	sand.u32 $0xFE0, s23;
	v9 =	vld [tilespmem:s19+$0xFFFFFFF0];
	v23 =	vadd.s32 v13, v7;
	v25 =	vsub.s32 v27, v6  }
0x89: {  	v8 =	vld [tilespmem:s22+$0x11000];
	v23 =	vadd.s32 v12, v23;
	[tilespmem:s18+$0xFFFFFFF0] =	vst v25;
	v25 =	vadd.s32 v10, v25  }
0x8a: {  	v7 =	vld [tilespmem:s22+$0x12000];
	v23 =	vadd.s32 v11, v23;
	v18 =	vadd.s32 v18, v25  }
0x8b: {  	v21 =	vadd.s32 v21, v23;
	v6 =	vld [tilespmem:s22+$0x13000];
	[tilespmem:s21+$0x11000] =	vst v25;
	v25 =	vmov s17;
	v19 =	vadd.s32 v19, v18  }
0x8c: {  	(xrf0) =	vadd.scan.msk.s32 $0xffff, v21;
	v10 =	vld [tilespmem:s22+$0x14000];
	[tilespmem:s21+$0x12000] =	vst v18;
	v23 =	vand.u32 $0xFFFFFFFE, v25;
	v20 =	vadd.s32 v20, v19  }
0x8d: {  	v18 =	vld [tilespmem:s22+$0x15000];
	[tilespmem:s21+$0x14000] =	vst v20;
	v20 =	vadd.s32 v22, v20;
	v22 =	vbroadcast v23, $0x0  }
0x8e: {  	v25 =	vadd.s32 v9, v8;
	[tilespmem:s21+$0x13000] =	vst v19;
	v19 =	vld [tilespmem:s22+$0x16000]  }
0x8f: {  	v25 =	vadd.s32 v7, v25;
	v23 =	vld [tilespmem:s22+$0x17000]  }
0x90: {  	s24 =	simm.s32 $0x30;
	v25 =	vadd.s32 v6, v25;
	[tilespmem:s21+$0x15000] =	vst v20;
	v24 =	vadd.s32 v24, v20  }
0x91: {  	s25 =	simm.s32 $0x4;
	s24 =	sand.u32 $0xFF0, s24;
	v20 =	vld [tilespmem:s19+$0x0];
	v25 =	vadd.s32 v10, v25;
	[tilespmem:s21+$0x16000] =	vst v24;
	v26 =	vadd.s32 v26, v24;
	v24 =	vbroadcast v27, $0xF  }
.LBB2_7:
0x92: {  	p0 =	sne.s32 s25, $0xFE;
	v27 =	vld [tilespmem:s24+$0x11000];
	v25 =	vadd.s32 v18, v25;
	[tilespmem:s21+$0x17000] =	vst v26;
	v26, _, _ =	vpop (xrf0);
	v28 =	vmov v18;
	s21 =	smov.u32 s22  }
0x93: {  	v18 =	vld [tilespmem:s24+$0x12000];
	v25 =	vadd.s32 v19, v25;
	[tilespmem:v22+s11+$0x0] =	vst.idx.msk $0x1, v24;
	v21 =	vsub.s32 v26, v21;
	v24 =	vmov v19  }
0x94: {  	v19 =	vld [tilespmem:s24+$0x13000];
	v22 =	vadd.s32 v23, v25;
	[tilespmem:s18+$0x0] =	vst v21;
	v25 =	vadd.s32 v15, v21;
	s18 =	smov.u32 s19  }
0x95: {  	v21 =	vld [tilespmem:s24+$0x14000];
	(xrf0) =	vadd.scan.msk.s32 $0xffff, v22;
	[tilespmem:s20+$0x11000] =	vst v25;
	v31 =	vadd.s32 v17, v25  }
0x96: {  	s22 =	sadd.s32 $0x1, s17;
	s17 =	smov.u32 s16;
	s16 =	smov.u32 s25;
	v23 =	vld [tilespmem:s24+$0x15000];
	[tilespmem:s20+$0x12000] =	vst v31;
	v30 =	vadd.s32 v16, v31;
	v15 =	vmov v20  }
0x97: {  	v29 =	vmov s22;
	v20 =	vld [tilespmem:s24+$0x16000];
	v25 =	vadd.s32 v15, v27;
	[tilespmem:s20+$0x13000] =	vst v30;
	v30 =	vadd.s32 v14, v30;
	v17 =	vmovc v27  }
0x98: {  	v27 =	vld [tilespmem:s24+$0x17000];
	v25 =	vadd.s32 v18, v25;
	[tilespmem:s20+$0x14000] =	vst v30;
	v30 =	vadd.s32 v13, v30;
	v16 =	vmov v18  }
0x99: {  	s23 =	sadd.s32 $0x20, s23;
	s19 =	sadd.s32 $0x20, s19;
	v18 =	vadd.s32 v19, v25;
	[tilespmem:s20+$0x15000] =	vst v30;
	v31 =	vadd.s32 v12, v30;
	v14 =	vmov v19  }
0x9a: {  	s22 =	sand.u32 $0xFE0, s23;
	v25 =	vbroadcast v26, $0xF;
	v19 =	vld [tilespmem:s19+$0xFFFFFFF0];
	v18 =	vadd.s32 v21, v18;
	[tilespmem:s20+$0x16000] =	vst v31;
	v32 =	vadd.s32 v11, v31;
	v13 =	vmovc v21  }
0x9b: {  	v26 =	vld [tilespmem:s22+$0x11000];
	v18 =	vadd.s32 v23, v18;
	v30, _, _ =	vpop (xrf0);
	[tilespmem:s20+$0x17000] =	vst v32;
	v12 =	vmov v23;
	s20 =	smov.u32 s24  }
0x9c: {  	v31 =	vld [tilespmem:s22+$0x12000];
	v21 =	vsub.s32 v30, v22;
	v18 =	vadd.s32 v20, v18;
	[tilespmem:v29+s11+$0x0] =	vst.idx.msk $0x1, v25;
	v11 =	vmov v20  }
0x9d: {  	v22 =	vmov s17;
	v20 =	vld [tilespmem:s22+$0x13000];
	[tilespmem:s18+$0xFFFFFFF0] =	vst v21;
	v25 =	vadd.s32 v9, v21;
	v21 =	vadd.s32 v27, v18  }
0x9e: {  	v23 =	vand.u32 $0xFFFFFFFE, v22;
	v27 =	vld [tilespmem:s22+$0x14000];
	[tilespmem:s21+$0x11000] =	vst v25;
	v29 =	vadd.s32 v8, v25;
	(xrf0) =	vadd.scan.msk.s32 $0xffff, v21  }
.Ltmp2:
0x9f: {  	v22 =	vbroadcast v23, $0x0;
	v18 =	vld [tilespmem:s22+$0x15000];
	[tilespmem:s21+$0x12000] =	vst v29;
	v29 =	vadd.s32 v7, v29;
	v9 =	vmov v19;
	(pc) =	sbr.rel @p0 .LBB2_7-.Ltmp2, $4  }
0xa0: {  	v19 =	vld [tilespmem:s22+$0x16000];
	v25 =	vadd.s32 v9, v26;
	[tilespmem:s21+$0x13000] =	vst v29;
	v32 =	vadd.s32 v6, v29;
	v8 =	vmov v26  }
0xa1: {  	v23 =	vld [tilespmem:s22+$0x17000];
	v25 =	vadd.s32 v31, v25;
	[tilespmem:s21+$0x14000] =	vst v32;
	v29 =	vadd.s32 v10, v32;
	v7 =	vmov v31  }
0xa2: {  	s24 =	sadd.s32 $0x10, s23;
	v31 =	vadd.s32 v20, v25;
	[tilespmem:s21+$0x15000] =	vst v29;
	v26 =	vadd.s32 v28, v29;
	v6 =	vmov v20  }
0xa3: {  	s25 =	sadd.s32 $0x2, s25;
	s24 =	sand.u32 $0xFF0, s24;
	v20 =	vld [tilespmem:s19+$0x0];
	v25 =	vadd.s32 v27, v31;
	[tilespmem:s21+$0x16000] =	vst v26;
	v26 =	vadd.s32 v24, v26;
	v24 =	vbroadcast v30, $0xF;
	v10 =	vmovc v27  }
0xa4: {  	_ = 	snop  }
0xa5: {  	v25 =	vadd.s32 v18, v25  }
0xa6: {  	v25 =	vadd.s32 v19, v25  }
0xa7: {  	v27 =	vld [tilespmem:s24+$0x11000];
	[tilespmem:s21+$0x17000] =	vst v26;
	v46, _, _ =	vpop (xrf0);
	v23 =	vadd.s32 v23, v25  }
0xa8: {  	v28 =	vld [tilespmem:s24+$0x12000];
	[tilespmem:v22+s11+$0x0] =	vst.idx.msk $0x1, v24;
	v21 =	vsub.s32 v46, v21;
	(xrf0) =	vadd.scan.msk.s32 $0xffff, v23  }
0xa9: {  	v47 =	vld [tilespmem:s24+$0x13000];
	[tilespmem:s18+$0x0] =	vst v21;
	v15 =	vadd.s32 v15, v21  }
0xaa: {  	v48 =	vld [tilespmem:s24+$0x14000];
	[tilespmem:s20+$0x11000] =	vst v15;
	v15 =	vadd.s32 v17, v15  }
0xab: {  	v49 =	vld [tilespmem:s24+$0x15000];
	s17 =	sadd.s32 $0x1, s17;
	[tilespmem:s20+$0x12000] =	vst v15;
	v15 =	vadd.s32 v16, v15  }
0xac: {  	v50 =	vld [tilespmem:s24+$0x16000];
	v52 =	vmov s17;
	v51 =	vadd.s32 v20, v27;
	[tilespmem:s20+$0x13000] =	vst v15;
	v14 =	vadd.s32 v14, v15  }
0xad: {  	v53 =	vld [tilespmem:s24+$0x17000];
	v24 =	vadd.s32 v28, v51;
	[tilespmem:s20+$0x14000] =	vst v14;
	v13 =	vadd.s32 v13, v14  }
0xae: {  	v56 =	vbroadcast v46, $0xF;
	v54 =	vadd.s32 v47, v24;
	[tilespmem:s20+$0x15000] =	vst v13;
	v12 =	vadd.s32 v12, v13;
	v57, _, _ =	vpop (xrf0)  }
0xaf: {  	v55 =	vadd.s32 v48, v54;
	[tilespmem:s20+$0x16000] =	vst v12;
	v11 =	vadd.s32 v11, v12;
	v58 =	vsub.s32 v57, v23  }
0xb0: {  	v13 =	vadd.s32 v49, v55;
	[tilespmem:s20+$0x17000] =	vst v11;
	v9 =	vadd.s32 v9, v58  }
0xb1: {  	v13 =	vadd.s32 v50, v13;
	[tilespmem:v52+s11+$0x0] =	vst.idx.msk $0x1, v56;
	v8 =	vadd.s32 v8, v9  }
0xb2: {  	v59 =	vmov s16;
	[tilespmem:s19+$0xFFFFFFF0] =	vst v58;
	v60 =	vadd.s32 v53, v13;
	v7 =	vadd.s32 v7, v8  }
0xb3: {  	v61 =	vand.u32 $0xFFFFFFFE, v59;
	[tilespmem:s22+$0x11000] =	vst v9;
	(xrf0) =	vadd.scan.msk.s32 $0xffff, v60;
	v6 =	vadd.s32 v6, v7  }
0xb4: {  	v62 =	vbroadcast v61, $0x0;
	[tilespmem:s22+$0x14000] =	vst v6;
	v6 =	vadd.s32 v10, v6  }
0xb5: {  	[tilespmem:s22+$0x15000] =	vst v6;
	v6 =	vadd.s32 v18, v6  }
0xb6: {  	[tilespmem:s22+$0x16000] =	vst v6;
	v6 =	vadd.s32 v19, v6  }
0xb7: {  	[tilespmem:s22+$0x12000] =	vst v8  }
0xb8: {  	[tilespmem:s22+$0x13000] =	vst v7;
	v7 =	vbroadcast v57, $0xF  }
0xb9: {  	[tilespmem:s22+$0x17000] =	vst v6;
	v6, _, _ =	vpop (xrf0)  }
0xba: {  	[tilespmem:v62+s11+$0x0] =	vst.idx.msk $0x1, v7;
	v7 =	vsub.s32 v6, v60  }
0xbb: {  	[tilespmem:s19+$0x0] =	vst v7;
	v7 =	vadd.s32 v20, v7  }
0xbc: {  	[tilespmem:s24+$0x11000] =	vst v7;
	v7 =	vadd.s32 v27, v7  }
0xbd: {  	s30 =	sadd.s32 $0x1, s16;
	[tilespmem:s24+$0x12000] =	vst v7;
	v7 =	vadd.s32 v28, v7  }
0xbe: {  	v63 =	vmov s30;
	[tilespmem:s24+$0x13000] =	vst v7;
	v7 =	vadd.s32 v47, v7  }
0xbf: {  	[tilespmem:s24+$0x14000] =	vst v7;
	v7 =	vadd.s32 v48, v7  }
0xc0: {  	[tilespmem:s24+$0x15000] =	vst v7;
	v7 =	vadd.s32 v49, v7  }
0xc1: {  	v6 =	vbroadcast v6, $0xF;
	[tilespmem:s24+$0x16000] =	vst v7;
	v7 =	vadd.s32 v50, v7  }
0xc2: {  	[tilespmem:s24+$0x17000] =	vst v7  }
0xc3: {  	s31 =	simm.s32 $0x0;
	[tilespmem:v63+s11+$0x0] =	vst.idx.msk $0x1, v6  }
0xc4: {  	v6 =	vld [tilespmem:s31+$0x18000];
	_ =	sdelay $0x4  }
0xc5: {  	(xrf0) =	vadd.scan.msk.s32 $0xffff, v6;
	_ =	sdelay $0x5  }
0xc6: {  	v7, _, _ =	vpop (xrf0)  }
0xc7: {  	s17 =	simm.s32 $0x0;
	(v2sf) =	vpush v7, $0xF  }
0xc8: {  	v6 =	vsub.s32 s17, v6  }
0xc9: {  	s16 =	simm.s32 $0x40;
	v6 =	vadd.s32 v7, v6  }
0xca: {  	s18 =	simm.s32 $0x10;
	s20 =	simm.s32 $0x80;
	s19 =	simm.s32 $0x0;
	[tilespmem:s31+$0x18000] =	vst v6  }
.LBB2_9:
0xcb: {  	p0 =	sne.s32 s20, $0x3C0;
	v6 =	vld [tilespmem:s18+$0x18000];
	_ =	sdelay $0x4  }
0xcc: {  	(xrf0) =	vadd.scan.msk.s32 $0xffff, v6;
	_ =	sdelay $0x5  }
.Ltmp3:
0xcd: {  	v7, _, _ =	vpop (xrf0);
	s21 =	spop (v2sf);
	(pc) =	sbr.rel @p0 .LBB2_9-.Ltmp3, $4  }
0xce: {  	(v2sf) =	vpush v7, $0xF;
	s19 =	sadd.s32 s19, s21  }
0xcf: {  	v6 =	vsub.s32 s19, v6  }
0xd0: {  	v6 =	vadd.s32 v7, v6  }
0xd1: {  	[tilespmem:s18+$0x18000] =	vst v6;
	s18 =	sshra.s32 s20, $0x2;
	s20 =	sadd.s32 $0x40, s20  }
0xd2: {  	_ =	sdelay $0x1  }
0xd3: {  	v6 =	vld [tilespmem:s18+$0x18000];
	_ =	sdelay $0x4  }
0xd4: {  	s20 =	simm.s32 $0x0;
	(xrf0) =	vadd.scan.msk.s32 $0xffff, v6  }
0xd5: {  	v7 =	vmov s20  }
0xd6: {  	s21 =	simm.s32 $0x2;
	v7 =	vand.u32 $0xFFFFFFFC, v7  }
0xd7: {  	s22 =	simm.s32 $0x1;
	s23 =	simm.s32 $0x3;
	v8 =	vmov s21;
	v7 =	vbroadcast v7, $0x0  }
0xd8: {  	v9 =	vmov s22;
	v11 =	vmov s23;
	s22 =	simm.s32 $0x5;
	v8 =	vand.u32 $0xFFFFFFFE, v8;
	s31 =	spop (v2sf)  }
0xd9: {  	v9 =	vand.u32 $0xFFFFFFFD, v9;
	v12 =	vmov s22;
	v8 =	vbroadcast v8, $0x0;
	s19 =	sadd.s32 s19, s31  }
0xda: {  	v9 =	vbroadcast v9, $0x0;
	v12 =	vand.u32 $0xFFFFFFFD, v12;
	v10, _, _ =	vpop (xrf0);
	v6 =	vsub.s32 s19, v6  }
0xdb: {  	v12 =	vbroadcast v12, $0x0;
	v6 =	vadd.s32 v10, v6  }
0xdc: {  	s24 =	simm.s32 $0x4;
	[tilespmem:s18+$0x18000] =	vst v6  }
0xdd: {  	v6 =	vmov s24;
	v13 =	vld.idx.msk [tilespmem:v7+s11+$0x0], $0xffff  }
0xde: {  	v7 =	vld.idx.msk [tilespmem:v11+s11+$0x0], $0xffff;
	v6 =	vand.u32 $0xFFFFFFFC, v6  }
0xdf: {  	s25 =	simm.s32 $0x6;
	v8 =	vld.idx.msk [tilespmem:v8+s11+$0x0], $0xffff;
	v6 =	vbroadcast v6, $0x0  }
0xe0: {  	s31 =	simm.s32 $0x7;
	v11 =	vld.idx.msk [tilespmem:v9+s11+$0x0], $0xffff;
	v9 =	vmov s25  }
0xe1: {  	s20 =	sand.u32 $0xFC0, s17;
	s19 =	simm.s32 $0x10000;
	v14 =	vmov s31;
	v12 =	vld.idx.msk [tilespmem:v12+s11+$0x0], $0xffff;
	v9 =	vand.u32 $0xFFFFFFFE, v9  }
0xe2: {  	s26 =	sor.u32 $0x11000, s20;
	v9 =	vbroadcast v9, $0x0;
	[tilespmem:s19+$0x0] =	vst.add.s32.msk $0xffff, v13  }
0xe3: {  	s30 =	sor.u32 $0x12000, s20;
	[tilespmem:s26+$0x0] =	vst.add.s32.msk $0xffff, v13  }
0xe4: {  	[tilespmem:s30+$0x0] =	vst.add.s32.msk $0xffff, v13  }
0xe5: {  	(v2sf) =	vpush v10, $0xF;
	v10 =	vld.idx.msk [tilespmem:v6+s11+$0x0], $0xffff  }
0xe6: {  	s23 =	sor.u32 $0x13000, s20;
	v6 =	vld.idx.msk [tilespmem:v14+s11+$0x0], $0xffff  }
0xe7: {  	[tilespmem:s23+$0x0] =	vst.add.s32.msk $0xffff, v13  }
0xe8: {  	s24 =	sor.u32 $0x14000, s20;
	v9 =	vld.idx.msk [tilespmem:v9+s11+$0x0], $0xffff  }
0xe9: {  	s25 =	sor.u32 $0x15000, s20;
	[tilespmem:s24+$0x0] =	vst.add.s32.msk $0xffff, v13  }
0xea: {  	s26 =	sor.u32 $0x16000, s20;
	[tilespmem:s25+$0x0] =	vst.add.s32.msk $0xffff, v13  }
0xeb: {  	s18 =	simm.s32 $0x10040;
	[tilespmem:s26+$0x0] =	vst.add.s32.msk $0xffff, v13  }
0xec: {  	s20 =	sor.u32 $0x17000, s20;
	s30 =	simm.s32 $0x10;
	[tilespmem:s18+$0x0] =	vst.add.s32.msk $0xffff, v10  }
0xed: {  	s22 =	sand.u32 $0xFD0, s30;
	[tilespmem:s20+$0x0] =	vst.add.s32.msk $0xffff, v13  }
0xee: {  	s21 =	sor.u32 $0x11000, s22;
	s20 =	sand.u32 $0xFC0, s16;
	[tilespmem:s19+$0x10] =	vst.add.s32.msk $0xffff, v11  }
0xef: {  	s23 =	sor.u32 $0x11000, s20;
	[tilespmem:s21+$0x0] =	vst.add.s32.msk $0xffff, v11  }
0xf0: {  	s31 =	sor.u32 $0x12000, s20;
	[tilespmem:s23+$0x0] =	vst.add.s32.msk $0xffff, v10  }
0xf1: {  	s24 =	sor.u32 $0x12000, s22;
	[tilespmem:s31+$0x0] =	vst.add.s32.msk $0xffff, v10  }
0xf2: {  	s23 =	sor.u32 $0x13000, s20;
	[tilespmem:s24+$0x0] =	vst.add.s32.msk $0xffff, v11  }
0xf3: {  	s25 =	sor.u32 $0x13000, s22;
	[tilespmem:s23+$0x0] =	vst.add.s32.msk $0xffff, v10  }
0xf4: {  	s26 =	sor.u32 $0x14000, s20;
	[tilespmem:s25+$0x0] =	vst.add.s32.msk $0xffff, v11  }
0xf5: {  	s29 =	sor.u32 $0x16000, s22;
	s25 =	sor.u32 $0x14000, s22;
	[tilespmem:s26+$0x0] =	vst.add.s32.msk $0xffff, v10  }
0xf6: {  	s28 =	sor.u32 $0x17000, s22;
	s31 =	sor.u32 $0x15000, s20;
	s24 =	simm.s32 $0x20;
	[tilespmem:s25+$0x0] =	vst.add.s32.msk $0xffff, v11  }
0xf7: {  	s30 =	spop (v2sf);
	s23 =	sand.u32 $0xFE0, s24;
	s26 =	sor.u32 $0x15000, s22;
	[tilespmem:s31+$0x0] =	vst.add.s32.msk $0xffff, v10  }
0xf8: {  	s21 =	simm.s32 $0x80;
	s25 =	sor.u32 $0x11000, s23;
	s24 =	sor.u32 $0x14000, s23;
	[tilespmem:s26+$0x0] =	vst.add.s32.msk $0xffff, v11  }
0xf9: {  	s22 =	simm.s32 $0xB;
	s26 =	sor.u32 $0x12000, s23;
	[tilespmem:s29+$0x0] =	vst.add.s32.msk $0xffff, v11;
	s29 =	sor.u32 $0x13000, s23  }
.LBB2_11:
0xfa: {  	s30 =	sadd.s32 $0xFFFFFFFD, s22  }
0xfb: {  	p0 =	sne.s32 s21, $0xFC0;
	[tilespmem:s28+$0x0] =	vst.add.s32.msk $0xffff, v11;
	v11 =	vmov v12;
	s28 =	smov.u32 s21;
	s21 =	sadd.s32 $0x40, s21  }
0xfc: {  	v12 =	vmov s30;
	[tilespmem:s19+$0x20] =	vst.add.s32.msk $0xffff, v8;
	s30 =	sor.u32 $0x15000, s23  }
0xfd: {  	v12 =	vand.u32 $0xFFFFFFFC, v12;
	[tilespmem:s25+$0x0] =	vst.add.s32.msk $0xffff, v8;
	s25 =	sor.u32 $0x16000, s23  }
0xfe: {  	s23 =	sor.u32 $0x17000, s23;
	v12 =	vbroadcast v12, $0x0;
	[tilespmem:s26+$0x0] =	vst.add.s32.msk $0xffff, v8  }
0xff: {  	[tilespmem:s29+$0x0] =	vst.add.s32.msk $0xffff, v8  }
0x100: {  	s26 =	sadd.s32 $0xFFFFFFFE, s22;
	s29 =	sadd.s32 $0xFFFFFFFF, s22;
	[tilespmem:s24+$0x0] =	vst.add.s32.msk $0xffff, v8  }
0x101: {  	v13 =	vmov s26;
	v14 =	vmov s29;
	[tilespmem:s30+$0x0] =	vst.add.s32.msk $0xffff, v8  }
0x102: {  	v13 =	vand.u32 $0xFFFFFFFD, v13;
	s24 =	sadd.s32 $0x30, s17;
	s17 =	smov.u32 s16;
	s16 =	smov.u32 s28;
	v14 =	vand.u32 $0xFFFFFFFE, v14;
	[tilespmem:s25+$0x0] =	vst.add.s32.msk $0xffff, v8  }
0x103: {  	v13 =	vbroadcast v13, $0x0;
	v14 =	vbroadcast v14, $0x0;
	[tilespmem:s23+$0x0] =	vst.add.s32.msk $0xffff, v8;
	s23 =	sand.u32 $0xFF0, s24;
	v8 =	vmov v9  }
0x104: {  	[tilespmem:s19+$0x30] =	vst.add.s32.msk $0xffff, v7;
	s24 =	sor.u32 $0x11000, s23;
	s19 =	smov.u32 s18  }
0x105: {  	v9 =	vmov s22;
	[tilespmem:s24+$0x0] =	vst.add.s32.msk $0xffff, v7;
	s24 =	sor.u32 $0x12000, s23  }
0x106: {  	[tilespmem:s24+$0x0] =	vst.add.s32.msk $0xffff, v7;
	s24 =	sor.u32 $0x13000, s23  }
0x107: {  	[tilespmem:s24+$0x0] =	vst.add.s32.msk $0xffff, v7;
	s24 =	sor.u32 $0x14000, s23  }
0x108: {  	s25 =	sor.u32 $0x15000, s23;
	v15 =	vld.idx.msk [tilespmem:v12+s11+$0x0], $0xffff  }
0x109: {  	s18 =	sadd.s32 $0x40, s18;
	[tilespmem:s24+$0x0] =	vst.add.s32.msk $0xffff, v7;
	s24 =	sor.u32 $0x16000, s23  }
0x10a: {  	s23 =	sor.u32 $0x17000, s23;
	[tilespmem:s25+$0x0] =	vst.add.s32.msk $0xffff, v7  }
0x10b: {  	[tilespmem:s24+$0x0] =	vst.add.s32.msk $0xffff, v7  }
0x10c: {  	[tilespmem:s23+$0x0] =	vst.add.s32.msk $0xffff, v7;
	v7 =	vmov v6  }
0x10d: {  	v6 =	vld.idx.msk [tilespmem:v9+s11+$0x0], $0xffff  }
0x10e: {  	s23 =	sor.u32 $0x16000, s20;
	v9 =	vld.idx.msk [tilespmem:v14+s11+$0x0], $0xffff  }
0x10f: {  	[tilespmem:s23+$0x0] =	vst.add.s32.msk $0xffff, v10  }
0x110: {  	v12 =	vld.idx.msk [tilespmem:v13+s11+$0x0], $0xffff  }
0x111: {  	s20 =	sor.u32 $0x17000, s20;
	s23 =	sadd.s32 $0x10, s17;
	[tilespmem:s18+$0x0] =	vst.add.s32.msk $0xffff, v15  }
0x112: {  	s23 =	sand.u32 $0xFD0, s23;
	[tilespmem:s20+$0x0] =	vst.add.s32.msk $0xffff, v10;
	v10 =	vmov v15  }
0x113: {  	s24 =	sor.u32 $0x11000, s23;
	s20 =	sand.u32 $0xFC0, s16;
	[tilespmem:s19+$0x10] =	vst.add.s32.msk $0xffff, v11  }
0x114: {  	s25 =	sor.u32 $0x11000, s20;
	[tilespmem:s24+$0x0] =	vst.add.s32.msk $0xffff, v11  }
0x115: {  	s24 =	sor.u32 $0x12000, s20;
	[tilespmem:s25+$0x0] =	vst.add.s32.msk $0xffff, v10  }
0x116: {  	[tilespmem:s24+$0x0] =	vst.add.s32.msk $0xffff, v10;
	s24 =	sor.u32 $0x13000, s20  }
0x117: {  	[tilespmem:s24+$0x0] =	vst.add.s32.msk $0xffff, v10;
	s24 =	sor.u32 $0x12000, s23  }
0x118: {  	s26 =	sor.u32 $0x15000, s23;
	[tilespmem:s24+$0x0] =	vst.add.s32.msk $0xffff, v11;
	s24 =	sor.u32 $0x13000, s23  }
0x119: {  	s29 =	sor.u32 $0x16000, s23;
	s25 =	sor.u32 $0x14000, s20;
	[tilespmem:s24+$0x0] =	vst.add.s32.msk $0xffff, v11;
	s24 =	sadd.s32 $0x20, s17  }
.Ltmp4:
0x11a: {  	s28 =	sor.u32 $0x17000, s23;
	[tilespmem:s25+$0x0] =	vst.add.s32.msk $0xffff, v10;
	s25 =	sor.u32 $0x15000, s20;
	(pc) =	sbr.rel @p0 .LBB2_11-.Ltmp4, $4  }
0x11b: {  	[tilespmem:s25+$0x0] =	vst.add.s32.msk $0xffff, v10;
	s25 =	sor.u32 $0x14000, s23;
	s23 =	sand.u32 $0xFE0, s24  }
0x11c: {  	[tilespmem:s25+$0x0] =	vst.add.s32.msk $0xffff, v11;
	s25 =	sor.u32 $0x11000, s23;
	s24 =	sor.u32 $0x14000, s23  }
0x11d: {  	[tilespmem:s26+$0x0] =	vst.add.s32.msk $0xffff, v11;
	s26 =	sor.u32 $0x12000, s23  }
0x11e: {  	s22 =	sadd.s32 $0x4, s22;
	[tilespmem:s29+$0x0] =	vst.add.s32.msk $0xffff, v11;
	s29 =	sor.u32 $0x13000, s23  }
0x11f: {  	[tilespmem:s28+$0x0] =	vst.add.s32.msk $0xffff, v11  }
0x120: {  	[tilespmem:s19+$0x20] =	vst.add.s32.msk $0xffff, v8  }
0x121: {  	[tilespmem:s25+$0x0] =	vst.add.s32.msk $0xffff, v8  }
0x122: {  	[tilespmem:s26+$0x0] =	vst.add.s32.msk $0xffff, v8  }
0x123: {  	[tilespmem:s29+$0x0] =	vst.add.s32.msk $0xffff, v8  }
0x124: {  	s21 =	sor.u32 $0x15000, s23;
	[tilespmem:s24+$0x0] =	vst.add.s32.msk $0xffff, v8  }
0x125: {  	s22 =	sor.u32 $0x16000, s23;
	[tilespmem:s21+$0x0] =	vst.add.s32.msk $0xffff, v8  }
0x126: {  	s17 =	sadd.s32 $0x30, s17;
	s24 =	sor.u32 $0x17000, s23;
	[tilespmem:s22+$0x0] =	vst.add.s32.msk $0xffff, v8  }
0x127: {  	s17 =	sand.u32 $0xFF0, s17;
	[tilespmem:s24+$0x0] =	vst.add.s32.msk $0xffff, v8  }
0x128: {  	s25 =	sor.u32 $0x11000, s17;
	[tilespmem:s19+$0x30] =	vst.add.s32.msk $0xffff, v7  }
0x129: {  	s19 =	sor.u32 $0x16000, s20;
	[tilespmem:s25+$0x0] =	vst.add.s32.msk $0xffff, v7  }
0x12a: {  	s26 =	sor.u32 $0x12000, s17;
	[tilespmem:s19+$0x0] =	vst.add.s32.msk $0xffff, v10  }
0x12b: {  	s21 =	sor.u32 $0x17000, s20;
	[tilespmem:s26+$0x0] =	vst.add.s32.msk $0xffff, v7  }
0x12c: {  	s28 =	sor.u32 $0x13000, s17;
	[tilespmem:s21+$0x0] =	vst.add.s32.msk $0xffff, v10  }
0x12d: {  	s22 =	sadd.s32 $0x10, s16;
	[tilespmem:s28+$0x0] =	vst.add.s32.msk $0xffff, v7  }
0x12e: {  	s29 =	sor.u32 $0x14000, s17;
	s23 =	sand.u32 $0xFD0, s22;
	[tilespmem:s18+$0x10] =	vst.add.s32.msk $0xffff, v12  }
0x12f: {  	s19 =	sor.u32 $0x11000, s23;
	[tilespmem:s29+$0x0] =	vst.add.s32.msk $0xffff, v7  }
0x130: {  	s30 =	sor.u32 $0x15000, s17;
	[tilespmem:s19+$0x0] =	vst.add.s32.msk $0xffff, v12  }
0x131: {  	s24 =	sor.u32 $0x12000, s23;
	[tilespmem:s30+$0x0] =	vst.add.s32.msk $0xffff, v7  }
0x132: {  	s31 =	sor.u32 $0x16000, s17;
	[tilespmem:s24+$0x0] =	vst.add.s32.msk $0xffff, v12  }
0x133: {  	s25 =	sor.u32 $0x13000, s23;
	[tilespmem:s31+$0x0] =	vst.add.s32.msk $0xffff, v7  }
0x134: {  	s17 =	sor.u32 $0x17000, s17;
	[tilespmem:s25+$0x0] =	vst.add.s32.msk $0xffff, v12  }
0x135: {  	s26 =	sor.u32 $0x14000, s23;
	[tilespmem:s17+$0x0] =	vst.add.s32.msk $0xffff, v7  }
0x136: {  	s28 =	sor.u32 $0x15000, s23;
	[tilespmem:s26+$0x0] =	vst.add.s32.msk $0xffff, v12  }
0x137: {  	s29 =	sor.u32 $0x16000, s23;
	[tilespmem:s28+$0x0] =	vst.add.s32.msk $0xffff, v12  }
0x138: {  	s30 =	sadd.s32 $0x20, s16;
	s17 =	sor.u32 $0x17000, s23;
	[tilespmem:s29+$0x0] =	vst.add.s32.msk $0xffff, v12  }
0x139: {  	s31 =	sand.u32 $0xFE0, s30;
	[tilespmem:s17+$0x0] =	vst.add.s32.msk $0xffff, v12  }
0x13a: {  	s21 =	sor.u32 $0x11000, s31;
	[tilespmem:s18+$0x20] =	vst.add.s32.msk $0xffff, v9  }
0x13b: {  	s20 =	sor.u32 $0x12000, s31;
	[tilespmem:s21+$0x0] =	vst.add.s32.msk $0xffff, v9  }
0x13c: {  	s22 =	sor.u32 $0x13000, s31;
	[tilespmem:s20+$0x0] =	vst.add.s32.msk $0xffff, v9  }
0x13d: {  	s23 =	sor.u32 $0x14000, s31;
	[tilespmem:s22+$0x0] =	vst.add.s32.msk $0xffff, v9  }
0x13e: {  	s24 =	sor.u32 $0x15000, s31;
	[tilespmem:s23+$0x0] =	vst.add.s32.msk $0xffff, v9  }
0x13f: {  	s25 =	sor.u32 $0x16000, s31;
	[tilespmem:s24+$0x0] =	vst.add.s32.msk $0xffff, v9  }
0x140: {  	s26 =	sor.u32 $0x17000, s31;
	s28 =	sadd.s32 $0x30, s16;
	[tilespmem:s25+$0x0] =	vst.add.s32.msk $0xffff, v9  }
0x141: {  	s16 =	sand.u32 $0xFF0, s28;
	[tilespmem:s26+$0x0] =	vst.add.s32.msk $0xffff, v9  }
0x142: {  	s29 =	sor.u32 $0x11000, s16;
	[tilespmem:s18+$0x30] =	vst.add.s32.msk $0xffff, v6  }
0x143: {  	s30 =	sor.u32 $0x12000, s16;
	[tilespmem:s29+$0x0] =	vst.add.s32.msk $0xffff, v6  }
0x144: {  	s31 =	sor.u32 $0x13000, s16;
	[tilespmem:s30+$0x0] =	vst.add.s32.msk $0xffff, v6  }
0x145: {  	s18 =	sor.u32 $0x14000, s16;
	[tilespmem:s31+$0x0] =	vst.add.s32.msk $0xffff, v6  }
0x146: {  	s19 =	sor.u32 $0x15000, s16;
	[tilespmem:s18+$0x0] =	vst.add.s32.msk $0xffff, v6  }
0x147: {  	s20 =	sor.u32 $0x16000, s16;
	[tilespmem:s19+$0x0] =	vst.add.s32.msk $0xffff, v6  }
0x148: {  	s16 =	sor.u32 $0x17000, s16;
	[tilespmem:s20+$0x0] =	vst.add.s32.msk $0xffff, v6  }
0x149: {  	[tilespmem:s16+$0x0] =	vst.add.s32.msk $0xffff, v6;
	s16 =	simm.s32 $0x0  }
0x14a: {  	v6 =	vld.idx.msk [tilespmem:v1+s16+$0x0], $0xffff;
	_ =	sdelay $0x4  }
0x14b: {  	v7 =	vshra.s32 v6, $0x1F  }
0x14c: {  	v7 =	vor.u32 $0x80000000, v7  }
0x14d: {  	v6 =	vxor.u32 v6, v7  }
0x14e: {  	v7 =	vshll.u32 v6, $0x4  }
0x14f: {  	s17 =	simm.s32 $0x0;
	v8 =	vld.idx.msk [tilespmem:v4+s16+$0x0], $0xffff;
	v7 =	vand.u32 $0xFF0, v7  }
0x150: {  	s21 =	sand.u32 $0x4, s17;
	v7 =	vor.u32 v0, v7  }
0x151: {  	s22 =	sor.u32 $0x2, s21  }
0x152: {  	s23 =	sshll.u32 s22, $0x8  }
0x153: {  	s20 =	sadd.s32 $0x0, s23  }
0x154: {  	v10 =	vor.u32 s20, v1;
	v9 =	vshra.s32 v8, $0x1F  }
0x155: {  	v9 =	vor.u32 $0x80000000, v9;
	v11 =	vld.idx.msk [tilespmem:v7+s10+$0x0], $0xffff  }
0x156: {  	v8 =	vxor.u32 v8, v9  }
0x157: {  	s24 =	sand.u32 $0x4000, s16;
	v9 =	vshll.u32 v8, $0x4  }
0x158: {  	s20 =	sor.u32 $0x1000, s24;
	v9 =	vand.u32 $0xFF0, v9  }
0x159: {  	v10 =	vld.idx.msk [tilespmem:v10+s4+$0x0], $0xffff;
	v9 =	vor.u32 s20, v9  }
0x15a: {  	v9 =	vor.u32 v0, v9  }
0x15b: {  	s25 =	sor.u32 $0x3, s21  }
0x15c: {  	s18 =	sshll.u32 s25, $0x8  }
0x15d: {  	s18 =	sadd.s32 $0x0, s18;
	[tilespmem:v11+s12+$0x0] =	vst.idx.msk $0xffff, v6  }
0x15e: {  	v6 =	vor.u32 s18, v1;
	[tilespmem:v7+s10+$0x0] =	vst.idx.add.s32.msk $0xffff, v3;
	v7 =	vshra.s32 v10, $0x1F  }
0x15f: {  	v7 =	vor.u32 $0x80000000, v7;
	v11 =	vld.idx.msk [tilespmem:v9+s10+$0x0], $0xffff  }
0x160: {  	v7 =	vxor.u32 v10, v7  }
0x161: {  	v10 =	vshll.u32 v7, $0x4  }
0x162: {  	s26 =	sshll.u32 s22, $0xC;
	v10 =	vand.u32 $0xFF0, v10  }
0x163: {  	s28 =	simm.s32 $0x4;
	v6 =	vld.idx.msk [tilespmem:v6+s4+$0x0], $0xffff;
	v10 =	vor.u32 s26, v10  }
0x164: {  	s29 =	sand.u32 $0x4, s28;
	v10 =	vor.u32 v0, v10  }
0x165: {  	s18 =	sshll.u32 s29, $0x8  }
0x166: {  	s18 =	sadd.s32 $0x0, s18  }
0x167: {  	[tilespmem:v11+s12+$0x0] =	vst.idx.msk $0xffff, v8;
	v8 =	vor.u32 s18, v1  }
0x168: {  	[tilespmem:v9+s10+$0x0] =	vst.idx.add.s32.msk $0xffff, v3;
	v9 =	vshra.s32 v6, $0x1F  }
0x169: {  	v9 =	vor.u32 $0x80000000, v9;
	v11 =	vld.idx.msk [tilespmem:v10+s10+$0x0], $0xffff  }
0x16a: {  	v6 =	vxor.u32 v6, v9  }
0x16b: {  	v9 =	vshll.u32 v6, $0x4  }
0x16c: {  	s20 =	sshll.u32 s25, $0xC;
	s18 =	simm.s32 $0x500;
	v12 =	vld.idx.msk [tilespmem:v8+s4+$0x0], $0xffff;
	v8 =	vand.u32 $0xFF0, v9  }
0x16d: {  	s30 =	sand.u32 $0x500, s18;
	v8 =	vor.u32 s20, v8  }
0x16e: {  	s31 =	sadd.s32 $0x0, s30;
	v8 =	vor.u32 v0, v8  }
0x16f: {  	v9 =	vor.u32 s31, v1;
	_ =	sdelay $0x1  }
0x170: {  	[tilespmem:v11+s12+$0x0] =	vst.idx.msk $0xffff, v7  }
0x171: {  	v7 =	vshra.s32 v12, $0x1F;
	[tilespmem:v10+s10+$0x0] =	vst.idx.add.s32.msk $0xffff, v3  }
0x172: {  	v7 =	vor.u32 $0x80000000, v7;
	v10 =	vld.idx.msk [tilespmem:v8+s10+$0x0], $0xffff  }
0x173: {  	v7 =	vxor.u32 v12, v7;
	v9 =	vld.idx.msk [tilespmem:v9+s4+$0x0], $0xffff  }
0x174: {  	s21 =	sshll.u32 s29, $0xC;
	v11 =	vshll.u32 v7, $0x4  }
.LBB2_13:
0x175: {  	v11 =	vand.u32 $0xFF0, v11;
	s19 =	smov.u32 s17;
	s17 =	sadd.s32 $0x4, s17  }
0x176: {  	s20 =	sand.u32 $0x4, s17;
	p0 =	slt.u32 s17, $0x7F8;
	v11 =	vor.u32 s21, v11  }
0x177: {  	s21 =	sor.u32 $0x2, s20;
	s20 =	sor.u32 $0x3, s20;
	v11 =	vor.u32 v0, v11  }
0x178: {  	s22 =	sshrl.u32 s17, $0x3;
	s23 =	sshll.u32 s21, $0x8;
	v12 =	vshra.s32 v9, $0x1F;
	s24 =	sshll.u32 s20, $0x8  }
0x179: {  	s23 =	sadd.s32 s22, s23;
	s22 =	sadd.s32 s22, s24  }
0x17a: {  	v13 =	vor.u32 s23, v1;
	[tilespmem:v10+s12+$0x0] =	vst.idx.msk $0xffff, v6  }
0x17b: {  	[tilespmem:v8+s10+$0x0] =	vst.idx.add.s32.msk $0xffff, v3  }
0x17c: {  	v6 =	vor.u32 $0x80000000, v12;
	v8 =	vld.idx.msk [tilespmem:v11+s10+$0x0], $0xffff  }
0x17d: {  	s16 =	sadd.s32 $0x4000, s16;
	v6 =	vxor.u32 v9, v6  }
0x17e: {  	s23 =	sand.u32 $0x4000, s16;
	v9 =	vshll.u32 v6, $0x4  }
0x17f: {  	s23 =	sor.u32 $0x1000, s23;
	v9 =	vand.u32 $0xFF0, v9;
	v10 =	vld.idx.msk [tilespmem:v13+s4+$0x0], $0xffff  }
0x180: {  	v9 =	vor.u32 s23, v9  }
0x181: {  	v9 =	vor.u32 v0, v9;
	_ =	sdelay $0x2  }
0x182: {  	[tilespmem:v8+s12+$0x0] =	vst.idx.msk $0xffff, v7;
	v7 =	vor.u32 s22, v1  }
0x183: {  	v8 =	vshra.s32 v10, $0x1F;
	[tilespmem:v11+s10+$0x0] =	vst.idx.add.s32.msk $0xffff, v3  }
0x184: {  	v8 =	vor.u32 $0x80000000, v8;
	v11 =	vld.idx.msk [tilespmem:v9+s10+$0x0], $0xffff  }
0x185: {  	v10 =	vxor.u32 v10, v8  }
0x186: {  	v8 =	vshll.u32 v10, $0x4  }
0x187: {  	s21 =	sshll.u32 s21, $0xC;
	v8 =	vand.u32 $0xFF0, v8;
	v7 =	vld.idx.msk [tilespmem:v7+s4+$0x0], $0xffff  }
0x188: {  	v8 =	vor.u32 s21, v8;
	s21 =	sadd.s32 $0x8, s19  }
0x189: {  	v12 =	vor.u32 v0, v8;
	s22 =	sand.u32 $0x4, s21  }
0x18a: {  	s23 =	sshrl.u32 s21, $0x3;
	s24 =	sshll.u32 s22, $0x8;
	s21 =	sshll.u32 s22, $0xC  }
0x18b: {  	s22 =	sadd.s32 s23, s24  }
0x18c: {  	v8 =	vor.u32 s22, v1;
	[tilespmem:v11+s12+$0x0] =	vst.idx.msk $0xffff, v6  }
0x18d: {  	v6 =	vshra.s32 v7, $0x1F;
	[tilespmem:v9+s10+$0x0] =	vst.idx.add.s32.msk $0xffff, v3  }
0x18e: {  	v6 =	vor.u32 $0x80000000, v6;
	v9 =	vld.idx.msk [tilespmem:v12+s10+$0x0], $0xffff  }
0x18f: {  	v6 =	vxor.u32 v7, v6  }
0x190: {  	s18 =	sadd.s32 $0x400, s18;
	s19 =	sadd.s32 $0x9, s19;
	v7 =	vshll.u32 v6, $0x4  }
0x191: {  	s20 =	sshll.u32 s20, $0xC;
	s19 =	sshrl.u32 s19, $0x3;
	s22 =	sand.u32 $0x500, s18;
	v7 =	vand.u32 $0xFF0, v7;
	v11 =	vld.idx.msk [tilespmem:v8+s4+$0x0], $0xffff  }
0x192: {  	s19 =	sadd.s32 s19, s22;
	v7 =	vor.u32 s20, v7  }
0x193: {  	v8 =	vor.u32 v0, v7;
	v7 =	vor.u32 s19, v1;
	_ =	sdelay $0x2  }
.Ltmp5:
0x194: {  	[tilespmem:v9+s12+$0x0] =	vst.idx.msk $0xffff, v10;
	(pc) =	sbr.rel @p0 .LBB2_13-.Ltmp5, $4  }
0x195: {  	v9 =	vshra.s32 v11, $0x1F;
	[tilespmem:v12+s10+$0x0] =	vst.idx.add.s32.msk $0xffff, v3  }
0x196: {  	v12 =	vor.u32 $0x80000000, v9;
	v10 =	vld.idx.msk [tilespmem:v8+s10+$0x0], $0xffff  }
0x197: {  	v9 =	vld.idx.msk [tilespmem:v7+s4+$0x0], $0xffff;
	v7 =	vxor.u32 v11, v12  }
0x198: {  	v11 =	vshll.u32 v7, $0x4  }
0x199: {  	_ = 	snop  }
0x19a: {  	v11 =	vand.u32 $0xFF0, v11  }
0x19b: {  	v11 =	vor.u32 s21, v11  }
0x19c: {  	v11 =	vor.u32 v0, v11;
	_ =	sdelay $0x2  }
0x19d: {  	[tilespmem:v10+s12+$0x0] =	vst.idx.msk $0xffff, v6  }
0x19e: {  	[tilespmem:v8+s10+$0x0] =	vst.idx.add.s32.msk $0xffff, v3  }
0x19f: {  	v6 =	vor.u32 $0x6FF, v1;
	v8 =	vshra.s32 v9, $0x1F;
	v10 =	vld.idx.msk [tilespmem:v11+s10+$0x0], $0xffff  }
0x1a0: {  	v8 =	vor.u32 $0x80000000, v8  }
0x1a1: {  	v12 =	vxor.u32 v9, v8  }
0x1a2: {  	v8 =	vshll.u32 v12, $0x4  }
0x1a3: {  	v9 =	vand.u32 $0xFF0, v8;
	v8 =	vor.u32 $0x5000, v0  }
0x1a4: {  	v13 =	vld.idx.msk [tilespmem:v6+s4+$0x0], $0xffff;
	v14 =	vor.u32 v8, v9;
	_ =	sdelay $0x2  }
0x1a5: {  	[tilespmem:v10+s12+$0x0] =	vst.idx.msk $0xffff, v7  }
0x1a6: {  	[tilespmem:v11+s10+$0x0] =	vst.idx.add.s32.msk $0xffff, v3  }
0x1a7: {  	v9 =	vshra.s32 v13, $0x1F;
	v7 =	vor.u32 $0x7FF, v1;
	v10 =	vld.idx.msk [tilespmem:v14+s10+$0x0], $0xffff  }
0x1a8: {  	v9 =	vor.u32 $0x80000000, v9  }
0x1a9: {  	v11 =	vxor.u32 v13, v9  }
0x1aa: {  	v9 =	vshll.u32 v11, $0x4  }
0x1ab: {  	v61 =	vand.u32 $0xFF0, v9;
	v9 =	vor.u32 $0x6000, v0  }
0x1ac: {  	v13 =	vor.u32 v9, v61;
	v15 =	vld.idx.msk [tilespmem:v7+s4+$0x0], $0xffff;
	_ =	sdelay $0x2  }
0x1ad: {  	[tilespmem:v10+s12+$0x0] =	vst.idx.msk $0xffff, v12  }
0x1ae: {  	[tilespmem:v14+s10+$0x0] =	vst.idx.add.s32.msk $0xffff, v3  }
0x1af: {  	v10 =	vshra.s32 v15, $0x1F;
	v12 =	vld.idx.msk [tilespmem:v13+s10+$0x0], $0xffff  }
0x1b0: {  	v10 =	vor.u32 $0x80000000, v10  }
0x1b1: {  	v62 =	vxor.u32 v15, v10  }
0x1b2: {  	v10 =	vshll.u32 v62, $0x4  }
0x1b3: {  	v63 =	vand.u32 $0xFF0, v10;
	v10 =	vor.u32 $0x7000, v0  }
0x1b4: {  	v15 =	vor.u32 v10, v63;
	_ =	sdelay $0x2  }
0x1b5: {  	[tilespmem:v12+s12+$0x0] =	vst.idx.msk $0xffff, v11  }
0x1b6: {  	[tilespmem:v13+s10+$0x0] =	vst.idx.add.s32.msk $0xffff, v3  }
0x1b7: {  	v11 =	vld.idx.msk [tilespmem:v15+s10+$0x0], $0xffff;
	_ =	sdelay $0x7  }
0x1b8: {  	[tilespmem:v11+s12+$0x0] =	vst.idx.msk $0xffff, v62  }
0x1b9: {  	s18 =	simm.s32 $0x10080;
	[tilespmem:v15+s10+$0x0] =	vst.idx.add.s32.msk $0xffff, v3  }
0x1ba: {  	[tilespmem:s18+$0xFFFFFF80] =	vst v2  }
0x1bb: {  	[tilespmem:s18+$0x70] =	vst v2  }
0x1bc: {  	[tilespmem:s18+$0x60] =	vst v2  }
0x1bd: {  	[tilespmem:s18+$0x50] =	vst v2  }
0x1be: {  	[tilespmem:s18+$0x40] =	vst v2  }
0x1bf: {  	[tilespmem:s18+$0x30] =	vst v2  }
0x1c0: {  	[tilespmem:s18+$0x20] =	vst v2  }
0x1c1: {  	[tilespmem:s18+$0x10] =	vst v2  }
0x1c2: {  	[tilespmem:s18+$0x0] =	vst v2  }
0x1c3: {  	[tilespmem:s18+$0xFFFFFFF0] =	vst v2  }
0x1c4: {  	[tilespmem:s18+$0xFFFFFFE0] =	vst v2  }
0x1c5: {  	[tilespmem:s18+$0xFFFFFFD0] =	vst v2  }
0x1c6: {  	[tilespmem:s18+$0xFFFFFFC0] =	vst v2  }
0x1c7: {  	[tilespmem:s18+$0xFFFFFFB0] =	vst v2  }
0x1c8: {  	s16 =	simm.s32 $0x0;
	[tilespmem:s18+$0xFFFFFFA0] =	vst v2  }
.LBB2_15:
0x1c9: {  	s16 =	sadd.s32 $0x8, s16;
	[tilespmem:s18+$0xFFFFFF90] =	vst v2;
	s18 =	sadd.s32 $0x100, s18  }
0x1ca: {  	[tilespmem:s18+$0xFFFFFF80] =	vst v2;
	p0 =	slt.u32 s16, $0x3F8  }
0x1cb: {  	[tilespmem:s18+$0x70] =	vst v2  }
0x1cc: {  	[tilespmem:s18+$0x60] =	vst v2  }
0x1cd: {  	[tilespmem:s18+$0x50] =	vst v2  }
0x1ce: {  	[tilespmem:s18+$0x40] =	vst v2  }
0x1cf: {  	[tilespmem:s18+$0x30] =	vst v2  }
0x1d0: {  	[tilespmem:s18+$0x20] =	vst v2  }
0x1d1: {  	[tilespmem:s18+$0x10] =	vst v2  }
0x1d2: {  	[tilespmem:s18+$0x0] =	vst v2  }
0x1d3: {  	[tilespmem:s18+$0xFFFFFFF0] =	vst v2  }
.Ltmp6:
0x1d4: {  	[tilespmem:s18+$0xFFFFFFE0] =	vst v2;
	(pc) =	sbr.rel @p0 .LBB2_15-.Ltmp6, $4  }
0x1d5: {  	[tilespmem:s18+$0xFFFFFFD0] =	vst v2  }
0x1d6: {  	[tilespmem:s18+$0xFFFFFFC0] =	vst v2  }
0x1d7: {  	[tilespmem:s18+$0xFFFFFFB0] =	vst v2  }
0x1d8: {  	[tilespmem:s18+$0xFFFFFFA0] =	vst v2  }
0x1d9: {  	s17 =	simm.s32 $0x0  }
0x1da: {  	s19 =	simm.s32 $0x1;
	v11 =	vor.u32 s17, v1  }
0x1db: {  	s16 =	simm.s32 $0x2;
	v12 =	vor.u32 s19, v1  }
0x1dc: {  	s31 =	simm.s32 $0x3;
	v13 =	vor.u32 s16, v1  }
0x1dd: {  	s20 =	simm.s32 $0x4;
	v14 =	vor.u32 s31, v1  }
0x1de: {  	[tilespmem:s18+$0xFFFFFF90] =	vst v2;
	s21 =	simm.s32 $0x6;
	v15 =	vor.u32 s20, v1  }
0x1df: {  	s20 =	simm.s32 $0x5;
	v17 =	vor.u32 s21, v1;
	v11 =	vld.idx.msk [tilespmem:v11+s12+$0x0], $0xffff  }
0x1e0: {  	s22 =	simm.s32 $0x7;
	v16 =	vor.u32 s20, v1;
	v18 =	vld.idx.msk [tilespmem:v12+s12+$0x0], $0xffff  }
0x1e1: {  	v19 =	vld.idx.msk [tilespmem:v13+s12+$0x0], $0xffff;
	v12 =	vor.u32 s22, v1  }
0x1e2: {  	v14 =	vld.idx.msk [tilespmem:v14+s12+$0x0], $0xffff  }
0x1e3: {  	v15 =	vld.idx.msk [tilespmem:v15+s12+$0x0], $0xffff  }
0x1e4: {  	s23 =	simm.s32 $0x8;
	s24 =	simm.s32 $0x9;
	v17 =	vld.idx.msk [tilespmem:v17+s12+$0x0], $0xffff  }
0x1e5: {  	s25 =	simm.s32 $0xA;
	s26 =	simm.s32 $0xB;
	s28 =	simm.s32 $0xC;
	v20 =	vor.u32 s23, v1;
	v21 =	vor.u32 s24, v1;
	v16 =	vld.idx.msk [tilespmem:v16+s12+$0x0], $0xffff  }
0x1e6: {  	s29 =	simm.s32 $0xD;
	v22 =	vor.u32 s25, v1;
	v26 =	vor.u32 s26, v1;
	v27 =	vor.u32 s28, v1;
	s31 =	sand.u32 $0x7000, s17;
	v23 =	vld.idx.msk [tilespmem:v12+s12+$0x0], $0xffff  }
0x1e7: {  	s30 =	simm.s32 $0xE;
	v30 =	vor.u32 s31, v0;
	v13 =	vor.u32 s29, v1;
	v11 =	vshrl.u32 v11, $0x4  }
0x1e8: {  	v12 =	vor.u32 s30, v1;
	v14 =	vshrl.u32 v14, $0x4;
	v15 =	vshrl.u32 v15, $0x4  }
0x1e9: {  	v17 =	vshrl.u32 v17, $0x4;
	v28 =	vand.u32 $0xFF0, v11;
	v11 =	vshrl.u32 v18, $0x4  }
0x1ea: {  	v18 =	vshrl.u32 v19, $0x4;
	v16 =	vshrl.u32 v16, $0x4;
	v29 =	vand.u32 $0xFF0, v14  }
0x1eb: {  	v19 =	vand.u32 $0xFF0, v11;
	v11 =	vld.idx.msk [tilespmem:v20+s12+$0x0], $0xffff;
	v20 =	vand.u32 $0xFF0, v16;
	v16 =	vshrl.u32 v23, $0x4  }
0x1ec: {  	v15 =	vand.u32 $0xFF0, v15;
	v14 =	vld.idx.msk [tilespmem:v21+s12+$0x0], $0xffff;
	v31 =	vand.u32 $0xFF0, v17;
	v17 =	vand.u32 $0xFF0, v16  }
0x1ed: {  	v18 =	vand.u32 $0xFF0, v18;
	v24 =	vor.u32 v30, v19;
	v19 =	vld.idx.msk [tilespmem:v27+s12+$0x0], $0xffff;
	v25 =	vor.u32 v30, v17  }
0x1ee: {  	v21 =	vor.u32 v30, v15;
	v15 =	vor.u32 v30, v28;
	v23 =	vor.u32 v30, v18;
	v16 =	vld.idx.msk [tilespmem:v22+s12+$0x0], $0xffff  }
0x1ef: {  	s18 =	simm.s32 $0x0;
	s19 =	simm.s32 $0x10;
	s20 =	simm.s32 $0xF;
	v18 =	vor.u32 v30, v20;
	v20 =	vor.u32 v30, v31;
	v22 =	vor.u32 v30, v29;
	v17 =	vld.idx.msk [tilespmem:v26+s12+$0x0], $0xffff  }
.LBB2_17:
0x1f0: {  	p0 =	slt.u32 s19, $0x7F8;
	v26 =	vld.idx.msk [tilespmem:v13+s12+$0x0], $0xffff;
	v13 =	vor.u32 s20, v1  }
0x1f1: {  	v27 =	vld.idx.msk [tilespmem:v12+s12+$0x0], $0xffff  }
0x1f2: {  	[tilespmem:v25+s10+$0x0] =	vst.idx.add.s32.msk $0xffff, v3  }
0x1f3: {  	[tilespmem:v24+s10+$0x0] =	vst.idx.add.s32.msk $0xffff, v3  }
0x1f4: {  	s20 =	sadd.s32 $0x1, s19;
	s21 =	sadd.s32 $0x2, s19;
	[tilespmem:v23+s10+$0x0] =	vst.idx.add.s32.msk $0xffff, v3  }
0x1f5: {  	v25 =	vor.u32 s21, v1;
	s21 =	sadd.s32 $0x4, s19;
	v24 =	vor.u32 s20, v1;
	s20 =	sadd.s32 $0x3, s19;
	v23 =	vor.u32 s19, v1;
	v28 =	vld.idx.msk [tilespmem:v13+s12+$0x0], $0xffff  }
0x1f6: {  	v11 =	vshrl.u32 v11, $0x4;
	v30 =	vor.u32 s21, v1;
	s21 =	sadd.s32 $0x6, s19;
	v29 =	vor.u32 s20, v1;
	s20 =	sadd.s32 $0x5, s19;
	[tilespmem:v22+s10+$0x0] =	vst.idx.add.s32.msk $0xffff, v3  }
0x1f7: {  	v31 =	vand.u32 $0xFF0, v11;
	v12 =	vor.u32 s21, v1;
	v13 =	vor.u32 s20, v1;
	[tilespmem:v21+s10+$0x0] =	vst.idx.add.s32.msk $0xffff, v3  }
0x1f8: {  	v11 =	vshrl.u32 v14, $0x4;
	v14 =	vshrl.u32 v16, $0x4;
	v16 =	vshrl.u32 v17, $0x4;
	[tilespmem:v18+s10+$0x0] =	vst.idx.add.s32.msk $0xffff, v3  }
0x1f9: {  	v17 =	vshrl.u32 v19, $0x4;
	v19 =	vshrl.u32 v27, $0x4;
	v18 =	vshrl.u32 v26, $0x4;
	[tilespmem:v20+s10+$0x0] =	vst.idx.add.s32.msk $0xffff, v3  }
0x1fa: {  	s18 =	sadd.s32 $0x80, s18;
	v22 =	vand.u32 $0xFF0, v16;
	v21 =	vand.u32 $0xFF0, v14;
	v20 =	vand.u32 $0xFF0, v11;
	[tilespmem:v15+s10+$0x0] =	vst.idx.add.s32.msk $0xffff, v3  }
.Ltmp7:
0x1fb: {  	s20 =	sand.u32 $0x7000, s18;
	v18 =	vand.u32 $0xFF0, v18;
	v15 =	vand.u32 $0xFF0, v17;
	v16 =	vshrl.u32 v28, $0x4;
	v11 =	vld.idx.msk [tilespmem:v23+s12+$0x0], $0xffff;
	(pc) =	sbr.rel @p0 .LBB2_17-.Ltmp7, $4  }
0x1fc: {  	v27 =	vand.u32 $0xFF0, v19;
	v26 =	vor.u32 s20, v0;
	v17 =	vand.u32 $0xFF0, v16;
	v14 =	vld.idx.msk [tilespmem:v24+s12+$0x0], $0xffff  }
0x1fd: {  	v23 =	vor.u32 v26, v21;
	v24 =	vor.u32 v26, v20;
	v16 =	vld.idx.msk [tilespmem:v25+s12+$0x0], $0xffff;
	v25 =	vor.u32 v26, v17  }
0x1fe: {  	v22 =	vor.u32 v26, v22;
	v18 =	vor.u32 v26, v18;
	v21 =	vor.u32 v26, v15;
	v17 =	vld.idx.msk [tilespmem:v29+s12+$0x0], $0xffff  }
0x1ff: {  	s20 =	sadd.s32 $0x7, s19;
	s19 =	sadd.s32 $0x8, s19;
	v15 =	vor.u32 v26, v31;
	v20 =	vor.u32 v26, v27;
	v19 =	vld.idx.msk [tilespmem:v30+s12+$0x0], $0xffff  }
0x200: {  	_ =	sdelay $0x3  }
0x201: {  	v13 =	vld.idx.msk [tilespmem:v13+s12+$0x0], $0xffff  }
0x202: {  	v26 =	vor.u32 s20, v1;
	v12 =	vld.idx.msk [tilespmem:v12+s12+$0x0], $0xffff  }
0x203: {  	[tilespmem:v25+s10+$0x0] =	vst.idx.add.s32.msk $0xffff, v3  }
0x204: {  	s18 =	sadd.s32 $0x80, s18;
	[tilespmem:v24+s10+$0x0] =	vst.idx.add.s32.msk $0xffff, v3  }
0x205: {  	[tilespmem:v23+s10+$0x0] =	vst.idx.add.s32.msk $0xffff, v3;
	s18 =	sand.u32 $0x7000, s18;
	v14 =	vshrl.u32 v14, $0x4  }
0x206: {  	[tilespmem:v22+s10+$0x0] =	vst.idx.add.s32.msk $0xffff, v3;
	v11 =	vshrl.u32 v11, $0x4;
	v23 =	vor.u32 s18, v0;
	v14 =	vand.u32 $0xFF0, v14  }
0x207: {  	v11 =	vand.u32 $0xFF0, v11;
	v16 =	vshrl.u32 v16, $0x4;
	v14 =	vor.u32 v23, v14;
	v26 =	vld.idx.msk [tilespmem:v26+s12+$0x0], $0xffff  }
0x208: {  	[tilespmem:v21+s10+$0x0] =	vst.idx.add.s32.msk $0xffff, v3;
	v17 =	vshrl.u32 v17, $0x4;
	v16 =	vand.u32 $0xFF0, v16;
	v11 =	vor.u32 v23, v11  }
0x209: {  	[tilespmem:v18+s10+$0x0] =	vst.idx.add.s32.msk $0xffff, v3;
	v18 =	vshrl.u32 v19, $0x4;
	v17 =	vand.u32 $0xFF0, v17;
	v16 =	vor.u32 v23, v16  }
0x20a: {  	[tilespmem:v20+s10+$0x0] =	vst.idx.add.s32.msk $0xffff, v3;
	v13 =	vshrl.u32 v13, $0x4;
	v18 =	vand.u32 $0xFF0, v18;
	v17 =	vor.u32 v23, v17  }
0x20b: {  	[tilespmem:v15+s10+$0x0] =	vst.idx.add.s32.msk $0xffff, v3;
	v12 =	vshrl.u32 v12, $0x4;
	v13 =	vand.u32 $0xFF0, v13;
	v15 =	vor.u32 v23, v18  }
0x20c: {  	v12 =	vand.u32 $0xFF0, v12;
	v13 =	vor.u32 v23, v13;
	[tilespmem:v14+s10+$0x0] =	vst.idx.add.s32.msk $0xffff, v3;
	v24 =	vshrl.u32 v26, $0x4  }
0x20d: {  	v12 =	vor.u32 v23, v12;
	[tilespmem:v11+s10+$0x0] =	vst.idx.add.s32.msk $0xffff, v3;
	v24 =	vand.u32 $0xFF0, v24  }
0x20e: {  	[tilespmem:v16+s10+$0x0] =	vst.idx.add.s32.msk $0xffff, v3;
	v22 =	vor.u32 v23, v24  }
0x20f: {  	[tilespmem:v17+s10+$0x0] =	vst.idx.add.s32.msk $0xffff, v3  }
0x210: {  	[tilespmem:v15+s10+$0x0] =	vst.idx.add.s32.msk $0xffff, v3  }
0x211: {  	[tilespmem:v13+s10+$0x0] =	vst.idx.add.s32.msk $0xffff, v3  }
0x212: {  	[tilespmem:v12+s10+$0x0] =	vst.idx.add.s32.msk $0xffff, v3  }
0x213: {  	s20 =	simm.s32 $0x10010;
	[tilespmem:v22+s10+$0x0] =	vst.idx.add.s32.msk $0xffff, v3  }
0x214: {  	s21 =	sand.u32 $0xFE0, s17;
	v15 =	vld [tilespmem:s20+$0xFFFFFFF0]  }
0x215: {  	v23 =	vld [tilespmem:s21+$0x11000]  }
0x216: {  	v24 =	vld [tilespmem:s21+$0x12000]  }
0x217: {  	v25 =	vld [tilespmem:s21+$0x13000]  }
0x218: {  	v27 =	vld [tilespmem:s21+$0x14000]  }
0x219: {  	v29 =	vld [tilespmem:s21+$0x15000]  }
0x21a: {  	v31 =	vld [tilespmem:s21+$0x16000];
	v11 =	vadd.s32 v15, v23  }
0x21b: {  	v12 =	vld [tilespmem:s21+$0x17000];
	v11 =	vadd.s32 v24, v11  }
0x21c: {  	v11 =	vadd.s32 v25, v11  }
0x21d: {  	v11 =	vadd.s32 v27, v11  }
0x21e: {  	s31 =	simm.s32 $0x10;
	v11 =	vadd.s32 v29, v11  }
0x21f: {  	s19 =	sand.u32 $0xFF0, s31;
	v20 =	vld [tilespmem:s20+$0x0];
	v11 =	vadd.s32 v31, v11  }
0x220: {  	v22 =	vld [tilespmem:s19+$0x11000];
	v11 =	vadd.s32 v12, v11  }
0x221: {  	v21 =	vld [tilespmem:s19+$0x12000];
	(xrf0) =	vadd.scan.msk.s32 $0xffff, v11  }
0x222: {  	v19 =	vld [tilespmem:s19+$0x13000]  }
0x223: {  	v18 =	vld [tilespmem:s19+$0x14000]  }
0x224: {  	v17 =	vld [tilespmem:s19+$0x15000]  }
0x225: {  	v16 =	vld [tilespmem:s19+$0x16000];
	v12 =	vadd.s32 v20, v22  }
0x226: {  	v26 =	vld [tilespmem:s19+$0x17000];
	v12 =	vadd.s32 v21, v12  }
0x227: {  	s23 =	simm.s32 $0x20;
	s18 =	simm.s32 $0x10030;
	v12 =	vadd.s32 v19, v12;
	v32, _, _ =	vpop (xrf0)  }
0x228: {  	s22 =	sand.u32 $0xFE0, s23;
	v14 =	vld [tilespmem:s18+$0xFFFFFFF0];
	v28 =	vadd.s32 v18, v12;
	v30 =	vsub.s32 v32, v11  }
0x229: {  	v13 =	vld [tilespmem:s22+$0x11000];
	v28 =	vadd.s32 v17, v28;
	[tilespmem:s20+$0xFFFFFFF0] =	vst v30;
	v30 =	vadd.s32 v15, v30  }
0x22a: {  	v12 =	vld [tilespmem:s22+$0x12000];
	v28 =	vadd.s32 v16, v28;
	v23 =	vadd.s32 v23, v30  }
0x22b: {  	v26 =	vadd.s32 v26, v28;
	v11 =	vld [tilespmem:s22+$0x13000];
	[tilespmem:s21+$0x11000] =	vst v30;
	v30 =	vmov s17;
	v24 =	vadd.s32 v24, v23  }
0x22c: {  	(xrf0) =	vadd.scan.msk.s32 $0xffff, v26;
	v15 =	vld [tilespmem:s22+$0x14000];
	[tilespmem:s21+$0x12000] =	vst v23;
	v28 =	vand.u32 $0xFFFFFFFE, v30;
	v25 =	vadd.s32 v25, v24  }
0x22d: {  	v23 =	vld [tilespmem:s22+$0x15000];
	[tilespmem:s21+$0x14000] =	vst v25;
	v25 =	vadd.s32 v27, v25;
	v27 =	vbroadcast v28, $0x0  }
0x22e: {  	v30 =	vadd.s32 v14, v13;
	[tilespmem:s21+$0x13000] =	vst v24;
	v24 =	vld [tilespmem:s22+$0x16000]  }
0x22f: {  	v30 =	vadd.s32 v12, v30;
	v28 =	vld [tilespmem:s22+$0x17000]  }
0x230: {  	s24 =	simm.s32 $0x30;
	v30 =	vadd.s32 v11, v30;
	[tilespmem:s21+$0x15000] =	vst v25;
	v29 =	vadd.s32 v29, v25  }
0x231: {  	s25 =	simm.s32 $0x4;
	s24 =	sand.u32 $0xFF0, s24;
	v25 =	vld [tilespmem:s18+$0x0];
	v30 =	vadd.s32 v15, v30;
	[tilespmem:s21+$0x16000] =	vst v29;
	v31 =	vadd.s32 v31, v29;
	v29 =	vbroadcast v32, $0xF  }
.LBB2_19:
0x232: {  	p0 =	sne.s32 s25, $0xFE;
	v32 =	vld [tilespmem:s24+$0x11000];
	v30 =	vadd.s32 v23, v30;
	[tilespmem:s21+$0x17000] =	vst v31;
	v31, _, _ =	vpop (xrf0);
	v33 =	vmov v23;
	s21 =	smov.u32 s22  }
0x233: {  	v23 =	vld [tilespmem:s24+$0x12000];
	v30 =	vadd.s32 v24, v30;
	[tilespmem:v27+s11+$0x0] =	vst.idx.msk $0x1, v29;
	v26 =	vsub.s32 v31, v26;
	v29 =	vmov v24  }
0x234: {  	v24 =	vld [tilespmem:s24+$0x13000];
	v27 =	vadd.s32 v28, v30;
	[tilespmem:s20+$0x0] =	vst v26;
	v30 =	vadd.s32 v20, v26;
	s20 =	smov.u32 s18  }
0x235: {  	v26 =	vld [tilespmem:s24+$0x14000];
	(xrf0) =	vadd.scan.msk.s32 $0xffff, v27;
	[tilespmem:s19+$0x11000] =	vst v30;
	v36 =	vadd.s32 v22, v30  }
0x236: {  	s22 =	sadd.s32 $0x1, s17;
	s17 =	smov.u32 s16;
	s16 =	smov.u32 s25;
	v28 =	vld [tilespmem:s24+$0x15000];
	[tilespmem:s19+$0x12000] =	vst v36;
	v35 =	vadd.s32 v21, v36;
	v20 =	vmov v25  }
0x237: {  	v34 =	vmov s22;
	v25 =	vld [tilespmem:s24+$0x16000];
	v30 =	vadd.s32 v20, v32;
	[tilespmem:s19+$0x13000] =	vst v35;
	v35 =	vadd.s32 v19, v35;
	v22 =	vmovc v32  }
0x238: {  	v32 =	vld [tilespmem:s24+$0x17000];
	v30 =	vadd.s32 v23, v30;
	[tilespmem:s19+$0x14000] =	vst v35;
	v35 =	vadd.s32 v18, v35;
	v21 =	vmov v23  }
0x239: {  	s23 =	sadd.s32 $0x20, s23;
	s18 =	sadd.s32 $0x20, s18;
	v23 =	vadd.s32 v24, v30;
	[tilespmem:s19+$0x15000] =	vst v35;
	v36 =	vadd.s32 v17, v35;
	v19 =	vmov v24  }
0x23a: {  	s22 =	sand.u32 $0xFE0, s23;
	v30 =	vbroadcast v31, $0xF;
	v24 =	vld [tilespmem:s18+$0xFFFFFFF0];
	v23 =	vadd.s32 v26, v23;
	[tilespmem:s19+$0x16000] =	vst v36;
	v37 =	vadd.s32 v16, v36;
	v18 =	vmovc v26  }
0x23b: {  	v31 =	vld [tilespmem:s22+$0x11000];
	v23 =	vadd.s32 v28, v23;
	v35, _, _ =	vpop (xrf0);
	[tilespmem:s19+$0x17000] =	vst v37;
	v17 =	vmov v28;
	s19 =	smov.u32 s24  }
0x23c: {  	v36 =	vld [tilespmem:s22+$0x12000];
	v26 =	vsub.s32 v35, v27;
	v23 =	vadd.s32 v25, v23;
	[tilespmem:v34+s11+$0x0] =	vst.idx.msk $0x1, v30;
	v16 =	vmov v25  }
0x23d: {  	v27 =	vmov s17;
	v25 =	vld [tilespmem:s22+$0x13000];
	[tilespmem:s20+$0xFFFFFFF0] =	vst v26;
	v30 =	vadd.s32 v14, v26;
	v26 =	vadd.s32 v32, v23  }
0x23e: {  	v28 =	vand.u32 $0xFFFFFFFE, v27;
	v32 =	vld [tilespmem:s22+$0x14000];
	[tilespmem:s21+$0x11000] =	vst v30;
	v34 =	vadd.s32 v13, v30;
	(xrf0) =	vadd.scan.msk.s32 $0xffff, v26  }
.Ltmp8:
0x23f: {  	v27 =	vbroadcast v28, $0x0;
	v23 =	vld [tilespmem:s22+$0x15000];
	[tilespmem:s21+$0x12000] =	vst v34;
	v34 =	vadd.s32 v12, v34;
	v14 =	vmov v24;
	(pc) =	sbr.rel @p0 .LBB2_19-.Ltmp8, $4  }
0x240: {  	v24 =	vld [tilespmem:s22+$0x16000];
	v30 =	vadd.s32 v14, v31;
	[tilespmem:s21+$0x13000] =	vst v34;
	v37 =	vadd.s32 v11, v34;
	v13 =	vmov v31  }
0x241: {  	v28 =	vld [tilespmem:s22+$0x17000];
	v30 =	vadd.s32 v36, v30;
	[tilespmem:s21+$0x14000] =	vst v37;
	v34 =	vadd.s32 v15, v37;
	v12 =	vmov v36  }
0x242: {  	s24 =	sadd.s32 $0x10, s23;
	v36 =	vadd.s32 v25, v30;
	[tilespmem:s21+$0x15000] =	vst v34;
	v31 =	vadd.s32 v33, v34;
	v11 =	vmov v25  }
0x243: {  	s25 =	sadd.s32 $0x2, s25;
	s24 =	sand.u32 $0xFF0, s24;
	v25 =	vld [tilespmem:s18+$0x0];
	v30 =	vadd.s32 v32, v36;
	[tilespmem:s21+$0x16000] =	vst v31;
	v31 =	vadd.s32 v29, v31;
	v29 =	vbroadcast v35, $0xF;
	v15 =	vmovc v32  }
0x244: {  	_ = 	snop  }
0x245: {  	v30 =	vadd.s32 v23, v30  }
0x246: {  	v30 =	vadd.s32 v24, v30  }
0x247: {  	v32 =	vld [tilespmem:s24+$0x11000];
	[tilespmem:s21+$0x17000] =	vst v31;
	v43, _, _ =	vpop (xrf0);
	v28 =	vadd.s32 v28, v30  }
0x248: {  	v33 =	vld [tilespmem:s24+$0x12000];
	[tilespmem:v27+s11+$0x0] =	vst.idx.msk $0x1, v29;
	v26 =	vsub.s32 v43, v26;
	(xrf0) =	vadd.scan.msk.s32 $0xffff, v28  }
0x249: {  	v44 =	vld [tilespmem:s24+$0x13000];
	[tilespmem:s20+$0x0] =	vst v26;
	v20 =	vadd.s32 v20, v26  }
0x24a: {  	v45 =	vld [tilespmem:s24+$0x14000];
	[tilespmem:s19+$0x11000] =	vst v20;
	v20 =	vadd.s32 v22, v20  }
0x24b: {  	v46 =	vld [tilespmem:s24+$0x15000];
	s17 =	sadd.s32 $0x1, s17;
	[tilespmem:s19+$0x12000] =	vst v20;
	v20 =	vadd.s32 v21, v20  }
0x24c: {  	v47 =	vld [tilespmem:s24+$0x16000];
	v49 =	vmov s17;
	v48 =	vadd.s32 v25, v32;
	[tilespmem:s19+$0x13000] =	vst v20;
	v19 =	vadd.s32 v19, v20  }
0x24d: {  	v50 =	vld [tilespmem:s24+$0x17000];
	v29 =	vadd.s32 v33, v48;
	[tilespmem:s19+$0x14000] =	vst v19;
	v18 =	vadd.s32 v18, v19  }
0x24e: {  	v53 =	vbroadcast v43, $0xF;
	v51 =	vadd.s32 v44, v29;
	[tilespmem:s19+$0x15000] =	vst v18;
	v17 =	vadd.s32 v17, v18;
	v54, _, _ =	vpop (xrf0)  }
0x24f: {  	v52 =	vadd.s32 v45, v51;
	[tilespmem:s19+$0x16000] =	vst v17;
	v16 =	vadd.s32 v16, v17;
	v55 =	vsub.s32 v54, v28  }
0x250: {  	v18 =	vadd.s32 v46, v52;
	[tilespmem:s19+$0x17000] =	vst v16;
	v14 =	vadd.s32 v14, v55  }
0x251: {  	v18 =	vadd.s32 v47, v18;
	[tilespmem:v49+s11+$0x0] =	vst.idx.msk $0x1, v53;
	v13 =	vadd.s32 v13, v14  }
0x252: {  	v56 =	vmov s16;
	[tilespmem:s18+$0xFFFFFFF0] =	vst v55;
	v57 =	vadd.s32 v50, v18;
	v12 =	vadd.s32 v12, v13  }
0x253: {  	v58 =	vand.u32 $0xFFFFFFFE, v56;
	[tilespmem:s22+$0x11000] =	vst v14;
	(xrf0) =	vadd.scan.msk.s32 $0xffff, v57;
	v11 =	vadd.s32 v11, v12  }
0x254: {  	v59 =	vbroadcast v58, $0x0;
	[tilespmem:s22+$0x14000] =	vst v11;
	v11 =	vadd.s32 v15, v11  }
0x255: {  	[tilespmem:s22+$0x15000] =	vst v11;
	v11 =	vadd.s32 v23, v11  }
0x256: {  	[tilespmem:s22+$0x16000] =	vst v11;
	v11 =	vadd.s32 v24, v11  }
0x257: {  	[tilespmem:s22+$0x12000] =	vst v13  }
0x258: {  	v60 =	vbroadcast v54, $0xF;
	[tilespmem:s22+$0x13000] =	vst v12  }
0x259: {  	[tilespmem:s22+$0x17000] =	vst v11;
	v11, _, _ =	vpop (xrf0)  }
0x25a: {  	[tilespmem:v59+s11+$0x0] =	vst.idx.msk $0x1, v60;
	v61 =	vsub.s32 v11, v57  }
0x25b: {  	[tilespmem:s18+$0x0] =	vst v61;
	v12 =	vadd.s32 v25, v61  }
0x25c: {  	[tilespmem:s24+$0x11000] =	vst v12;
	v12 =	vadd.s32 v32, v12  }
0x25d: {  	s30 =	sadd.s32 $0x1, s16;
	[tilespmem:s24+$0x12000] =	vst v12;
	v12 =	vadd.s32 v33, v12  }
0x25e: {  	v62 =	vmov s30;
	[tilespmem:s24+$0x13000] =	vst v12;
	v12 =	vadd.s32 v44, v12  }
0x25f: {  	[tilespmem:s24+$0x14000] =	vst v12;
	v12 =	vadd.s32 v45, v12  }
0x260: {  	[tilespmem:s24+$0x15000] =	vst v12;
	v12 =	vadd.s32 v46, v12  }
0x261: {  	v11 =	vbroadcast v11, $0xF;
	[tilespmem:s24+$0x16000] =	vst v12;
	v12 =	vadd.s32 v47, v12  }
0x262: {  	[tilespmem:s24+$0x17000] =	vst v12  }
0x263: {  	s31 =	simm.s32 $0x0;
	[tilespmem:v62+s11+$0x0] =	vst.idx.msk $0x1, v11  }
0x264: {  	v11 =	vld [tilespmem:s31+$0x18000];
	_ =	sdelay $0x4  }
0x265: {  	(xrf0) =	vadd.scan.msk.s32 $0xffff, v11;
	_ =	sdelay $0x5  }
0x266: {  	v63, _, _ =	vpop (xrf0)  }
0x267: {  	s17 =	simm.s32 $0x0;
	(v2sf) =	vpush v63, $0xF  }
0x268: {  	v11 =	vsub.s32 s17, v11  }
0x269: {  	s16 =	simm.s32 $0x40;
	v11 =	vadd.s32 v63, v11  }
0x26a: {  	s20 =	simm.s32 $0x80;
	s19 =	simm.s32 $0x0;
	s18 =	simm.s32 $0x10;
	[tilespmem:s31+$0x18000] =	vst v11  }
.LBB2_21:
0x26b: {  	p0 =	sne.s32 s20, $0x3C0;
	v11 =	vld [tilespmem:s18+$0x18000];
	_ =	sdelay $0x4  }
0x26c: {  	(xrf0) =	vadd.scan.msk.s32 $0xffff, v11;
	_ =	sdelay $0x5  }
.Ltmp9:
0x26d: {  	v12, _, _ =	vpop (xrf0);
	s21 =	spop (v2sf);
	(pc) =	sbr.rel @p0 .LBB2_21-.Ltmp9, $4  }
0x26e: {  	(v2sf) =	vpush v12, $0xF;
	s19 =	sadd.s32 s19, s21  }
0x26f: {  	v11 =	vsub.s32 s19, v11  }
0x270: {  	v11 =	vadd.s32 v12, v11  }
0x271: {  	[tilespmem:s18+$0x18000] =	vst v11;
	s18 =	sshra.s32 s20, $0x2;
	s20 =	sadd.s32 $0x40, s20  }
0x272: {  	_ =	sdelay $0x1  }
0x273: {  	v11 =	vld [tilespmem:s18+$0x18000];
	_ =	sdelay $0x4  }
0x274: {  	s20 =	simm.s32 $0x0;
	(xrf0) =	vadd.scan.msk.s32 $0xffff, v11  }
0x275: {  	v12 =	vmov s20  }
0x276: {  	s21 =	simm.s32 $0x2;
	v12 =	vand.u32 $0xFFFFFFFC, v12  }
0x277: {  	s22 =	simm.s32 $0x1;
	s23 =	simm.s32 $0x3;
	v13 =	vmov s21;
	v12 =	vbroadcast v12, $0x0  }
0x278: {  	v14 =	vmov s22;
	v16 =	vmov s23;
	s22 =	simm.s32 $0x5;
	v13 =	vand.u32 $0xFFFFFFFE, v13;
	s31 =	spop (v2sf)  }
0x279: {  	v14 =	vand.u32 $0xFFFFFFFD, v14;
	v17 =	vmov s22;
	v13 =	vbroadcast v13, $0x0;
	s19 =	sadd.s32 s19, s31  }
0x27a: {  	v14 =	vbroadcast v14, $0x0;
	v17 =	vand.u32 $0xFFFFFFFD, v17;
	v15, _, _ =	vpop (xrf0);
	v11 =	vsub.s32 s19, v11  }
0x27b: {  	v17 =	vbroadcast v17, $0x0;
	v11 =	vadd.s32 v15, v11  }
0x27c: {  	s24 =	simm.s32 $0x4;
	[tilespmem:s18+$0x18000] =	vst v11  }
0x27d: {  	v11 =	vmov s24;
	v18 =	vld.idx.msk [tilespmem:v12+s11+$0x0], $0xffff  }
0x27e: {  	v12 =	vld.idx.msk [tilespmem:v16+s11+$0x0], $0xffff;
	v11 =	vand.u32 $0xFFFFFFFC, v11  }
0x27f: {  	s25 =	simm.s32 $0x6;
	v13 =	vld.idx.msk [tilespmem:v13+s11+$0x0], $0xffff;
	v11 =	vbroadcast v11, $0x0  }
0x280: {  	s31 =	simm.s32 $0x7;
	v16 =	vld.idx.msk [tilespmem:v14+s11+$0x0], $0xffff;
	v14 =	vmov s25  }
0x281: {  	s20 =	sand.u32 $0xFC0, s17;
	s19 =	simm.s32 $0x10000;
	v19 =	vmov s31;
	v17 =	vld.idx.msk [tilespmem:v17+s11+$0x0], $0xffff;
	v14 =	vand.u32 $0xFFFFFFFE, v14  }
0x282: {  	s26 =	sor.u32 $0x11000, s20;
	v14 =	vbroadcast v14, $0x0;
	[tilespmem:s19+$0x0] =	vst.add.s32.msk $0xffff, v18  }
0x283: {  	s30 =	sor.u32 $0x12000, s20;
	[tilespmem:s26+$0x0] =	vst.add.s32.msk $0xffff, v18  }
0x284: {  	[tilespmem:s30+$0x0] =	vst.add.s32.msk $0xffff, v18  }
0x285: {  	(v2sf) =	vpush v15, $0xF;
	v15 =	vld.idx.msk [tilespmem:v11+s11+$0x0], $0xffff  }
0x286: {  	s23 =	sor.u32 $0x13000, s20;
	v11 =	vld.idx.msk [tilespmem:v19+s11+$0x0], $0xffff  }
0x287: {  	[tilespmem:s23+$0x0] =	vst.add.s32.msk $0xffff, v18  }
0x288: {  	s24 =	sor.u32 $0x14000, s20;
	v14 =	vld.idx.msk [tilespmem:v14+s11+$0x0], $0xffff  }
0x289: {  	s25 =	sor.u32 $0x15000, s20;
	[tilespmem:s24+$0x0] =	vst.add.s32.msk $0xffff, v18  }
0x28a: {  	s26 =	sor.u32 $0x16000, s20;
	[tilespmem:s25+$0x0] =	vst.add.s32.msk $0xffff, v18  }
0x28b: {  	s18 =	simm.s32 $0x10040;
	[tilespmem:s26+$0x0] =	vst.add.s32.msk $0xffff, v18  }
0x28c: {  	s20 =	sor.u32 $0x17000, s20;
	s30 =	simm.s32 $0x10;
	[tilespmem:s18+$0x0] =	vst.add.s32.msk $0xffff, v15  }
0x28d: {  	s22 =	sand.u32 $0xFD0, s30;
	[tilespmem:s20+$0x0] =	vst.add.s32.msk $0xffff, v18  }
0x28e: {  	s21 =	sor.u32 $0x11000, s22;
	s20 =	sand.u32 $0xFC0, s16;
	[tilespmem:s19+$0x10] =	vst.add.s32.msk $0xffff, v16  }
0x28f: {  	s23 =	sor.u32 $0x11000, s20;
	[tilespmem:s21+$0x0] =	vst.add.s32.msk $0xffff, v16  }
0x290: {  	s31 =	sor.u32 $0x12000, s20;
	[tilespmem:s23+$0x0] =	vst.add.s32.msk $0xffff, v15  }
0x291: {  	s24 =	sor.u32 $0x12000, s22;
	[tilespmem:s31+$0x0] =	vst.add.s32.msk $0xffff, v15  }
0x292: {  	s23 =	sor.u32 $0x13000, s20;
	[tilespmem:s24+$0x0] =	vst.add.s32.msk $0xffff, v16  }
0x293: {  	s25 =	sor.u32 $0x13000, s22;
	[tilespmem:s23+$0x0] =	vst.add.s32.msk $0xffff, v15  }
0x294: {  	s26 =	sor.u32 $0x14000, s20;
	[tilespmem:s25+$0x0] =	vst.add.s32.msk $0xffff, v16  }
0x295: {  	s29 =	sor.u32 $0x16000, s22;
	s25 =	sor.u32 $0x14000, s22;
	[tilespmem:s26+$0x0] =	vst.add.s32.msk $0xffff, v15  }
0x296: {  	s28 =	sor.u32 $0x17000, s22;
	s31 =	sor.u32 $0x15000, s20;
	s24 =	simm.s32 $0x20;
	[tilespmem:s25+$0x0] =	vst.add.s32.msk $0xffff, v16  }
0x297: {  	s30 =	spop (v2sf);
	s23 =	sand.u32 $0xFE0, s24;
	s26 =	sor.u32 $0x15000, s22;
	[tilespmem:s31+$0x0] =	vst.add.s32.msk $0xffff, v15  }
0x298: {  	s21 =	simm.s32 $0x80;
	s25 =	sor.u32 $0x11000, s23;
	s24 =	sor.u32 $0x14000, s23;
	[tilespmem:s26+$0x0] =	vst.add.s32.msk $0xffff, v16  }
0x299: {  	s22 =	simm.s32 $0xB;
	s26 =	sor.u32 $0x12000, s23;
	[tilespmem:s29+$0x0] =	vst.add.s32.msk $0xffff, v16;
	s29 =	sor.u32 $0x13000, s23  }
.LBB2_23:
0x29a: {  	s30 =	sadd.s32 $0xFFFFFFFD, s22  }
0x29b: {  	p0 =	sne.s32 s21, $0xFC0;
	[tilespmem:s28+$0x0] =	vst.add.s32.msk $0xffff, v16;
	v16 =	vmov v17;
	s28 =	smov.u32 s21;
	s21 =	sadd.s32 $0x40, s21  }
0x29c: {  	v17 =	vmov s30;
	[tilespmem:s19+$0x20] =	vst.add.s32.msk $0xffff, v13;
	s30 =	sor.u32 $0x15000, s23  }
0x29d: {  	v17 =	vand.u32 $0xFFFFFFFC, v17;
	[tilespmem:s25+$0x0] =	vst.add.s32.msk $0xffff, v13;
	s25 =	sor.u32 $0x16000, s23  }
0x29e: {  	s23 =	sor.u32 $0x17000, s23;
	v17 =	vbroadcast v17, $0x0;
	[tilespmem:s26+$0x0] =	vst.add.s32.msk $0xffff, v13  }
0x29f: {  	[tilespmem:s29+$0x0] =	vst.add.s32.msk $0xffff, v13  }
0x2a0: {  	s26 =	sadd.s32 $0xFFFFFFFE, s22;
	s29 =	sadd.s32 $0xFFFFFFFF, s22;
	[tilespmem:s24+$0x0] =	vst.add.s32.msk $0xffff, v13  }
0x2a1: {  	v18 =	vmov s26;
	v19 =	vmov s29;
	[tilespmem:s30+$0x0] =	vst.add.s32.msk $0xffff, v13  }
0x2a2: {  	v18 =	vand.u32 $0xFFFFFFFD, v18;
	s24 =	sadd.s32 $0x30, s17;
	s17 =	smov.u32 s16;
	s16 =	smov.u32 s28;
	v19 =	vand.u32 $0xFFFFFFFE, v19;
	[tilespmem:s25+$0x0] =	vst.add.s32.msk $0xffff, v13  }
0x2a3: {  	v18 =	vbroadcast v18, $0x0;
	v19 =	vbroadcast v19, $0x0;
	[tilespmem:s23+$0x0] =	vst.add.s32.msk $0xffff, v13;
	s23 =	sand.u32 $0xFF0, s24;
	v13 =	vmov v14  }
0x2a4: {  	[tilespmem:s19+$0x30] =	vst.add.s32.msk $0xffff, v12;
	s24 =	sor.u32 $0x11000, s23;
	s19 =	smov.u32 s18  }
0x2a5: {  	v14 =	vmov s22;
	[tilespmem:s24+$0x0] =	vst.add.s32.msk $0xffff, v12;
	s24 =	sor.u32 $0x12000, s23  }
0x2a6: {  	[tilespmem:s24+$0x0] =	vst.add.s32.msk $0xffff, v12;
	s24 =	sor.u32 $0x13000, s23  }
0x2a7: {  	[tilespmem:s24+$0x0] =	vst.add.s32.msk $0xffff, v12;
	s24 =	sor.u32 $0x14000, s23  }
0x2a8: {  	s25 =	sor.u32 $0x15000, s23;
	v20 =	vld.idx.msk [tilespmem:v17+s11+$0x0], $0xffff  }
0x2a9: {  	s18 =	sadd.s32 $0x40, s18;
	[tilespmem:s24+$0x0] =	vst.add.s32.msk $0xffff, v12;
	s24 =	sor.u32 $0x16000, s23  }
0x2aa: {  	s23 =	sor.u32 $0x17000, s23;
	[tilespmem:s25+$0x0] =	vst.add.s32.msk $0xffff, v12  }
0x2ab: {  	[tilespmem:s24+$0x0] =	vst.add.s32.msk $0xffff, v12  }
0x2ac: {  	[tilespmem:s23+$0x0] =	vst.add.s32.msk $0xffff, v12;
	v12 =	vmov v11  }
0x2ad: {  	v11 =	vld.idx.msk [tilespmem:v14+s11+$0x0], $0xffff  }
0x2ae: {  	s23 =	sor.u32 $0x16000, s20;
	v14 =	vld.idx.msk [tilespmem:v19+s11+$0x0], $0xffff  }
0x2af: {  	[tilespmem:s23+$0x0] =	vst.add.s32.msk $0xffff, v15  }
0x2b0: {  	v17 =	vld.idx.msk [tilespmem:v18+s11+$0x0], $0xffff  }
0x2b1: {  	s20 =	sor.u32 $0x17000, s20;
	s23 =	sadd.s32 $0x10, s17;
	[tilespmem:s18+$0x0] =	vst.add.s32.msk $0xffff, v20  }
0x2b2: {  	s23 =	sand.u32 $0xFD0, s23;
	[tilespmem:s20+$0x0] =	vst.add.s32.msk $0xffff, v15;
	v15 =	vmov v20  }
0x2b3: {  	s24 =	sor.u32 $0x11000, s23;
	s20 =	sand.u32 $0xFC0, s16;
	[tilespmem:s19+$0x10] =	vst.add.s32.msk $0xffff, v16  }
0x2b4: {  	s25 =	sor.u32 $0x11000, s20;
	[tilespmem:s24+$0x0] =	vst.add.s32.msk $0xffff, v16  }
0x2b5: {  	s24 =	sor.u32 $0x12000, s20;
	[tilespmem:s25+$0x0] =	vst.add.s32.msk $0xffff, v15  }
0x2b6: {  	[tilespmem:s24+$0x0] =	vst.add.s32.msk $0xffff, v15;
	s24 =	sor.u32 $0x13000, s20  }
0x2b7: {  	[tilespmem:s24+$0x0] =	vst.add.s32.msk $0xffff, v15;
	s24 =	sor.u32 $0x12000, s23  }
0x2b8: {  	s26 =	sor.u32 $0x15000, s23;
	[tilespmem:s24+$0x0] =	vst.add.s32.msk $0xffff, v16;
	s24 =	sor.u32 $0x13000, s23  }
0x2b9: {  	s29 =	sor.u32 $0x16000, s23;
	s25 =	sor.u32 $0x14000, s20;
	[tilespmem:s24+$0x0] =	vst.add.s32.msk $0xffff, v16;
	s24 =	sadd.s32 $0x20, s17  }
.Ltmp10:
0x2ba: {  	s28 =	sor.u32 $0x17000, s23;
	[tilespmem:s25+$0x0] =	vst.add.s32.msk $0xffff, v15;
	s25 =	sor.u32 $0x15000, s20;
	(pc) =	sbr.rel @p0 .LBB2_23-.Ltmp10, $4  }
0x2bb: {  	[tilespmem:s25+$0x0] =	vst.add.s32.msk $0xffff, v15;
	s25 =	sor.u32 $0x14000, s23;
	s23 =	sand.u32 $0xFE0, s24  }
0x2bc: {  	[tilespmem:s25+$0x0] =	vst.add.s32.msk $0xffff, v16;
	s25 =	sor.u32 $0x11000, s23;
	s24 =	sor.u32 $0x14000, s23  }
0x2bd: {  	[tilespmem:s26+$0x0] =	vst.add.s32.msk $0xffff, v16;
	s26 =	sor.u32 $0x12000, s23  }
0x2be: {  	s22 =	sadd.s32 $0x4, s22;
	[tilespmem:s29+$0x0] =	vst.add.s32.msk $0xffff, v16;
	s29 =	sor.u32 $0x13000, s23  }
0x2bf: {  	[tilespmem:s28+$0x0] =	vst.add.s32.msk $0xffff, v16  }
0x2c0: {  	s28 =	sor.u32 $0x16000, s20;
	[tilespmem:s19+$0x20] =	vst.add.s32.msk $0xffff, v13  }
0x2c1: {  	[tilespmem:s28+$0x0] =	vst.add.s32.msk $0xffff, v15  }
0x2c2: {  	[tilespmem:s25+$0x0] =	vst.add.s32.msk $0xffff, v13  }
0x2c3: {  	[tilespmem:s26+$0x0] =	vst.add.s32.msk $0xffff, v13  }
0x2c4: {  	[tilespmem:s29+$0x0] =	vst.add.s32.msk $0xffff, v13  }
0x2c5: {  	s29 =	sor.u32 $0x17000, s20;
	[tilespmem:s24+$0x0] =	vst.add.s32.msk $0xffff, v13  }
0x2c6: {  	s21 =	sor.u32 $0x15000, s23;
	[tilespmem:s29+$0x0] =	vst.add.s32.msk $0xffff, v15  }
0x2c7: {  	[tilespmem:s21+$0x0] =	vst.add.s32.msk $0xffff, v13  }
0x2c8: {  	s22 =	sor.u32 $0x16000, s23;
	[tilespmem:s18+$0x10] =	vst.add.s32.msk $0xffff, v17  }
0x2c9: {  	s31 =	sor.u32 $0x17000, s23;
	s17 =	sadd.s32 $0x30, s17;
	[tilespmem:s22+$0x0] =	vst.add.s32.msk $0xffff, v13  }
0x2ca: {  	s30 =	sadd.s32 $0x10, s16;
	s17 =	sand.u32 $0xFF0, s17;
	[tilespmem:s31+$0x0] =	vst.add.s32.msk $0xffff, v13  }
0x2cb: {  	s21 =	sor.u32 $0x11000, s17;
	s31 =	sand.u32 $0xFD0, s30;
	[tilespmem:s19+$0x30] =	vst.add.s32.msk $0xffff, v12  }
0x2cc: {  	s19 =	sor.u32 $0x11000, s31;
	[tilespmem:s21+$0x0] =	vst.add.s32.msk $0xffff, v12  }
0x2cd: {  	s22 =	sor.u32 $0x12000, s17;
	[tilespmem:s19+$0x0] =	vst.add.s32.msk $0xffff, v17  }
0x2ce: {  	s21 =	sor.u32 $0x12000, s31;
	[tilespmem:s22+$0x0] =	vst.add.s32.msk $0xffff, v12  }
0x2cf: {  	s23 =	sor.u32 $0x13000, s17;
	[tilespmem:s21+$0x0] =	vst.add.s32.msk $0xffff, v17  }
0x2d0: {  	s22 =	sor.u32 $0x13000, s31;
	[tilespmem:s23+$0x0] =	vst.add.s32.msk $0xffff, v12  }
0x2d1: {  	s24 =	sor.u32 $0x14000, s17;
	[tilespmem:s22+$0x0] =	vst.add.s32.msk $0xffff, v17  }
0x2d2: {  	s23 =	sor.u32 $0x14000, s31;
	[tilespmem:s24+$0x0] =	vst.add.s32.msk $0xffff, v12  }
0x2d3: {  	s25 =	sor.u32 $0x15000, s17;
	[tilespmem:s23+$0x0] =	vst.add.s32.msk $0xffff, v17  }
0x2d4: {  	s24 =	sor.u32 $0x15000, s31;
	[tilespmem:s25+$0x0] =	vst.add.s32.msk $0xffff, v12  }
0x2d5: {  	s26 =	sor.u32 $0x16000, s17;
	[tilespmem:s24+$0x0] =	vst.add.s32.msk $0xffff, v17  }
0x2d6: {  	s25 =	sor.u32 $0x16000, s31;
	[tilespmem:s26+$0x0] =	vst.add.s32.msk $0xffff, v12  }
0x2d7: {  	s17 =	sor.u32 $0x17000, s17;
	[tilespmem:s25+$0x0] =	vst.add.s32.msk $0xffff, v17  }
0x2d8: {  	s26 =	sadd.s32 $0x20, s16;
	[tilespmem:s17+$0x0] =	vst.add.s32.msk $0xffff, v12;
	s17 =	sor.u32 $0x17000, s31  }
0x2d9: {  	s28 =	sand.u32 $0xFE0, s26;
	[tilespmem:s17+$0x0] =	vst.add.s32.msk $0xffff, v17  }
0x2da: {  	s29 =	sor.u32 $0x11000, s28;
	[tilespmem:s18+$0x20] =	vst.add.s32.msk $0xffff, v14  }
0x2db: {  	s20 =	sor.u32 $0x12000, s28;
	[tilespmem:s29+$0x0] =	vst.add.s32.msk $0xffff, v14  }
0x2dc: {  	s30 =	sor.u32 $0x13000, s28;
	[tilespmem:s20+$0x0] =	vst.add.s32.msk $0xffff, v14  }
0x2dd: {  	s31 =	sor.u32 $0x14000, s28;
	[tilespmem:s30+$0x0] =	vst.add.s32.msk $0xffff, v14  }
0x2de: {  	s21 =	sor.u32 $0x15000, s28;
	[tilespmem:s31+$0x0] =	vst.add.s32.msk $0xffff, v14  }
0x2df: {  	s22 =	sor.u32 $0x16000, s28;
	[tilespmem:s21+$0x0] =	vst.add.s32.msk $0xffff, v14  }
0x2e0: {  	s24 =	sadd.s32 $0x30, s16;
	s23 =	sor.u32 $0x17000, s28;
	[tilespmem:s22+$0x0] =	vst.add.s32.msk $0xffff, v14  }
0x2e1: {  	s16 =	sand.u32 $0xFF0, s24;
	[tilespmem:s23+$0x0] =	vst.add.s32.msk $0xffff, v14  }
0x2e2: {  	s25 =	sor.u32 $0x11000, s16;
	[tilespmem:s18+$0x30] =	vst.add.s32.msk $0xffff, v11  }
0x2e3: {  	s26 =	sor.u32 $0x12000, s16;
	[tilespmem:s25+$0x0] =	vst.add.s32.msk $0xffff, v11  }
0x2e4: {  	s28 =	sor.u32 $0x13000, s16;
	[tilespmem:s26+$0x0] =	vst.add.s32.msk $0xffff, v11  }
0x2e5: {  	s29 =	sor.u32 $0x14000, s16;
	[tilespmem:s28+$0x0] =	vst.add.s32.msk $0xffff, v11  }
0x2e6: {  	s30 =	sor.u32 $0x15000, s16;
	[tilespmem:s29+$0x0] =	vst.add.s32.msk $0xffff, v11  }
0x2e7: {  	s31 =	sor.u32 $0x16000, s16;
	[tilespmem:s30+$0x0] =	vst.add.s32.msk $0xffff, v11  }
0x2e8: {  	s16 =	sor.u32 $0x17000, s16;
	[tilespmem:s31+$0x0] =	vst.add.s32.msk $0xffff, v11  }
0x2e9: {  	[tilespmem:s16+$0x0] =	vst.add.s32.msk $0xffff, v11  }
0x2ea: {  	v12 =	vld.idx.msk [tilespmem:v1+s12+$0x0], $0xffff;
	_ =	sdelay $0x4  }
0x2eb: {  	v11 =	vshrl.u32 v12, $0x4  }
0x2ec: {  	v11 =	vand.u32 $0xFF0, v11  }
0x2ed: {  	s17 =	simm.s32 $0x0;
	s18 =	simm.s32 $0xFFFFFFFC;
	s16 =	simm.s32 $0x500;
	v13 =	vor.u32 v0, v11;
	v11 =	vld.idx.msk [tilespmem:v4+s12+$0x0], $0xffff  }
.LBB2_25:
0x2ee: {  	_ = 	snop  }
0x2ef: {  	s19 =	sadd.s32 $0x4, s18  }
0x2f0: {  	s20 =	sand.u32 $0x4, s19  }
0x2f1: {  	s21 =	sor.u32 $0x2, s20  }
0x2f2: {  	v14 =	vld.idx.msk [tilespmem:v13+s10+$0x0], $0xffff;
	s22 =	sshrl.u32 s19, $0x3;
	s23 =	sshll.u32 s21, $0x8  }
0x2f3: {  	s23 =	sadd.s32 s22, s23  }
0x2f4: {  	s31 =	sand.u32 $0x4000, s17;
	v16 =	vshrl.u32 v11, $0x4;
	v15 =	vor.u32 s23, v1  }
0x2f5: {  	v16 =	vand.u32 $0xFF0, v16;
	s23 =	sor.u32 $0x1000, s31  }
0x2f6: {  	v16 =	vor.u32 s23, v16  }
0x2f7: {  	v16 =	vor.u32 v0, v16;
	_ =	sdelay $0x1  }
0x2f8: {  	v15 =	vld.idx.msk [tilespmem:v15+s12+$0x0], $0xffff  }
0x2f9: {  	[tilespmem:v14+s4+$0x0] =	vst.idx.msk $0xffff, v12  }
0x2fa: {  	s20 =	sor.u32 $0x3, s20;
	[tilespmem:v13+s10+$0x0] =	vst.idx.add.s32.msk $0xffff, v3  }
0x2fb: {  	s24 =	sshll.u32 s20, $0x8;
	v12 =	vld.idx.msk [tilespmem:v16+s10+$0x0], $0xffff  }
0x2fc: {  	s22 =	sadd.s32 s22, s24  }
0x2fd: {  	v13 =	vor.u32 s22, v1;
	v14 =	vshrl.u32 v15, $0x4  }
0x2fe: {  	s21 =	sshll.u32 s21, $0xC;
	v14 =	vand.u32 $0xFF0, v14  }
0x2ff: {  	v14 =	vor.u32 s21, v14  }
0x300: {  	v14 =	vor.u32 v0, v14;
	_ =	sdelay $0x1  }
0x301: {  	v13 =	vld.idx.msk [tilespmem:v13+s12+$0x0], $0xffff  }
0x302: {  	[tilespmem:v12+s4+$0x0] =	vst.idx.msk $0xffff, v11  }
0x303: {  	s25 =	sadd.s32 $0x8, s18;
	[tilespmem:v16+s10+$0x0] =	vst.idx.add.s32.msk $0xffff, v3  }
0x304: {  	s26 =	sand.u32 $0x4, s25;
	v11 =	vld.idx.msk [tilespmem:v14+s10+$0x0], $0xffff  }
0x305: {  	s28 =	sshll.u32 s26, $0x8;
	s21 =	sshrl.u32 s25, $0x3  }
0x306: {  	s21 =	sadd.s32 s21, s28;
	v63 =	vshrl.u32 v13, $0x4  }
0x307: {  	s20 =	sshll.u32 s20, $0xC;
	v12 =	vor.u32 s21, v1;
	v16 =	vand.u32 $0xFF0, v63  }
0x308: {  	v16 =	vor.u32 s20, v16  }
0x309: {  	v16 =	vor.u32 v0, v16;
	_ =	sdelay $0x2  }
0x30a: {  	v12 =	vld.idx.msk [tilespmem:v12+s12+$0x0], $0xffff;
	[tilespmem:v11+s4+$0x0] =	vst.idx.msk $0xffff, v15  }
0x30b: {  	[tilespmem:v14+s10+$0x0] =	vst.idx.add.s32.msk $0xffff, v3  }
0x30c: {  	s29 =	sadd.s32 $0x9, s18;
	v14 =	vld.idx.msk [tilespmem:v16+s10+$0x0], $0xffff  }
0x30d: {  	s30 =	sand.u32 $0x500, s16;
	s18 =	sshrl.u32 s29, $0x3  }
0x30e: {  	s18 =	sadd.s32 s18, s30  }
0x30f: {  	v11 =	vor.u32 s18, v1  }
0x310: {  	p0 =	slt.u32 s19, $0x7F8  }
.Ltmp11:
0x311: {  	_ = 	snop;
	(pc) =	sbr.rel @p0 .LBB2_25-.Ltmp11, $4  }
0x312: {  	v15 =	vshrl.u32 v12, $0x4  }
0x313: {  	s31 =	sshll.u32 s26, $0xC;
	v15 =	vand.u32 $0xFF0, v15  }
0x314: {  	v15 =	vor.u32 s31, v15;
	v11 =	vld.idx.msk [tilespmem:v11+s12+$0x0], $0xffff;
	[tilespmem:v14+s4+$0x0] =	vst.idx.msk $0xffff, v13  }
0x315: {  	s16 =	sadd.s32 $0x400, s16;
	s17 =	sadd.s32 $0x4000, s17;
	s18 =	smov.u32 s19;
	v13 =	vor.u32 v0, v15;
	[tilespmem:v16+s10+$0x0] =	vst.idx.add.s32.msk $0xffff, v3  }
0x316: {  	_ =	sdelay $0x3  }
0x317: {  	v14 =	vld.idx.msk [tilespmem:v13+s10+$0x0], $0xffff;
	_ =	sdelay $0x2  }
0x318: {  	v15 =	vshrl.u32 v11, $0x4  }
0x319: {  	v15 =	vand.u32 $0xFF0, v15  }
0x31a: {  	v15 =	vor.u32 v8, v15;
	_ =	sdelay $0x2  }
0x31b: {  	v16 =	vld.idx.msk [tilespmem:v6+s12+$0x0], $0xffff;
	[tilespmem:v14+s4+$0x0] =	vst.idx.msk $0xffff, v12  }
0x31c: {  	[tilespmem:v13+s10+$0x0] =	vst.idx.add.s32.msk $0xffff, v3  }
0x31d: {  	v12 =	vld.idx.msk [tilespmem:v15+s10+$0x0], $0xffff;
	_ =	sdelay $0x2  }
0x31e: {  	v62 =	vshrl.u32 v16, $0x4  }
0x31f: {  	v13 =	vand.u32 $0xFF0, v62  }
0x320: {  	v13 =	vor.u32 v9, v13;
	_ =	sdelay $0x2  }
0x321: {  	v14 =	vld.idx.msk [tilespmem:v7+s12+$0x0], $0xffff;
	[tilespmem:v12+s4+$0x0] =	vst.idx.msk $0xffff, v11  }
0x322: {  	[tilespmem:v15+s10+$0x0] =	vst.idx.add.s32.msk $0xffff, v3  }
0x323: {  	v11 =	vld.idx.msk [tilespmem:v13+s10+$0x0], $0xffff;
	_ =	sdelay $0x2  }
0x324: {  	v63 =	vshrl.u32 v14, $0x4  }
0x325: {  	v12 =	vand.u32 $0xFF0, v63  }
0x326: {  	v12 =	vor.u32 v10, v12;
	_ =	sdelay $0x2  }
0x327: {  	[tilespmem:v11+s4+$0x0] =	vst.idx.msk $0xffff, v16  }
0x328: {  	[tilespmem:v13+s10+$0x0] =	vst.idx.add.s32.msk $0xffff, v3  }
0x329: {  	v11 =	vld.idx.msk [tilespmem:v12+s10+$0x0], $0xffff;
	_ =	sdelay $0x7  }
0x32a: {  	[tilespmem:v11+s4+$0x0] =	vst.idx.msk $0xffff, v14  }
0x32b: {  	s18 =	simm.s32 $0x10080;
	[tilespmem:v12+s10+$0x0] =	vst.idx.add.s32.msk $0xffff, v3  }
0x32c: {  	[tilespmem:s18+$0xFFFFFF80] =	vst v2  }
0x32d: {  	[tilespmem:s18+$0x70] =	vst v2  }
0x32e: {  	[tilespmem:s18+$0x60] =	vst v2  }
0x32f: {  	[tilespmem:s18+$0x50] =	vst v2  }
0x330: {  	[tilespmem:s18+$0x40] =	vst v2  }
0x331: {  	[tilespmem:s18+$0x30] =	vst v2  }
0x332: {  	[tilespmem:s18+$0x20] =	vst v2  }
0x333: {  	[tilespmem:s18+$0x10] =	vst v2  }
0x334: {  	[tilespmem:s18+$0x0] =	vst v2  }
0x335: {  	[tilespmem:s18+$0xFFFFFFF0] =	vst v2  }
0x336: {  	[tilespmem:s18+$0xFFFFFFE0] =	vst v2  }
0x337: {  	[tilespmem:s18+$0xFFFFFFD0] =	vst v2  }
0x338: {  	[tilespmem:s18+$0xFFFFFFC0] =	vst v2  }
0x339: {  	[tilespmem:s18+$0xFFFFFFB0] =	vst v2  }
0x33a: {  	s16 =	simm.s32 $0x0;
	[tilespmem:s18+$0xFFFFFFA0] =	vst v2  }
.LBB2_27:
0x33b: {  	s16 =	sadd.s32 $0x8, s16;
	[tilespmem:s18+$0xFFFFFF90] =	vst v2;
	s18 =	sadd.s32 $0x100, s18  }
0x33c: {  	[tilespmem:s18+$0xFFFFFF80] =	vst v2;
	p0 =	slt.u32 s16, $0x3F8  }
0x33d: {  	[tilespmem:s18+$0x70] =	vst v2  }
0x33e: {  	[tilespmem:s18+$0x60] =	vst v2  }
0x33f: {  	[tilespmem:s18+$0x50] =	vst v2  }
0x340: {  	[tilespmem:s18+$0x40] =	vst v2  }
0x341: {  	[tilespmem:s18+$0x30] =	vst v2  }
0x342: {  	[tilespmem:s18+$0x20] =	vst v2  }
0x343: {  	[tilespmem:s18+$0x10] =	vst v2  }
0x344: {  	[tilespmem:s18+$0x0] =	vst v2  }
0x345: {  	[tilespmem:s18+$0xFFFFFFF0] =	vst v2  }
.Ltmp12:
0x346: {  	[tilespmem:s18+$0xFFFFFFE0] =	vst v2;
	(pc) =	sbr.rel @p0 .LBB2_27-.Ltmp12, $4  }
0x347: {  	[tilespmem:s18+$0xFFFFFFD0] =	vst v2  }
0x348: {  	[tilespmem:s18+$0xFFFFFFC0] =	vst v2  }
0x349: {  	[tilespmem:s18+$0xFFFFFFB0] =	vst v2  }
0x34a: {  	[tilespmem:s18+$0xFFFFFFA0] =	vst v2  }
0x34b: {  	s17 =	simm.s32 $0x0  }
0x34c: {  	s19 =	simm.s32 $0x1;
	v11 =	vor.u32 s17, v1  }
0x34d: {  	s16 =	simm.s32 $0x2;
	v12 =	vor.u32 s19, v1  }
0x34e: {  	s31 =	simm.s32 $0x3;
	v13 =	vor.u32 s16, v1  }
0x34f: {  	s20 =	simm.s32 $0x4;
	v14 =	vor.u32 s31, v1  }
0x350: {  	[tilespmem:s18+$0xFFFFFF90] =	vst v2;
	s21 =	simm.s32 $0x6;
	v15 =	vor.u32 s20, v1  }
0x351: {  	s20 =	simm.s32 $0x5;
	v17 =	vor.u32 s21, v1;
	v11 =	vld.idx.msk [tilespmem:v11+s17+$0x0], $0xffff  }
0x352: {  	s22 =	simm.s32 $0x7;
	v16 =	vor.u32 s20, v1;
	v18 =	vld.idx.msk [tilespmem:v12+s17+$0x0], $0xffff  }
0x353: {  	v19 =	vld.idx.msk [tilespmem:v13+s17+$0x0], $0xffff;
	v12 =	vor.u32 s22, v1  }
0x354: {  	v14 =	vld.idx.msk [tilespmem:v14+s17+$0x0], $0xffff  }
0x355: {  	v15 =	vld.idx.msk [tilespmem:v15+s17+$0x0], $0xffff  }
0x356: {  	s23 =	simm.s32 $0x8;
	s24 =	simm.s32 $0x9;
	v17 =	vld.idx.msk [tilespmem:v17+s17+$0x0], $0xffff  }
0x357: {  	s25 =	simm.s32 $0xA;
	s26 =	simm.s32 $0xB;
	s28 =	simm.s32 $0xC;
	v20 =	vor.u32 s23, v1;
	v21 =	vor.u32 s24, v1;
	v16 =	vld.idx.msk [tilespmem:v16+s17+$0x0], $0xffff  }
0x358: {  	s29 =	simm.s32 $0xD;
	v22 =	vor.u32 s25, v1;
	v26 =	vor.u32 s26, v1;
	v27 =	vor.u32 s28, v1;
	s31 =	sand.u32 $0x7000, s17;
	v23 =	vld.idx.msk [tilespmem:v12+s17+$0x0], $0xffff  }
0x359: {  	s30 =	simm.s32 $0xE;
	v30 =	vor.u32 s31, v0;
	v13 =	vor.u32 s29, v1;
	v11 =	vshrl.u32 v11, $0xC  }
0x35a: {  	v12 =	vor.u32 s30, v1;
	v14 =	vshrl.u32 v14, $0xC;
	v15 =	vshrl.u32 v15, $0xC  }
0x35b: {  	v17 =	vshrl.u32 v17, $0xC;
	v28 =	vand.u32 $0xFF0, v11;
	v11 =	vshrl.u32 v18, $0xC  }
0x35c: {  	v18 =	vshrl.u32 v19, $0xC;
	v16 =	vshrl.u32 v16, $0xC;
	v29 =	vand.u32 $0xFF0, v14  }
0x35d: {  	v19 =	vand.u32 $0xFF0, v11;
	v11 =	vld.idx.msk [tilespmem:v20+s17+$0x0], $0xffff;
	v20 =	vand.u32 $0xFF0, v16;
	v16 =	vshrl.u32 v23, $0xC  }
0x35e: {  	v15 =	vand.u32 $0xFF0, v15;
	v14 =	vld.idx.msk [tilespmem:v21+s17+$0x0], $0xffff;
	v31 =	vand.u32 $0xFF0, v17;
	v17 =	vand.u32 $0xFF0, v16  }
0x35f: {  	v18 =	vand.u32 $0xFF0, v18;
	v24 =	vor.u32 v30, v19;
	v19 =	vld.idx.msk [tilespmem:v27+s17+$0x0], $0xffff;
	v25 =	vor.u32 v30, v17  }
0x360: {  	v21 =	vor.u32 v30, v15;
	v15 =	vor.u32 v30, v28;
	v23 =	vor.u32 v30, v18;
	v16 =	vld.idx.msk [tilespmem:v22+s17+$0x0], $0xffff  }
0x361: {  	s18 =	simm.s32 $0x0;
	s19 =	simm.s32 $0x10;
	s20 =	simm.s32 $0xF;
	v18 =	vor.u32 v30, v20;
	v20 =	vor.u32 v30, v31;
	v22 =	vor.u32 v30, v29;
	v17 =	vld.idx.msk [tilespmem:v26+s17+$0x0], $0xffff  }
.LBB2_29:
0x362: {  	p0 =	slt.u32 s19, $0x7F8;
	v26 =	vld.idx.msk [tilespmem:v13+s17+$0x0], $0xffff;
	v13 =	vor.u32 s20, v1  }
0x363: {  	v27 =	vld.idx.msk [tilespmem:v12+s17+$0x0], $0xffff  }
0x364: {  	[tilespmem:v25+s10+$0x0] =	vst.idx.add.s32.msk $0xffff, v3  }
0x365: {  	[tilespmem:v24+s10+$0x0] =	vst.idx.add.s32.msk $0xffff, v3  }
0x366: {  	s20 =	sadd.s32 $0x1, s19;
	s21 =	sadd.s32 $0x2, s19;
	[tilespmem:v23+s10+$0x0] =	vst.idx.add.s32.msk $0xffff, v3  }
0x367: {  	v25 =	vor.u32 s21, v1;
	s21 =	sadd.s32 $0x4, s19;
	v24 =	vor.u32 s20, v1;
	s20 =	sadd.s32 $0x3, s19;
	v23 =	vor.u32 s19, v1;
	v28 =	vld.idx.msk [tilespmem:v13+s17+$0x0], $0xffff  }
0x368: {  	v11 =	vshrl.u32 v11, $0xC;
	v30 =	vor.u32 s21, v1;
	s21 =	sadd.s32 $0x6, s19;
	v29 =	vor.u32 s20, v1;
	s20 =	sadd.s32 $0x5, s19;
	[tilespmem:v22+s10+$0x0] =	vst.idx.add.s32.msk $0xffff, v3  }
0x369: {  	v31 =	vand.u32 $0xFF0, v11;
	v12 =	vor.u32 s21, v1;
	v13 =	vor.u32 s20, v1;
	[tilespmem:v21+s10+$0x0] =	vst.idx.add.s32.msk $0xffff, v3  }
0x36a: {  	v11 =	vshrl.u32 v14, $0xC;
	v14 =	vshrl.u32 v16, $0xC;
	v16 =	vshrl.u32 v17, $0xC;
	[tilespmem:v18+s10+$0x0] =	vst.idx.add.s32.msk $0xffff, v3  }
0x36b: {  	v17 =	vshrl.u32 v19, $0xC;
	v19 =	vshrl.u32 v27, $0xC;
	v18 =	vshrl.u32 v26, $0xC;
	[tilespmem:v20+s10+$0x0] =	vst.idx.add.s32.msk $0xffff, v3  }
0x36c: {  	s18 =	sadd.s32 $0x80, s18;
	v22 =	vand.u32 $0xFF0, v16;
	v21 =	vand.u32 $0xFF0, v14;
	v20 =	vand.u32 $0xFF0, v11;
	[tilespmem:v15+s10+$0x0] =	vst.idx.add.s32.msk $0xffff, v3  }
.Ltmp13:
0x36d: {  	s20 =	sand.u32 $0x7000, s18;
	v18 =	vand.u32 $0xFF0, v18;
	v15 =	vand.u32 $0xFF0, v17;
	v16 =	vshrl.u32 v28, $0xC;
	v11 =	vld.idx.msk [tilespmem:v23+s17+$0x0], $0xffff;
	(pc) =	sbr.rel @p0 .LBB2_29-.Ltmp13, $4  }
0x36e: {  	v27 =	vand.u32 $0xFF0, v19;
	v26 =	vor.u32 s20, v0;
	v17 =	vand.u32 $0xFF0, v16;
	v14 =	vld.idx.msk [tilespmem:v24+s17+$0x0], $0xffff  }
0x36f: {  	v23 =	vor.u32 v26, v21;
	v24 =	vor.u32 v26, v20;
	v16 =	vld.idx.msk [tilespmem:v25+s17+$0x0], $0xffff;
	v25 =	vor.u32 v26, v17  }
0x370: {  	v22 =	vor.u32 v26, v22;
	v18 =	vor.u32 v26, v18;
	v21 =	vor.u32 v26, v15;
	v17 =	vld.idx.msk [tilespmem:v29+s17+$0x0], $0xffff  }
0x371: {  	s20 =	sadd.s32 $0x7, s19;
	s19 =	sadd.s32 $0x8, s19;
	v15 =	vor.u32 v26, v31;
	v20 =	vor.u32 v26, v27;
	v19 =	vld.idx.msk [tilespmem:v30+s17+$0x0], $0xffff  }
0x372: {  	_ =	sdelay $0x3  }
0x373: {  	v13 =	vld.idx.msk [tilespmem:v13+s17+$0x0], $0xffff  }
0x374: {  	v26 =	vor.u32 s20, v1;
	v12 =	vld.idx.msk [tilespmem:v12+s17+$0x0], $0xffff  }
0x375: {  	[tilespmem:v25+s10+$0x0] =	vst.idx.add.s32.msk $0xffff, v3  }
0x376: {  	s18 =	sadd.s32 $0x80, s18;
	[tilespmem:v24+s10+$0x0] =	vst.idx.add.s32.msk $0xffff, v3  }
0x377: {  	[tilespmem:v23+s10+$0x0] =	vst.idx.add.s32.msk $0xffff, v3;
	s18 =	sand.u32 $0x7000, s18;
	v14 =	vshrl.u32 v14, $0xC  }
0x378: {  	[tilespmem:v22+s10+$0x0] =	vst.idx.add.s32.msk $0xffff, v3;
	v11 =	vshrl.u32 v11, $0xC;
	v23 =	vor.u32 s18, v0;
	v14 =	vand.u32 $0xFF0, v14  }
0x379: {  	v11 =	vand.u32 $0xFF0, v11;
	v16 =	vshrl.u32 v16, $0xC;
	v14 =	vor.u32 v23, v14;
	v26 =	vld.idx.msk [tilespmem:v26+s17+$0x0], $0xffff  }
0x37a: {  	[tilespmem:v21+s10+$0x0] =	vst.idx.add.s32.msk $0xffff, v3;
	v17 =	vshrl.u32 v17, $0xC;
	v16 =	vand.u32 $0xFF0, v16;
	v11 =	vor.u32 v23, v11  }
0x37b: {  	[tilespmem:v18+s10+$0x0] =	vst.idx.add.s32.msk $0xffff, v3;
	v18 =	vshrl.u32 v19, $0xC;
	v17 =	vand.u32 $0xFF0, v17;
	v16 =	vor.u32 v23, v16  }
0x37c: {  	[tilespmem:v20+s10+$0x0] =	vst.idx.add.s32.msk $0xffff, v3;
	v13 =	vshrl.u32 v13, $0xC;
	v18 =	vand.u32 $0xFF0, v18;
	v17 =	vor.u32 v23, v17  }
0x37d: {  	[tilespmem:v15+s10+$0x0] =	vst.idx.add.s32.msk $0xffff, v3;
	v12 =	vshrl.u32 v12, $0xC;
	v13 =	vand.u32 $0xFF0, v13;
	v15 =	vor.u32 v23, v18  }
0x37e: {  	v12 =	vand.u32 $0xFF0, v12;
	v13 =	vor.u32 v23, v13;
	[tilespmem:v14+s10+$0x0] =	vst.idx.add.s32.msk $0xffff, v3;
	v24 =	vshrl.u32 v26, $0xC  }
0x37f: {  	v12 =	vor.u32 v23, v12;
	[tilespmem:v11+s10+$0x0] =	vst.idx.add.s32.msk $0xffff, v3;
	v24 =	vand.u32 $0xFF0, v24  }
0x380: {  	[tilespmem:v16+s10+$0x0] =	vst.idx.add.s32.msk $0xffff, v3;
	v22 =	vor.u32 v23, v24  }
0x381: {  	[tilespmem:v17+s10+$0x0] =	vst.idx.add.s32.msk $0xffff, v3  }
0x382: {  	[tilespmem:v15+s10+$0x0] =	vst.idx.add.s32.msk $0xffff, v3  }
0x383: {  	[tilespmem:v13+s10+$0x0] =	vst.idx.add.s32.msk $0xffff, v3  }
0x384: {  	[tilespmem:v12+s10+$0x0] =	vst.idx.add.s32.msk $0xffff, v3  }
0x385: {  	s20 =	simm.s32 $0x10010;
	[tilespmem:v22+s10+$0x0] =	vst.idx.add.s32.msk $0xffff, v3  }
0x386: {  	s21 =	sand.u32 $0xFE0, s17;
	v15 =	vld [tilespmem:s20+$0xFFFFFFF0]  }
0x387: {  	v23 =	vld [tilespmem:s21+$0x11000]  }
0x388: {  	v24 =	vld [tilespmem:s21+$0x12000]  }
0x389: {  	v25 =	vld [tilespmem:s21+$0x13000]  }
0x38a: {  	v27 =	vld [tilespmem:s21+$0x14000]  }
0x38b: {  	v29 =	vld [tilespmem:s21+$0x15000]  }
0x38c: {  	v31 =	vld [tilespmem:s21+$0x16000];
	v11 =	vadd.s32 v15, v23  }
0x38d: {  	v12 =	vld [tilespmem:s21+$0x17000];
	v11 =	vadd.s32 v24, v11  }
0x38e: {  	v11 =	vadd.s32 v25, v11  }
0x38f: {  	v11 =	vadd.s32 v27, v11  }
0x390: {  	s31 =	simm.s32 $0x10;
	v11 =	vadd.s32 v29, v11  }
0x391: {  	s19 =	sand.u32 $0xFF0, s31;
	v20 =	vld [tilespmem:s20+$0x0];
	v11 =	vadd.s32 v31, v11  }
0x392: {  	v22 =	vld [tilespmem:s19+$0x11000];
	v11 =	vadd.s32 v12, v11  }
0x393: {  	v21 =	vld [tilespmem:s19+$0x12000];
	(xrf0) =	vadd.scan.msk.s32 $0xffff, v11  }
0x394: {  	v19 =	vld [tilespmem:s19+$0x13000]  }
0x395: {  	v18 =	vld [tilespmem:s19+$0x14000]  }
0x396: {  	v17 =	vld [tilespmem:s19+$0x15000]  }
0x397: {  	v16 =	vld [tilespmem:s19+$0x16000];
	v12 =	vadd.s32 v20, v22  }
0x398: {  	v26 =	vld [tilespmem:s19+$0x17000];
	v12 =	vadd.s32 v21, v12  }
0x399: {  	s23 =	simm.s32 $0x20;
	s18 =	simm.s32 $0x10030;
	v12 =	vadd.s32 v19, v12;
	v32, _, _ =	vpop (xrf0)  }
0x39a: {  	s22 =	sand.u32 $0xFE0, s23;
	v14 =	vld [tilespmem:s18+$0xFFFFFFF0];
	v28 =	vadd.s32 v18, v12;
	v30 =	vsub.s32 v32, v11  }
0x39b: {  	v13 =	vld [tilespmem:s22+$0x11000];
	v28 =	vadd.s32 v17, v28;
	[tilespmem:s20+$0xFFFFFFF0] =	vst v30;
	v30 =	vadd.s32 v15, v30  }
0x39c: {  	v12 =	vld [tilespmem:s22+$0x12000];
	v28 =	vadd.s32 v16, v28;
	v23 =	vadd.s32 v23, v30  }
0x39d: {  	v26 =	vadd.s32 v26, v28;
	v11 =	vld [tilespmem:s22+$0x13000];
	[tilespmem:s21+$0x11000] =	vst v30;
	v30 =	vmov s17;
	v24 =	vadd.s32 v24, v23  }
0x39e: {  	(xrf0) =	vadd.scan.msk.s32 $0xffff, v26;
	v15 =	vld [tilespmem:s22+$0x14000];
	[tilespmem:s21+$0x12000] =	vst v23;
	v28 =	vand.u32 $0xFFFFFFFE, v30;
	v25 =	vadd.s32 v25, v24  }
0x39f: {  	v23 =	vld [tilespmem:s22+$0x15000];
	[tilespmem:s21+$0x14000] =	vst v25;
	v25 =	vadd.s32 v27, v25;
	v27 =	vbroadcast v28, $0x0  }
0x3a0: {  	v30 =	vadd.s32 v14, v13;
	[tilespmem:s21+$0x13000] =	vst v24;
	v24 =	vld [tilespmem:s22+$0x16000]  }
0x3a1: {  	v30 =	vadd.s32 v12, v30;
	v28 =	vld [tilespmem:s22+$0x17000]  }
0x3a2: {  	s24 =	simm.s32 $0x30;
	v30 =	vadd.s32 v11, v30;
	[tilespmem:s21+$0x15000] =	vst v25;
	v29 =	vadd.s32 v29, v25  }
0x3a3: {  	s25 =	simm.s32 $0x4;
	s24 =	sand.u32 $0xFF0, s24;
	v25 =	vld [tilespmem:s18+$0x0];
	v30 =	vadd.s32 v15, v30;
	[tilespmem:s21+$0x16000] =	vst v29;
	v31 =	vadd.s32 v31, v29;
	v29 =	vbroadcast v32, $0xF  }
.LBB2_31:
0x3a4: {  	p0 =	sne.s32 s25, $0xFE;
	v32 =	vld [tilespmem:s24+$0x11000];
	v30 =	vadd.s32 v23, v30;
	[tilespmem:s21+$0x17000] =	vst v31;
	v31, _, _ =	vpop (xrf0);
	v33 =	vmov v23;
	s21 =	smov.u32 s22  }
0x3a5: {  	v23 =	vld [tilespmem:s24+$0x12000];
	v30 =	vadd.s32 v24, v30;
	[tilespmem:v27+s11+$0x0] =	vst.idx.msk $0x1, v29;
	v26 =	vsub.s32 v31, v26;
	v29 =	vmov v24  }
0x3a6: {  	v24 =	vld [tilespmem:s24+$0x13000];
	v27 =	vadd.s32 v28, v30;
	[tilespmem:s20+$0x0] =	vst v26;
	v30 =	vadd.s32 v20, v26;
	s20 =	smov.u32 s18  }
0x3a7: {  	v26 =	vld [tilespmem:s24+$0x14000];
	(xrf0) =	vadd.scan.msk.s32 $0xffff, v27;
	[tilespmem:s19+$0x11000] =	vst v30;
	v36 =	vadd.s32 v22, v30  }
0x3a8: {  	s22 =	sadd.s32 $0x1, s17;
	s17 =	smov.u32 s16;
	s16 =	smov.u32 s25;
	v28 =	vld [tilespmem:s24+$0x15000];
	[tilespmem:s19+$0x12000] =	vst v36;
	v35 =	vadd.s32 v21, v36;
	v20 =	vmov v25  }
0x3a9: {  	v34 =	vmov s22;
	v25 =	vld [tilespmem:s24+$0x16000];
	v30 =	vadd.s32 v20, v32;
	[tilespmem:s19+$0x13000] =	vst v35;
	v35 =	vadd.s32 v19, v35;
	v22 =	vmovc v32  }
0x3aa: {  	v32 =	vld [tilespmem:s24+$0x17000];
	v30 =	vadd.s32 v23, v30;
	[tilespmem:s19+$0x14000] =	vst v35;
	v35 =	vadd.s32 v18, v35;
	v21 =	vmov v23  }
0x3ab: {  	s23 =	sadd.s32 $0x20, s23;
	s18 =	sadd.s32 $0x20, s18;
	v23 =	vadd.s32 v24, v30;
	[tilespmem:s19+$0x15000] =	vst v35;
	v36 =	vadd.s32 v17, v35;
	v19 =	vmov v24  }
0x3ac: {  	s22 =	sand.u32 $0xFE0, s23;
	v30 =	vbroadcast v31, $0xF;
	v24 =	vld [tilespmem:s18+$0xFFFFFFF0];
	v23 =	vadd.s32 v26, v23;
	[tilespmem:s19+$0x16000] =	vst v36;
	v37 =	vadd.s32 v16, v36;
	v18 =	vmovc v26  }
0x3ad: {  	v31 =	vld [tilespmem:s22+$0x11000];
	v23 =	vadd.s32 v28, v23;
	v35, _, _ =	vpop (xrf0);
	[tilespmem:s19+$0x17000] =	vst v37;
	v17 =	vmov v28;
	s19 =	smov.u32 s24  }
0x3ae: {  	v36 =	vld [tilespmem:s22+$0x12000];
	v26 =	vsub.s32 v35, v27;
	v23 =	vadd.s32 v25, v23;
	[tilespmem:v34+s11+$0x0] =	vst.idx.msk $0x1, v30;
	v16 =	vmov v25  }
0x3af: {  	v27 =	vmov s17;
	v25 =	vld [tilespmem:s22+$0x13000];
	[tilespmem:s20+$0xFFFFFFF0] =	vst v26;
	v30 =	vadd.s32 v14, v26;
	v26 =	vadd.s32 v32, v23  }
0x3b0: {  	v28 =	vand.u32 $0xFFFFFFFE, v27;
	v32 =	vld [tilespmem:s22+$0x14000];
	[tilespmem:s21+$0x11000] =	vst v30;
	v34 =	vadd.s32 v13, v30;
	(xrf0) =	vadd.scan.msk.s32 $0xffff, v26  }
.Ltmp14:
0x3b1: {  	v27 =	vbroadcast v28, $0x0;
	v23 =	vld [tilespmem:s22+$0x15000];
	[tilespmem:s21+$0x12000] =	vst v34;
	v34 =	vadd.s32 v12, v34;
	v14 =	vmov v24;
	(pc) =	sbr.rel @p0 .LBB2_31-.Ltmp14, $4  }
0x3b2: {  	v24 =	vld [tilespmem:s22+$0x16000];
	v30 =	vadd.s32 v14, v31;
	[tilespmem:s21+$0x13000] =	vst v34;
	v37 =	vadd.s32 v11, v34;
	v13 =	vmov v31  }
0x3b3: {  	v28 =	vld [tilespmem:s22+$0x17000];
	v30 =	vadd.s32 v36, v30;
	[tilespmem:s21+$0x14000] =	vst v37;
	v34 =	vadd.s32 v15, v37;
	v12 =	vmov v36  }
0x3b4: {  	s24 =	sadd.s32 $0x10, s23;
	v36 =	vadd.s32 v25, v30;
	[tilespmem:s21+$0x15000] =	vst v34;
	v31 =	vadd.s32 v33, v34;
	v11 =	vmov v25  }
0x3b5: {  	s25 =	sadd.s32 $0x2, s25;
	s24 =	sand.u32 $0xFF0, s24;
	v25 =	vld [tilespmem:s18+$0x0];
	v30 =	vadd.s32 v32, v36;
	[tilespmem:s21+$0x16000] =	vst v31;
	v31 =	vadd.s32 v29, v31;
	v29 =	vbroadcast v35, $0xF;
	v15 =	vmovc v32  }
0x3b6: {  	_ = 	snop  }
0x3b7: {  	v30 =	vadd.s32 v23, v30  }
0x3b8: {  	v30 =	vadd.s32 v24, v30  }
0x3b9: {  	v32 =	vld [tilespmem:s24+$0x11000];
	[tilespmem:s21+$0x17000] =	vst v31;
	v43, _, _ =	vpop (xrf0);
	v28 =	vadd.s32 v28, v30  }
0x3ba: {  	v33 =	vld [tilespmem:s24+$0x12000];
	[tilespmem:v27+s11+$0x0] =	vst.idx.msk $0x1, v29;
	v26 =	vsub.s32 v43, v26;
	(xrf0) =	vadd.scan.msk.s32 $0xffff, v28  }
0x3bb: {  	v44 =	vld [tilespmem:s24+$0x13000];
	[tilespmem:s20+$0x0] =	vst v26;
	v20 =	vadd.s32 v20, v26  }
0x3bc: {  	v45 =	vld [tilespmem:s24+$0x14000];
	[tilespmem:s19+$0x11000] =	vst v20;
	v20 =	vadd.s32 v22, v20  }
0x3bd: {  	v46 =	vld [tilespmem:s24+$0x15000];
	s17 =	sadd.s32 $0x1, s17;
	[tilespmem:s19+$0x12000] =	vst v20;
	v20 =	vadd.s32 v21, v20  }
0x3be: {  	v47 =	vld [tilespmem:s24+$0x16000];
	v49 =	vmov s17;
	v48 =	vadd.s32 v25, v32;
	[tilespmem:s19+$0x13000] =	vst v20;
	v19 =	vadd.s32 v19, v20  }
0x3bf: {  	v50 =	vld [tilespmem:s24+$0x17000];
	v29 =	vadd.s32 v33, v48;
	[tilespmem:s19+$0x14000] =	vst v19;
	v18 =	vadd.s32 v18, v19  }
0x3c0: {  	v53 =	vbroadcast v43, $0xF;
	v51 =	vadd.s32 v44, v29;
	[tilespmem:s19+$0x15000] =	vst v18;
	v17 =	vadd.s32 v17, v18;
	v54, _, _ =	vpop (xrf0)  }
0x3c1: {  	v52 =	vadd.s32 v45, v51;
	[tilespmem:s19+$0x16000] =	vst v17;
	v16 =	vadd.s32 v16, v17;
	v55 =	vsub.s32 v54, v28  }
0x3c2: {  	v18 =	vadd.s32 v46, v52;
	[tilespmem:s19+$0x17000] =	vst v16;
	v14 =	vadd.s32 v14, v55  }
0x3c3: {  	v18 =	vadd.s32 v47, v18;
	[tilespmem:v49+s11+$0x0] =	vst.idx.msk $0x1, v53;
	v13 =	vadd.s32 v13, v14  }
0x3c4: {  	v56 =	vmov s16;
	[tilespmem:s18+$0xFFFFFFF0] =	vst v55;
	v57 =	vadd.s32 v50, v18;
	v12 =	vadd.s32 v12, v13  }
0x3c5: {  	v58 =	vand.u32 $0xFFFFFFFE, v56;
	[tilespmem:s22+$0x11000] =	vst v14;
	(xrf0) =	vadd.scan.msk.s32 $0xffff, v57;
	v11 =	vadd.s32 v11, v12  }
0x3c6: {  	v59 =	vbroadcast v58, $0x0;
	[tilespmem:s22+$0x14000] =	vst v11;
	v11 =	vadd.s32 v15, v11  }
0x3c7: {  	[tilespmem:s22+$0x15000] =	vst v11;
	v11 =	vadd.s32 v23, v11  }
0x3c8: {  	[tilespmem:s22+$0x16000] =	vst v11;
	v11 =	vadd.s32 v24, v11  }
0x3c9: {  	[tilespmem:s22+$0x12000] =	vst v13  }
0x3ca: {  	v60 =	vbroadcast v54, $0xF;
	[tilespmem:s22+$0x13000] =	vst v12  }
0x3cb: {  	[tilespmem:s22+$0x17000] =	vst v11;
	v11, _, _ =	vpop (xrf0)  }
0x3cc: {  	[tilespmem:v59+s11+$0x0] =	vst.idx.msk $0x1, v60;
	v61 =	vsub.s32 v11, v57  }
0x3cd: {  	[tilespmem:s18+$0x0] =	vst v61;
	v12 =	vadd.s32 v25, v61  }
0x3ce: {  	[tilespmem:s24+$0x11000] =	vst v12;
	v12 =	vadd.s32 v32, v12  }
0x3cf: {  	s30 =	sadd.s32 $0x1, s16;
	[tilespmem:s24+$0x12000] =	vst v12;
	v12 =	vadd.s32 v33, v12  }
0x3d0: {  	v62 =	vmov s30;
	[tilespmem:s24+$0x13000] =	vst v12;
	v12 =	vadd.s32 v44, v12  }
0x3d1: {  	[tilespmem:s24+$0x14000] =	vst v12;
	v12 =	vadd.s32 v45, v12  }
0x3d2: {  	[tilespmem:s24+$0x15000] =	vst v12;
	v12 =	vadd.s32 v46, v12  }
0x3d3: {  	v11 =	vbroadcast v11, $0xF;
	[tilespmem:s24+$0x16000] =	vst v12;
	v12 =	vadd.s32 v47, v12  }
0x3d4: {  	[tilespmem:s24+$0x17000] =	vst v12  }
0x3d5: {  	s31 =	simm.s32 $0x0;
	[tilespmem:v62+s11+$0x0] =	vst.idx.msk $0x1, v11  }
0x3d6: {  	v11 =	vld [tilespmem:s31+$0x18000];
	_ =	sdelay $0x4  }
0x3d7: {  	(xrf0) =	vadd.scan.msk.s32 $0xffff, v11;
	_ =	sdelay $0x5  }
0x3d8: {  	v63, _, _ =	vpop (xrf0)  }
0x3d9: {  	s17 =	simm.s32 $0x0;
	(v2sf) =	vpush v63, $0xF  }
0x3da: {  	v11 =	vsub.s32 s17, v11  }
0x3db: {  	s16 =	simm.s32 $0x40;
	v11 =	vadd.s32 v63, v11  }
0x3dc: {  	s20 =	simm.s32 $0x80;
	s19 =	simm.s32 $0x0;
	s18 =	simm.s32 $0x10;
	[tilespmem:s31+$0x18000] =	vst v11  }
.LBB2_33:
0x3dd: {  	p0 =	sne.s32 s20, $0x3C0;
	v11 =	vld [tilespmem:s18+$0x18000];
	_ =	sdelay $0x4  }
0x3de: {  	(xrf0) =	vadd.scan.msk.s32 $0xffff, v11;
	_ =	sdelay $0x5  }
.Ltmp15:
0x3df: {  	v12, _, _ =	vpop (xrf0);
	s21 =	spop (v2sf);
	(pc) =	sbr.rel @p0 .LBB2_33-.Ltmp15, $4  }
0x3e0: {  	(v2sf) =	vpush v12, $0xF;
	s19 =	sadd.s32 s19, s21  }
0x3e1: {  	v11 =	vsub.s32 s19, v11  }
0x3e2: {  	v11 =	vadd.s32 v12, v11  }
0x3e3: {  	[tilespmem:s18+$0x18000] =	vst v11;
	s18 =	sshra.s32 s20, $0x2;
	s20 =	sadd.s32 $0x40, s20  }
0x3e4: {  	_ =	sdelay $0x1  }
0x3e5: {  	v11 =	vld [tilespmem:s18+$0x18000];
	_ =	sdelay $0x4  }
0x3e6: {  	s20 =	simm.s32 $0x0;
	(xrf0) =	vadd.scan.msk.s32 $0xffff, v11  }
0x3e7: {  	v12 =	vmov s20  }
0x3e8: {  	s21 =	simm.s32 $0x2;
	v12 =	vand.u32 $0xFFFFFFFC, v12  }
0x3e9: {  	s22 =	simm.s32 $0x1;
	s23 =	simm.s32 $0x3;
	v13 =	vmov s21;
	v12 =	vbroadcast v12, $0x0  }
0x3ea: {  	v14 =	vmov s22;
	v16 =	vmov s23;
	s22 =	simm.s32 $0x5;
	v13 =	vand.u32 $0xFFFFFFFE, v13;
	s31 =	spop (v2sf)  }
0x3eb: {  	v14 =	vand.u32 $0xFFFFFFFD, v14;
	v17 =	vmov s22;
	v13 =	vbroadcast v13, $0x0;
	s19 =	sadd.s32 s19, s31  }
0x3ec: {  	v14 =	vbroadcast v14, $0x0;
	v17 =	vand.u32 $0xFFFFFFFD, v17;
	v15, _, _ =	vpop (xrf0);
	v11 =	vsub.s32 s19, v11  }
0x3ed: {  	v17 =	vbroadcast v17, $0x0;
	v11 =	vadd.s32 v15, v11  }
0x3ee: {  	s24 =	simm.s32 $0x4;
	[tilespmem:s18+$0x18000] =	vst v11  }
0x3ef: {  	v11 =	vmov s24;
	v18 =	vld.idx.msk [tilespmem:v12+s11+$0x0], $0xffff  }
0x3f0: {  	v12 =	vld.idx.msk [tilespmem:v16+s11+$0x0], $0xffff;
	v11 =	vand.u32 $0xFFFFFFFC, v11  }
0x3f1: {  	s25 =	simm.s32 $0x6;
	v13 =	vld.idx.msk [tilespmem:v13+s11+$0x0], $0xffff;
	v11 =	vbroadcast v11, $0x0  }
0x3f2: {  	s31 =	simm.s32 $0x7;
	v16 =	vld.idx.msk [tilespmem:v14+s11+$0x0], $0xffff;
	v14 =	vmov s25  }
0x3f3: {  	s20 =	sand.u32 $0xFC0, s17;
	s19 =	simm.s32 $0x10000;
	v19 =	vmov s31;
	v17 =	vld.idx.msk [tilespmem:v17+s11+$0x0], $0xffff;
	v14 =	vand.u32 $0xFFFFFFFE, v14  }
0x3f4: {  	s26 =	sor.u32 $0x11000, s20;
	v14 =	vbroadcast v14, $0x0;
	[tilespmem:s19+$0x0] =	vst.add.s32.msk $0xffff, v18  }
0x3f5: {  	s30 =	sor.u32 $0x12000, s20;
	[tilespmem:s26+$0x0] =	vst.add.s32.msk $0xffff, v18  }
0x3f6: {  	[tilespmem:s30+$0x0] =	vst.add.s32.msk $0xffff, v18  }
0x3f7: {  	(v2sf) =	vpush v15, $0xF;
	v15 =	vld.idx.msk [tilespmem:v11+s11+$0x0], $0xffff  }
0x3f8: {  	s23 =	sor.u32 $0x13000, s20;
	v11 =	vld.idx.msk [tilespmem:v19+s11+$0x0], $0xffff  }
0x3f9: {  	[tilespmem:s23+$0x0] =	vst.add.s32.msk $0xffff, v18  }
0x3fa: {  	s24 =	sor.u32 $0x14000, s20;
	v14 =	vld.idx.msk [tilespmem:v14+s11+$0x0], $0xffff  }
0x3fb: {  	s25 =	sor.u32 $0x15000, s20;
	[tilespmem:s24+$0x0] =	vst.add.s32.msk $0xffff, v18  }
0x3fc: {  	s26 =	sor.u32 $0x16000, s20;
	[tilespmem:s25+$0x0] =	vst.add.s32.msk $0xffff, v18  }
0x3fd: {  	s18 =	simm.s32 $0x10040;
	[tilespmem:s26+$0x0] =	vst.add.s32.msk $0xffff, v18  }
0x3fe: {  	s20 =	sor.u32 $0x17000, s20;
	s30 =	simm.s32 $0x10;
	[tilespmem:s18+$0x0] =	vst.add.s32.msk $0xffff, v15  }
0x3ff: {  	s22 =	sand.u32 $0xFD0, s30;
	[tilespmem:s20+$0x0] =	vst.add.s32.msk $0xffff, v18  }
0x400: {  	s21 =	sor.u32 $0x11000, s22;
	s20 =	sand.u32 $0xFC0, s16;
	[tilespmem:s19+$0x10] =	vst.add.s32.msk $0xffff, v16  }
0x401: {  	s23 =	sor.u32 $0x11000, s20;
	[tilespmem:s21+$0x0] =	vst.add.s32.msk $0xffff, v16  }
0x402: {  	s31 =	sor.u32 $0x12000, s20;
	[tilespmem:s23+$0x0] =	vst.add.s32.msk $0xffff, v15  }
0x403: {  	s24 =	sor.u32 $0x12000, s22;
	[tilespmem:s31+$0x0] =	vst.add.s32.msk $0xffff, v15  }
0x404: {  	s23 =	sor.u32 $0x13000, s20;
	[tilespmem:s24+$0x0] =	vst.add.s32.msk $0xffff, v16  }
0x405: {  	s25 =	sor.u32 $0x13000, s22;
	[tilespmem:s23+$0x0] =	vst.add.s32.msk $0xffff, v15  }
0x406: {  	s26 =	sor.u32 $0x14000, s20;
	[tilespmem:s25+$0x0] =	vst.add.s32.msk $0xffff, v16  }
0x407: {  	s29 =	sor.u32 $0x16000, s22;
	s25 =	sor.u32 $0x14000, s22;
	[tilespmem:s26+$0x0] =	vst.add.s32.msk $0xffff, v15  }
0x408: {  	s28 =	sor.u32 $0x17000, s22;
	s31 =	sor.u32 $0x15000, s20;
	s24 =	simm.s32 $0x20;
	[tilespmem:s25+$0x0] =	vst.add.s32.msk $0xffff, v16  }
0x409: {  	s30 =	spop (v2sf);
	s23 =	sand.u32 $0xFE0, s24;
	s26 =	sor.u32 $0x15000, s22;
	[tilespmem:s31+$0x0] =	vst.add.s32.msk $0xffff, v15  }
0x40a: {  	s21 =	simm.s32 $0x80;
	s25 =	sor.u32 $0x11000, s23;
	s24 =	sor.u32 $0x14000, s23;
	[tilespmem:s26+$0x0] =	vst.add.s32.msk $0xffff, v16  }
0x40b: {  	s22 =	simm.s32 $0xB;
	s26 =	sor.u32 $0x12000, s23;
	[tilespmem:s29+$0x0] =	vst.add.s32.msk $0xffff, v16;
	s29 =	sor.u32 $0x13000, s23  }
.LBB2_35:
0x40c: {  	s30 =	sadd.s32 $0xFFFFFFFD, s22  }
0x40d: {  	p0 =	sne.s32 s21, $0xFC0;
	[tilespmem:s28+$0x0] =	vst.add.s32.msk $0xffff, v16;
	v16 =	vmov v17;
	s28 =	smov.u32 s21;
	s21 =	sadd.s32 $0x40, s21  }
0x40e: {  	v17 =	vmov s30;
	[tilespmem:s19+$0x20] =	vst.add.s32.msk $0xffff, v13;
	s30 =	sor.u32 $0x15000, s23  }
0x40f: {  	v17 =	vand.u32 $0xFFFFFFFC, v17;
	[tilespmem:s25+$0x0] =	vst.add.s32.msk $0xffff, v13;
	s25 =	sor.u32 $0x16000, s23  }
0x410: {  	s23 =	sor.u32 $0x17000, s23;
	v17 =	vbroadcast v17, $0x0;
	[tilespmem:s26+$0x0] =	vst.add.s32.msk $0xffff, v13  }
0x411: {  	[tilespmem:s29+$0x0] =	vst.add.s32.msk $0xffff, v13  }
0x412: {  	s26 =	sadd.s32 $0xFFFFFFFE, s22;
	s29 =	sadd.s32 $0xFFFFFFFF, s22;
	[tilespmem:s24+$0x0] =	vst.add.s32.msk $0xffff, v13  }
0x413: {  	v18 =	vmov s26;
	v19 =	vmov s29;
	[tilespmem:s30+$0x0] =	vst.add.s32.msk $0xffff, v13  }
0x414: {  	v18 =	vand.u32 $0xFFFFFFFD, v18;
	s24 =	sadd.s32 $0x30, s17;
	s17 =	smov.u32 s16;
	s16 =	smov.u32 s28;
	v19 =	vand.u32 $0xFFFFFFFE, v19;
	[tilespmem:s25+$0x0] =	vst.add.s32.msk $0xffff, v13  }
0x415: {  	v18 =	vbroadcast v18, $0x0;
	v19 =	vbroadcast v19, $0x0;
	[tilespmem:s23+$0x0] =	vst.add.s32.msk $0xffff, v13;
	s23 =	sand.u32 $0xFF0, s24;
	v13 =	vmov v14  }
0x416: {  	[tilespmem:s19+$0x30] =	vst.add.s32.msk $0xffff, v12;
	s24 =	sor.u32 $0x11000, s23;
	s19 =	smov.u32 s18  }
0x417: {  	v14 =	vmov s22;
	[tilespmem:s24+$0x0] =	vst.add.s32.msk $0xffff, v12;
	s24 =	sor.u32 $0x12000, s23  }
0x418: {  	[tilespmem:s24+$0x0] =	vst.add.s32.msk $0xffff, v12;
	s24 =	sor.u32 $0x13000, s23  }
0x419: {  	[tilespmem:s24+$0x0] =	vst.add.s32.msk $0xffff, v12;
	s24 =	sor.u32 $0x14000, s23  }
0x41a: {  	s25 =	sor.u32 $0x15000, s23;
	v20 =	vld.idx.msk [tilespmem:v17+s11+$0x0], $0xffff  }
0x41b: {  	s18 =	sadd.s32 $0x40, s18;
	[tilespmem:s24+$0x0] =	vst.add.s32.msk $0xffff, v12;
	s24 =	sor.u32 $0x16000, s23  }
0x41c: {  	s23 =	sor.u32 $0x17000, s23;
	[tilespmem:s25+$0x0] =	vst.add.s32.msk $0xffff, v12  }
0x41d: {  	[tilespmem:s24+$0x0] =	vst.add.s32.msk $0xffff, v12  }
0x41e: {  	[tilespmem:s23+$0x0] =	vst.add.s32.msk $0xffff, v12;
	v12 =	vmov v11  }
0x41f: {  	v11 =	vld.idx.msk [tilespmem:v14+s11+$0x0], $0xffff  }
0x420: {  	s23 =	sor.u32 $0x16000, s20;
	v14 =	vld.idx.msk [tilespmem:v19+s11+$0x0], $0xffff  }
0x421: {  	[tilespmem:s23+$0x0] =	vst.add.s32.msk $0xffff, v15  }
0x422: {  	v17 =	vld.idx.msk [tilespmem:v18+s11+$0x0], $0xffff  }
0x423: {  	s20 =	sor.u32 $0x17000, s20;
	s23 =	sadd.s32 $0x10, s17;
	[tilespmem:s18+$0x0] =	vst.add.s32.msk $0xffff, v20  }
0x424: {  	s23 =	sand.u32 $0xFD0, s23;
	[tilespmem:s20+$0x0] =	vst.add.s32.msk $0xffff, v15;
	v15 =	vmov v20  }
0x425: {  	s24 =	sor.u32 $0x11000, s23;
	s20 =	sand.u32 $0xFC0, s16;
	[tilespmem:s19+$0x10] =	vst.add.s32.msk $0xffff, v16  }
0x426: {  	s25 =	sor.u32 $0x11000, s20;
	[tilespmem:s24+$0x0] =	vst.add.s32.msk $0xffff, v16  }
0x427: {  	s24 =	sor.u32 $0x12000, s20;
	[tilespmem:s25+$0x0] =	vst.add.s32.msk $0xffff, v15  }
0x428: {  	[tilespmem:s24+$0x0] =	vst.add.s32.msk $0xffff, v15;
	s24 =	sor.u32 $0x13000, s20  }
0x429: {  	[tilespmem:s24+$0x0] =	vst.add.s32.msk $0xffff, v15;
	s24 =	sor.u32 $0x12000, s23  }
0x42a: {  	s26 =	sor.u32 $0x15000, s23;
	[tilespmem:s24+$0x0] =	vst.add.s32.msk $0xffff, v16;
	s24 =	sor.u32 $0x13000, s23  }
0x42b: {  	s29 =	sor.u32 $0x16000, s23;
	s25 =	sor.u32 $0x14000, s20;
	[tilespmem:s24+$0x0] =	vst.add.s32.msk $0xffff, v16;
	s24 =	sadd.s32 $0x20, s17  }
.Ltmp16:
0x42c: {  	s28 =	sor.u32 $0x17000, s23;
	[tilespmem:s25+$0x0] =	vst.add.s32.msk $0xffff, v15;
	s25 =	sor.u32 $0x15000, s20;
	(pc) =	sbr.rel @p0 .LBB2_35-.Ltmp16, $4  }
0x42d: {  	[tilespmem:s25+$0x0] =	vst.add.s32.msk $0xffff, v15;
	s25 =	sor.u32 $0x14000, s23;
	s23 =	sand.u32 $0xFE0, s24  }
0x42e: {  	[tilespmem:s25+$0x0] =	vst.add.s32.msk $0xffff, v16;
	s25 =	sor.u32 $0x11000, s23;
	s24 =	sor.u32 $0x14000, s23  }
0x42f: {  	[tilespmem:s26+$0x0] =	vst.add.s32.msk $0xffff, v16;
	s26 =	sor.u32 $0x12000, s23  }
0x430: {  	s22 =	sadd.s32 $0x4, s22;
	[tilespmem:s29+$0x0] =	vst.add.s32.msk $0xffff, v16;
	s29 =	sor.u32 $0x13000, s23  }
0x431: {  	[tilespmem:s28+$0x0] =	vst.add.s32.msk $0xffff, v16  }
0x432: {  	s28 =	sor.u32 $0x16000, s20;
	[tilespmem:s19+$0x20] =	vst.add.s32.msk $0xffff, v13  }
0x433: {  	[tilespmem:s28+$0x0] =	vst.add.s32.msk $0xffff, v15  }
0x434: {  	[tilespmem:s25+$0x0] =	vst.add.s32.msk $0xffff, v13  }
0x435: {  	[tilespmem:s26+$0x0] =	vst.add.s32.msk $0xffff, v13  }
0x436: {  	[tilespmem:s29+$0x0] =	vst.add.s32.msk $0xffff, v13  }
0x437: {  	s29 =	sor.u32 $0x17000, s20;
	[tilespmem:s24+$0x0] =	vst.add.s32.msk $0xffff, v13  }
0x438: {  	s21 =	sor.u32 $0x15000, s23;
	[tilespmem:s29+$0x0] =	vst.add.s32.msk $0xffff, v15  }
0x439: {  	[tilespmem:s21+$0x0] =	vst.add.s32.msk $0xffff, v13  }
0x43a: {  	s22 =	sor.u32 $0x16000, s23;
	[tilespmem:s18+$0x10] =	vst.add.s32.msk $0xffff, v17  }
0x43b: {  	s31 =	sor.u32 $0x17000, s23;
	s17 =	sadd.s32 $0x30, s17;
	[tilespmem:s22+$0x0] =	vst.add.s32.msk $0xffff, v13  }
0x43c: {  	s30 =	sadd.s32 $0x10, s16;
	s17 =	sand.u32 $0xFF0, s17;
	[tilespmem:s31+$0x0] =	vst.add.s32.msk $0xffff, v13  }
0x43d: {  	s21 =	sor.u32 $0x11000, s17;
	s31 =	sand.u32 $0xFD0, s30;
	[tilespmem:s19+$0x30] =	vst.add.s32.msk $0xffff, v12  }
0x43e: {  	s19 =	sor.u32 $0x11000, s31;
	[tilespmem:s21+$0x0] =	vst.add.s32.msk $0xffff, v12  }
0x43f: {  	s22 =	sor.u32 $0x12000, s17;
	[tilespmem:s19+$0x0] =	vst.add.s32.msk $0xffff, v17  }
0x440: {  	s21 =	sor.u32 $0x12000, s31;
	[tilespmem:s22+$0x0] =	vst.add.s32.msk $0xffff, v12  }
0x441: {  	s23 =	sor.u32 $0x13000, s17;
	[tilespmem:s21+$0x0] =	vst.add.s32.msk $0xffff, v17  }
0x442: {  	s22 =	sor.u32 $0x13000, s31;
	[tilespmem:s23+$0x0] =	vst.add.s32.msk $0xffff, v12  }
0x443: {  	s24 =	sor.u32 $0x14000, s17;
	[tilespmem:s22+$0x0] =	vst.add.s32.msk $0xffff, v17  }
0x444: {  	s23 =	sor.u32 $0x14000, s31;
	[tilespmem:s24+$0x0] =	vst.add.s32.msk $0xffff, v12  }
0x445: {  	s25 =	sor.u32 $0x15000, s17;
	[tilespmem:s23+$0x0] =	vst.add.s32.msk $0xffff, v17  }
0x446: {  	s24 =	sor.u32 $0x15000, s31;
	[tilespmem:s25+$0x0] =	vst.add.s32.msk $0xffff, v12  }
0x447: {  	s26 =	sor.u32 $0x16000, s17;
	[tilespmem:s24+$0x0] =	vst.add.s32.msk $0xffff, v17  }
0x448: {  	s25 =	sor.u32 $0x16000, s31;
	[tilespmem:s26+$0x0] =	vst.add.s32.msk $0xffff, v12  }
0x449: {  	s17 =	sor.u32 $0x17000, s17;
	[tilespmem:s25+$0x0] =	vst.add.s32.msk $0xffff, v17  }
0x44a: {  	s26 =	sadd.s32 $0x20, s16;
	[tilespmem:s17+$0x0] =	vst.add.s32.msk $0xffff, v12;
	s17 =	sor.u32 $0x17000, s31  }
0x44b: {  	s28 =	sand.u32 $0xFE0, s26;
	[tilespmem:s17+$0x0] =	vst.add.s32.msk $0xffff, v17  }
0x44c: {  	s29 =	sor.u32 $0x11000, s28;
	[tilespmem:s18+$0x20] =	vst.add.s32.msk $0xffff, v14  }
0x44d: {  	s20 =	sor.u32 $0x12000, s28;
	[tilespmem:s29+$0x0] =	vst.add.s32.msk $0xffff, v14  }
0x44e: {  	s30 =	sor.u32 $0x13000, s28;
	[tilespmem:s20+$0x0] =	vst.add.s32.msk $0xffff, v14  }
0x44f: {  	s31 =	sor.u32 $0x14000, s28;
	[tilespmem:s30+$0x0] =	vst.add.s32.msk $0xffff, v14  }
0x450: {  	s21 =	sor.u32 $0x15000, s28;
	[tilespmem:s31+$0x0] =	vst.add.s32.msk $0xffff, v14  }
0x451: {  	s22 =	sor.u32 $0x16000, s28;
	[tilespmem:s21+$0x0] =	vst.add.s32.msk $0xffff, v14  }
0x452: {  	s24 =	sadd.s32 $0x30, s16;
	s23 =	sor.u32 $0x17000, s28;
	[tilespmem:s22+$0x0] =	vst.add.s32.msk $0xffff, v14  }
0x453: {  	s16 =	sand.u32 $0xFF0, s24;
	[tilespmem:s23+$0x0] =	vst.add.s32.msk $0xffff, v14  }
0x454: {  	s25 =	sor.u32 $0x11000, s16;
	[tilespmem:s18+$0x30] =	vst.add.s32.msk $0xffff, v11  }
0x455: {  	s26 =	sor.u32 $0x12000, s16;
	[tilespmem:s25+$0x0] =	vst.add.s32.msk $0xffff, v11  }
0x456: {  	s28 =	sor.u32 $0x13000, s16;
	[tilespmem:s26+$0x0] =	vst.add.s32.msk $0xffff, v11  }
0x457: {  	s29 =	sor.u32 $0x14000, s16;
	[tilespmem:s28+$0x0] =	vst.add.s32.msk $0xffff, v11  }
0x458: {  	s30 =	sor.u32 $0x15000, s16;
	[tilespmem:s29+$0x0] =	vst.add.s32.msk $0xffff, v11  }
0x459: {  	s31 =	sor.u32 $0x16000, s16;
	[tilespmem:s30+$0x0] =	vst.add.s32.msk $0xffff, v11  }
0x45a: {  	s16 =	sor.u32 $0x17000, s16;
	[tilespmem:s31+$0x0] =	vst.add.s32.msk $0xffff, v11  }
0x45b: {  	[tilespmem:s16+$0x0] =	vst.add.s32.msk $0xffff, v11;
	s16 =	simm.s32 $0x0  }
0x45c: {  	v12 =	vld.idx.msk [tilespmem:v1+s16+$0x0], $0xffff;
	_ =	sdelay $0x4  }
0x45d: {  	v11 =	vshrl.u32 v12, $0xC  }
0x45e: {  	v11 =	vand.u32 $0xFF0, v11  }
0x45f: {  	s17 =	simm.s32 $0x500;
	s18 =	simm.s32 $0xFFFFFFFC;
	v13 =	vor.u32 v0, v11;
	v11 =	vld.idx.msk [tilespmem:v4+s16+$0x0], $0xffff  }
.LBB2_37:
0x460: {  	_ = 	snop  }
0x461: {  	s19 =	sadd.s32 $0x4, s18  }
0x462: {  	s20 =	sand.u32 $0x4, s19  }
0x463: {  	s21 =	sor.u32 $0x2, s20  }
0x464: {  	v14 =	vld.idx.msk [tilespmem:v13+s10+$0x0], $0xffff;
	s22 =	sshrl.u32 s19, $0x3;
	s23 =	sshll.u32 s21, $0x8  }
0x465: {  	s23 =	sadd.s32 s22, s23  }
0x466: {  	s31 =	sand.u32 $0x4000, s16;
	v16 =	vshrl.u32 v11, $0xC;
	v15 =	vor.u32 s23, v1  }
0x467: {  	v16 =	vand.u32 $0xFF0, v16;
	s23 =	sor.u32 $0x1000, s31  }
0x468: {  	v16 =	vor.u32 s23, v16  }
0x469: {  	v16 =	vor.u32 v0, v16;
	_ =	sdelay $0x1  }
0x46a: {  	v15 =	vld.idx.msk [tilespmem:v15+s4+$0x0], $0xffff  }
0x46b: {  	[tilespmem:v14+s12+$0x0] =	vst.idx.msk $0xffff, v12  }
0x46c: {  	s20 =	sor.u32 $0x3, s20;
	[tilespmem:v13+s10+$0x0] =	vst.idx.add.s32.msk $0xffff, v3  }
0x46d: {  	s24 =	sshll.u32 s20, $0x8;
	v12 =	vld.idx.msk [tilespmem:v16+s10+$0x0], $0xffff  }
0x46e: {  	s22 =	sadd.s32 s22, s24  }
0x46f: {  	v13 =	vor.u32 s22, v1;
	v14 =	vshrl.u32 v15, $0xC  }
0x470: {  	s21 =	sshll.u32 s21, $0xC;
	v14 =	vand.u32 $0xFF0, v14  }
0x471: {  	v14 =	vor.u32 s21, v14  }
0x472: {  	v14 =	vor.u32 v0, v14;
	_ =	sdelay $0x1  }
0x473: {  	v13 =	vld.idx.msk [tilespmem:v13+s4+$0x0], $0xffff  }
0x474: {  	[tilespmem:v12+s12+$0x0] =	vst.idx.msk $0xffff, v11  }
0x475: {  	s25 =	sadd.s32 $0x8, s18;
	[tilespmem:v16+s10+$0x0] =	vst.idx.add.s32.msk $0xffff, v3  }
0x476: {  	s26 =	sand.u32 $0x4, s25;
	v11 =	vld.idx.msk [tilespmem:v14+s10+$0x0], $0xffff  }
0x477: {  	s28 =	sshll.u32 s26, $0x8;
	s21 =	sshrl.u32 s25, $0x3  }
0x478: {  	s21 =	sadd.s32 s21, s28;
	v63 =	vshrl.u32 v13, $0xC  }
0x479: {  	s20 =	sshll.u32 s20, $0xC;
	v12 =	vor.u32 s21, v1;
	v16 =	vand.u32 $0xFF0, v63  }
0x47a: {  	v16 =	vor.u32 s20, v16  }
0x47b: {  	v16 =	vor.u32 v0, v16;
	_ =	sdelay $0x2  }
0x47c: {  	v12 =	vld.idx.msk [tilespmem:v12+s4+$0x0], $0xffff;
	[tilespmem:v11+s12+$0x0] =	vst.idx.msk $0xffff, v15  }
0x47d: {  	[tilespmem:v14+s10+$0x0] =	vst.idx.add.s32.msk $0xffff, v3  }
0x47e: {  	s29 =	sadd.s32 $0x9, s18;
	v14 =	vld.idx.msk [tilespmem:v16+s10+$0x0], $0xffff  }
0x47f: {  	s30 =	sand.u32 $0x500, s17;
	s18 =	sshrl.u32 s29, $0x3  }
0x480: {  	s18 =	sadd.s32 s18, s30  }
0x481: {  	v11 =	vor.u32 s18, v1  }
0x482: {  	p0 =	slt.u32 s19, $0x7F8  }
.Ltmp17:
0x483: {  	_ = 	snop;
	(pc) =	sbr.rel @p0 .LBB2_37-.Ltmp17, $4  }
0x484: {  	v15 =	vshrl.u32 v12, $0xC  }
0x485: {  	s31 =	sshll.u32 s26, $0xC;
	v15 =	vand.u32 $0xFF0, v15  }
0x486: {  	v15 =	vor.u32 s31, v15;
	v11 =	vld.idx.msk [tilespmem:v11+s4+$0x0], $0xffff;
	[tilespmem:v14+s12+$0x0] =	vst.idx.msk $0xffff, v13  }
0x487: {  	s17 =	sadd.s32 $0x400, s17;
	s16 =	sadd.s32 $0x4000, s16;
	s18 =	smov.u32 s19;
	v13 =	vor.u32 v0, v15;
	[tilespmem:v16+s10+$0x0] =	vst.idx.add.s32.msk $0xffff, v3  }
0x488: {  	_ =	sdelay $0x3  }
0x489: {  	v14 =	vld.idx.msk [tilespmem:v13+s10+$0x0], $0xffff;
	_ =	sdelay $0x2  }
0x48a: {  	v15 =	vshrl.u32 v11, $0xC  }
0x48b: {  	v15 =	vand.u32 $0xFF0, v15  }
0x48c: {  	v15 =	vor.u32 v8, v15;
	_ =	sdelay $0x2  }
0x48d: {  	v16 =	vld.idx.msk [tilespmem:v6+s4+$0x0], $0xffff;
	[tilespmem:v14+s12+$0x0] =	vst.idx.msk $0xffff, v12  }
0x48e: {  	[tilespmem:v13+s10+$0x0] =	vst.idx.add.s32.msk $0xffff, v3  }
0x48f: {  	v12 =	vld.idx.msk [tilespmem:v15+s10+$0x0], $0xffff;
	_ =	sdelay $0x2  }
0x490: {  	v62 =	vshrl.u32 v16, $0xC  }
0x491: {  	v13 =	vand.u32 $0xFF0, v62  }
0x492: {  	v13 =	vor.u32 v9, v13;
	_ =	sdelay $0x2  }
0x493: {  	v14 =	vld.idx.msk [tilespmem:v7+s4+$0x0], $0xffff;
	[tilespmem:v12+s12+$0x0] =	vst.idx.msk $0xffff, v11  }
0x494: {  	[tilespmem:v15+s10+$0x0] =	vst.idx.add.s32.msk $0xffff, v3  }
0x495: {  	v11 =	vld.idx.msk [tilespmem:v13+s10+$0x0], $0xffff;
	_ =	sdelay $0x2  }
0x496: {  	v63 =	vshrl.u32 v14, $0xC  }
0x497: {  	v12 =	vand.u32 $0xFF0, v63  }
0x498: {  	v12 =	vor.u32 v10, v12;
	_ =	sdelay $0x2  }
0x499: {  	[tilespmem:v11+s12+$0x0] =	vst.idx.msk $0xffff, v16  }
0x49a: {  	[tilespmem:v13+s10+$0x0] =	vst.idx.add.s32.msk $0xffff, v3  }
0x49b: {  	v11 =	vld.idx.msk [tilespmem:v12+s10+$0x0], $0xffff;
	_ =	sdelay $0x7  }
0x49c: {  	[tilespmem:v11+s12+$0x0] =	vst.idx.msk $0xffff, v14  }
0x49d: {  	s18 =	simm.s32 $0x10080;
	[tilespmem:v12+s10+$0x0] =	vst.idx.add.s32.msk $0xffff, v3  }
0x49e: {  	[tilespmem:s18+$0xFFFFFF80] =	vst v2  }
0x49f: {  	[tilespmem:s18+$0x70] =	vst v2  }
0x4a0: {  	[tilespmem:s18+$0x60] =	vst v2  }
0x4a1: {  	[tilespmem:s18+$0x50] =	vst v2  }
0x4a2: {  	[tilespmem:s18+$0x40] =	vst v2  }
0x4a3: {  	[tilespmem:s18+$0x30] =	vst v2  }
0x4a4: {  	[tilespmem:s18+$0x20] =	vst v2  }
0x4a5: {  	[tilespmem:s18+$0x10] =	vst v2  }
0x4a6: {  	[tilespmem:s18+$0x0] =	vst v2  }
0x4a7: {  	[tilespmem:s18+$0xFFFFFFF0] =	vst v2  }
0x4a8: {  	[tilespmem:s18+$0xFFFFFFE0] =	vst v2  }
0x4a9: {  	[tilespmem:s18+$0xFFFFFFD0] =	vst v2  }
0x4aa: {  	[tilespmem:s18+$0xFFFFFFC0] =	vst v2  }
0x4ab: {  	[tilespmem:s18+$0xFFFFFFB0] =	vst v2  }
0x4ac: {  	s16 =	simm.s32 $0x0;
	[tilespmem:s18+$0xFFFFFFA0] =	vst v2  }
.LBB2_39:
0x4ad: {  	s16 =	sadd.s32 $0x8, s16;
	[tilespmem:s18+$0xFFFFFF90] =	vst v2;
	s18 =	sadd.s32 $0x100, s18  }
0x4ae: {  	[tilespmem:s18+$0xFFFFFF80] =	vst v2;
	p0 =	slt.u32 s16, $0x3F8  }
0x4af: {  	[tilespmem:s18+$0x70] =	vst v2  }
0x4b0: {  	[tilespmem:s18+$0x60] =	vst v2  }
0x4b1: {  	[tilespmem:s18+$0x50] =	vst v2  }
0x4b2: {  	[tilespmem:s18+$0x40] =	vst v2  }
0x4b3: {  	[tilespmem:s18+$0x30] =	vst v2  }
0x4b4: {  	[tilespmem:s18+$0x20] =	vst v2  }
0x4b5: {  	[tilespmem:s18+$0x10] =	vst v2  }
0x4b6: {  	[tilespmem:s18+$0x0] =	vst v2  }
0x4b7: {  	[tilespmem:s18+$0xFFFFFFF0] =	vst v2  }
.Ltmp18:
0x4b8: {  	[tilespmem:s18+$0xFFFFFFE0] =	vst v2;
	(pc) =	sbr.rel @p0 .LBB2_39-.Ltmp18, $4  }
0x4b9: {  	[tilespmem:s18+$0xFFFFFFD0] =	vst v2  }
0x4ba: {  	[tilespmem:s18+$0xFFFFFFC0] =	vst v2  }
0x4bb: {  	[tilespmem:s18+$0xFFFFFFB0] =	vst v2  }
0x4bc: {  	[tilespmem:s18+$0xFFFFFFA0] =	vst v2  }
0x4bd: {  	s17 =	simm.s32 $0x0  }
0x4be: {  	s19 =	simm.s32 $0x1;
	v11 =	vor.u32 s17, v1  }
0x4bf: {  	s16 =	simm.s32 $0x2;
	v12 =	vor.u32 s19, v1  }
0x4c0: {  	s31 =	simm.s32 $0x3;
	v13 =	vor.u32 s16, v1  }
0x4c1: {  	s20 =	simm.s32 $0x4;
	v14 =	vor.u32 s31, v1  }
0x4c2: {  	[tilespmem:s18+$0xFFFFFF90] =	vst v2;
	s21 =	simm.s32 $0x6;
	v15 =	vor.u32 s20, v1  }
0x4c3: {  	s20 =	simm.s32 $0x5;
	v17 =	vor.u32 s21, v1;
	v11 =	vld.idx.msk [tilespmem:v11+s12+$0x0], $0xffff  }
0x4c4: {  	s22 =	simm.s32 $0x7;
	v16 =	vor.u32 s20, v1;
	v18 =	vld.idx.msk [tilespmem:v12+s12+$0x0], $0xffff  }
0x4c5: {  	v19 =	vld.idx.msk [tilespmem:v13+s12+$0x0], $0xffff;
	v12 =	vor.u32 s22, v1  }
0x4c6: {  	v14 =	vld.idx.msk [tilespmem:v14+s12+$0x0], $0xffff  }
0x4c7: {  	v15 =	vld.idx.msk [tilespmem:v15+s12+$0x0], $0xffff  }
0x4c8: {  	s23 =	simm.s32 $0x8;
	s24 =	simm.s32 $0x9;
	v17 =	vld.idx.msk [tilespmem:v17+s12+$0x0], $0xffff  }
0x4c9: {  	s25 =	simm.s32 $0xA;
	s26 =	simm.s32 $0xB;
	s28 =	simm.s32 $0xC;
	v20 =	vor.u32 s23, v1;
	v21 =	vor.u32 s24, v1;
	v16 =	vld.idx.msk [tilespmem:v16+s12+$0x0], $0xffff  }
0x4ca: {  	s29 =	simm.s32 $0xD;
	v22 =	vor.u32 s25, v1;
	v26 =	vor.u32 s26, v1;
	v27 =	vor.u32 s28, v1;
	s31 =	sand.u32 $0x7000, s17;
	v23 =	vld.idx.msk [tilespmem:v12+s12+$0x0], $0xffff  }
0x4cb: {  	s30 =	simm.s32 $0xE;
	v30 =	vor.u32 s31, v0;
	v13 =	vor.u32 s29, v1;
	v11 =	vshrl.u32 v11, $0x14  }
0x4cc: {  	v12 =	vor.u32 s30, v1;
	v14 =	vshrl.u32 v14, $0x14;
	v15 =	vshrl.u32 v15, $0x14  }
0x4cd: {  	v17 =	vshrl.u32 v17, $0x14;
	v28 =	vand.u32 $0xFF0, v11;
	v11 =	vshrl.u32 v18, $0x14  }
0x4ce: {  	v18 =	vshrl.u32 v19, $0x14;
	v16 =	vshrl.u32 v16, $0x14;
	v29 =	vand.u32 $0xFF0, v14  }
0x4cf: {  	v19 =	vand.u32 $0xFF0, v11;
	v11 =	vld.idx.msk [tilespmem:v20+s12+$0x0], $0xffff;
	v20 =	vand.u32 $0xFF0, v16;
	v16 =	vshrl.u32 v23, $0x14  }
0x4d0: {  	v15 =	vand.u32 $0xFF0, v15;
	v14 =	vld.idx.msk [tilespmem:v21+s12+$0x0], $0xffff;
	v31 =	vand.u32 $0xFF0, v17;
	v17 =	vand.u32 $0xFF0, v16  }
0x4d1: {  	v18 =	vand.u32 $0xFF0, v18;
	v24 =	vor.u32 v30, v19;
	v19 =	vld.idx.msk [tilespmem:v27+s12+$0x0], $0xffff;
	v25 =	vor.u32 v30, v17  }
0x4d2: {  	v21 =	vor.u32 v30, v15;
	v15 =	vor.u32 v30, v28;
	v23 =	vor.u32 v30, v18;
	v16 =	vld.idx.msk [tilespmem:v22+s12+$0x0], $0xffff  }
0x4d3: {  	s18 =	simm.s32 $0x0;
	s19 =	simm.s32 $0x10;
	s20 =	simm.s32 $0xF;
	v18 =	vor.u32 v30, v20;
	v20 =	vor.u32 v30, v31;
	v22 =	vor.u32 v30, v29;
	v17 =	vld.idx.msk [tilespmem:v26+s12+$0x0], $0xffff  }
.LBB2_41:
0x4d4: {  	p0 =	slt.u32 s19, $0x7F8;
	v26 =	vld.idx.msk [tilespmem:v13+s12+$0x0], $0xffff;
	v13 =	vor.u32 s20, v1  }
0x4d5: {  	v27 =	vld.idx.msk [tilespmem:v12+s12+$0x0], $0xffff  }
0x4d6: {  	[tilespmem:v25+s10+$0x0] =	vst.idx.add.s32.msk $0xffff, v3  }
0x4d7: {  	[tilespmem:v24+s10+$0x0] =	vst.idx.add.s32.msk $0xffff, v3  }
0x4d8: {  	s20 =	sadd.s32 $0x1, s19;
	s21 =	sadd.s32 $0x2, s19;
	[tilespmem:v23+s10+$0x0] =	vst.idx.add.s32.msk $0xffff, v3  }
0x4d9: {  	v25 =	vor.u32 s21, v1;
	s21 =	sadd.s32 $0x4, s19;
	v24 =	vor.u32 s20, v1;
	s20 =	sadd.s32 $0x3, s19;
	v23 =	vor.u32 s19, v1;
	v28 =	vld.idx.msk [tilespmem:v13+s12+$0x0], $0xffff  }
0x4da: {  	v11 =	vshrl.u32 v11, $0x14;
	v30 =	vor.u32 s21, v1;
	s21 =	sadd.s32 $0x6, s19;
	v29 =	vor.u32 s20, v1;
	s20 =	sadd.s32 $0x5, s19;
	[tilespmem:v22+s10+$0x0] =	vst.idx.add.s32.msk $0xffff, v3  }
0x4db: {  	v31 =	vand.u32 $0xFF0, v11;
	v12 =	vor.u32 s21, v1;
	v13 =	vor.u32 s20, v1;
	[tilespmem:v21+s10+$0x0] =	vst.idx.add.s32.msk $0xffff, v3  }
0x4dc: {  	v11 =	vshrl.u32 v14, $0x14;
	v14 =	vshrl.u32 v16, $0x14;
	v16 =	vshrl.u32 v17, $0x14;
	[tilespmem:v18+s10+$0x0] =	vst.idx.add.s32.msk $0xffff, v3  }
0x4dd: {  	v17 =	vshrl.u32 v19, $0x14;
	v19 =	vshrl.u32 v27, $0x14;
	v18 =	vshrl.u32 v26, $0x14;
	[tilespmem:v20+s10+$0x0] =	vst.idx.add.s32.msk $0xffff, v3  }
0x4de: {  	s18 =	sadd.s32 $0x80, s18;
	v22 =	vand.u32 $0xFF0, v16;
	v21 =	vand.u32 $0xFF0, v14;
	v20 =	vand.u32 $0xFF0, v11;
	[tilespmem:v15+s10+$0x0] =	vst.idx.add.s32.msk $0xffff, v3  }
.Ltmp19:
0x4df: {  	s20 =	sand.u32 $0x7000, s18;
	v18 =	vand.u32 $0xFF0, v18;
	v15 =	vand.u32 $0xFF0, v17;
	v16 =	vshrl.u32 v28, $0x14;
	v11 =	vld.idx.msk [tilespmem:v23+s12+$0x0], $0xffff;
	(pc) =	sbr.rel @p0 .LBB2_41-.Ltmp19, $4  }
0x4e0: {  	v27 =	vand.u32 $0xFF0, v19;
	v26 =	vor.u32 s20, v0;
	v17 =	vand.u32 $0xFF0, v16;
	v14 =	vld.idx.msk [tilespmem:v24+s12+$0x0], $0xffff  }
0x4e1: {  	v23 =	vor.u32 v26, v21;
	v24 =	vor.u32 v26, v20;
	v16 =	vld.idx.msk [tilespmem:v25+s12+$0x0], $0xffff;
	v25 =	vor.u32 v26, v17  }
0x4e2: {  	v22 =	vor.u32 v26, v22;
	v18 =	vor.u32 v26, v18;
	v21 =	vor.u32 v26, v15;
	v17 =	vld.idx.msk [tilespmem:v29+s12+$0x0], $0xffff  }
0x4e3: {  	s20 =	sadd.s32 $0x7, s19;
	s19 =	sadd.s32 $0x8, s19;
	v15 =	vor.u32 v26, v31;
	v20 =	vor.u32 v26, v27;
	v19 =	vld.idx.msk [tilespmem:v30+s12+$0x0], $0xffff  }
0x4e4: {  	_ =	sdelay $0x3  }
0x4e5: {  	v13 =	vld.idx.msk [tilespmem:v13+s12+$0x0], $0xffff  }
0x4e6: {  	v26 =	vor.u32 s20, v1;
	v12 =	vld.idx.msk [tilespmem:v12+s12+$0x0], $0xffff  }
0x4e7: {  	[tilespmem:v25+s10+$0x0] =	vst.idx.add.s32.msk $0xffff, v3  }
0x4e8: {  	s18 =	sadd.s32 $0x80, s18;
	[tilespmem:v24+s10+$0x0] =	vst.idx.add.s32.msk $0xffff, v3  }
0x4e9: {  	[tilespmem:v23+s10+$0x0] =	vst.idx.add.s32.msk $0xffff, v3;
	s18 =	sand.u32 $0x7000, s18;
	v14 =	vshrl.u32 v14, $0x14  }
0x4ea: {  	[tilespmem:v22+s10+$0x0] =	vst.idx.add.s32.msk $0xffff, v3;
	v11 =	vshrl.u32 v11, $0x14;
	v23 =	vor.u32 s18, v0;
	v14 =	vand.u32 $0xFF0, v14  }
0x4eb: {  	v11 =	vand.u32 $0xFF0, v11;
	v16 =	vshrl.u32 v16, $0x14;
	v14 =	vor.u32 v23, v14;
	v26 =	vld.idx.msk [tilespmem:v26+s12+$0x0], $0xffff  }
0x4ec: {  	[tilespmem:v21+s10+$0x0] =	vst.idx.add.s32.msk $0xffff, v3;
	v17 =	vshrl.u32 v17, $0x14;
	v16 =	vand.u32 $0xFF0, v16;
	v11 =	vor.u32 v23, v11  }
0x4ed: {  	[tilespmem:v18+s10+$0x0] =	vst.idx.add.s32.msk $0xffff, v3;
	v18 =	vshrl.u32 v19, $0x14;
	v17 =	vand.u32 $0xFF0, v17;
	v16 =	vor.u32 v23, v16  }
0x4ee: {  	[tilespmem:v20+s10+$0x0] =	vst.idx.add.s32.msk $0xffff, v3;
	v13 =	vshrl.u32 v13, $0x14;
	v18 =	vand.u32 $0xFF0, v18;
	v17 =	vor.u32 v23, v17  }
0x4ef: {  	[tilespmem:v15+s10+$0x0] =	vst.idx.add.s32.msk $0xffff, v3;
	v12 =	vshrl.u32 v12, $0x14;
	v13 =	vand.u32 $0xFF0, v13;
	v15 =	vor.u32 v23, v18  }
0x4f0: {  	v12 =	vand.u32 $0xFF0, v12;
	v13 =	vor.u32 v23, v13;
	[tilespmem:v14+s10+$0x0] =	vst.idx.add.s32.msk $0xffff, v3;
	v24 =	vshrl.u32 v26, $0x14  }
0x4f1: {  	v12 =	vor.u32 v23, v12;
	[tilespmem:v11+s10+$0x0] =	vst.idx.add.s32.msk $0xffff, v3;
	v24 =	vand.u32 $0xFF0, v24  }
0x4f2: {  	[tilespmem:v16+s10+$0x0] =	vst.idx.add.s32.msk $0xffff, v3;
	v22 =	vor.u32 v23, v24  }
0x4f3: {  	[tilespmem:v17+s10+$0x0] =	vst.idx.add.s32.msk $0xffff, v3  }
0x4f4: {  	[tilespmem:v15+s10+$0x0] =	vst.idx.add.s32.msk $0xffff, v3  }
0x4f5: {  	[tilespmem:v13+s10+$0x0] =	vst.idx.add.s32.msk $0xffff, v3  }
0x4f6: {  	[tilespmem:v12+s10+$0x0] =	vst.idx.add.s32.msk $0xffff, v3  }
0x4f7: {  	s20 =	simm.s32 $0x10010;
	[tilespmem:v22+s10+$0x0] =	vst.idx.add.s32.msk $0xffff, v3  }
0x4f8: {  	s21 =	sand.u32 $0xFE0, s17;
	v15 =	vld [tilespmem:s20+$0xFFFFFFF0]  }
0x4f9: {  	v23 =	vld [tilespmem:s21+$0x11000]  }
0x4fa: {  	v24 =	vld [tilespmem:s21+$0x12000]  }
0x4fb: {  	v25 =	vld [tilespmem:s21+$0x13000]  }
0x4fc: {  	v27 =	vld [tilespmem:s21+$0x14000]  }
0x4fd: {  	v29 =	vld [tilespmem:s21+$0x15000]  }
0x4fe: {  	v31 =	vld [tilespmem:s21+$0x16000];
	v11 =	vadd.s32 v15, v23  }
0x4ff: {  	v12 =	vld [tilespmem:s21+$0x17000];
	v11 =	vadd.s32 v24, v11  }
0x500: {  	v11 =	vadd.s32 v25, v11  }
0x501: {  	v11 =	vadd.s32 v27, v11  }
0x502: {  	s31 =	simm.s32 $0x10;
	v11 =	vadd.s32 v29, v11  }
0x503: {  	s19 =	sand.u32 $0xFF0, s31;
	v20 =	vld [tilespmem:s20+$0x0];
	v11 =	vadd.s32 v31, v11  }
0x504: {  	v22 =	vld [tilespmem:s19+$0x11000];
	v11 =	vadd.s32 v12, v11  }
0x505: {  	v21 =	vld [tilespmem:s19+$0x12000];
	(xrf0) =	vadd.scan.msk.s32 $0xffff, v11  }
0x506: {  	v19 =	vld [tilespmem:s19+$0x13000]  }
0x507: {  	v18 =	vld [tilespmem:s19+$0x14000]  }
0x508: {  	v17 =	vld [tilespmem:s19+$0x15000]  }
0x509: {  	v16 =	vld [tilespmem:s19+$0x16000];
	v12 =	vadd.s32 v20, v22  }
0x50a: {  	v26 =	vld [tilespmem:s19+$0x17000];
	v12 =	vadd.s32 v21, v12  }
0x50b: {  	s23 =	simm.s32 $0x20;
	s18 =	simm.s32 $0x10030;
	v12 =	vadd.s32 v19, v12;
	v32, _, _ =	vpop (xrf0)  }
0x50c: {  	s22 =	sand.u32 $0xFE0, s23;
	v14 =	vld [tilespmem:s18+$0xFFFFFFF0];
	v28 =	vadd.s32 v18, v12;
	v30 =	vsub.s32 v32, v11  }
0x50d: {  	v13 =	vld [tilespmem:s22+$0x11000];
	v28 =	vadd.s32 v17, v28;
	[tilespmem:s20+$0xFFFFFFF0] =	vst v30;
	v30 =	vadd.s32 v15, v30  }
0x50e: {  	v12 =	vld [tilespmem:s22+$0x12000];
	v28 =	vadd.s32 v16, v28;
	v23 =	vadd.s32 v23, v30  }
0x50f: {  	v26 =	vadd.s32 v26, v28;
	v11 =	vld [tilespmem:s22+$0x13000];
	[tilespmem:s21+$0x11000] =	vst v30;
	v30 =	vmov s17;
	v24 =	vadd.s32 v24, v23  }
0x510: {  	(xrf0) =	vadd.scan.msk.s32 $0xffff, v26;
	v15 =	vld [tilespmem:s22+$0x14000];
	[tilespmem:s21+$0x12000] =	vst v23;
	v28 =	vand.u32 $0xFFFFFFFE, v30;
	v25 =	vadd.s32 v25, v24  }
0x511: {  	v23 =	vld [tilespmem:s22+$0x15000];
	[tilespmem:s21+$0x14000] =	vst v25;
	v25 =	vadd.s32 v27, v25;
	v27 =	vbroadcast v28, $0x0  }
0x512: {  	v30 =	vadd.s32 v14, v13;
	[tilespmem:s21+$0x13000] =	vst v24;
	v24 =	vld [tilespmem:s22+$0x16000]  }
0x513: {  	v30 =	vadd.s32 v12, v30;
	v28 =	vld [tilespmem:s22+$0x17000]  }
0x514: {  	s24 =	simm.s32 $0x30;
	v30 =	vadd.s32 v11, v30;
	[tilespmem:s21+$0x15000] =	vst v25;
	v29 =	vadd.s32 v29, v25  }
0x515: {  	s25 =	simm.s32 $0x4;
	s24 =	sand.u32 $0xFF0, s24;
	v25 =	vld [tilespmem:s18+$0x0];
	v30 =	vadd.s32 v15, v30;
	[tilespmem:s21+$0x16000] =	vst v29;
	v31 =	vadd.s32 v31, v29;
	v29 =	vbroadcast v32, $0xF  }
.LBB2_43:
0x516: {  	p0 =	sne.s32 s25, $0xFE;
	v32 =	vld [tilespmem:s24+$0x11000];
	v30 =	vadd.s32 v23, v30;
	[tilespmem:s21+$0x17000] =	vst v31;
	v31, _, _ =	vpop (xrf0);
	v33 =	vmov v23;
	s21 =	smov.u32 s22  }
0x517: {  	v23 =	vld [tilespmem:s24+$0x12000];
	v30 =	vadd.s32 v24, v30;
	[tilespmem:v27+s11+$0x0] =	vst.idx.msk $0x1, v29;
	v26 =	vsub.s32 v31, v26;
	v29 =	vmov v24  }
0x518: {  	v24 =	vld [tilespmem:s24+$0x13000];
	v27 =	vadd.s32 v28, v30;
	[tilespmem:s20+$0x0] =	vst v26;
	v30 =	vadd.s32 v20, v26;
	s20 =	smov.u32 s18  }
0x519: {  	v26 =	vld [tilespmem:s24+$0x14000];
	(xrf0) =	vadd.scan.msk.s32 $0xffff, v27;
	[tilespmem:s19+$0x11000] =	vst v30;
	v36 =	vadd.s32 v22, v30  }
0x51a: {  	s22 =	sadd.s32 $0x1, s17;
	s17 =	smov.u32 s16;
	s16 =	smov.u32 s25;
	v28 =	vld [tilespmem:s24+$0x15000];
	[tilespmem:s19+$0x12000] =	vst v36;
	v35 =	vadd.s32 v21, v36;
	v20 =	vmov v25  }
0x51b: {  	v34 =	vmov s22;
	v25 =	vld [tilespmem:s24+$0x16000];
	v30 =	vadd.s32 v20, v32;
	[tilespmem:s19+$0x13000] =	vst v35;
	v35 =	vadd.s32 v19, v35;
	v22 =	vmovc v32  }
0x51c: {  	v32 =	vld [tilespmem:s24+$0x17000];
	v30 =	vadd.s32 v23, v30;
	[tilespmem:s19+$0x14000] =	vst v35;
	v35 =	vadd.s32 v18, v35;
	v21 =	vmov v23  }
0x51d: {  	s23 =	sadd.s32 $0x20, s23;
	s18 =	sadd.s32 $0x20, s18;
	v23 =	vadd.s32 v24, v30;
	[tilespmem:s19+$0x15000] =	vst v35;
	v36 =	vadd.s32 v17, v35;
	v19 =	vmov v24  }
0x51e: {  	s22 =	sand.u32 $0xFE0, s23;
	v30 =	vbroadcast v31, $0xF;
	v24 =	vld [tilespmem:s18+$0xFFFFFFF0];
	v23 =	vadd.s32 v26, v23;
	[tilespmem:s19+$0x16000] =	vst v36;
	v37 =	vadd.s32 v16, v36;
	v18 =	vmovc v26  }
0x51f: {  	v31 =	vld [tilespmem:s22+$0x11000];
	v23 =	vadd.s32 v28, v23;
	v35, _, _ =	vpop (xrf0);
	[tilespmem:s19+$0x17000] =	vst v37;
	v17 =	vmov v28;
	s19 =	smov.u32 s24  }
0x520: {  	v36 =	vld [tilespmem:s22+$0x12000];
	v26 =	vsub.s32 v35, v27;
	v23 =	vadd.s32 v25, v23;
	[tilespmem:v34+s11+$0x0] =	vst.idx.msk $0x1, v30;
	v16 =	vmov v25  }
0x521: {  	v27 =	vmov s17;
	v25 =	vld [tilespmem:s22+$0x13000];
	[tilespmem:s20+$0xFFFFFFF0] =	vst v26;
	v30 =	vadd.s32 v14, v26;
	v26 =	vadd.s32 v32, v23  }
0x522: {  	v28 =	vand.u32 $0xFFFFFFFE, v27;
	v32 =	vld [tilespmem:s22+$0x14000];
	[tilespmem:s21+$0x11000] =	vst v30;
	v34 =	vadd.s32 v13, v30;
	(xrf0) =	vadd.scan.msk.s32 $0xffff, v26  }
.Ltmp20:
0x523: {  	v27 =	vbroadcast v28, $0x0;
	v23 =	vld [tilespmem:s22+$0x15000];
	[tilespmem:s21+$0x12000] =	vst v34;
	v34 =	vadd.s32 v12, v34;
	v14 =	vmov v24;
	(pc) =	sbr.rel @p0 .LBB2_43-.Ltmp20, $4  }
0x524: {  	v24 =	vld [tilespmem:s22+$0x16000];
	v30 =	vadd.s32 v14, v31;
	[tilespmem:s21+$0x13000] =	vst v34;
	v37 =	vadd.s32 v11, v34;
	v13 =	vmov v31  }
0x525: {  	v28 =	vld [tilespmem:s22+$0x17000];
	v30 =	vadd.s32 v36, v30;
	[tilespmem:s21+$0x14000] =	vst v37;
	v34 =	vadd.s32 v15, v37;
	v12 =	vmov v36  }
0x526: {  	s24 =	sadd.s32 $0x10, s23;
	v36 =	vadd.s32 v25, v30;
	[tilespmem:s21+$0x15000] =	vst v34;
	v31 =	vadd.s32 v33, v34;
	v11 =	vmov v25  }
0x527: {  	s25 =	sadd.s32 $0x2, s25;
	s24 =	sand.u32 $0xFF0, s24;
	v25 =	vld [tilespmem:s18+$0x0];
	v30 =	vadd.s32 v32, v36;
	[tilespmem:s21+$0x16000] =	vst v31;
	v31 =	vadd.s32 v29, v31;
	v29 =	vbroadcast v35, $0xF;
	v15 =	vmovc v32  }
0x528: {  	_ = 	snop  }
0x529: {  	v30 =	vadd.s32 v23, v30  }
0x52a: {  	v30 =	vadd.s32 v24, v30  }
0x52b: {  	v32 =	vld [tilespmem:s24+$0x11000];
	[tilespmem:s21+$0x17000] =	vst v31;
	v43, _, _ =	vpop (xrf0);
	v28 =	vadd.s32 v28, v30  }
0x52c: {  	v33 =	vld [tilespmem:s24+$0x12000];
	[tilespmem:v27+s11+$0x0] =	vst.idx.msk $0x1, v29;
	v26 =	vsub.s32 v43, v26;
	(xrf0) =	vadd.scan.msk.s32 $0xffff, v28  }
0x52d: {  	v44 =	vld [tilespmem:s24+$0x13000];
	[tilespmem:s20+$0x0] =	vst v26;
	v20 =	vadd.s32 v20, v26  }
0x52e: {  	v45 =	vld [tilespmem:s24+$0x14000];
	[tilespmem:s19+$0x11000] =	vst v20;
	v20 =	vadd.s32 v22, v20  }
0x52f: {  	v46 =	vld [tilespmem:s24+$0x15000];
	s17 =	sadd.s32 $0x1, s17;
	[tilespmem:s19+$0x12000] =	vst v20;
	v20 =	vadd.s32 v21, v20  }
0x530: {  	v47 =	vld [tilespmem:s24+$0x16000];
	v49 =	vmov s17;
	v48 =	vadd.s32 v25, v32;
	[tilespmem:s19+$0x13000] =	vst v20;
	v19 =	vadd.s32 v19, v20  }
0x531: {  	v50 =	vld [tilespmem:s24+$0x17000];
	v29 =	vadd.s32 v33, v48;
	[tilespmem:s19+$0x14000] =	vst v19;
	v18 =	vadd.s32 v18, v19  }
0x532: {  	v53 =	vbroadcast v43, $0xF;
	v51 =	vadd.s32 v44, v29;
	[tilespmem:s19+$0x15000] =	vst v18;
	v17 =	vadd.s32 v17, v18;
	v54, _, _ =	vpop (xrf0)  }
0x533: {  	v52 =	vadd.s32 v45, v51;
	[tilespmem:s19+$0x16000] =	vst v17;
	v16 =	vadd.s32 v16, v17;
	v55 =	vsub.s32 v54, v28  }
0x534: {  	v18 =	vadd.s32 v46, v52;
	[tilespmem:s19+$0x17000] =	vst v16;
	v14 =	vadd.s32 v14, v55  }
0x535: {  	v18 =	vadd.s32 v47, v18;
	[tilespmem:v49+s11+$0x0] =	vst.idx.msk $0x1, v53;
	v13 =	vadd.s32 v13, v14  }
0x536: {  	v56 =	vmov s16;
	[tilespmem:s18+$0xFFFFFFF0] =	vst v55;
	v57 =	vadd.s32 v50, v18;
	v12 =	vadd.s32 v12, v13  }
0x537: {  	v58 =	vand.u32 $0xFFFFFFFE, v56;
	[tilespmem:s22+$0x11000] =	vst v14;
	(xrf0) =	vadd.scan.msk.s32 $0xffff, v57;
	v11 =	vadd.s32 v11, v12  }
0x538: {  	v59 =	vbroadcast v58, $0x0;
	[tilespmem:s22+$0x14000] =	vst v11;
	v11 =	vadd.s32 v15, v11  }
0x539: {  	[tilespmem:s22+$0x15000] =	vst v11;
	v11 =	vadd.s32 v23, v11  }
0x53a: {  	[tilespmem:s22+$0x16000] =	vst v11;
	v11 =	vadd.s32 v24, v11  }
0x53b: {  	[tilespmem:s22+$0x12000] =	vst v13  }
0x53c: {  	v60 =	vbroadcast v54, $0xF;
	[tilespmem:s22+$0x13000] =	vst v12  }
0x53d: {  	[tilespmem:s22+$0x17000] =	vst v11;
	v11, _, _ =	vpop (xrf0)  }
0x53e: {  	[tilespmem:v59+s11+$0x0] =	vst.idx.msk $0x1, v60;
	v61 =	vsub.s32 v11, v57  }
0x53f: {  	[tilespmem:s18+$0x0] =	vst v61;
	v12 =	vadd.s32 v25, v61  }
0x540: {  	[tilespmem:s24+$0x11000] =	vst v12;
	v12 =	vadd.s32 v32, v12  }
0x541: {  	s30 =	sadd.s32 $0x1, s16;
	[tilespmem:s24+$0x12000] =	vst v12;
	v12 =	vadd.s32 v33, v12  }
0x542: {  	v62 =	vmov s30;
	[tilespmem:s24+$0x13000] =	vst v12;
	v12 =	vadd.s32 v44, v12  }
0x543: {  	[tilespmem:s24+$0x14000] =	vst v12;
	v12 =	vadd.s32 v45, v12  }
0x544: {  	[tilespmem:s24+$0x15000] =	vst v12;
	v12 =	vadd.s32 v46, v12  }
0x545: {  	v11 =	vbroadcast v11, $0xF;
	[tilespmem:s24+$0x16000] =	vst v12;
	v12 =	vadd.s32 v47, v12  }
0x546: {  	[tilespmem:s24+$0x17000] =	vst v12  }
0x547: {  	s31 =	simm.s32 $0x0;
	[tilespmem:v62+s11+$0x0] =	vst.idx.msk $0x1, v11  }
0x548: {  	v11 =	vld [tilespmem:s31+$0x18000];
	_ =	sdelay $0x4  }
0x549: {  	(xrf0) =	vadd.scan.msk.s32 $0xffff, v11;
	_ =	sdelay $0x5  }
0x54a: {  	v63, _, _ =	vpop (xrf0)  }
0x54b: {  	s17 =	simm.s32 $0x0;
	(v2sf) =	vpush v63, $0xF  }
0x54c: {  	v11 =	vsub.s32 s17, v11  }
0x54d: {  	s16 =	simm.s32 $0x40;
	v11 =	vadd.s32 v63, v11  }
0x54e: {  	s20 =	simm.s32 $0x80;
	s19 =	simm.s32 $0x0;
	s18 =	simm.s32 $0x10;
	[tilespmem:s31+$0x18000] =	vst v11  }
.LBB2_45:
0x54f: {  	p0 =	sne.s32 s20, $0x3C0;
	v11 =	vld [tilespmem:s18+$0x18000];
	_ =	sdelay $0x4  }
0x550: {  	(xrf0) =	vadd.scan.msk.s32 $0xffff, v11;
	_ =	sdelay $0x5  }
.Ltmp21:
0x551: {  	v12, _, _ =	vpop (xrf0);
	s21 =	spop (v2sf);
	(pc) =	sbr.rel @p0 .LBB2_45-.Ltmp21, $4  }
0x552: {  	(v2sf) =	vpush v12, $0xF;
	s19 =	sadd.s32 s19, s21  }
0x553: {  	v11 =	vsub.s32 s19, v11  }
0x554: {  	v11 =	vadd.s32 v12, v11  }
0x555: {  	[tilespmem:s18+$0x18000] =	vst v11;
	s18 =	sshra.s32 s20, $0x2;
	s20 =	sadd.s32 $0x40, s20  }
0x556: {  	_ =	sdelay $0x1  }
0x557: {  	v11 =	vld [tilespmem:s18+$0x18000];
	_ =	sdelay $0x4  }
0x558: {  	s20 =	simm.s32 $0x0;
	(xrf0) =	vadd.scan.msk.s32 $0xffff, v11  }
0x559: {  	v12 =	vmov s20  }
0x55a: {  	s21 =	simm.s32 $0x2;
	v12 =	vand.u32 $0xFFFFFFFC, v12  }
0x55b: {  	s22 =	simm.s32 $0x1;
	s23 =	simm.s32 $0x3;
	v13 =	vmov s21;
	v12 =	vbroadcast v12, $0x0  }
0x55c: {  	v14 =	vmov s22;
	v16 =	vmov s23;
	s22 =	simm.s32 $0x5;
	v13 =	vand.u32 $0xFFFFFFFE, v13;
	s31 =	spop (v2sf)  }
0x55d: {  	v14 =	vand.u32 $0xFFFFFFFD, v14;
	v17 =	vmov s22;
	v13 =	vbroadcast v13, $0x0;
	s19 =	sadd.s32 s19, s31  }
0x55e: {  	v14 =	vbroadcast v14, $0x0;
	v17 =	vand.u32 $0xFFFFFFFD, v17;
	v15, _, _ =	vpop (xrf0);
	v11 =	vsub.s32 s19, v11  }
0x55f: {  	v17 =	vbroadcast v17, $0x0;
	v11 =	vadd.s32 v15, v11  }
0x560: {  	s24 =	simm.s32 $0x4;
	[tilespmem:s18+$0x18000] =	vst v11  }
0x561: {  	v11 =	vmov s24;
	v18 =	vld.idx.msk [tilespmem:v12+s11+$0x0], $0xffff  }
0x562: {  	v12 =	vld.idx.msk [tilespmem:v16+s11+$0x0], $0xffff;
	v11 =	vand.u32 $0xFFFFFFFC, v11  }
0x563: {  	s25 =	simm.s32 $0x6;
	v13 =	vld.idx.msk [tilespmem:v13+s11+$0x0], $0xffff;
	v11 =	vbroadcast v11, $0x0  }
0x564: {  	s31 =	simm.s32 $0x7;
	v16 =	vld.idx.msk [tilespmem:v14+s11+$0x0], $0xffff;
	v14 =	vmov s25  }
0x565: {  	s20 =	sand.u32 $0xFC0, s17;
	s19 =	simm.s32 $0x10000;
	v19 =	vmov s31;
	v17 =	vld.idx.msk [tilespmem:v17+s11+$0x0], $0xffff;
	v14 =	vand.u32 $0xFFFFFFFE, v14  }
0x566: {  	s26 =	sor.u32 $0x11000, s20;
	v14 =	vbroadcast v14, $0x0;
	[tilespmem:s19+$0x0] =	vst.add.s32.msk $0xffff, v18  }
0x567: {  	s30 =	sor.u32 $0x12000, s20;
	[tilespmem:s26+$0x0] =	vst.add.s32.msk $0xffff, v18  }
0x568: {  	[tilespmem:s30+$0x0] =	vst.add.s32.msk $0xffff, v18  }
0x569: {  	(v2sf) =	vpush v15, $0xF;
	v15 =	vld.idx.msk [tilespmem:v11+s11+$0x0], $0xffff  }
0x56a: {  	s23 =	sor.u32 $0x13000, s20;
	v11 =	vld.idx.msk [tilespmem:v19+s11+$0x0], $0xffff  }
0x56b: {  	[tilespmem:s23+$0x0] =	vst.add.s32.msk $0xffff, v18  }
0x56c: {  	s24 =	sor.u32 $0x14000, s20;
	v14 =	vld.idx.msk [tilespmem:v14+s11+$0x0], $0xffff  }
0x56d: {  	s25 =	sor.u32 $0x15000, s20;
	[tilespmem:s24+$0x0] =	vst.add.s32.msk $0xffff, v18  }
0x56e: {  	s26 =	sor.u32 $0x16000, s20;
	[tilespmem:s25+$0x0] =	vst.add.s32.msk $0xffff, v18  }
0x56f: {  	s18 =	simm.s32 $0x10040;
	[tilespmem:s26+$0x0] =	vst.add.s32.msk $0xffff, v18  }
0x570: {  	s20 =	sor.u32 $0x17000, s20;
	s30 =	simm.s32 $0x10;
	[tilespmem:s18+$0x0] =	vst.add.s32.msk $0xffff, v15  }
0x571: {  	s22 =	sand.u32 $0xFD0, s30;
	[tilespmem:s20+$0x0] =	vst.add.s32.msk $0xffff, v18  }
0x572: {  	s21 =	sor.u32 $0x11000, s22;
	s20 =	sand.u32 $0xFC0, s16;
	[tilespmem:s19+$0x10] =	vst.add.s32.msk $0xffff, v16  }
0x573: {  	s23 =	sor.u32 $0x11000, s20;
	[tilespmem:s21+$0x0] =	vst.add.s32.msk $0xffff, v16  }
0x574: {  	s31 =	sor.u32 $0x12000, s20;
	[tilespmem:s23+$0x0] =	vst.add.s32.msk $0xffff, v15  }
0x575: {  	s24 =	sor.u32 $0x12000, s22;
	[tilespmem:s31+$0x0] =	vst.add.s32.msk $0xffff, v15  }
0x576: {  	s23 =	sor.u32 $0x13000, s20;
	[tilespmem:s24+$0x0] =	vst.add.s32.msk $0xffff, v16  }
0x577: {  	s25 =	sor.u32 $0x13000, s22;
	[tilespmem:s23+$0x0] =	vst.add.s32.msk $0xffff, v15  }
0x578: {  	s26 =	sor.u32 $0x14000, s20;
	[tilespmem:s25+$0x0] =	vst.add.s32.msk $0xffff, v16  }
0x579: {  	s29 =	sor.u32 $0x16000, s22;
	s25 =	sor.u32 $0x14000, s22;
	[tilespmem:s26+$0x0] =	vst.add.s32.msk $0xffff, v15  }
0x57a: {  	s28 =	sor.u32 $0x17000, s22;
	s31 =	sor.u32 $0x15000, s20;
	s24 =	simm.s32 $0x20;
	[tilespmem:s25+$0x0] =	vst.add.s32.msk $0xffff, v16  }
0x57b: {  	s30 =	spop (v2sf);
	s23 =	sand.u32 $0xFE0, s24;
	s26 =	sor.u32 $0x15000, s22;
	[tilespmem:s31+$0x0] =	vst.add.s32.msk $0xffff, v15  }
0x57c: {  	s21 =	simm.s32 $0x80;
	s25 =	sor.u32 $0x11000, s23;
	s24 =	sor.u32 $0x14000, s23;
	[tilespmem:s26+$0x0] =	vst.add.s32.msk $0xffff, v16  }
0x57d: {  	s22 =	simm.s32 $0xB;
	s26 =	sor.u32 $0x12000, s23;
	[tilespmem:s29+$0x0] =	vst.add.s32.msk $0xffff, v16;
	s29 =	sor.u32 $0x13000, s23  }
.LBB2_47:
0x57e: {  	s30 =	sadd.s32 $0xFFFFFFFD, s22  }
0x57f: {  	p0 =	sne.s32 s21, $0xFC0;
	[tilespmem:s28+$0x0] =	vst.add.s32.msk $0xffff, v16;
	v16 =	vmov v17;
	s28 =	smov.u32 s21;
	s21 =	sadd.s32 $0x40, s21  }
0x580: {  	v17 =	vmov s30;
	[tilespmem:s19+$0x20] =	vst.add.s32.msk $0xffff, v13;
	s30 =	sor.u32 $0x15000, s23  }
0x581: {  	v17 =	vand.u32 $0xFFFFFFFC, v17;
	[tilespmem:s25+$0x0] =	vst.add.s32.msk $0xffff, v13;
	s25 =	sor.u32 $0x16000, s23  }
0x582: {  	s23 =	sor.u32 $0x17000, s23;
	v17 =	vbroadcast v17, $0x0;
	[tilespmem:s26+$0x0] =	vst.add.s32.msk $0xffff, v13  }
0x583: {  	[tilespmem:s29+$0x0] =	vst.add.s32.msk $0xffff, v13  }
0x584: {  	s26 =	sadd.s32 $0xFFFFFFFE, s22;
	s29 =	sadd.s32 $0xFFFFFFFF, s22;
	[tilespmem:s24+$0x0] =	vst.add.s32.msk $0xffff, v13  }
0x585: {  	v18 =	vmov s26;
	v19 =	vmov s29;
	[tilespmem:s30+$0x0] =	vst.add.s32.msk $0xffff, v13  }
0x586: {  	v18 =	vand.u32 $0xFFFFFFFD, v18;
	s24 =	sadd.s32 $0x30, s17;
	s17 =	smov.u32 s16;
	s16 =	smov.u32 s28;
	v19 =	vand.u32 $0xFFFFFFFE, v19;
	[tilespmem:s25+$0x0] =	vst.add.s32.msk $0xffff, v13  }
0x587: {  	v18 =	vbroadcast v18, $0x0;
	v19 =	vbroadcast v19, $0x0;
	[tilespmem:s23+$0x0] =	vst.add.s32.msk $0xffff, v13;
	s23 =	sand.u32 $0xFF0, s24;
	v13 =	vmov v14  }
0x588: {  	[tilespmem:s19+$0x30] =	vst.add.s32.msk $0xffff, v12;
	s24 =	sor.u32 $0x11000, s23;
	s19 =	smov.u32 s18  }
0x589: {  	v14 =	vmov s22;
	[tilespmem:s24+$0x0] =	vst.add.s32.msk $0xffff, v12;
	s24 =	sor.u32 $0x12000, s23  }
0x58a: {  	[tilespmem:s24+$0x0] =	vst.add.s32.msk $0xffff, v12;
	s24 =	sor.u32 $0x13000, s23  }
0x58b: {  	[tilespmem:s24+$0x0] =	vst.add.s32.msk $0xffff, v12;
	s24 =	sor.u32 $0x14000, s23  }
0x58c: {  	s25 =	sor.u32 $0x15000, s23;
	v20 =	vld.idx.msk [tilespmem:v17+s11+$0x0], $0xffff  }
0x58d: {  	s18 =	sadd.s32 $0x40, s18;
	[tilespmem:s24+$0x0] =	vst.add.s32.msk $0xffff, v12;
	s24 =	sor.u32 $0x16000, s23  }
0x58e: {  	s23 =	sor.u32 $0x17000, s23;
	[tilespmem:s25+$0x0] =	vst.add.s32.msk $0xffff, v12  }
0x58f: {  	[tilespmem:s24+$0x0] =	vst.add.s32.msk $0xffff, v12  }
0x590: {  	[tilespmem:s23+$0x0] =	vst.add.s32.msk $0xffff, v12;
	v12 =	vmov v11  }
0x591: {  	v11 =	vld.idx.msk [tilespmem:v14+s11+$0x0], $0xffff  }
0x592: {  	s23 =	sor.u32 $0x16000, s20;
	v14 =	vld.idx.msk [tilespmem:v19+s11+$0x0], $0xffff  }
0x593: {  	[tilespmem:s23+$0x0] =	vst.add.s32.msk $0xffff, v15  }
0x594: {  	v17 =	vld.idx.msk [tilespmem:v18+s11+$0x0], $0xffff  }
0x595: {  	s20 =	sor.u32 $0x17000, s20;
	s23 =	sadd.s32 $0x10, s17;
	[tilespmem:s18+$0x0] =	vst.add.s32.msk $0xffff, v20  }
0x596: {  	s23 =	sand.u32 $0xFD0, s23;
	[tilespmem:s20+$0x0] =	vst.add.s32.msk $0xffff, v15;
	v15 =	vmov v20  }
0x597: {  	s24 =	sor.u32 $0x11000, s23;
	s20 =	sand.u32 $0xFC0, s16;
	[tilespmem:s19+$0x10] =	vst.add.s32.msk $0xffff, v16  }
0x598: {  	s25 =	sor.u32 $0x11000, s20;
	[tilespmem:s24+$0x0] =	vst.add.s32.msk $0xffff, v16  }
0x599: {  	s24 =	sor.u32 $0x12000, s20;
	[tilespmem:s25+$0x0] =	vst.add.s32.msk $0xffff, v15  }
0x59a: {  	[tilespmem:s24+$0x0] =	vst.add.s32.msk $0xffff, v15;
	s24 =	sor.u32 $0x13000, s20  }
0x59b: {  	[tilespmem:s24+$0x0] =	vst.add.s32.msk $0xffff, v15;
	s24 =	sor.u32 $0x12000, s23  }
0x59c: {  	s26 =	sor.u32 $0x15000, s23;
	[tilespmem:s24+$0x0] =	vst.add.s32.msk $0xffff, v16;
	s24 =	sor.u32 $0x13000, s23  }
0x59d: {  	s29 =	sor.u32 $0x16000, s23;
	s25 =	sor.u32 $0x14000, s20;
	[tilespmem:s24+$0x0] =	vst.add.s32.msk $0xffff, v16;
	s24 =	sadd.s32 $0x20, s17  }
.Ltmp22:
0x59e: {  	s28 =	sor.u32 $0x17000, s23;
	[tilespmem:s25+$0x0] =	vst.add.s32.msk $0xffff, v15;
	s25 =	sor.u32 $0x15000, s20;
	(pc) =	sbr.rel @p0 .LBB2_47-.Ltmp22, $4  }
0x59f: {  	[tilespmem:s25+$0x0] =	vst.add.s32.msk $0xffff, v15;
	s25 =	sor.u32 $0x14000, s23;
	s23 =	sand.u32 $0xFE0, s24  }
0x5a0: {  	[tilespmem:s25+$0x0] =	vst.add.s32.msk $0xffff, v16;
	s25 =	sor.u32 $0x11000, s23;
	s24 =	sor.u32 $0x14000, s23  }
0x5a1: {  	[tilespmem:s26+$0x0] =	vst.add.s32.msk $0xffff, v16;
	s26 =	sor.u32 $0x12000, s23  }
0x5a2: {  	s22 =	sadd.s32 $0x4, s22;
	[tilespmem:s29+$0x0] =	vst.add.s32.msk $0xffff, v16;
	s29 =	sor.u32 $0x13000, s23  }
0x5a3: {  	[tilespmem:s28+$0x0] =	vst.add.s32.msk $0xffff, v16  }
0x5a4: {  	s28 =	sor.u32 $0x16000, s20;
	[tilespmem:s19+$0x20] =	vst.add.s32.msk $0xffff, v13  }
0x5a5: {  	[tilespmem:s28+$0x0] =	vst.add.s32.msk $0xffff, v15  }
0x5a6: {  	[tilespmem:s25+$0x0] =	vst.add.s32.msk $0xffff, v13  }
0x5a7: {  	[tilespmem:s26+$0x0] =	vst.add.s32.msk $0xffff, v13  }
0x5a8: {  	[tilespmem:s29+$0x0] =	vst.add.s32.msk $0xffff, v13  }
0x5a9: {  	s29 =	sor.u32 $0x17000, s20;
	[tilespmem:s24+$0x0] =	vst.add.s32.msk $0xffff, v13  }
0x5aa: {  	s21 =	sor.u32 $0x15000, s23;
	[tilespmem:s29+$0x0] =	vst.add.s32.msk $0xffff, v15  }
0x5ab: {  	[tilespmem:s21+$0x0] =	vst.add.s32.msk $0xffff, v13  }
0x5ac: {  	s22 =	sor.u32 $0x16000, s23;
	[tilespmem:s18+$0x10] =	vst.add.s32.msk $0xffff, v17  }
0x5ad: {  	s31 =	sor.u32 $0x17000, s23;
	s17 =	sadd.s32 $0x30, s17;
	[tilespmem:s22+$0x0] =	vst.add.s32.msk $0xffff, v13  }
0x5ae: {  	s30 =	sadd.s32 $0x10, s16;
	s17 =	sand.u32 $0xFF0, s17;
	[tilespmem:s31+$0x0] =	vst.add.s32.msk $0xffff, v13  }
0x5af: {  	s21 =	sor.u32 $0x11000, s17;
	s31 =	sand.u32 $0xFD0, s30;
	[tilespmem:s19+$0x30] =	vst.add.s32.msk $0xffff, v12  }
0x5b0: {  	s19 =	sor.u32 $0x11000, s31;
	[tilespmem:s21+$0x0] =	vst.add.s32.msk $0xffff, v12  }
0x5b1: {  	s22 =	sor.u32 $0x12000, s17;
	[tilespmem:s19+$0x0] =	vst.add.s32.msk $0xffff, v17  }
0x5b2: {  	s21 =	sor.u32 $0x12000, s31;
	[tilespmem:s22+$0x0] =	vst.add.s32.msk $0xffff, v12  }
0x5b3: {  	s23 =	sor.u32 $0x13000, s17;
	[tilespmem:s21+$0x0] =	vst.add.s32.msk $0xffff, v17  }
0x5b4: {  	s22 =	sor.u32 $0x13000, s31;
	[tilespmem:s23+$0x0] =	vst.add.s32.msk $0xffff, v12  }
0x5b5: {  	s24 =	sor.u32 $0x14000, s17;
	[tilespmem:s22+$0x0] =	vst.add.s32.msk $0xffff, v17  }
0x5b6: {  	s23 =	sor.u32 $0x14000, s31;
	[tilespmem:s24+$0x0] =	vst.add.s32.msk $0xffff, v12  }
0x5b7: {  	s25 =	sor.u32 $0x15000, s17;
	[tilespmem:s23+$0x0] =	vst.add.s32.msk $0xffff, v17  }
0x5b8: {  	s24 =	sor.u32 $0x15000, s31;
	[tilespmem:s25+$0x0] =	vst.add.s32.msk $0xffff, v12  }
0x5b9: {  	s26 =	sor.u32 $0x16000, s17;
	[tilespmem:s24+$0x0] =	vst.add.s32.msk $0xffff, v17  }
0x5ba: {  	s25 =	sor.u32 $0x16000, s31;
	[tilespmem:s26+$0x0] =	vst.add.s32.msk $0xffff, v12  }
0x5bb: {  	s17 =	sor.u32 $0x17000, s17;
	[tilespmem:s25+$0x0] =	vst.add.s32.msk $0xffff, v17  }
0x5bc: {  	s26 =	sadd.s32 $0x20, s16;
	[tilespmem:s17+$0x0] =	vst.add.s32.msk $0xffff, v12;
	s17 =	sor.u32 $0x17000, s31  }
0x5bd: {  	s28 =	sand.u32 $0xFE0, s26;
	[tilespmem:s17+$0x0] =	vst.add.s32.msk $0xffff, v17  }
0x5be: {  	s29 =	sor.u32 $0x11000, s28;
	[tilespmem:s18+$0x20] =	vst.add.s32.msk $0xffff, v14  }
0x5bf: {  	s20 =	sor.u32 $0x12000, s28;
	[tilespmem:s29+$0x0] =	vst.add.s32.msk $0xffff, v14  }
0x5c0: {  	s30 =	sor.u32 $0x13000, s28;
	[tilespmem:s20+$0x0] =	vst.add.s32.msk $0xffff, v14  }
0x5c1: {  	s31 =	sor.u32 $0x14000, s28;
	[tilespmem:s30+$0x0] =	vst.add.s32.msk $0xffff, v14  }
0x5c2: {  	s21 =	sor.u32 $0x15000, s28;
	[tilespmem:s31+$0x0] =	vst.add.s32.msk $0xffff, v14  }
0x5c3: {  	s22 =	sor.u32 $0x16000, s28;
	[tilespmem:s21+$0x0] =	vst.add.s32.msk $0xffff, v14  }
0x5c4: {  	s24 =	sadd.s32 $0x30, s16;
	s23 =	sor.u32 $0x17000, s28;
	[tilespmem:s22+$0x0] =	vst.add.s32.msk $0xffff, v14  }
0x5c5: {  	s16 =	sand.u32 $0xFF0, s24;
	[tilespmem:s23+$0x0] =	vst.add.s32.msk $0xffff, v14  }
0x5c6: {  	s25 =	sor.u32 $0x11000, s16;
	[tilespmem:s18+$0x30] =	vst.add.s32.msk $0xffff, v11  }
0x5c7: {  	s26 =	sor.u32 $0x12000, s16;
	[tilespmem:s25+$0x0] =	vst.add.s32.msk $0xffff, v11  }
0x5c8: {  	s28 =	sor.u32 $0x13000, s16;
	[tilespmem:s26+$0x0] =	vst.add.s32.msk $0xffff, v11  }
0x5c9: {  	s29 =	sor.u32 $0x14000, s16;
	[tilespmem:s28+$0x0] =	vst.add.s32.msk $0xffff, v11  }
0x5ca: {  	s30 =	sor.u32 $0x15000, s16;
	[tilespmem:s29+$0x0] =	vst.add.s32.msk $0xffff, v11  }
0x5cb: {  	s31 =	sor.u32 $0x16000, s16;
	[tilespmem:s30+$0x0] =	vst.add.s32.msk $0xffff, v11  }
0x5cc: {  	s16 =	sor.u32 $0x17000, s16;
	[tilespmem:s31+$0x0] =	vst.add.s32.msk $0xffff, v11  }
0x5cd: {  	[tilespmem:s16+$0x0] =	vst.add.s32.msk $0xffff, v11  }
0x5ce: {  	v12 =	vld.idx.msk [tilespmem:v1+s12+$0x0], $0xffff;
	_ =	sdelay $0x4  }
0x5cf: {  	v11 =	vshrl.u32 v12, $0x14  }
0x5d0: {  	v11 =	vand.u32 $0xFF0, v11  }
0x5d1: {  	s19 =	simm.s32 $0xFFFFFFFC;
	s17 =	simm.s32 $0x0;
	s16 =	simm.s32 $0x500;
	v13 =	vor.u32 v0, v11;
	v11 =	vld.idx.msk [tilespmem:v4+s12+$0x0], $0xffff  }
.LBB2_49:
0x5d2: {  	_ = 	snop  }
0x5d3: {  	s18 =	sadd.s32 $0x4, s19  }
0x5d4: {  	s20 =	sand.u32 $0x4, s18  }
0x5d5: {  	s21 =	sor.u32 $0x2, s20  }
0x5d6: {  	v14 =	vld.idx.msk [tilespmem:v13+s10+$0x0], $0xffff;
	s22 =	sshrl.u32 s18, $0x3;
	s23 =	sshll.u32 s21, $0x8  }
0x5d7: {  	s23 =	sadd.s32 s22, s23  }
0x5d8: {  	s31 =	sand.u32 $0x4000, s17;
	v16 =	vshrl.u32 v11, $0x14;
	v15 =	vor.u32 s23, v1  }
0x5d9: {  	v16 =	vand.u32 $0xFF0, v16;
	s23 =	sor.u32 $0x1000, s31  }
0x5da: {  	v16 =	vor.u32 s23, v16  }
0x5db: {  	vm0 =	vgt.s32 v12, $0xFFFFFFFF;
	v16 =	vor.u32 v0, v16  }
0x5dc: {  	v17 =	vsel vm0, $0xFFFFFFFF, v5  }
0x5dd: {  	v12 =	vxor.u32 v12, v17;
	v15 =	vld.idx.msk [tilespmem:v15+s12+$0x0], $0xffff  }
0x5de: {  	[tilespmem:v14+s4+$0x0] =	vst.idx.msk $0xffff, v12  }
0x5df: {  	s20 =	sor.u32 $0x3, s20;
	[tilespmem:v13+s10+$0x0] =	vst.idx.add.s32.msk $0xffff, v3  }
0x5e0: {  	s24 =	sshll.u32 s20, $0x8;
	v12 =	vld.idx.msk [tilespmem:v16+s10+$0x0], $0xffff  }
0x5e1: {  	s22 =	sadd.s32 s22, s24  }
0x5e2: {  	v13 =	vor.u32 s22, v1;
	v14 =	vshrl.u32 v15, $0x14  }
0x5e3: {  	s21 =	sshll.u32 s21, $0xC;
	v14 =	vand.u32 $0xFF0, v14  }
0x5e4: {  	v14 =	vor.u32 s21, v14  }
0x5e5: {  	vm13 =	vgt.s32 v11, $0xFFFFFFFF;
	v14 =	vor.u32 v0, v14  }
0x5e6: {  	v60 =	vsel vm13, $0xFFFFFFFF, v5  }
0x5e7: {  	v11 =	vxor.u32 v11, v60;
	v13 =	vld.idx.msk [tilespmem:v13+s12+$0x0], $0xffff  }
0x5e8: {  	[tilespmem:v12+s4+$0x0] =	vst.idx.msk $0xffff, v11  }
0x5e9: {  	s25 =	sadd.s32 $0x8, s19;
	[tilespmem:v16+s10+$0x0] =	vst.idx.add.s32.msk $0xffff, v3  }
0x5ea: {  	s26 =	sand.u32 $0x4, s25;
	v11 =	vld.idx.msk [tilespmem:v14+s10+$0x0], $0xffff  }
0x5eb: {  	s28 =	sshll.u32 s26, $0x8;
	s21 =	sshrl.u32 s25, $0x3  }
0x5ec: {  	s21 =	sadd.s32 s21, s28;
	v61 =	vshrl.u32 v13, $0x14  }
0x5ed: {  	s20 =	sshll.u32 s20, $0xC;
	v12 =	vor.u32 s21, v1;
	v16 =	vand.u32 $0xFF0, v61  }
0x5ee: {  	v16 =	vor.u32 s20, v16  }
0x5ef: {  	vm14 =	vgt.s32 v15, $0xFFFFFFFF;
	v16 =	vor.u32 v0, v16  }
0x5f0: {  	v62 =	vsel vm14, $0xFFFFFFFF, v5  }
0x5f1: {  	v15 =	vxor.u32 v15, v62  }
0x5f2: {  	v12 =	vld.idx.msk [tilespmem:v12+s12+$0x0], $0xffff;
	[tilespmem:v11+s4+$0x0] =	vst.idx.msk $0xffff, v15  }
0x5f3: {  	[tilespmem:v14+s10+$0x0] =	vst.idx.add.s32.msk $0xffff, v3  }
0x5f4: {  	s29 =	sadd.s32 $0x9, s19;
	v14 =	vld.idx.msk [tilespmem:v16+s10+$0x0], $0xffff  }
0x5f5: {  	s30 =	sand.u32 $0x500, s16;
	s19 =	sshrl.u32 s29, $0x3  }
0x5f6: {  	s19 =	sadd.s32 s19, s30  }
0x5f7: {  	v11 =	vor.u32 s19, v1  }
0x5f8: {  	p0 =	slt.u32 s18, $0x7F8  }
.Ltmp23:
0x5f9: {  	vm15 =	vgt.s32 v13, $0xFFFFFFFF;
	(pc) =	sbr.rel @p0 .LBB2_49-.Ltmp23, $4  }
0x5fa: {  	v63 =	vsel vm15, $0xFFFFFFFF, v5;
	v15 =	vshrl.u32 v12, $0x14  }
0x5fb: {  	s31 =	sshll.u32 s26, $0xC;
	v13 =	vxor.u32 v13, v63;
	v15 =	vand.u32 $0xFF0, v15  }
0x5fc: {  	v15 =	vor.u32 s31, v15;
	v11 =	vld.idx.msk [tilespmem:v11+s12+$0x0], $0xffff;
	[tilespmem:v14+s4+$0x0] =	vst.idx.msk $0xffff, v13  }
0x5fd: {  	s16 =	sadd.s32 $0x400, s16;
	s17 =	sadd.s32 $0x4000, s17;
	s19 =	smov.u32 s18;
	v13 =	vor.u32 v0, v15;
	[tilespmem:v16+s10+$0x0] =	vst.idx.add.s32.msk $0xffff, v3  }
0x5fe: {  	_ =	sdelay $0x3  }
0x5ff: {  	v14 =	vld.idx.msk [tilespmem:v13+s10+$0x0], $0xffff;
	_ =	sdelay $0x2  }
0x600: {  	v15 =	vshrl.u32 v11, $0x14  }
0x601: {  	v15 =	vand.u32 $0xFF0, v15  }
0x602: {  	vm0 =	vgt.s32 v12, $0xFFFFFFFF;
	v8 =	vor.u32 v8, v15  }
0x603: {  	v56 =	vsel vm0, $0xFFFFFFFF, v5  }
0x604: {  	v57 =	vxor.u32 v12, v56  }
0x605: {  	v6 =	vld.idx.msk [tilespmem:v6+s12+$0x0], $0xffff;
	[tilespmem:v14+s4+$0x0] =	vst.idx.msk $0xffff, v57  }
0x606: {  	[tilespmem:v13+s10+$0x0] =	vst.idx.add.s32.msk $0xffff, v3  }
0x607: {  	v12 =	vld.idx.msk [tilespmem:v8+s10+$0x0], $0xffff;
	_ =	sdelay $0x2  }
0x608: {  	v58 =	vshrl.u32 v6, $0x14  }
0x609: {  	v13 =	vand.u32 $0xFF0, v58  }
0x60a: {  	vm13 =	vgt.s32 v11, $0xFFFFFFFF;
	v9 =	vor.u32 v9, v13  }
0x60b: {  	v59 =	vsel vm13, $0xFFFFFFFF, v5  }
0x60c: {  	v60 =	vxor.u32 v11, v59  }
0x60d: {  	v7 =	vld.idx.msk [tilespmem:v7+s12+$0x0], $0xffff;
	[tilespmem:v12+s4+$0x0] =	vst.idx.msk $0xffff, v60  }
0x60e: {  	[tilespmem:v8+s10+$0x0] =	vst.idx.add.s32.msk $0xffff, v3  }
0x60f: {  	v8 =	vld.idx.msk [tilespmem:v9+s10+$0x0], $0xffff;
	_ =	sdelay $0x2  }
0x610: {  	v61 =	vshrl.u32 v7, $0x14  }
0x611: {  	v11 =	vand.u32 $0xFF0, v61  }
0x612: {  	vm14 =	vgt.s32 v6, $0xFFFFFFFF;
	v10 =	vor.u32 v10, v11  }
0x613: {  	v62 =	vsel vm14, $0xFFFFFFFF, v5  }
0x614: {  	v6 =	vxor.u32 v6, v62  }
0x615: {  	[tilespmem:v8+s4+$0x0] =	vst.idx.msk $0xffff, v6  }
0x616: {  	[tilespmem:v9+s10+$0x0] =	vst.idx.add.s32.msk $0xffff, v3  }
0x617: {  	v6 =	vld.idx.msk [tilespmem:v10+s10+$0x0], $0xffff;
	_ =	sdelay $0x4  }
0x618: {  	vm15 =	vgt.s32 v7, $0xFFFFFFFF  }
0x619: {  	v63 =	vsel vm15, $0xFFFFFFFF, v5  }
0x61a: {  	s14 =	sadd.s32 $0x1, s14;
	v7 =	vxor.u32 v7, v63  }
0x61b: {  	p0 =	sne.s32 s14, $0x4;
	[tilespmem:v6+s4+$0x0] =	vst.idx.msk $0xffff, v7  }
.Ltmp24:
0x61c: {  	s15 =	sadd.s32 s2, s15;
	[tilespmem:v10+s10+$0x0] =	vst.idx.add.s32.msk $0xffff, v3;
	(pc) =	sbr.rel @p0 .LBB2_2-.Ltmp24, $4  }
0x61d: {  	[hbm4b:s15+s7] =	stream.strided.scatter [tilespmem:s4], [sflag:$0x1], $0x8000, s8, s7, $0x38;
	[tilespmem:$0x18100] =	vst v63  }
0x61e: {  	_ =	swait.ge [sflag:s9], $0x8000  }
0x61f: {  	[sflag:s9] =	ssyncset.done $0x0  }
0x620: {  	[sflag:s9] =	ssyncadd.s32 $0xFFFF8000  }
0x621: {  	s13 =	sadd.s32 $0x1, s13  }
0x622: {  	p0 =	sne.s32 s13, s6  }
.Ltmp25:
0x623: {  	_ = 	snop;
	(pc) =	sbr.rel @p0 .LBB2_1-.Ltmp25, $1  }
0x624: {  	_ =	sdelay $0x3  }
0x625: {  	_ =	sfence.sel $0x180000  }
0x626: {  	[bflag:$0x0] =	sbarrier.arrive $0xFFFF  }
0x627: {  	p0 =	sne.s32 s3, $0x0;
	_ =	strace $0x90000047  }
0x628: {  	s0 =	sadd.s32 @!p0 $0x100000, s0;
	[bflag:$0x2] =	sbarrier.arrive $0xFFFF  }
0x629: {  	[sflag:s0] =	ssyncadd.tile.s32 @!p0 $0x1;
	_ =	shalt  }
.Lfunc_end2:
_tile_overlayer_lowered:
.L_overlay_start_2:
0x62a: {  	(tag) =	ssettag $0x2  }
0x62b: {  	s0 =	rddreg [dreg:$0x0];
	s2 =	stileid.u32  }
0x62c: {  	s1 =	rddreg [dreg:$0x1];
	p0 =	sne.s32 s2, $0x0  }
0x62d: {  	s3 =	rddreg [dreg:$0x2];
	[bflag:$0x3] =	sbarrier.arrive $0xFFFF;
	s2 =	simm.s32 @!p0 $0x1C01  }
0x62e: {  	[timem:s3], [sflag:s2] =	dma.local @!p0 [hbm:s0], s1  }
0x62f: {  	s0 =	simm.s32 @!p0 $0x1  }
0x630: {  	_ =	swait.ge @!p0 [sflag:s0], s1  }
0x631: {  	s1 =	ssub.s32 @!p0 $0x0, s1;
	[sflag:s0] =	ssyncset.done @!p0 $0x0  }
0x632: {  	[sflag:s0] =	ssyncadd.s32 @!p0 s1  }
0x633: {  	[bflag:$0x3] =	sbarrier.arrive $0xFFFF  }
0x634: {  	_ =	shalt  }

</sc_bundles>
